<compile_context>
chip_gen: v7x
topology: tpu7x:2x2x1
jax: 0.10.2.dev20260603
libtpu: 0.0.44.dev20260713+nightly
codegen_flags: <defaults>
</compile_context>

<pallas_src>
import functools
import math

import jax
import jax.numpy as jnp
from jax import lax
from jax.experimental import pallas as pl
from jax.experimental.pallas import tpu as pltpu
from jax.experimental.pallas import tpu_sc as plsc

N_NODES = 10000
N_EDGES = 320000
IN_C = 128
HID = 64
ALPHA = 0.1
THETA = 0.5

NC, NS = 2, 16
NW = NC * NS
CH = 80
NCH = N_EDGES // (NW * CH)
ROWS_PER_TILE = N_NODES // NS
DEG_W = 16

PROWS = N_NODES // 2
PW = 2 * HID

_sc_mesh = plsc.VectorSubcoreMesh(core_axis_name="c", subcore_axis_name="s")


def _zero_acc_slice(buf, acc_sh, base):
    z16 = jnp.zeros((16,), jnp.float32)
    width = buf.shape[1]

    def zrow(i, carry):
        for j in range(width // 16):
            buf[i, pl.ds(j * 16, 16)] = z16
        return carry

    lax.fori_loop(0, CH, zrow, 0)
    for k in range(ROWS_PER_TILE // CH):
        pltpu.sync_copy(buf, acc_sh.at[pl.ds(base + k * CH, CH)])
    rem = ROWS_PER_TILE % CH
    if rem:
        pltpu.sync_copy(buf.at[pl.ds(0, rem)],
                        acc_sh.at[pl.ds(base + (ROWS_PER_TILE // CH) * CH, rem)])


def _spmm_body(g_hbm, row_hbm, col_hbm, out_hbm,
               idx_r, idx_c, b0, b1, b2, b3, acc_sh,
               g0, g1, g2, g3, s0, s1, s2, s3):
    bufs = (b0, b1, b2, b3)
    gsem = (g0, g1, g2, g3)
    ssem = (s0, s1, s2, s3)
    c = lax.axis_index("c")
    s = lax.axis_index("s")
    w = c * NS + s
    pltpu.sync_copy(row_hbm.at[w], idx_r)
    pltpu.sync_copy(col_hbm.at[w], idx_c)
    base = s * ROWS_PER_TILE

    @pl.when(c == 0)
    def _():
        pltpu.sync_copy(g_hbm.at[pl.ds(base, ROWS_PER_TILE)],
                        acc_sh.at[pl.ds(base, ROWS_PER_TILE)])

    @pl.when(c == 1)
    def _():
        _zero_acc_slice(bufs[0], acc_sh, base)

    plsc.subcore_barrier()

    def _gather(j, b):
        pltpu.async_copy(g_hbm.at[idx_r.at[j]], bufs[b], gsem[b])

    def _wait_gather(j, b):
        pltpu.make_async_copy(g_hbm.at[idx_r.at[j]], bufs[b], gsem[b]).wait()

    def _scatter(j, b):
        pltpu.async_copy(bufs[b], acc_sh.at[idx_c.at[j]], ssem[b], add=True)

    def _wait_scatter(b):
        pltpu.make_async_copy(bufs[b], acc_sh.at[idx_c.at[0]], ssem[b]).wait()

    _gather(0, 0)
    _gather(1, 1)

    def group(t, carry):
        j0 = 4 * t
        for b in range(4):
            j = j0 + b
            sb = (b + 2) % 4

            @pl.when(j >= 2)
            def _():
                _wait_scatter(sb)

            @pl.when(j + 2 < NCH)
            def _():
                _gather(j + 2, sb)

            _wait_gather(j, b)
            _scatter(j, b)
        return carry

    lax.fori_loop(0, NCH // 4, group, 0)
    _wait_gather(NCH - 1, 0)
    _scatter(NCH - 1, 0)
    for b in (0, 2, 3):
        _wait_scatter(b)

    plsc.subcore_barrier()
    pltpu.sync_copy(acc_sh.at[pl.ds(base, ROWS_PER_TILE)],
                    out_hbm.at[c].at[pl.ds(base, ROWS_PER_TILE)])


_spmm = pl.kernel(
    _spmm_body,
    out_type=jax.ShapeDtypeStruct((NC, N_NODES, HID), jnp.float32),
    mesh=_sc_mesh,
    compiler_params=pltpu.CompilerParams(use_tc_tiling_on_sc=False),
    scratch_types=[
        pltpu.VMEM((NCH, CH), jnp.int32),
        pltpu.VMEM((NCH, CH), jnp.int32),
        pltpu.VMEM((CH, HID), jnp.float32),
        pltpu.VMEM((CH, HID), jnp.float32),
        pltpu.VMEM((CH, HID), jnp.float32),
        pltpu.VMEM((CH, HID), jnp.float32),
        pltpu.VMEM_SHARED((N_NODES, HID), jnp.float32),
        pltpu.SemaphoreType.DMA,
        pltpu.SemaphoreType.DMA,
        pltpu.SemaphoreType.DMA,
        pltpu.SemaphoreType.DMA,
        pltpu.SemaphoreType.DMA,
        pltpu.SemaphoreType.DMA,
        pltpu.SemaphoreType.DMA,
        pltpu.SemaphoreType.DMA,
    ],
)


def _deg_body(col_hbm, out_hbm, idx_c, buf, acc_sh):
    c = lax.axis_index("c")
    s = lax.axis_index("s")
    w = c * NS + s
    pltpu.sync_copy(col_hbm.at[w], idx_c)
    base = s * ROWS_PER_TILE
    _zero_acc_slice(buf, acc_sh, base)

    one16 = jnp.ones((16,), jnp.float32)

    def orow(i, carry):
        buf[i, :] = one16
        return carry

    lax.fori_loop(0, CH, orow, 0)
    plsc.subcore_barrier()

    def chunk(j, carry):
        pltpu.sync_copy(buf, acc_sh.at[idx_c.at[j]], add=True)
        return carry

    lax.fori_loop(0, NCH, chunk, 0)
    plsc.subcore_barrier()
    pltpu.sync_copy(acc_sh.at[pl.ds(base, ROWS_PER_TILE)],
                    out_hbm.at[c].at[pl.ds(base, ROWS_PER_TILE)])


_deg = pl.kernel(
    _deg_body,
    out_type=jax.ShapeDtypeStruct((NC, N_NODES, DEG_W), jnp.float32),
    mesh=_sc_mesh,
    compiler_params=pltpu.CompilerParams(use_tc_tiling_on_sc=False),
    scratch_types=[
        pltpu.VMEM((NCH, CH), jnp.int32),
        pltpu.VMEM((CH, DEG_W), jnp.float32),
        pltpu.VMEM_SHARED((N_NODES, DEG_W), jnp.float32),
    ],
)


BR = 1000
GRID = N_NODES // BR
PGRID = PROWS // BR
ER = N_EDGES // 128


def _delin_body(a_ref, r_ref, c_ref):
    r_ref[...] = jnp.reshape(a_ref[0], (ER, 128))
    c_ref[...] = jnp.reshape(a_ref[1], (ER, 128))


_delin = pl.pallas_call(
    _delin_body,
    in_specs=[pl.BlockSpec((2, N_EDGES), lambda: (0, 0))],
    out_specs=[
        pl.BlockSpec((ER, 128), lambda: (0, 0)),
        pl.BlockSpec((ER, 128), lambda: (0, 0)),
    ],
    out_shape=[
        jax.ShapeDtypeStruct((ER, 128), jnp.int32),
        jax.ShapeDtypeStruct((ER, 128), jnp.int32),
    ],
)


def _embed_body(x_ref, we_ref, b_ref, x0_ref):
    x0 = jnp.dot(x_ref[...], we_ref[...], preferred_element_type=jnp.float32)
    x0_ref[...] = jnp.maximum(x0 + b_ref[...], 0.0)


_embed = pl.pallas_call(
    _embed_body,
    grid=(GRID,),
    in_specs=[
        pl.BlockSpec((BR, IN_C), lambda i: (i, 0)),
        pl.BlockSpec((IN_C, HID), lambda i: (0, 0)),
        pl.BlockSpec((1, HID), lambda i: (0, 0)),
    ],
    out_specs=pl.BlockSpec((BR, HID), lambda i: (i, 0)),
    out_shape=jax.ShapeDtypeStruct((N_NODES, HID), jnp.float32),
)


def _scale_body(db_ref, x0_ref, g_ref, v_ref, u_ref):
    dv = lax.rsqrt(db_ref[...] + 1.0)
    x0 = x0_ref[...]
    g_ref[...] = dv * x0
    v_ref[...] = (1.0 - ALPHA) * dv
    u_ref[...] = ALPHA * x0


_scale = pl.pallas_call(
    _scale_body,
    grid=(PGRID,),
    in_specs=[
        pl.BlockSpec((BR, PW), lambda i: (i, 0)),
        pl.BlockSpec((BR, PW), lambda i: (i, 0)),
    ],
    out_specs=[
        pl.BlockSpec((BR, PW), lambda i: (i, 0)),
        pl.BlockSpec((BR, PW), lambda i: (i, 0)),
        pl.BlockSpec((BR, PW), lambda i: (i, 0)),
    ],
    out_shape=[
        jax.ShapeDtypeStruct((PROWS, PW), jnp.float32),
        jax.ShapeDtypeStruct((PROWS, PW), jnp.float32),
        jax.ShapeDtypeStruct((PROWS, PW), jnp.float32),
    ],
)


def _layer_body(acc_ref, v_ref, u_ref, w_ref, o_ref, *, beta, final):
    t = v_ref[...] * (acc_ref[0] + acc_ref[1]) + u_ref[...]
    out = (1.0 - beta) * t + beta * jnp.dot(
        t, w_ref[...], preferred_element_type=jnp.float32)
    if final:
        o_ref[...] = out
    else:
        o_ref[...] = (1.0 / (1.0 - ALPHA)) * v_ref[...] * jnp.maximum(out, 0.0)


def _make_layer(beta, final):
    out_spec = pl.BlockSpec((BR, PW), lambda i: (i, 0))
    out_shape = jax.ShapeDtypeStruct((PROWS, PW), jnp.float32)
    return pl.pallas_call(
        functools.partial(_layer_body, beta=beta, final=final),
        grid=(PGRID,),
        in_specs=[
            pl.BlockSpec((NC, BR, PW), lambda i: (0, i, 0)),
            pl.BlockSpec((BR, PW), lambda i: (i, 0)),
            pl.BlockSpec((BR, PW), lambda i: (i, 0)),
            pl.BlockSpec((PW, PW), lambda i: (0, 0)),
        ],
        out_specs=out_spec,
        out_shape=out_shape,
    )


_layers = [_make_layer(math.log(THETA / l + 1.0), final=(l == 4))
           for l in range(1, 5)]


def kernel(x, adj_t, W_embed, b_embed, W1, W2, W3, W4):
    row_f, col_f = _delin(adj_t.astype(jnp.int32))
    row3 = row_f.reshape(NW, NCH, CH)
    col3 = col_f.reshape(NW, NCH, CH)
    z = jnp.zeros((HID, HID), jnp.float32)
    wpad = [jnp.concatenate([jnp.concatenate([W, z], 1),
                             jnp.concatenate([z, W], 1)], 0)
            for W in (W1, W2, W3, W4)]

    degp = _deg(col3)
    x0 = _embed(x, W_embed, b_embed.reshape(1, HID))
    degb = jnp.broadcast_to(degp[0, :, 0:1] + degp[1, :, 0:1],
                            (N_NODES, HID)).reshape(PROWS, PW)
    g, v, u = _scale(degb, x0.reshape(PROWS, PW))
    for lyr, W2p in zip(_layers, wpad):
        acc = _spmm(g.reshape(N_NODES, HID), row3, col3)
        g = lyr(acc.reshape(NC, PROWS, PW), v, u, W2p)
    return g.reshape(N_NODES, HID)

# --- scband reference (transcript-rebuilt; emitter-appended) ---
"""Pipeline reference for scband-gcnii-11424613007593 (READ-ONLY COPY).

The authoritative reference and input builder live on the scoring server;
editing this copy changes nothing except your own understanding.
"""

import jax, jax.numpy as jnp
import numpy as np
import math

N = 10000
E = 320000
IN_C = 128
H = 64
ALPHA = 0.1
THETA = 0.5
NUM_LAYERS = 4


def setup_inputs(seed: int = 0) -> dict:
    key = jax.random.key(seed)
    ks = jax.random.split(key, 8)
    x = jax.random.normal(ks[0], (N, IN_C), dtype=jnp.float32)
    adj_t = jax.random.randint(ks[1], (2, E), 0, N)
    W_embed = jax.random.normal(ks[2], (IN_C, H), dtype=jnp.float32) * (1.0 / math.sqrt(IN_C))
    b_embed = jnp.zeros((H,), dtype=jnp.float32)
    W1 = jax.random.normal(ks[3], (H, H), dtype=jnp.float32) * (1.0 / math.sqrt(H))
    W2 = jax.random.normal(ks[4], (H, H), dtype=jnp.float32) * (1.0 / math.sqrt(H))
    W3 = jax.random.normal(ks[5], (H, H), dtype=jnp.float32) * (1.0 / math.sqrt(H))
    W4 = jax.random.normal(ks[6], (H, H), dtype=jnp.float32) * (1.0 / math.sqrt(H))
    return {"x": x, "adj_t": adj_t, "W_embed": W_embed, "b_embed": b_embed,
            "W1": W1, "W2": W2, "W3": W3, "W4": W4}


def _propagate(h, row, col):
    # gcn_norm with added self-loops, then message passing out[col] += norm * h[row]
    loop = jnp.arange(N)
    r = jnp.concatenate([row, loop])
    c = jnp.concatenate([col, loop])
    ew = jnp.ones(r.shape[0], dtype=jnp.float32)
    deg = jnp.zeros(N, dtype=jnp.float32).at[c].add(ew)
    dinv = jnp.where(deg > 0, jax.lax.rsqrt(deg), 0.0)
    norm = dinv[r] * ew * dinv[c]
    return jnp.zeros_like(h).at[c].add(norm[:, None] * h[r])


def _forward(x, adj_t, W_embed, b_embed, Ws):
    row, col = adj_t[0], adj_t[1]
    x0 = jax.nn.relu(x @ W_embed + b_embed)
    h = x0
    for l, W in enumerate(Ws, start=1):
        beta = math.log(THETA / l + 1.0)
        p = _propagate(h, row, col) * (1.0 - ALPHA)
        out = p + ALPHA * x0  # (1-alpha)*A_hat h + alpha*x_0
        out = (1.0 - beta) * out + beta * (out @ W)  # shared_weights=True GCN2Conv
        h = jax.nn.relu(out) if l < NUM_LAYERS else out  # dropout is identity in eval
    return h


def reference(x, adj_t, W_embed, b_embed, W1, W2, W3, W4):
    return _forward(x, adj_t, W_embed, b_embed, [W1, W2, W3, W4])

if __name__ == "__main__":
    import jax
    _d = setup_inputs()
    print(jax.jit(kernel)(*tuple(_d.values())))

</pallas_src>

<mosaic_0001>
#map = affine_map<(d0, d1) -> (0, 0)>
#map1 = affine_map<(d0, d1) -> (0, 0, 0)>
module attributes {stable_mosaic.version = 14 : i64} {
  func.func @_spmm_body(%arg0: i32, %arg1: i32, %arg2: memref<10000x64xf32, #tpu.memory_space<hbm>>, %arg3: memref<32x125x80xi32, #tpu.memory_space<hbm>>, %arg4: memref<32x125x80xi32, #tpu.memory_space<hbm>>, %arg5: memref<2x10000x64xf32, #tpu.memory_space<hbm>>, %arg6: memref<125x80xi32, #tpu.memory_space<vmem>>, %arg7: memref<125x80xi32, #tpu.memory_space<vmem>>, %arg8: memref<80x64xf32, #tpu.memory_space<vmem>>, %arg9: memref<80x64xf32, #tpu.memory_space<vmem>>, %arg10: memref<80x64xf32, #tpu.memory_space<vmem>>, %arg11: memref<80x64xf32, #tpu.memory_space<vmem>>, %arg12: memref<10000x64xf32, #tpu.memory_space<vmem_shared>>, %arg13: memref<!tpu.dma_semaphore, #tpu.memory_space<semaphore_mem>>, %arg14: memref<!tpu.dma_semaphore, #tpu.memory_space<semaphore_mem>>, %arg15: memref<!tpu.dma_semaphore, #tpu.memory_space<semaphore_mem>>, %arg16: memref<!tpu.dma_semaphore, #tpu.memory_space<semaphore_mem>>, %arg17: memref<!tpu.dma_semaphore, #tpu.memory_space<semaphore_mem>>, %arg18: memref<!tpu.dma_semaphore, #tpu.memory_space<semaphore_mem>>, %arg19: memref<!tpu.dma_semaphore, #tpu.memory_space<semaphore_mem>>, %arg20: memref<!tpu.dma_semaphore, #tpu.memory_space<semaphore_mem>>) attributes {dimension_semantics = [#tpu.dimension_semantics<core_parallel>, #tpu.dimension_semantics<subcore_parallel>], iteration_bounds = array<i64: 2, 16>, scalar_prefetch = 0 : i64, scratch_operands = 15 : i64, tpu.core_type = #tpu.core_type<sc_vector_subcore>, window_params = [{transform_indices = #map}, {transform_indices = #map1}, {transform_indices = #map1}, {transform_indices = #map1}]} {
    %mul3A = arith.constant 16 : i32
    %mul3A_0 = arith.muli %arg0, %mul3A : i32
    %add3A = arith.addi %mul3A_0, %arg1 : i32
    "tpu.region"() ({
      %run_scoped3A = tpu.sem_alloc : memref<!tpu.dma_semaphore, #tpu.memory_space<semaphore_mem>>
      %dma_start3A_63 = arith.constant 0 : i32
      %dma_start3A_64 = arith.constant 0 : i32
      %dma_start3A_65 = tpu.memref_slice %arg3[%add3A, %dma_start3A_63, %dma_start3A_64] : memref<32x125x80xi32, #tpu.memory_space<hbm>> -> memref<1x125x80xi32, #tpu.memory_space<hbm>>
      %dma_start3A_66 = tpu.memref_squeeze %dma_start3A_65 : memref<1x125x80xi32, #tpu.memory_space<hbm>> -> memref<125x80xi32, #tpu.memory_space<hbm>>
      %dma_start3A_67 = arith.constant 0 : i32
      %dma_start3A_68 = arith.constant 0 : i32
      %dma_start3A_69 = tpu.memref_slice %arg3[%add3A, %dma_start3A_67, %dma_start3A_68] : memref<32x125x80xi32, #tpu.memory_space<hbm>> -> memref<1x125x80xi32, #tpu.memory_space<hbm>>
      %dma_start3A_70 = tpu.memref_squeeze %dma_start3A_69 : memref<1x125x80xi32, #tpu.memory_space<hbm>> -> memref<125x80xi32, #tpu.memory_space<hbm>>
      tpu.enqueue_dma source(%dma_start3A_70 : memref<125x80xi32, #tpu.memory_space<hbm>>) target(%arg6 : memref<125x80xi32, #tpu.memory_space<vmem>>) target_semaphore(%run_scoped3A : memref<!tpu.dma_semaphore, #tpu.memory_space<semaphore_mem>>)
      %dma_wait3A_71 = arith.constant 0 : i32
      %dma_wait3A_72 = arith.constant 0 : i32
      %dma_wait3A_73 = tpu.memref_slice %arg3[%add3A, %dma_wait3A_71, %dma_wait3A_72] : memref<32x125x80xi32, #tpu.memory_space<hbm>> -> memref<1x125x80xi32, #tpu.memory_space<hbm>>
      %dma_wait3A_74 = tpu.memref_squeeze %dma_wait3A_73 : memref<1x125x80xi32, #tpu.memory_space<hbm>> -> memref<125x80xi32, #tpu.memory_space<hbm>>
      %dma_wait3A_75 = arith.constant 0 : i32
      %dma_wait3A_76 = arith.constant 0 : i32
      %dma_wait3A_77 = tpu.memref_slice %arg3[%add3A, %dma_wait3A_75, %dma_wait3A_76] : memref<32x125x80xi32, #tpu.memory_space<hbm>> -> memref<1x125x80xi32, #tpu.memory_space<hbm>>
      %dma_wait3A_78 = tpu.memref_squeeze %dma_wait3A_77 : memref<1x125x80xi32, #tpu.memory_space<hbm>> -> memref<125x80xi32, #tpu.memory_space<hbm>>
      tpu.wait_dma2 semaphore(%run_scoped3A : memref<!tpu.dma_semaphore, #tpu.memory_space<semaphore_mem>>) src(%dma_wait3A_78 : memref<125x80xi32, #tpu.memory_space<hbm>>) dst(%arg6 : memref<125x80xi32, #tpu.memory_space<vmem>>)
      tpu.yield
    }) : () -> ()
    "tpu.region"() ({
      %run_scoped3A = tpu.sem_alloc : memref<!tpu.dma_semaphore, #tpu.memory_space<semaphore_mem>>
      %dma_start3A_63 = arith.constant 0 : i32
      %dma_start3A_64 = arith.constant 0 : i32
      %dma_start3A_65 = tpu.memref_slice %arg4[%add3A, %dma_start3A_63, %dma_start3A_64] : memref<32x125x80xi32, #tpu.memory_space<hbm>> -> memref<1x125x80xi32, #tpu.memory_space<hbm>>
      %dma_start3A_66 = tpu.memref_squeeze %dma_start3A_65 : memref<1x125x80xi32, #tpu.memory_space<hbm>> -> memref<125x80xi32, #tpu.memory_space<hbm>>
      %dma_start3A_67 = arith.constant 0 : i32
      %dma_start3A_68 = arith.constant 0 : i32
      %dma_start3A_69 = tpu.memref_slice %arg4[%add3A, %dma_start3A_67, %dma_start3A_68] : memref<32x125x80xi32, #tpu.memory_space<hbm>> -> memref<1x125x80xi32, #tpu.memory_space<hbm>>
      %dma_start3A_70 = tpu.memref_squeeze %dma_start3A_69 : memref<1x125x80xi32, #tpu.memory_space<hbm>> -> memref<125x80xi32, #tpu.memory_space<hbm>>
      tpu.enqueue_dma source(%dma_start3A_70 : memref<125x80xi32, #tpu.memory_space<hbm>>) target(%arg7 : memref<125x80xi32, #tpu.memory_space<vmem>>) target_semaphore(%run_scoped3A : memref<!tpu.dma_semaphore, #tpu.memory_space<semaphore_mem>>)
      %dma_wait3A_71 = arith.constant 0 : i32
      %dma_wait3A_72 = arith.constant 0 : i32
      %dma_wait3A_73 = tpu.memref_slice %arg4[%add3A, %dma_wait3A_71, %dma_wait3A_72] : memref<32x125x80xi32, #tpu.memory_space<hbm>> -> memref<1x125x80xi32, #tpu.memory_space<hbm>>
      %dma_wait3A_74 = tpu.memref_squeeze %dma_wait3A_73 : memref<1x125x80xi32, #tpu.memory_space<hbm>> -> memref<125x80xi32, #tpu.memory_space<hbm>>
      %dma_wait3A_75 = arith.constant 0 : i32
      %dma_wait3A_76 = arith.constant 0 : i32
      %dma_wait3A_77 = tpu.memref_slice %arg4[%add3A, %dma_wait3A_75, %dma_wait3A_76] : memref<32x125x80xi32, #tpu.memory_space<hbm>> -> memref<1x125x80xi32, #tpu.memory_space<hbm>>
      %dma_wait3A_78 = tpu.memref_squeeze %dma_wait3A_77 : memref<1x125x80xi32, #tpu.memory_space<hbm>> -> memref<125x80xi32, #tpu.memory_space<hbm>>
      tpu.wait_dma2 semaphore(%run_scoped3A : memref<!tpu.dma_semaphore, #tpu.memory_space<semaphore_mem>>) src(%dma_wait3A_78 : memref<125x80xi32, #tpu.memory_space<hbm>>) dst(%arg7 : memref<125x80xi32, #tpu.memory_space<vmem>>)
      tpu.yield
    }) : () -> ()
    %mul3A_1 = arith.constant 625 : i32
    %mul3A_2 = arith.muli %arg1, %mul3A_1 : i32
    %eq3A = arith.constant 0 : i32
    %eq3A_3 = arith.cmpi eq, %arg0, %eq3A : i32
    %convert_element_type3A = arith.extui %eq3A_3 : i1 to i32
    %cond3A = arith.constant 0 : i32
    %cond3A_4 = arith.cmpi ne, %convert_element_type3A, %cond3A : i32
    scf.if %cond3A_4 {
      "tpu.region"() ({
        %run_scoped3A = tpu.sem_alloc : memref<!tpu.dma_semaphore, #tpu.memory_space<semaphore_mem>>
        %dma_start3A_63 = arith.constant 0 : i32
        %dma_start3A_64 = tpu.memref_slice %arg12[%mul3A_2, %dma_start3A_63] : memref<10000x64xf32, #tpu.memory_space<vmem_shared>> -> memref<625x64xf32, #tpu.memory_space<vmem_shared>>
        %dma_start3A_65 = arith.constant 0 : i32
        %dma_start3A_66 = tpu.memref_slice %arg2[%mul3A_2, %dma_start3A_65] : memref<10000x64xf32, #tpu.memory_space<hbm>> -> memref<625x64xf32, #tpu.memory_space<hbm>>
        tpu.enqueue_dma source(%dma_start3A_66 : memref<625x64xf32, #tpu.memory_space<hbm>>) target(%dma_start3A_64 : memref<625x64xf32, #tpu.memory_space<vmem_shared>>) target_semaphore(%run_scoped3A : memref<!tpu.dma_semaphore, #tpu.memory_space<semaphore_mem>>)
        %dma_wait3A_67 = arith.constant 0 : i32
        %dma_wait3A_68 = tpu.memref_slice %arg12[%mul3A_2, %dma_wait3A_67] : memref<10000x64xf32, #tpu.memory_space<vmem_shared>> -> memref<625x64xf32, #tpu.memory_space<vmem_shared>>
        %dma_wait3A_69 = arith.constant 0 : i32
        %dma_wait3A_70 = tpu.memref_slice %arg2[%mul3A_2, %dma_wait3A_69] : memref<10000x64xf32, #tpu.memory_space<hbm>> -> memref<625x64xf32, #tpu.memory_space<hbm>>
        tpu.wait_dma2 semaphore(%run_scoped3A : memref<!tpu.dma_semaphore, #tpu.memory_space<semaphore_mem>>) src(%dma_wait3A_70 : memref<625x64xf32, #tpu.memory_space<hbm>>) dst(%dma_wait3A_68 : memref<625x64xf32, #tpu.memory_space<vmem_shared>>)
        tpu.yield
      }) : () -> ()
    } else {
    }
    %eq3A_5 = arith.constant 1 : i32
    %eq3A_6 = arith.cmpi eq, %arg0, %eq3A_5 : i32
    %convert_element_type3A_7 = arith.extui %eq3A_6 : i1 to i32
    %cond3A_8 = arith.constant 0 : i32
    %cond3A_9 = arith.cmpi ne, %convert_element_type3A_7, %cond3A_8 : i32
    scf.if %cond3A_9 {
      %broadcast_in_dim3A = arith.constant 0.000000e+00 : f32
      %broadcast_in_dim3A_63 = vector.broadcast %broadcast_in_dim3A : f32 to vector<16xf32>
      %scan3A_64 = arith.constant 0 : i32
      %scan3A_65 = arith.constant 0 : i32
      %scan3A_66 = arith.constant 80 : i32
      %scan3A_67 = arith.addi %scan3A_65, %scan3A_66 : i32
      %scan3A_68 = arith.constant 1 : i32
      scf.for %scan3A_86 = %scan3A_65 to %scan3A_67 step %scan3A_68  : i32 {
        %swap3A = arith.index_cast %scan3A_86 : i32 to index
        %swap3A_87 = arith.constant 0 : index
        %swap3A_88 = tpu.vector_load %arg8[%swap3A, %swap3A_87] {strides = array<i32>} : memref<80x64xf32, #tpu.memory_space<vmem>>, vector<1x16xf32>,
        %swap3A_89 = vector.shape_cast %swap3A_88 : vector<1x16xf32> to vector<16xf32>
        %swap3A_90 = vector.shape_cast %broadcast_in_dim3A_63 : vector<16xf32> to vector<1x16xf32>
        tpu.vector_store %arg8[%swap3A, %swap3A_87], %swap3A_90 {strides = array<i32>} : memref<80x64xf32, #tpu.memory_space<vmem>>, vector<1x16xf32>,
        %swap3A_91 = arith.index_cast %scan3A_86 : i32 to index
        %swap3A_92 = arith.constant 16 : index
        %swap3A_93 = tpu.vector_load %arg8[%swap3A_91, %swap3A_92] {strides = array<i32>} : memref<80x64xf32, #tpu.memory_space<vmem>>, vector<1x16xf32>,
        %swap3A_94 = vector.shape_cast %swap3A_93 : vector<1x16xf32> to vector<16xf32>
        %swap3A_95 = vector.shape_cast %broadcast_in_dim3A_63 : vector<16xf32> to vector<1x16xf32>
        tpu.vector_store %arg8[%swap3A_91, %swap3A_92], %swap3A_95 {strides = array<i32>} : memref<80x64xf32, #tpu.memory_space<vmem>>, vector<1x16xf32>,
        %swap3A_96 = arith.index_cast %scan3A_86 : i32 to index
        %swap3A_97 = arith.constant 32 : index
        %swap3A_98 = tpu.vector_load %arg8[%swap3A_96, %swap3A_97] {strides = array<i32>} : memref<80x64xf32, #tpu.memory_space<vmem>>, vector<1x16xf32>,
        %swap3A_99 = vector.shape_cast %swap3A_98 : vector<1x16xf32> to vector<16xf32>
        %swap3A_100 = vector.shape_cast %broadcast_in_dim3A_63 : vector<16xf32> to vector<1x16xf32>
        tpu.vector_store %arg8[%swap3A_96, %swap3A_97], %swap3A_100 {strides = array<i32>} : memref<80x64xf32, #tpu.memory_space<vmem>>, vector<1x16xf32>,
        %swap3A_101 = arith.index_cast %scan3A_86 : i32 to index
        %swap3A_102 = arith.constant 48 : index
        %swap3A_103 = tpu.vector_load %arg8[%swap3A_101, %swap3A_102] {strides = array<i32>} : memref<80x64xf32, #tpu.memory_space<vmem>>, vector<1x16xf32>,
        %swap3A_104 = vector.shape_cast %swap3A_103 : vector<1x16xf32> to vector<16xf32>
        %swap3A_105 = vector.shape_cast %broadcast_in_dim3A_63 : vector<16xf32> to vector<1x16xf32>
        tpu.vector_store %arg8[%swap3A_101, %swap3A_102], %swap3A_105 {strides = array<i32>} : memref<80x64xf32, #tpu.memory_space<vmem>>, vector<1x16xf32>,
      }
      %scan3A_69 = arith.constant 80 : i32
      %add3A_70 = arith.constant 0 : i32
      %add3A_71 = arith.addi %mul3A_2, %add3A_70 : i32
      "tpu.region"() ({
        %run_scoped3A = tpu.sem_alloc : memref<!tpu.dma_semaphore, #tpu.memory_space<semaphore_mem>>
        %dma_start3A_86 = arith.constant 0 : i32
        %dma_start3A_87 = tpu.memref_slice %arg12[%add3A_71, %dma_start3A_86] : memref<10000x64xf32, #tpu.memory_space<vmem_shared>> -> memref<80x64xf32, #tpu.memory_space<vmem_shared>>
        %dma_start3A_88 = arith.constant 0 : i32
        %dma_start3A_89 = tpu.memref_slice %arg12[%add3A_71, %dma_start3A_88] : memref<10000x64xf32, #tpu.memory_space<vmem_shared>> -> memref<80x64xf32, #tpu.memory_space<vmem_shared>>
        tpu.enqueue_dma source(%arg8 : memref<80x64xf32, #tpu.memory_space<vmem>>) target(%dma_start3A_89 : memref<80x64xf32, #tpu.memory_space<vmem_shared>>) target_semaphore(%run_scoped3A : memref<!tpu.dma_semaphore, #tpu.memory_space<semaphore_mem>>)
        %dma_wait3A_90 = arith.constant 0 : i32
        %dma_wait3A_91 = tpu.memref_slice %arg12[%add3A_71, %dma_wait3A_90] : memref<10000x64xf32, #tpu.memory_space<vmem_shared>> -> memref<80x64xf32, #tpu.memory_space<vmem_shared>>
        %dma_wait3A_92 = arith.constant 0 : i32
        %dma_wait3A_93 = tpu.memref_slice %arg12[%add3A_71, %dma_wait3A_92] : memref<10000x64xf32, #tpu.memory_space<vmem_shared>> -> memref<80x64xf32, #tpu.memory_space<vmem_shared>>
        tpu.wait_dma2 semaphore(%run_scoped3A : memref<!tpu.dma_semaphore, #tpu.memory_space<semaphore_mem>>) src(%arg8 : memref<80x64xf32, #tpu.memory_space<vmem>>) dst(%dma_wait3A_93 : memref<80x64xf32, #tpu.memory_space<vmem_shared>>)
        tpu.yield
      }) : () -> ()
      %add3A_72 = arith.constant 80 : i32
      %add3A_73 = arith.addi %mul3A_2, %add3A_72 : i32
      "tpu.region"() ({
        %run_scoped3A = tpu.sem_alloc : memref<!tpu.dma_semaphore, #tpu.memory_space<semaphore_mem>>
        %dma_start3A_86 = arith.constant 0 : i32
        %dma_start3A_87 = tpu.memref_slice %arg12[%add3A_73, %dma_start3A_86] : memref<10000x64xf32, #tpu.memory_space<vmem_shared>> -> memref<80x64xf32, #tpu.memory_space<vmem_shared>>
        %dma_start3A_88 = arith.constant 0 : i32
        %dma_start3A_89 = tpu.memref_slice %arg12[%add3A_73, %dma_start3A_88] : memref<10000x64xf32, #tpu.memory_space<vmem_shared>> -> memref<80x64xf32, #tpu.memory_space<vmem_shared>>
        tpu.enqueue_dma source(%arg8 : memref<80x64xf32, #tpu.memory_space<vmem>>) target(%dma_start3A_89 : memref<80x64xf32, #tpu.memory_space<vmem_shared>>) target_semaphore(%run_scoped3A : memref<!tpu.dma_semaphore, #tpu.memory_space<semaphore_mem>>)
        %dma_wait3A_90 = arith.constant 0 : i32
        %dma_wait3A_91 = tpu.memref_slice %arg12[%add3A_73, %dma_wait3A_90] : memref<10000x64xf32, #tpu.memory_space<vmem_shared>> -> memref<80x64xf32, #tpu.memory_space<vmem_shared>>
        %dma_wait3A_92 = arith.constant 0 : i32
        %dma_wait3A_93 = tpu.memref_slice %arg12[%add3A_73, %dma_wait3A_92] : memref<10000x64xf32, #tpu.memory_space<vmem_shared>> -> memref<80x64xf32, #tpu.memory_space<vmem_shared>>
        tpu.wait_dma2 semaphore(%run_scoped3A : memref<!tpu.dma_semaphore, #tpu.memory_space<semaphore_mem>>) src(%arg8 : memref<80x64xf32, #tpu.memory_space<vmem>>) dst(%dma_wait3A_93 : memref<80x64xf32, #tpu.memory_space<vmem_shared>>)
        tpu.yield
      }) : () -> ()
      %add3A_74 = arith.constant 160 : i32
      %add3A_75 = arith.addi %mul3A_2, %add3A_74 : i32
      "tpu.region"() ({
        %run_scoped3A = tpu.sem_alloc : memref<!tpu.dma_semaphore, #tpu.memory_space<semaphore_mem>>
        %dma_start3A_86 = arith.constant 0 : i32
        %dma_start3A_87 = tpu.memref_slice %arg12[%add3A_75, %dma_start3A_86] : memref<10000x64xf32, #tpu.memory_space<vmem_shared>> -> memref<80x64xf32, #tpu.memory_space<vmem_shared>>
        %dma_start3A_88 = arith.constant 0 : i32
        %dma_start3A_89 = tpu.memref_slice %arg12[%add3A_75, %dma_start3A_88] : memref<10000x64xf32, #tpu.memory_space<vmem_shared>> -> memref<80x64xf32, #tpu.memory_space<vmem_shared>>
        tpu.enqueue_dma source(%arg8 : memref<80x64xf32, #tpu.memory_space<vmem>>) target(%dma_start3A_89 : memref<80x64xf32, #tpu.memory_space<vmem_shared>>) target_semaphore(%run_scoped3A : memref<!tpu.dma_semaphore, #tpu.memory_space<semaphore_mem>>)
        %dma_wait3A_90 = arith.constant 0 : i32
        %dma_wait3A_91 = tpu.memref_slice %arg12[%add3A_75, %dma_wait3A_90] : memref<10000x64xf32, #tpu.memory_space<vmem_shared>> -> memref<80x64xf32, #tpu.memory_space<vmem_shared>>
        %dma_wait3A_92 = arith.constant 0 : i32
        %dma_wait3A_93 = tpu.memref_slice %arg12[%add3A_75, %dma_wait3A_92] : memref<10000x64xf32, #tpu.memory_space<vmem_shared>> -> memref<80x64xf32, #tpu.memory_space<vmem_shared>>
        tpu.wait_dma2 semaphore(%run_scoped3A : memref<!tpu.dma_semaphore, #tpu.memory_space<semaphore_mem>>) src(%arg8 : memref<80x64xf32, #tpu.memory_space<vmem>>) dst(%dma_wait3A_93 : memref<80x64xf32, #tpu.memory_space<vmem_shared>>)
        tpu.yield
      }) : () -> ()
      %add3A_76 = arith.constant 240 : i32
      %add3A_77 = arith.addi %mul3A_2, %add3A_76 : i32
      "tpu.region"() ({
        %run_scoped3A = tpu.sem_alloc : memref<!tpu.dma_semaphore, #tpu.memory_space<semaphore_mem>>
        %dma_start3A_86 = arith.constant 0 : i32
        %dma_start3A_87 = tpu.memref_slice %arg12[%add3A_77, %dma_start3A_86] : memref<10000x64xf32, #tpu.memory_space<vmem_shared>> -> memref<80x64xf32, #tpu.memory_space<vmem_shared>>
        %dma_start3A_88 = arith.constant 0 : i32
        %dma_start3A_89 = tpu.memref_slice %arg12[%add3A_77, %dma_start3A_88] : memref<10000x64xf32, #tpu.memory_space<vmem_shared>> -> memref<80x64xf32, #tpu.memory_space<vmem_shared>>
        tpu.enqueue_dma source(%arg8 : memref<80x64xf32, #tpu.memory_space<vmem>>) target(%dma_start3A_89 : memref<80x64xf32, #tpu.memory_space<vmem_shared>>) target_semaphore(%run_scoped3A : memref<!tpu.dma_semaphore, #tpu.memory_space<semaphore_mem>>)
        %dma_wait3A_90 = arith.constant 0 : i32
        %dma_wait3A_91 = tpu.memref_slice %arg12[%add3A_77, %dma_wait3A_90] : memref<10000x64xf32, #tpu.memory_space<vmem_shared>> -> memref<80x64xf32, #tpu.memory_space<vmem_shared>>
        %dma_wait3A_92 = arith.constant 0 : i32
        %dma_wait3A_93 = tpu.memref_slice %arg12[%add3A_77, %dma_wait3A_92] : memref<10000x64xf32, #tpu.memory_space<vmem_shared>> -> memref<80x64xf32, #tpu.memory_space<vmem_shared>>
        tpu.wait_dma2 semaphore(%run_scoped3A : memref<!tpu.dma_semaphore, #tpu.memory_space<semaphore_mem>>) src(%arg8 : memref<80x64xf32, #tpu.memory_space<vmem>>) dst(%dma_wait3A_93 : memref<80x64xf32, #tpu.memory_space<vmem_shared>>)
        tpu.yield
      }) : () -> ()
      %add3A_78 = arith.constant 320 : i32
      %add3A_79 = arith.addi %mul3A_2, %add3A_78 : i32
      "tpu.region"() ({
        %run_scoped3A = tpu.sem_alloc : memref<!tpu.dma_semaphore, #tpu.memory_space<semaphore_mem>>
        %dma_start3A_86 = arith.constant 0 : i32
        %dma_start3A_87 = tpu.memref_slice %arg12[%add3A_79, %dma_start3A_86] : memref<10000x64xf32, #tpu.memory_space<vmem_shared>> -> memref<80x64xf32, #tpu.memory_space<vmem_shared>>
        %dma_start3A_88 = arith.constant 0 : i32
        %dma_start3A_89 = tpu.memref_slice %arg12[%add3A_79, %dma_start3A_88] : memref<10000x64xf32, #tpu.memory_space<vmem_shared>> -> memref<80x64xf32, #tpu.memory_space<vmem_shared>>
        tpu.enqueue_dma source(%arg8 : memref<80x64xf32, #tpu.memory_space<vmem>>) target(%dma_start3A_89 : memref<80x64xf32, #tpu.memory_space<vmem_shared>>) target_semaphore(%run_scoped3A : memref<!tpu.dma_semaphore, #tpu.memory_space<semaphore_mem>>)
        %dma_wait3A_90 = arith.constant 0 : i32
        %dma_wait3A_91 = tpu.memref_slice %arg12[%add3A_79, %dma_wait3A_90] : memref<10000x64xf32, #tpu.memory_space<vmem_shared>> -> memref<80x64xf32, #tpu.memory_space<vmem_shared>>
        %dma_wait3A_92 = arith.constant 0 : i32
        %dma_wait3A_93 = tpu.memref_slice %arg12[%add3A_79, %dma_wait3A_92] : memref<10000x64xf32, #tpu.memory_space<vmem_shared>> -> memref<80x64xf32, #tpu.memory_space<vmem_shared>>
        tpu.wait_dma2 semaphore(%run_scoped3A : memref<!tpu.dma_semaphore, #tpu.memory_space<semaphore_mem>>) src(%arg8 : memref<80x64xf32, #tpu.memory_space<vmem>>) dst(%dma_wait3A_93 : memref<80x64xf32, #tpu.memory_space<vmem_shared>>)
        tpu.yield
      }) : () -> ()
      %add3A_80 = arith.constant 400 : i32
      %add3A_81 = arith.addi %mul3A_2, %add3A_80 : i32
      "tpu.region"() ({
        %run_scoped3A = tpu.sem_alloc : memref<!tpu.dma_semaphore, #tpu.memory_space<semaphore_mem>>
        %dma_start3A_86 = arith.constant 0 : i32
        %dma_start3A_87 = tpu.memref_slice %arg12[%add3A_81, %dma_start3A_86] : memref<10000x64xf32, #tpu.memory_space<vmem_shared>> -> memref<80x64xf32, #tpu.memory_space<vmem_shared>>
        %dma_start3A_88 = arith.constant 0 : i32
        %dma_start3A_89 = tpu.memref_slice %arg12[%add3A_81, %dma_start3A_88] : memref<10000x64xf32, #tpu.memory_space<vmem_shared>> -> memref<80x64xf32, #tpu.memory_space<vmem_shared>>
        tpu.enqueue_dma source(%arg8 : memref<80x64xf32, #tpu.memory_space<vmem>>) target(%dma_start3A_89 : memref<80x64xf32, #tpu.memory_space<vmem_shared>>) target_semaphore(%run_scoped3A : memref<!tpu.dma_semaphore, #tpu.memory_space<semaphore_mem>>)
        %dma_wait3A_90 = arith.constant 0 : i32
        %dma_wait3A_91 = tpu.memref_slice %arg12[%add3A_81, %dma_wait3A_90] : memref<10000x64xf32, #tpu.memory_space<vmem_shared>> -> memref<80x64xf32, #tpu.memory_space<vmem_shared>>
        %dma_wait3A_92 = arith.constant 0 : i32
        %dma_wait3A_93 = tpu.memref_slice %arg12[%add3A_81, %dma_wait3A_92] : memref<10000x64xf32, #tpu.memory_space<vmem_shared>> -> memref<80x64xf32, #tpu.memory_space<vmem_shared>>
        tpu.wait_dma2 semaphore(%run_scoped3A : memref<!tpu.dma_semaphore, #tpu.memory_space<semaphore_mem>>) src(%arg8 : memref<80x64xf32, #tpu.memory_space<vmem>>) dst(%dma_wait3A_93 : memref<80x64xf32, #tpu.memory_space<vmem_shared>>)
        tpu.yield
      }) : () -> ()
      %add3A_82 = arith.constant 480 : i32
      %add3A_83 = arith.addi %mul3A_2, %add3A_82 : i32
      "tpu.region"() ({
        %run_scoped3A = tpu.sem_alloc : memref<!tpu.dma_semaphore, #tpu.memory_space<semaphore_mem>>
        %dma_start3A_86 = arith.constant 0 : i32
        %dma_start3A_87 = tpu.memref_slice %arg12[%add3A_83, %dma_start3A_86] : memref<10000x64xf32, #tpu.memory_space<vmem_shared>> -> memref<80x64xf32, #tpu.memory_space<vmem_shared>>
        %dma_start3A_88 = arith.constant 0 : i32
        %dma_start3A_89 = tpu.memref_slice %arg12[%add3A_83, %dma_start3A_88] : memref<10000x64xf32, #tpu.memory_space<vmem_shared>> -> memref<80x64xf32, #tpu.memory_space<vmem_shared>>
        tpu.enqueue_dma source(%arg8 : memref<80x64xf32, #tpu.memory_space<vmem>>) target(%dma_start3A_89 : memref<80x64xf32, #tpu.memory_space<vmem_shared>>) target_semaphore(%run_scoped3A : memref<!tpu.dma_semaphore, #tpu.memory_space<semaphore_mem>>)
        %dma_wait3A_90 = arith.constant 0 : i32
        %dma_wait3A_91 = tpu.memref_slice %arg12[%add3A_83, %dma_wait3A_90] : memref<10000x64xf32, #tpu.memory_space<vmem_shared>> -> memref<80x64xf32, #tpu.memory_space<vmem_shared>>
        %dma_wait3A_92 = arith.constant 0 : i32
        %dma_wait3A_93 = tpu.memref_slice %arg12[%add3A_83, %dma_wait3A_92] : memref<10000x64xf32, #tpu.memory_space<vmem_shared>> -> memref<80x64xf32, #tpu.memory_space<vmem_shared>>
        tpu.wait_dma2 semaphore(%run_scoped3A : memref<!tpu.dma_semaphore, #tpu.memory_space<semaphore_mem>>) src(%arg8 : memref<80x64xf32, #tpu.memory_space<vmem>>) dst(%dma_wait3A_93 : memref<80x64xf32, #tpu.memory_space<vmem_shared>>)
        tpu.yield
      }) : () -> ()
      %add3A_84 = arith.constant 560 : i32
      %add3A_85 = arith.addi %mul3A_2, %add3A_84 : i32
      "tpu.region"() ({
        %run_scoped3A = tpu.sem_alloc : memref<!tpu.dma_semaphore, #tpu.memory_space<semaphore_mem>>
        %dma_start3A_86 = arith.constant 0 : i32
        %dma_start3A_87 = arith.constant 0 : i32
        %dma_start3A_88 = tpu.memref_slice %arg8[%dma_start3A_86, %dma_start3A_87] : memref<80x64xf32, #tpu.memory_space<vmem>> -> memref<65x64xf32, #tpu.memory_space<vmem>>
        %dma_start3A_89 = arith.constant 0 : i32
        %dma_start3A_90 = tpu.memref_slice %arg12[%add3A_85, %dma_start3A_89] : memref<10000x64xf32, #tpu.memory_space<vmem_shared>> -> memref<65x64xf32, #tpu.memory_space<vmem_shared>>
        %dma_start3A_91 = arith.constant 0 : i32
        %dma_start3A_92 = tpu.memref_slice %arg12[%add3A_85, %dma_start3A_91] : memref<10000x64xf32, #tpu.memory_space<vmem_shared>> -> memref<65x64xf32, #tpu.memory_space<vmem_shared>>
        %dma_start3A_93 = arith.constant 0 : i32
        %dma_start3A_94 = arith.constant 0 : i32
        %dma_start3A_95 = tpu.memref_slice %arg8[%dma_start3A_93, %dma_start3A_94] : memref<80x64xf32, #tpu.memory_space<vmem>> -> memref<65x64xf32, #tpu.memory_space<vmem>>
        tpu.enqueue_dma source(%dma_start3A_95 : memref<65x64xf32, #tpu.memory_space<vmem>>) target(%dma_start3A_92 : memref<65x64xf32, #tpu.memory_space<vmem_shared>>) target_semaphore(%run_scoped3A : memref<!tpu.dma_semaphore, #tpu.memory_space<semaphore_mem>>)
        %dma_wait3A_96 = arith.constant 0 : i32
        %dma_wait3A_97 = arith.constant 0 : i32
        %dma_wait3A_98 = tpu.memref_slice %arg8[%dma_wait3A_96, %dma_wait3A_97] : memref<80x64xf32, #tpu.memory_space<vmem>> -> memref<65x64xf32, #tpu.memory_space<vmem>>
        %dma_wait3A_99 = arith.constant 0 : i32
        %dma_wait3A_100 = tpu.memref_slice %arg12[%add3A_85, %dma_wait3A_99] : memref<10000x64xf32, #tpu.memory_space<vmem_shared>> -> memref<65x64xf32, #tpu.memory_space<vmem_shared>>
        %dma_wait3A_101 = arith.constant 0 : i32
        %dma_wait3A_102 = tpu.memref_slice %arg12[%add3A_85, %dma_wait3A_101] : memref<10000x64xf32, #tpu.memory_space<vmem_shared>> -> memref<65x64xf32, #tpu.memory_space<vmem_shared>>
        %dma_wait3A_103 = arith.constant 0 : i32
        %dma_wait3A_104 = arith.constant 0 : i32
        %dma_wait3A_105 = tpu.memref_slice %arg8[%dma_wait3A_103, %dma_wait3A_104] : memref<80x64xf32, #tpu.memory_space<vmem>> -> memref<65x64xf32, #tpu.memory_space<vmem>>
        tpu.wait_dma2 semaphore(%run_scoped3A : memref<!tpu.dma_semaphore, #tpu.memory_space<semaphore_mem>>) src(%dma_wait3A_105 : memref<65x64xf32, #tpu.memory_space<vmem>>) dst(%dma_wait3A_102 : memref<65x64xf32, #tpu.memory_space<vmem_shared>>)
        tpu.yield
      }) : () -> ()
    } else {
    }
    %barrier3A = arith.constant 0 : index
    tpu.barrier barrier_id(%barrier3A)
    %dma_start3A = arith.constant 0 : i32
    %dma_start3A_10 = arith.constant 0 : i32
    %dma_start3A_11 = tpu.memref_slice %arg6[%dma_start3A, %dma_start3A_10] : memref<125x80xi32, #tpu.memory_space<vmem>> -> memref<1x80xi32, #tpu.memory_space<vmem>>
    %dma_start3A_12 = tpu.memref_squeeze %dma_start3A_11 : memref<1x80xi32, #tpu.memory_space<vmem>> -> memref<80xi32, #tpu.memory_space<vmem>>
    %dma_start3A_13 = arith.constant 0 : i32
    %dma_start3A_14 = arith.constant 0 : i32
    %dma_start3A_15 = tpu.memref_slice %arg2[%dma_start3A_13, %dma_start3A_14] : memref<10000x64xf32, #tpu.memory_space<hbm>> -> memref<10000x64xf32, #tpu.memory_space<hbm>>
    tpu.enqueue_indirect_dma source(%dma_start3A_15 : memref<10000x64xf32, #tpu.memory_space<hbm>>) target(%arg8 : memref<80x64xf32, #tpu.memory_space<vmem>>) offsets(%dma_start3A_12 : memref<80xi32, #tpu.memory_space<vmem>>) semaphore(%arg13 : memref<!tpu.dma_semaphore, #tpu.memory_space<semaphore_mem>>)
    %dma_start3A_16 = arith.constant 1 : i32
    %dma_start3A_17 = arith.constant 0 : i32
    %dma_start3A_18 = tpu.memref_slice %arg6[%dma_start3A_16, %dma_start3A_17] : memref<125x80xi32, #tpu.memory_space<vmem>> -> memref<1x80xi32, #tpu.memory_space<vmem>>
    %dma_start3A_19 = tpu.memref_squeeze %dma_start3A_18 : memref<1x80xi32, #tpu.memory_space<vmem>> -> memref<80xi32, #tpu.memory_space<vmem>>
    %dma_start3A_20 = arith.constant 0 : i32
    %dma_start3A_21 = arith.constant 0 : i32
    %dma_start3A_22 = tpu.memref_slice %arg2[%dma_start3A_20, %dma_start3A_21] : memref<10000x64xf32, #tpu.memory_space<hbm>> -> memref<10000x64xf32, #tpu.memory_space<hbm>>
    tpu.enqueue_indirect_dma source(%dma_start3A_22 : memref<10000x64xf32, #tpu.memory_space<hbm>>) target(%arg9 : memref<80x64xf32, #tpu.memory_space<vmem>>) offsets(%dma_start3A_19 : memref<80xi32, #tpu.memory_space<vmem>>) semaphore(%arg14 : memref<!tpu.dma_semaphore, #tpu.memory_space<semaphore_mem>>)
    %scan3A = arith.constant 0 : i32
    %scan3A_23 = arith.constant 0 : i32
    %scan3A_24 = arith.constant 31 : i32
    %scan3A_25 = arith.addi %scan3A_23, %scan3A_24 : i32
    %scan3A_26 = arith.constant 1 : i32
    scf.for %scan3A_63 = %scan3A_23 to %scan3A_25 step %scan3A_26  : i32 {
      %mul3A_64 = arith.constant 4 : i32
      %mul3A_65 = arith.muli %mul3A_64, %scan3A_63 : i32
      %add3A_66 = arith.constant 0 : i32
      %add3A_67 = arith.addi %mul3A_65, %add3A_66 : i32
      %ge3A = arith.constant 2 : i32
      %ge3A_68 = arith.cmpi sge, %add3A_67, %ge3A : i32
      %convert_element_type3A_69 = arith.extui %ge3A_68 : i1 to i32
      %cond3A_70 = arith.constant 0 : i32
      %cond3A_71 = arith.cmpi ne, %convert_element_type3A_69, %cond3A_70 : i32
      scf.if %cond3A_71 {
        %dma_wait3A_168 = arith.constant 0 : i32
        %dma_wait3A_169 = arith.constant 0 : i32
        %dma_wait3A_170 = tpu.memref_slice %arg7[%dma_wait3A_168, %dma_wait3A_169] : memref<125x80xi32, #tpu.memory_space<vmem>> -> memref<1x80xi32, #tpu.memory_space<vmem>>
        %dma_wait3A_171 = tpu.memref_squeeze %dma_wait3A_170 : memref<1x80xi32, #tpu.memory_space<vmem>> -> memref<80xi32, #tpu.memory_space<vmem>>
        %dma_wait3A_172 = arith.constant 0 : i32
        %dma_wait3A_173 = arith.constant 0 : i32
        %dma_wait3A_174 = tpu.memref_slice %arg12[%dma_wait3A_172, %dma_wait3A_173] : memref<10000x64xf32, #tpu.memory_space<vmem_shared>> -> memref<10000x64xf32, #tpu.memory_space<vmem_shared>>
        tpu.wait_indirect_dma semaphore(%arg19 : memref<!tpu.dma_semaphore, #tpu.memory_space<semaphore_mem>>) src(%arg10 : memref<80x64xf32, #tpu.memory_space<vmem>>) dst(%dma_wait3A_174 : memref<10000x64xf32, #tpu.memory_space<vmem_shared>>)
      } else {
      }
      %add3A_72 = arith.constant 2 : i32
      %add3A_73 = arith.addi %add3A_67, %add3A_72 : i32
      %lt3A = arith.constant 125 : i32
      %lt3A_74 = arith.cmpi slt, %add3A_73, %lt3A : i32
      %convert_element_type3A_75 = arith.extui %lt3A_74 : i1 to i32
      %cond3A_76 = arith.constant 0 : i32
      %cond3A_77 = arith.cmpi ne, %convert_element_type3A_75, %cond3A_76 : i32
      scf.if %cond3A_77 {
        %add3A_168 = arith.constant 2 : i32
        %add3A_169 = arith.addi %add3A_67, %add3A_168 : i32
        %dma_start3A_170 = arith.constant 0 : i32
        %dma_start3A_171 = tpu.memref_slice %arg6[%add3A_169, %dma_start3A_170] : memref<125x80xi32, #tpu.memory_space<vmem>> -> memref<1x80xi32, #tpu.memory_space<vmem>>
        %dma_start3A_172 = tpu.memref_squeeze %dma_start3A_171 : memref<1x80xi32, #tpu.memory_space<vmem>> -> memref<80xi32, #tpu.memory_space<vmem>>
        %dma_start3A_173 = arith.constant 0 : i32
        %dma_start3A_174 = arith.constant 0 : i32
        %dma_start3A_175 = tpu.memref_slice %arg2[%dma_start3A_173, %dma_start3A_174] : memref<10000x64xf32, #tpu.memory_space<hbm>> -> memref<10000x64xf32, #tpu.memory_space<hbm>>
        tpu.enqueue_indirect_dma source(%dma_start3A_175 : memref<10000x64xf32, #tpu.memory_space<hbm>>) target(%arg10 : memref<80x64xf32, #tpu.memory_space<vmem>>) offsets(%dma_start3A_172 : memref<80xi32, #tpu.memory_space<vmem>>) semaphore(%arg15 : memref<!tpu.dma_semaphore, #tpu.memory_space<semaphore_mem>>)
      } else {
      }
      %dma_wait3A_78 = arith.constant 0 : i32
      %dma_wait3A_79 = tpu.memref_slice %arg6[%add3A_67, %dma_wait3A_78] : memref<125x80xi32, #tpu.memory_space<vmem>> -> memref<1x80xi32, #tpu.memory_space<vmem>>
      %dma_wait3A_80 = tpu.memref_squeeze %dma_wait3A_79 : memref<1x80xi32, #tpu.memory_space<vmem>> -> memref<80xi32, #tpu.memory_space<vmem>>
      %dma_wait3A_81 = arith.constant 0 : i32
      %dma_wait3A_82 = arith.constant 0 : i32
      %dma_wait3A_83 = tpu.memref_slice %arg2[%dma_wait3A_81, %dma_wait3A_82] : memref<10000x64xf32, #tpu.memory_space<hbm>> -> memref<10000x64xf32, #tpu.memory_space<hbm>>
      tpu.wait_indirect_dma semaphore(%arg13 : memref<!tpu.dma_semaphore, #tpu.memory_space<semaphore_mem>>) src(%dma_wait3A_83 : memref<10000x64xf32, #tpu.memory_space<hbm>>) dst(%arg8 : memref<80x64xf32, #tpu.memory_space<vmem>>)
      %dma_start3A_84 = arith.constant 0 : i32
      %dma_start3A_85 = tpu.memref_slice %arg7[%add3A_67, %dma_start3A_84] : memref<125x80xi32, #tpu.memory_space<vmem>> -> memref<1x80xi32, #tpu.memory_space<vmem>>
      %dma_start3A_86 = tpu.memref_squeeze %dma_start3A_85 : memref<1x80xi32, #tpu.memory_space<vmem>> -> memref<80xi32, #tpu.memory_space<vmem>>
      %dma_start3A_87 = arith.constant 0 : i32
      %dma_start3A_88 = arith.constant 0 : i32
      %dma_start3A_89 = tpu.memref_slice %arg12[%dma_start3A_87, %dma_start3A_88] : memref<10000x64xf32, #tpu.memory_space<vmem_shared>> -> memref<10000x64xf32, #tpu.memory_space<vmem_shared>>
      tpu.enqueue_indirect_dma source(%arg8 : memref<80x64xf32, #tpu.memory_space<vmem>>) target(%dma_start3A_89 : memref<10000x64xf32, #tpu.memory_space<vmem_shared>>) offsets(%dma_start3A_86 : memref<80xi32, #tpu.memory_space<vmem>>) semaphore(%arg17 : memref<!tpu.dma_semaphore, #tpu.memory_space<semaphore_mem>>) {add = true}
      %add3A_90 = arith.constant 1 : i32
      %add3A_91 = arith.addi %mul3A_65, %add3A_90 : i32
      %ge3A_92 = arith.constant 2 : i32
      %ge3A_93 = arith.cmpi sge, %add3A_91, %ge3A_92 : i32
      %convert_element_type3A_94 = arith.extui %ge3A_93 : i1 to i32
      %cond3A_95 = arith.constant 0 : i32
      %cond3A_96 = arith.cmpi ne, %convert_element_type3A_94, %cond3A_95 : i32
      scf.if %cond3A_96 {
        %dma_wait3A_168 = arith.constant 0 : i32
        %dma_wait3A_169 = arith.constant 0 : i32
        %dma_wait3A_170 = tpu.memref_slice %arg7[%dma_wait3A_168, %dma_wait3A_169] : memref<125x80xi32, #tpu.memory_space<vmem>> -> memref<1x80xi32, #tpu.memory_space<vmem>>
        %dma_wait3A_171 = tpu.memref_squeeze %dma_wait3A_170 : memref<1x80xi32, #tpu.memory_space<vmem>> -> memref<80xi32, #tpu.memory_space<vmem>>
        %dma_wait3A_172 = arith.constant 0 : i32
        %dma_wait3A_173 = arith.constant 0 : i32
        %dma_wait3A_174 = tpu.memref_slice %arg12[%dma_wait3A_172, %dma_wait3A_173] : memref<10000x64xf32, #tpu.memory_space<vmem_shared>> -> memref<10000x64xf32, #tpu.memory_space<vmem_shared>>
        tpu.wait_indirect_dma semaphore(%arg20 : memref<!tpu.dma_semaphore, #tpu.memory_space<semaphore_mem>>) src(%arg11 : memref<80x64xf32, #tpu.memory_space<vmem>>) dst(%dma_wait3A_174 : memref<10000x64xf32, #tpu.memory_space<vmem_shared>>)
      } else {
      }
      %add3A_97 = arith.constant 2 : i32
      %add3A_98 = arith.addi %add3A_91, %add3A_97 : i32
      %lt3A_99 = arith.constant 125 : i32
      %lt3A_100 = arith.cmpi slt, %add3A_98, %lt3A_99 : i32
      %convert_element_type3A_101 = arith.extui %lt3A_100 : i1 to i32
      %cond3A_102 = arith.constant 0 : i32
      %cond3A_103 = arith.cmpi ne, %convert_element_type3A_101, %cond3A_102 : i32
      scf.if %cond3A_103 {
        %add3A_168 = arith.constant 2 : i32
        %add3A_169 = arith.addi %add3A_91, %add3A_168 : i32
        %dma_start3A_170 = arith.constant 0 : i32
        %dma_start3A_171 = tpu.memref_slice %arg6[%add3A_169, %dma_start3A_170] : memref<125x80xi32, #tpu.memory_space<vmem>> -> memref<1x80xi32, #tpu.memory_space<vmem>>
        %dma_start3A_172 = tpu.memref_squeeze %dma_start3A_171 : memref<1x80xi32, #tpu.memory_space<vmem>> -> memref<80xi32, #tpu.memory_space<vmem>>
        %dma_start3A_173 = arith.constant 0 : i32
        %dma_start3A_174 = arith.constant 0 : i32
        %dma_start3A_175 = tpu.memref_slice %arg2[%dma_start3A_173, %dma_start3A_174] : memref<10000x64xf32, #tpu.memory_space<hbm>> -> memref<10000x64xf32, #tpu.memory_space<hbm>>
        tpu.enqueue_indirect_dma source(%dma_start3A_175 : memref<10000x64xf32, #tpu.memory_space<hbm>>) target(%arg11 : memref<80x64xf32, #tpu.memory_space<vmem>>) offsets(%dma_start3A_172 : memref<80xi32, #tpu.memory_space<vmem>>) semaphore(%arg16 : memref<!tpu.dma_semaphore, #tpu.memory_space<semaphore_mem>>)
      } else {
      }
      %dma_wait3A_104 = arith.constant 0 : i32
      %dma_wait3A_105 = tpu.memref_slice %arg6[%add3A_91, %dma_wait3A_104] : memref<125x80xi32, #tpu.memory_space<vmem>> -> memref<1x80xi32, #tpu.memory_space<vmem>>
      %dma_wait3A_106 = tpu.memref_squeeze %dma_wait3A_105 : memref<1x80xi32, #tpu.memory_space<vmem>> -> memref<80xi32, #tpu.memory_space<vmem>>
      %dma_wait3A_107 = arith.constant 0 : i32
      %dma_wait3A_108 = arith.constant 0 : i32
      %dma_wait3A_109 = tpu.memref_slice %arg2[%dma_wait3A_107, %dma_wait3A_108] : memref<10000x64xf32, #tpu.memory_space<hbm>> -> memref<10000x64xf32, #tpu.memory_space<hbm>>
      tpu.wait_indirect_dma semaphore(%arg14 : memref<!tpu.dma_semaphore, #tpu.memory_space<semaphore_mem>>) src(%dma_wait3A_109 : memref<10000x64xf32, #tpu.memory_space<hbm>>) dst(%arg9 : memref<80x64xf32, #tpu.memory_space<vmem>>)
      %dma_start3A_110 = arith.constant 0 : i32
      %dma_start3A_111 = tpu.memref_slice %arg7[%add3A_91, %dma_start3A_110] : memref<125x80xi32, #tpu.memory_space<vmem>> -> memref<1x80xi32, #tpu.memory_space<vmem>>
      %dma_start3A_112 = tpu.memref_squeeze %dma_start3A_111 : memref<1x80xi32, #tpu.memory_space<vmem>> -> memref<80xi32, #tpu.memory_space<vmem>>
      %dma_start3A_113 = arith.constant 0 : i32
      %dma_start3A_114 = arith.constant 0 : i32
      %dma_start3A_115 = tpu.memref_slice %arg12[%dma_start3A_113, %dma_start3A_114] : memref<10000x64xf32, #tpu.memory_space<vmem_shared>> -> memref<10000x64xf32, #tpu.memory_space<vmem_shared>>
      tpu.enqueue_indirect_dma source(%arg9 : memref<80x64xf32, #tpu.memory_space<vmem>>) target(%dma_start3A_115 : memref<10000x64xf32, #tpu.memory_space<vmem_shared>>) offsets(%dma_start3A_112 : memref<80xi32, #tpu.memory_space<vmem>>) semaphore(%arg18 : memref<!tpu.dma_semaphore, #tpu.memory_space<semaphore_mem>>) {add = true}
      %add3A_116 = arith.constant 2 : i32
      %add3A_117 = arith.addi %mul3A_65, %add3A_116 : i32
      %ge3A_118 = arith.constant 2 : i32
      %ge3A_119 = arith.cmpi sge, %add3A_117, %ge3A_118 : i32
      %convert_element_type3A_120 = arith.extui %ge3A_119 : i1 to i32
      %cond3A_121 = arith.constant 0 : i32
      %cond3A_122 = arith.cmpi ne, %convert_element_type3A_120, %cond3A_121 : i32
      scf.if %cond3A_122 {
        %dma_wait3A_168 = arith.constant 0 : i32
        %dma_wait3A_169 = arith.constant 0 : i32
        %dma_wait3A_170 = tpu.memref_slice %arg7[%dma_wait3A_168, %dma_wait3A_169] : memref<125x80xi32, #tpu.memory_space<vmem>> -> memref<1x80xi32, #tpu.memory_space<vmem>>
        %dma_wait3A_171 = tpu.memref_squeeze %dma_wait3A_170 : memref<1x80xi32, #tpu.memory_space<vmem>> -> memref<80xi32, #tpu.memory_space<vmem>>
        %dma_wait3A_172 = arith.constant 0 : i32
        %dma_wait3A_173 = arith.constant 0 : i32
        %dma_wait3A_174 = tpu.memref_slice %arg12[%dma_wait3A_172, %dma_wait3A_173] : memref<10000x64xf32, #tpu.memory_space<vmem_shared>> -> memref<10000x64xf32, #tpu.memory_space<vmem_shared>>
        tpu.wait_indirect_dma semaphore(%arg17 : memref<!tpu.dma_semaphore, #tpu.memory_space<semaphore_mem>>) src(%arg8 : memref<80x64xf32, #tpu.memory_space<vmem>>) dst(%dma_wait3A_174 : memref<10000x64xf32, #tpu.memory_space<vmem_shared>>)
      } else {
      }
      %add3A_123 = arith.constant 2 : i32
      %add3A_124 = arith.addi %add3A_117, %add3A_123 : i32
      %lt3A_125 = arith.constant 125 : i32
      %lt3A_126 = arith.cmpi slt, %add3A_124, %lt3A_125 : i32
      %convert_element_type3A_127 = arith.extui %lt3A_126 : i1 to i32
      %cond3A_128 = arith.constant 0 : i32
      %cond3A_129 = arith.cmpi ne, %convert_element_type3A_127, %cond3A_128 : i32
      scf.if %cond3A_129 {
        %add3A_168 = arith.constant 2 : i32
        %add3A_169 = arith.addi %add3A_117, %add3A_168 : i32
        %dma_start3A_170 = arith.constant 0 : i32
        %dma_start3A_171 = tpu.memref_slice %arg6[%add3A_169, %dma_start3A_170] : memref<125x80xi32, #tpu.memory_space<vmem>> -> memref<1x80xi32, #tpu.memory_space<vmem>>
        %dma_start3A_172 = tpu.memref_squeeze %dma_start3A_171 : memref<1x80xi32, #tpu.memory_space<vmem>> -> memref<80xi32, #tpu.memory_space<vmem>>
        %dma_start3A_173 = arith.constant 0 : i32
        %dma_start3A_174 = arith.constant 0 : i32
        %dma_start3A_175 = tpu.memref_slice %arg2[%dma_start3A_173, %dma_start3A_174] : memref<10000x64xf32, #tpu.memory_space<hbm>> -> memref<10000x64xf32, #tpu.memory_space<hbm>>
        tpu.enqueue_indirect_dma source(%dma_start3A_175 : memref<10000x64xf32, #tpu.memory_space<hbm>>) target(%arg8 : memref<80x64xf32, #tpu.memory_space<vmem>>) offsets(%dma_start3A_172 : memref<80xi32, #tpu.memory_space<vmem>>) semaphore(%arg13 : memref<!tpu.dma_semaphore, #tpu.memory_space<semaphore_mem>>)
      } else {
      }
      %dma_wait3A_130 = arith.constant 0 : i32
      %dma_wait3A_131 = tpu.memref_slice %arg6[%add3A_117, %dma_wait3A_130] : memref<125x80xi32, #tpu.memory_space<vmem>> -> memref<1x80xi32, #tpu.memory_space<vmem>>
      %dma_wait3A_132 = tpu.memref_squeeze %dma_wait3A_131 : memref<1x80xi32, #tpu.memory_space<vmem>> -> memref<80xi32, #tpu.memory_space<vmem>>
      %dma_wait3A_133 = arith.constant 0 : i32
      %dma_wait3A_134 = arith.constant 0 : i32
      %dma_wait3A_135 = tpu.memref_slice %arg2[%dma_wait3A_133, %dma_wait3A_134] : memref<10000x64xf32, #tpu.memory_space<hbm>> -> memref<10000x64xf32, #tpu.memory_space<hbm>>
      tpu.wait_indirect_dma semaphore(%arg15 : memref<!tpu.dma_semaphore, #tpu.memory_space<semaphore_mem>>) src(%dma_wait3A_135 : memref<10000x64xf32, #tpu.memory_space<hbm>>) dst(%arg10 : memref<80x64xf32, #tpu.memory_space<vmem>>)
      %dma_start3A_136 = arith.constant 0 : i32
      %dma_start3A_137 = tpu.memref_slice %arg7[%add3A_117, %dma_start3A_136] : memref<125x80xi32, #tpu.memory_space<vmem>> -> memref<1x80xi32, #tpu.memory_space<vmem>>
      %dma_start3A_138 = tpu.memref_squeeze %dma_start3A_137 : memref<1x80xi32, #tpu.memory_space<vmem>> -> memref<80xi32, #tpu.memory_space<vmem>>
      %dma_start3A_139 = arith.constant 0 : i32
      %dma_start3A_140 = arith.constant 0 : i32
      %dma_start3A_141 = tpu.memref_slice %arg12[%dma_start3A_139, %dma_start3A_140] : memref<10000x64xf32, #tpu.memory_space<vmem_shared>> -> memref<10000x64xf32, #tpu.memory_space<vmem_shared>>
      tpu.enqueue_indirect_dma source(%arg10 : memref<80x64xf32, #tpu.memory_space<vmem>>) target(%dma_start3A_141 : memref<10000x64xf32, #tpu.memory_space<vmem_shared>>) offsets(%dma_start3A_138 : memref<80xi32, #tpu.memory_space<vmem>>) semaphore(%arg19 : memref<!tpu.dma_semaphore, #tpu.memory_space<semaphore_mem>>) {add = true}
      %add3A_142 = arith.constant 3 : i32
      %add3A_143 = arith.addi %mul3A_65, %add3A_142 : i32
      %ge3A_144 = arith.constant 2 : i32
      %ge3A_145 = arith.cmpi sge, %add3A_143, %ge3A_144 : i32
      %convert_element_type3A_146 = arith.extui %ge3A_145 : i1 to i32
      %cond3A_147 = arith.constant 0 : i32
      %cond3A_148 = arith.cmpi ne, %convert_element_type3A_146, %cond3A_147 : i32
      scf.if %cond3A_148 {
        %dma_wait3A_168 = arith.constant 0 : i32
        %dma_wait3A_169 = arith.constant 0 : i32
        %dma_wait3A_170 = tpu.memref_slice %arg7[%dma_wait3A_168, %dma_wait3A_169] : memref<125x80xi32, #tpu.memory_space<vmem>> -> memref<1x80xi32, #tpu.memory_space<vmem>>
        %dma_wait3A_171 = tpu.memref_squeeze %dma_wait3A_170 : memref<1x80xi32, #tpu.memory_space<vmem>> -> memref<80xi32, #tpu.memory_space<vmem>>
        %dma_wait3A_172 = arith.constant 0 : i32
        %dma_wait3A_173 = arith.constant 0 : i32
        %dma_wait3A_174 = tpu.memref_slice %arg12[%dma_wait3A_172, %dma_wait3A_173] : memref<10000x64xf32, #tpu.memory_space<vmem_shared>> -> memref<10000x64xf32, #tpu.memory_space<vmem_shared>>
        tpu.wait_indirect_dma semaphore(%arg18 : memref<!tpu.dma_semaphore, #tpu.memory_space<semaphore_mem>>) src(%arg9 : memref<80x64xf32, #tpu.memory_space<vmem>>) dst(%dma_wait3A_174 : memref<10000x64xf32, #tpu.memory_space<vmem_shared>>)
      } else {
      }
      %add3A_149 = arith.constant 2 : i32
      %add3A_150 = arith.addi %add3A_143, %add3A_149 : i32
      %lt3A_151 = arith.constant 125 : i32
      %lt3A_152 = arith.cmpi slt, %add3A_150, %lt3A_151 : i32
      %convert_element_type3A_153 = arith.extui %lt3A_152 : i1 to i32
      %cond3A_154 = arith.constant 0 : i32
      %cond3A_155 = arith.cmpi ne, %convert_element_type3A_153, %cond3A_154 : i32
      scf.if %cond3A_155 {
        %add3A_168 = arith.constant 2 : i32
        %add3A_169 = arith.addi %add3A_143, %add3A_168 : i32
        %dma_start3A_170 = arith.constant 0 : i32
        %dma_start3A_171 = tpu.memref_slice %arg6[%add3A_169, %dma_start3A_170] : memref<125x80xi32, #tpu.memory_space<vmem>> -> memref<1x80xi32, #tpu.memory_space<vmem>>
        %dma_start3A_172 = tpu.memref_squeeze %dma_start3A_171 : memref<1x80xi32, #tpu.memory_space<vmem>> -> memref<80xi32, #tpu.memory_space<vmem>>
        %dma_start3A_173 = arith.constant 0 : i32
        %dma_start3A_174 = arith.constant 0 : i32
        %dma_start3A_175 = tpu.memref_slice %arg2[%dma_start3A_173, %dma_start3A_174] : memref<10000x64xf32, #tpu.memory_space<hbm>> -> memref<10000x64xf32, #tpu.memory_space<hbm>>
        tpu.enqueue_indirect_dma source(%dma_start3A_175 : memref<10000x64xf32, #tpu.memory_space<hbm>>) target(%arg9 : memref<80x64xf32, #tpu.memory_space<vmem>>) offsets(%dma_start3A_172 : memref<80xi32, #tpu.memory_space<vmem>>) semaphore(%arg14 : memref<!tpu.dma_semaphore, #tpu.memory_space<semaphore_mem>>)
      } else {
      }
      %dma_wait3A_156 = arith.constant 0 : i32
      %dma_wait3A_157 = tpu.memref_slice %arg6[%add3A_143, %dma_wait3A_156] : memref<125x80xi32, #tpu.memory_space<vmem>> -> memref<1x80xi32, #tpu.memory_space<vmem>>
      %dma_wait3A_158 = tpu.memref_squeeze %dma_wait3A_157 : memref<1x80xi32, #tpu.memory_space<vmem>> -> memref<80xi32, #tpu.memory_space<vmem>>
      %dma_wait3A_159 = arith.constant 0 : i32
      %dma_wait3A_160 = arith.constant 0 : i32
      %dma_wait3A_161 = tpu.memref_slice %arg2[%dma_wait3A_159, %dma_wait3A_160] : memref<10000x64xf32, #tpu.memory_space<hbm>> -> memref<10000x64xf32, #tpu.memory_space<hbm>>
      tpu.wait_indirect_dma semaphore(%arg16 : memref<!tpu.dma_semaphore, #tpu.memory_space<semaphore_mem>>) src(%dma_wait3A_161 : memref<10000x64xf32, #tpu.memory_space<hbm>>) dst(%arg11 : memref<80x64xf32, #tpu.memory_space<vmem>>)
      %dma_start3A_162 = arith.constant 0 : i32
      %dma_start3A_163 = tpu.memref_slice %arg7[%add3A_143, %dma_start3A_162] : memref<125x80xi32, #tpu.memory_space<vmem>> -> memref<1x80xi32, #tpu.memory_space<vmem>>
      %dma_start3A_164 = tpu.memref_squeeze %dma_start3A_163 : memref<1x80xi32, #tpu.memory_space<vmem>> -> memref<80xi32, #tpu.memory_space<vmem>>
      %dma_start3A_165 = arith.constant 0 : i32
      %dma_start3A_166 = arith.constant 0 : i32
      %dma_start3A_167 = tpu.memref_slice %arg12[%dma_start3A_165, %dma_start3A_166] : memref<10000x64xf32, #tpu.memory_space<vmem_shared>> -> memref<10000x64xf32, #tpu.memory_space<vmem_shared>>
      tpu.enqueue_indirect_dma source(%arg11 : memref<80x64xf32, #tpu.memory_space<vmem>>) target(%dma_start3A_167 : memref<10000x64xf32, #tpu.memory_space<vmem_shared>>) offsets(%dma_start3A_164 : memref<80xi32, #tpu.memory_space<vmem>>) semaphore(%arg20 : memref<!tpu.dma_semaphore, #tpu.memory_space<semaphore_mem>>) {add = true}
    }
    %scan3A_27 = arith.constant 31 : i32
    %dma_wait3A = arith.constant 124 : i32
    %dma_wait3A_28 = arith.constant 0 : i32
    %dma_wait3A_29 = tpu.memref_slice %arg6[%dma_wait3A, %dma_wait3A_28] : memref<125x80xi32, #tpu.memory_space<vmem>> -> memref<1x80xi32, #tpu.memory_space<vmem>>
    %dma_wait3A_30 = tpu.memref_squeeze %dma_wait3A_29 : memref<1x80xi32, #tpu.memory_space<vmem>> -> memref<80xi32, #tpu.memory_space<vmem>>
    %dma_wait3A_31 = arith.constant 0 : i32
    %dma_wait3A_32 = arith.constant 0 : i32
    %dma_wait3A_33 = tpu.memref_slice %arg2[%dma_wait3A_31, %dma_wait3A_32] : memref<10000x64xf32, #tpu.memory_space<hbm>> -> memref<10000x64xf32, #tpu.memory_space<hbm>>
    tpu.wait_indirect_dma semaphore(%arg13 : memref<!tpu.dma_semaphore, #tpu.memory_space<semaphore_mem>>) src(%dma_wait3A_33 : memref<10000x64xf32, #tpu.memory_space<hbm>>) dst(%arg8 : memref<80x64xf32, #tpu.memory_space<vmem>>)
    %dma_start3A_34 = arith.constant 124 : i32
    %dma_start3A_35 = arith.constant 0 : i32
    %dma_start3A_36 = tpu.memref_slice %arg7[%dma_start3A_34, %dma_start3A_35] : memref<125x80xi32, #tpu.memory_space<vmem>> -> memref<1x80xi32, #tpu.memory_space<vmem>>
    %dma_start3A_37 = tpu.memref_squeeze %dma_start3A_36 : memref<1x80xi32, #tpu.memory_space<vmem>> -> memref<80xi32, #tpu.memory_space<vmem>>
    %dma_start3A_38 = arith.constant 0 : i32
    %dma_start3A_39 = arith.constant 0 : i32
    %dma_start3A_40 = tpu.memref_slice %arg12[%dma_start3A_38, %dma_start3A_39] : memref<10000x64xf32, #tpu.memory_space<vmem_shared>> -> memref<10000x64xf32, #tpu.memory_space<vmem_shared>>
    tpu.enqueue_indirect_dma source(%arg8 : memref<80x64xf32, #tpu.memory_space<vmem>>) target(%dma_start3A_40 : memref<10000x64xf32, #tpu.memory_space<vmem_shared>>) offsets(%dma_start3A_37 : memref<80xi32, #tpu.memory_space<vmem>>) semaphore(%arg17 : memref<!tpu.dma_semaphore, #tpu.memory_space<semaphore_mem>>) {add = true}
    %dma_wait3A_41 = arith.constant 0 : i32
    %dma_wait3A_42 = arith.constant 0 : i32
    %dma_wait3A_43 = tpu.memref_slice %arg7[%dma_wait3A_41, %dma_wait3A_42] : memref<125x80xi32, #tpu.memory_space<vmem>> -> memref<1x80xi32, #tpu.memory_space<vmem>>
    %dma_wait3A_44 = tpu.memref_squeeze %dma_wait3A_43 : memref<1x80xi32, #tpu.memory_space<vmem>> -> memref<80xi32, #tpu.memory_space<vmem>>
    %dma_wait3A_45 = arith.constant 0 : i32
    %dma_wait3A_46 = arith.constant 0 : i32
    %dma_wait3A_47 = tpu.memref_slice %arg12[%dma_wait3A_45, %dma_wait3A_46] : memref<10000x64xf32, #tpu.memory_space<vmem_shared>> -> memref<10000x64xf32, #tpu.memory_space<vmem_shared>>
    tpu.wait_indirect_dma semaphore(%arg17 : memref<!tpu.dma_semaphore, #tpu.memory_space<semaphore_mem>>) src(%arg8 : memref<80x64xf32, #tpu.memory_space<vmem>>) dst(%dma_wait3A_47 : memref<10000x64xf32, #tpu.memory_space<vmem_shared>>)
    %dma_wait3A_48 = arith.constant 0 : i32
    %dma_wait3A_49 = arith.constant 0 : i32
    %dma_wait3A_50 = tpu.memref_slice %arg7[%dma_wait3A_48, %dma_wait3A_49] : memref<125x80xi32, #tpu.memory_space<vmem>> -> memref<1x80xi32, #tpu.memory_space<vmem>>
    %dma_wait3A_51 = tpu.memref_squeeze %dma_wait3A_50 : memref<1x80xi32, #tpu.memory_space<vmem>> -> memref<80xi32, #tpu.memory_space<vmem>>
    %dma_wait3A_52 = arith.constant 0 : i32
    %dma_wait3A_53 = arith.constant 0 : i32
    %dma_wait3A_54 = tpu.memref_slice %arg12[%dma_wait3A_52, %dma_wait3A_53] : memref<10000x64xf32, #tpu.memory_space<vmem_shared>> -> memref<10000x64xf32, #tpu.memory_space<vmem_shared>>
    tpu.wait_indirect_dma semaphore(%arg19 : memref<!tpu.dma_semaphore, #tpu.memory_space<semaphore_mem>>) src(%arg10 : memref<80x64xf32, #tpu.memory_space<vmem>>) dst(%dma_wait3A_54 : memref<10000x64xf32, #tpu.memory_space<vmem_shared>>)
    %dma_wait3A_55 = arith.constant 0 : i32
    %dma_wait3A_56 = arith.constant 0 : i32
    %dma_wait3A_57 = tpu.memref_slice %arg7[%dma_wait3A_55, %dma_wait3A_56] : memref<125x80xi32, #tpu.memory_space<vmem>> -> memref<1x80xi32, #tpu.memory_space<vmem>>
    %dma_wait3A_58 = tpu.memref_squeeze %dma_wait3A_57 : memref<1x80xi32, #tpu.memory_space<vmem>> -> memref<80xi32, #tpu.memory_space<vmem>>
    %dma_wait3A_59 = arith.constant 0 : i32
    %dma_wait3A_60 = arith.constant 0 : i32
    %dma_wait3A_61 = tpu.memref_slice %arg12[%dma_wait3A_59, %dma_wait3A_60] : memref<10000x64xf32, #tpu.memory_space<vmem_shared>> -> memref<10000x64xf32, #tpu.memory_space<vmem_shared>>
    tpu.wait_indirect_dma semaphore(%arg20 : memref<!tpu.dma_semaphore, #tpu.memory_space<semaphore_mem>>) src(%arg11 : memref<80x64xf32, #tpu.memory_space<vmem>>) dst(%dma_wait3A_61 : memref<10000x64xf32, #tpu.memory_space<vmem_shared>>)
    %barrier3A_62 = arith.constant 0 : index
    tpu.barrier barrier_id(%barrier3A_62)
    "tpu.region"() ({
      %run_scoped3A = tpu.sem_alloc : memref<!tpu.dma_semaphore, #tpu.memory_space<semaphore_mem>>
      %dma_start3A_63 = arith.constant 0 : i32
      %dma_start3A_64 = arith.constant 0 : i32
      %dma_start3A_65 = tpu.memref_slice %arg5[%arg0, %dma_start3A_63, %dma_start3A_64] : memref<2x10000x64xf32, #tpu.memory_space<hbm>> -> memref<1x10000x64xf32, #tpu.memory_space<hbm>>
      %dma_start3A_66 = tpu.memref_squeeze %dma_start3A_65 : memref<1x10000x64xf32, #tpu.memory_space<hbm>> -> memref<10000x64xf32, #tpu.memory_space<hbm>>
      %dma_start3A_67 = arith.constant 0 : i32
      %dma_start3A_68 = tpu.memref_slice %dma_start3A_66[%mul3A_2, %dma_start3A_67] : memref<10000x64xf32, #tpu.memory_space<hbm>> -> memref<625x64xf32, #tpu.memory_space<hbm>>
      %dma_start3A_69 = arith.constant 0 : i32
      %dma_start3A_70 = tpu.memref_slice %arg12[%mul3A_2, %dma_start3A_69] : memref<10000x64xf32, #tpu.memory_space<vmem_shared>> -> memref<625x64xf32, #tpu.memory_space<vmem_shared>>
      tpu.enqueue_dma source(%dma_start3A_70 : memref<625x64xf32, #tpu.memory_space<vmem_shared>>) target(%dma_start3A_68 : memref<625x64xf32, #tpu.memory_space<hbm>>) target_semaphore(%run_scoped3A : memref<!tpu.dma_semaphore, #tpu.memory_space<semaphore_mem>>)
      %dma_wait3A_71 = arith.constant 0 : i32
      %dma_wait3A_72 = arith.constant 0 : i32
      %dma_wait3A_73 = tpu.memref_slice %arg5[%arg0, %dma_wait3A_71, %dma_wait3A_72] : memref<2x10000x64xf32, #tpu.memory_space<hbm>> -> memref<1x10000x64xf32, #tpu.memory_space<hbm>>
      %dma_wait3A_74 = tpu.memref_squeeze %dma_wait3A_73 : memref<1x10000x64xf32, #tpu.memory_space<hbm>> -> memref<10000x64xf32, #tpu.memory_space<hbm>>
      %dma_wait3A_75 = arith.constant 0 : i32
      %dma_wait3A_76 = tpu.memref_slice %dma_wait3A_74[%mul3A_2, %dma_wait3A_75] : memref<10000x64xf32, #tpu.memory_space<hbm>> -> memref<625x64xf32, #tpu.memory_space<hbm>>
      %dma_wait3A_77 = arith.constant 0 : i32
      %dma_wait3A_78 = tpu.memref_slice %arg12[%mul3A_2, %dma_wait3A_77] : memref<10000x64xf32, #tpu.memory_space<vmem_shared>> -> memref<625x64xf32, #tpu.memory_space<vmem_shared>>
      tpu.wait_dma2 semaphore(%run_scoped3A : memref<!tpu.dma_semaphore, #tpu.memory_space<semaphore_mem>>) src(%dma_wait3A_78 : memref<625x64xf32, #tpu.memory_space<vmem_shared>>) dst(%dma_wait3A_76 : memref<625x64xf32, #tpu.memory_space<hbm>>)
      tpu.yield
    }) : () -> ()
    return
  }
}

#map = affine_map<(d0, d1) -> (0, 0)>
#map1 = affine_map<(d0, d1) -> (0, 0, 0)>
module attributes {stable_mosaic.version = 14 : i64} {
  func.func @_spmm_body(%arg0: i32, %arg1: i32, %arg2: memref<10000x64xf32, #tpu.memory_space<hbm>>, %arg3: memref<32x125x80xi32, #tpu.memory_space<hbm>>, %arg4: memref<32x125x80xi32, #tpu.memory_space<hbm>>, %arg5: memref<2x10000x64xf32, #tpu.memory_space<hbm>>, %arg6: memref<125x80xi32, #tpu.memory_space<vmem>>, %arg7: memref<125x80xi32, #tpu.memory_space<vmem>>, %arg8: memref<80x64xf32, #tpu.memory_space<vmem>>, %arg9: memref<80x64xf32, #tpu.memory_space<vmem>>, %arg10: memref<80x64xf32, #tpu.memory_space<vmem>>, %arg11: memref<80x64xf32, #tpu.memory_space<vmem>>, %arg12: memref<10000x64xf32, #tpu.memory_space<vmem_shared>>, %arg13: memref<!tpu.dma_semaphore, #tpu.memory_space<semaphore_mem>>, %arg14: memref<!tpu.dma_semaphore, #tpu.memory_space<semaphore_mem>>, %arg15: memref<!tpu.dma_semaphore, #tpu.memory_space<semaphore_mem>>, %arg16: memref<!tpu.dma_semaphore, #tpu.memory_space<semaphore_mem>>, %arg17: memref<!tpu.dma_semaphore, #tpu.memory_space<semaphore_mem>>, %arg18: memref<!tpu.dma_semaphore, #tpu.memory_space<semaphore_mem>>, %arg19: memref<!tpu.dma_semaphore, #tpu.memory_space<semaphore_mem>>, %arg20: memref<!tpu.dma_semaphore, #tpu.memory_space<semaphore_mem>>) attributes {dimension_semantics = [#tpu.dimension_semantics<core_parallel>, #tpu.dimension_semantics<subcore_parallel>], iteration_bounds = array<i64: 2, 16>, scalar_prefetch = 0 : i64, scratch_operands = 15 : i64, tpu.core_type = #tpu.core_type<sc_vector_subcore>, window_params = [{transform_indices = #map}, {transform_indices = #map1}, {transform_indices = #map1}, {transform_indices = #map1}]} {
    %mul3A = arith.constant 16 : i32
    %mul3A_0 = arith.muli %arg0, %mul3A : i32
    %add3A = arith.addi %mul3A_0, %arg1 : i32
    "tpu.region"() ({
      %run_scoped3A = tpu.sem_alloc : memref<!tpu.dma_semaphore, #tpu.memory_space<semaphore_mem>>
      %dma_start3A_63 = arith.constant 0 : i32
      %dma_start3A_64 = arith.constant 0 : i32
      %dma_start3A_65 = tpu.memref_slice %arg3[%add3A, %dma_start3A_63, %dma_start3A_64] : memref<32x125x80xi32, #tpu.memory_space<hbm>> -> memref<1x125x80xi32, #tpu.memory_space<hbm>>
      %dma_start3A_66 = tpu.memref_squeeze %dma_start3A_65 : memref<1x125x80xi32, #tpu.memory_space<hbm>> -> memref<125x80xi32, #tpu.memory_space<hbm>>
      %dma_start3A_67 = arith.constant 0 : i32
      %dma_start3A_68 = arith.constant 0 : i32
      %dma_start3A_69 = tpu.memref_slice %arg3[%add3A, %dma_start3A_67, %dma_start3A_68] : memref<32x125x80xi32, #tpu.memory_space<hbm>> -> memref<1x125x80xi32, #tpu.memory_space<hbm>>
      %dma_start3A_70 = tpu.memref_squeeze %dma_start3A_69 : memref<1x125x80xi32, #tpu.memory_space<hbm>> -> memref<125x80xi32, #tpu.memory_space<hbm>>
      tpu.enqueue_dma source(%dma_start3A_70 : memref<125x80xi32, #tpu.memory_space<hbm>>) target(%arg6 : memref<125x80xi32, #tpu.memory_space<vmem>>) target_semaphore(%run_scoped3A : memref<!tpu.dma_semaphore, #tpu.memory_space<semaphore_mem>>)
      %dma_wait3A_71 = arith.constant 0 : i32
      %dma_wait3A_72 = arith.constant 0 : i32
      %dma_wait3A_73 = tpu.memref_slice %arg3[%add3A, %dma_wait3A_71, %dma_wait3A_72] : memref<32x125x80xi32, #tpu.memory_space<hbm>> -> memref<1x125x80xi32, #tpu.memory_space<hbm>>
      %dma_wait3A_74 = tpu.memref_squeeze %dma_wait3A_73 : memref<1x125x80xi32, #tpu.memory_space<hbm>> -> memref<125x80xi32, #tpu.memory_space<hbm>>
      %dma_wait3A_75 = arith.constant 0 : i32
      %dma_wait3A_76 = arith.constant 0 : i32
      %dma_wait3A_77 = tpu.memref_slice %arg3[%add3A, %dma_wait3A_75, %dma_wait3A_76] : memref<32x125x80xi32, #tpu.memory_space<hbm>> -> memref<1x125x80xi32, #tpu.memory_space<hbm>>
      %dma_wait3A_78 = tpu.memref_squeeze %dma_wait3A_77 : memref<1x125x80xi32, #tpu.memory_space<hbm>> -> memref<125x80xi32, #tpu.memory_space<hbm>>
      tpu.wait_dma2 semaphore(%run_scoped3A : memref<!tpu.dma_semaphore, #tpu.memory_space<semaphore_mem>>) src(%dma_wait3A_78 : memref<125x80xi32, #tpu.memory_space<hbm>>) dst(%arg6 : memref<125x80xi32, #tpu.memory_space<vmem>>)
      tpu.yield
    }) : () -> ()
    "tpu.region"() ({
      %run_scoped3A = tpu.sem_alloc : memref<!tpu.dma_semaphore, #tpu.memory_space<semaphore_mem>>
      %dma_start3A_63 = arith.constant 0 : i32
      %dma_start3A_64 = arith.constant 0 : i32
      %dma_start3A_65 = tpu.memref_slice %arg4[%add3A, %dma_start3A_63, %dma_start3A_64] : memref<32x125x80xi32, #tpu.memory_space<hbm>> -> memref<1x125x80xi32, #tpu.memory_space<hbm>>
      %dma_start3A_66 = tpu.memref_squeeze %dma_start3A_65 : memref<1x125x80xi32, #tpu.memory_space<hbm>> -> memref<125x80xi32, #tpu.memory_space<hbm>>
      %dma_start3A_67 = arith.constant 0 : i32
      %dma_start3A_68 = arith.constant 0 : i32
      %dma_start3A_69 = tpu.memref_slice %arg4[%add3A, %dma_start3A_67, %dma_start3A_68] : memref<32x125x80xi32, #tpu.memory_space<hbm>> -> memref<1x125x80xi32, #tpu.memory_space<hbm>>
      %dma_start3A_70 = tpu.memref_squeeze %dma_start3A_69 : memref<1x125x80xi32, #tpu.memory_space<hbm>> -> memref<125x80xi32, #tpu.memory_space<hbm>>
      tpu.enqueue_dma source(%dma_start3A_70 : memref<125x80xi32, #tpu.memory_space<hbm>>) target(%arg7 : memref<125x80xi32, #tpu.memory_space<vmem>>) target_semaphore(%run_scoped3A : memref<!tpu.dma_semaphore, #tpu.memory_space<semaphore_mem>>)
      %dma_wait3A_71 = arith.constant 0 : i32
      %dma_wait3A_72 = arith.constant 0 : i32
      %dma_wait3A_73 = tpu.memref_slice %arg4[%add3A, %dma_wait3A_71, %dma_wait3A_72] : memref<32x125x80xi32, #tpu.memory_space<hbm>> -> memref<1x125x80xi32, #tpu.memory_space<hbm>>
      %dma_wait3A_74 = tpu.memref_squeeze %dma_wait3A_73 : memref<1x125x80xi32, #tpu.memory_space<hbm>> -> memref<125x80xi32, #tpu.memory_space<hbm>>
      %dma_wait3A_75 = arith.constant 0 : i32
      %dma_wait3A_76 = arith.constant 0 : i32
      %dma_wait3A_77 = tpu.memref_slice %arg4[%add3A, %dma_wait3A_75, %dma_wait3A_76] : memref<32x125x80xi32, #tpu.memory_space<hbm>> -> memref<1x125x80xi32, #tpu.memory_space<hbm>>
      %dma_wait3A_78 = tpu.memref_squeeze %dma_wait3A_77 : memref<1x125x80xi32, #tpu.memory_space<hbm>> -> memref<125x80xi32, #tpu.memory_space<hbm>>
      tpu.wait_dma2 semaphore(%run_scoped3A : memref<!tpu.dma_semaphore, #tpu.memory_space<semaphore_mem>>) src(%dma_wait3A_78 : memref<125x80xi32, #tpu.memory_space<hbm>>) dst(%arg7 : memref<125x80xi32, #tpu.memory_space<vmem>>)
      tpu.yield
    }) : () -> ()
    %mul3A_1 = arith.constant 625 : i32
    %mul3A_2 = arith.muli %arg1, %mul3A_1 : i32
    %eq3A = arith.constant 0 : i32
    %eq3A_3 = arith.cmpi eq, %arg0, %eq3A : i32
    %convert_element_type3A = arith.extui %eq3A_3 : i1 to i32
    %cond3A = arith.constant 0 : i32
    %cond3A_4 = arith.cmpi ne, %convert_element_type3A, %cond3A : i32
    scf.if %cond3A_4 {
      "tpu.region"() ({
        %run_scoped3A = tpu.sem_alloc : memref<!tpu.dma_semaphore, #tpu.memory_space<semaphore_mem>>
        %dma_start3A_63 = arith.constant 0 : i32
        %dma_start3A_64 = tpu.memref_slice %arg12[%mul3A_2, %dma_start3A_63] : memref<10000x64xf32, #tpu.memory_space<vmem_shared>> -> memref<625x64xf32, #tpu.memory_space<vmem_shared>>
        %dma_start3A_65 = arith.constant 0 : i32
        %dma_start3A_66 = tpu.memref_slice %arg2[%mul3A_2, %dma_start3A_65] : memref<10000x64xf32, #tpu.memory_space<hbm>> -> memref<625x64xf32, #tpu.memory_space<hbm>>
        tpu.enqueue_dma source(%dma_start3A_66 : memref<625x64xf32, #tpu.memory_space<hbm>>) target(%dma_start3A_64 : memref<625x64xf32, #tpu.memory_space<vmem_shared>>) target_semaphore(%run_scoped3A : memref<!tpu.dma_semaphore, #tpu.memory_space<semaphore_mem>>)
        %dma_wait3A_67 = arith.constant 0 : i32
        %dma_wait3A_68 = tpu.memref_slice %arg12[%mul3A_2, %dma_wait3A_67] : memref<10000x64xf32, #tpu.memory_space<vmem_shared>> -> memref<625x64xf32, #tpu.memory_space<vmem_shared>>
        %dma_wait3A_69 = arith.constant 0 : i32
        %dma_wait3A_70 = tpu.memref_slice %arg2[%mul3A_2, %dma_wait3A_69] : memref<10000x64xf32, #tpu.memory_space<hbm>> -> memref<625x64xf32, #tpu.memory_space<hbm>>
        tpu.wait_dma2 semaphore(%run_scoped3A : memref<!tpu.dma_semaphore, #tpu.memory_space<semaphore_mem>>) src(%dma_wait3A_70 : memref<625x64xf32, #tpu.memory_space<hbm>>) dst(%dma_wait3A_68 : memref<625x64xf32, #tpu.memory_space<vmem_shared>>)
        tpu.yield
      }) : () -> ()
    } else {
    }
    %eq3A_5 = arith.constant 1 : i32
    %eq3A_6 = arith.cmpi eq, %arg0, %eq3A_5 : i32
    %convert_element_type3A_7 = arith.extui %eq3A_6 : i1 to i32
    %cond3A_8 = arith.constant 0 : i32
    %cond3A_9 = arith.cmpi ne, %convert_element_type3A_7, %cond3A_8 : i32
    scf.if %cond3A_9 {
      %broadcast_in_dim3A = arith.constant 0.000000e+00 : f32
      %broadcast_in_dim3A_63 = vector.broadcast %broadcast_in_dim3A : f32 to vector<16xf32>
      %scan3A_64 = arith.constant 0 : i32
      %scan3A_65 = arith.constant 0 : i32
      %scan3A_66 = arith.constant 80 : i32
      %scan3A_67 = arith.addi %scan3A_65, %scan3A_66 : i32
      %scan3A_68 = arith.constant 1 : i32
      scf.for %scan3A_86 = %scan3A_65 to %scan3A_67 step %scan3A_68  : i32 {
        %swap3A = arith.index_cast %scan3A_86 : i32 to index
        %swap3A_87 = arith.constant 0 : index
        %swap3A_88 = tpu.vector_load %arg8[%swap3A, %swap3A_87] {strides = array<i32>} : memref<80x64xf32, #tpu.memory_space<vmem>>, vector<1x16xf32>,
        %swap3A_89 = vector.shape_cast %swap3A_88 : vector<1x16xf32> to vector<16xf32>
        %swap3A_90 = vector.shape_cast %broadcast_in_dim3A_63 : vector<16xf32> to vector<1x16xf32>
        tpu.vector_store %arg8[%swap3A, %swap3A_87], %swap3A_90 {strides = array<i32>} : memref<80x64xf32, #tpu.memory_space<vmem>>, vector<1x16xf32>,
        %swap3A_91 = arith.index_cast %scan3A_86 : i32 to index
        %swap3A_92 = arith.constant 16 : index
        %swap3A_93 = tpu.vector_load %arg8[%swap3A_91, %swap3A_92] {strides = array<i32>} : memref<80x64xf32, #tpu.memory_space<vmem>>, vector<1x16xf32>,
        %swap3A_94 = vector.shape_cast %swap3A_93 : vector<1x16xf32> to vector<16xf32>
        %swap3A_95 = vector.shape_cast %broadcast_in_dim3A_63 : vector<16xf32> to vector<1x16xf32>
        tpu.vector_store %arg8[%swap3A_91, %swap3A_92], %swap3A_95 {strides = array<i32>} : memref<80x64xf32, #tpu.memory_space<vmem>>, vector<1x16xf32>,
        %swap3A_96 = arith.index_cast %scan3A_86 : i32 to index
        %swap3A_97 = arith.constant 32 : index
        %swap3A_98 = tpu.vector_load %arg8[%swap3A_96, %swap3A_97] {strides = array<i32>} : memref<80x64xf32, #tpu.memory_space<vmem>>, vector<1x16xf32>,
        %swap3A_99 = vector.shape_cast %swap3A_98 : vector<1x16xf32> to vector<16xf32>
        %swap3A_100 = vector.shape_cast %broadcast_in_dim3A_63 : vector<16xf32> to vector<1x16xf32>
        tpu.vector_store %arg8[%swap3A_96, %swap3A_97], %swap3A_100 {strides = array<i32>} : memref<80x64xf32, #tpu.memory_space<vmem>>, vector<1x16xf32>,
        %swap3A_101 = arith.index_cast %scan3A_86 : i32 to index
        %swap3A_102 = arith.constant 48 : index
        %swap3A_103 = tpu.vector_load %arg8[%swap3A_101, %swap3A_102] {strides = array<i32>} : memref<80x64xf32, #tpu.memory_space<vmem>>, vector<1x16xf32>,
        %swap3A_104 = vector.shape_cast %swap3A_103 : vector<1x16xf32> to vector<16xf32>
        %swap3A_105 = vector.shape_cast %broadcast_in_dim3A_63 : vector<16xf32> to vector<1x16xf32>
        tpu.vector_store %arg8[%swap3A_101, %swap3A_102], %swap3A_105 {strides = array<i32>} : memref<80x64xf32, #tpu.memory_space<vmem>>, vector<1x16xf32>,
      }
      %scan3A_69 = arith.constant 80 : i32
      %add3A_70 = arith.constant 0 : i32
      %add3A_71 = arith.addi %mul3A_2, %add3A_70 : i32
      "tpu.region"() ({
        %run_scoped3A = tpu.sem_alloc : memref<!tpu.dma_semaphore, #tpu.memory_space<semaphore_mem>>
        %dma_start3A_86 = arith.constant 0 : i32
        %dma_start3A_87 = tpu.memref_slice %arg12[%add3A_71, %dma_start3A_86] : memref<10000x64xf32, #tpu.memory_space<vmem_shared>> -> memref<80x64xf32, #tpu.memory_space<vmem_shared>>
        %dma_start3A_88 = arith.constant 0 : i32
        %dma_start3A_89 = tpu.memref_slice %arg12[%add3A_71, %dma_start3A_88] : memref<10000x64xf32, #tpu.memory_space<vmem_shared>> -> memref<80x64xf32, #tpu.memory_space<vmem_shared>>
        tpu.enqueue_dma source(%arg8 : memref<80x64xf32, #tpu.memory_space<vmem>>) target(%dma_start3A_89 : memref<80x64xf32, #tpu.memory_space<vmem_shared>>) target_semaphore(%run_scoped3A : memref<!tpu.dma_semaphore, #tpu.memory_space<semaphore_mem>>)
        %dma_wait3A_90 = arith.constant 0 : i32
        %dma_wait3A_91 = tpu.memref_slice %arg12[%add3A_71, %dma_wait3A_90] : memref<10000x64xf32, #tpu.memory_space<vmem_shared>> -> memref<80x64xf32, #tpu.memory_space<vmem_shared>>
        %dma_wait3A_92 = arith.constant 0 : i32
        %dma_wait3A_93 = tpu.memref_slice %arg12[%add3A_71, %dma_wait3A_92] : memref<10000x64xf32, #tpu.memory_space<vmem_shared>> -> memref<80x64xf32, #tpu.memory_space<vmem_shared>>
        tpu.wait_dma2 semaphore(%run_scoped3A : memref<!tpu.dma_semaphore, #tpu.memory_space<semaphore_mem>>) src(%arg8 : memref<80x64xf32, #tpu.memory_space<vmem>>) dst(%dma_wait3A_93 : memref<80x64xf32, #tpu.memory_space<vmem_shared>>)
        tpu.yield
      }) : () -> ()
      %add3A_72 = arith.constant 80 : i32
      %add3A_73 = arith.addi %mul3A_2, %add3A_72 : i32
      "tpu.region"() ({
        %run_scoped3A = tpu.sem_alloc : memref<!tpu.dma_semaphore, #tpu.memory_space<semaphore_mem>>
        %dma_start3A_86 = arith.constant 0 : i32
        %dma_start3A_87 = tpu.memref_slice %arg12[%add3A_73, %dma_start3A_86] : memref<10000x64xf32, #tpu.memory_space<vmem_shared>> -> memref<80x64xf32, #tpu.memory_space<vmem_shared>>
        %dma_start3A_88 = arith.constant 0 : i32
        %dma_start3A_89 = tpu.memref_slice %arg12[%add3A_73, %dma_start3A_88] : memref<10000x64xf32, #tpu.memory_space<vmem_shared>> -> memref<80x64xf32, #tpu.memory_space<vmem_shared>>
        tpu.enqueue_dma source(%arg8 : memref<80x64xf32, #tpu.memory_space<vmem>>) target(%dma_start3A_89 : memref<80x64xf32, #tpu.memory_space<vmem_shared>>) target_semaphore(%run_scoped3A : memref<!tpu.dma_semaphore, #tpu.memory_space<semaphore_mem>>)
        %dma_wait3A_90 = arith.constant 0 : i32
        %dma_wait3A_91 = tpu.memref_slice %arg12[%add3A_73, %dma_wait3A_90] : memref<10000x64xf32, #tpu.memory_space<vmem_shared>> -> memref<80x64xf32, #tpu.memory_space<vmem_shared>>
        %dma_wait3A_92 = arith.constant 0 : i32
        %dma_wait3A_93 = tpu.memref_slice %arg12[%add3A_73, %dma_wait3A_92] : memref<10000x64xf32, #tpu.memory_space<vmem_shared>> -> memref<80x64xf32, #tpu.memory_space<vmem_shared>>
        tpu.wait_dma2 semaphore(%run_scoped3A : memref<!tpu.dma_semaphore, #tpu.memory_space<semaphore_mem>>) src(%arg8 : memref<80x64xf32, #tpu.memory_space<vmem>>) dst(%dma_wait3A_93 : memref<80x64xf32, #tpu.memory_space<vmem_shared>>)
        tpu.yield
      }) : () -> ()
      %add3A_74 = arith.constant 160 : i32
      %add3A_75 = arith.addi %mul3A_2, %add3A_74 : i32
      "tpu.region"() ({
        %run_scoped3A = tpu.sem_alloc : memref<!tpu.dma_semaphore, #tpu.memory_space<semaphore_mem>>
        %dma_start3A_86 = arith.constant 0 : i32
        %dma_start3A_87 = tpu.memref_slice %arg12[%add3A_75, %dma_start3A_86] : memref<10000x64xf32, #tpu.memory_space<vmem_shared>> -> memref<80x64xf32, #tpu.memory_space<vmem_shared>>
        %dma_start3A_88 = arith.constant 0 : i32
        %dma_start3A_89 = tpu.memref_slice %arg12[%add3A_75, %dma_start3A_88] : memref<10000x64xf32, #tpu.memory_space<vmem_shared>> -> memref<80x64xf32, #tpu.memory_space<vmem_shared>>
        tpu.enqueue_dma source(%arg8 : memref<80x64xf32, #tpu.memory_space<vmem>>) target(%dma_start3A_89 : memref<80x64xf32, #tpu.memory_space<vmem_shared>>) target_semaphore(%run_scoped3A : memref<!tpu.dma_semaphore, #tpu.memory_space<semaphore_mem>>)
        %dma_wait3A_90 = arith.constant 0 : i32
        %dma_wait3A_91 = tpu.memref_slice %arg12[%add3A_75, %dma_wait3A_90] : memref<10000x64xf32, #tpu.memory_space<vmem_shared>> -> memref<80x64xf32, #tpu.memory_space<vmem_shared>>
        %dma_wait3A_92 = arith.constant 0 : i32
        %dma_wait3A_93 = tpu.memref_slice %arg12[%add3A_75, %dma_wait3A_92] : memref<10000x64xf32, #tpu.memory_space<vmem_shared>> -> memref<80x64xf32, #tpu.memory_space<vmem_shared>>
        tpu.wait_dma2 semaphore(%run_scoped3A : memref<!tpu.dma_semaphore, #tpu.memory_space<semaphore_mem>>) src(%arg8 : memref<80x64xf32, #tpu.memory_space<vmem>>) dst(%dma_wait3A_93 : memref<80x64xf32, #tpu.memory_space<vmem_shared>>)
        tpu.yield
      }) : () -> ()
      %add3A_76 = arith.constant 240 : i32
      %add3A_77 = arith.addi %mul3A_2, %add3A_76 : i32
      "tpu.region"() ({
        %run_scoped3A = tpu.sem_alloc : memref<!tpu.dma_semaphore, #tpu.memory_space<semaphore_mem>>
        %dma_start3A_86 = arith.constant 0 : i32
        %dma_start3A_87 = tpu.memref_slice %arg12[%add3A_77, %dma_start3A_86] : memref<10000x64xf32, #tpu.memory_space<vmem_shared>> -> memref<80x64xf32, #tpu.memory_space<vmem_shared>>
        %dma_start3A_88 = arith.constant 0 : i32
        %dma_start3A_89 = tpu.memref_slice %arg12[%add3A_77, %dma_start3A_88] : memref<10000x64xf32, #tpu.memory_space<vmem_shared>> -> memref<80x64xf32, #tpu.memory_space<vmem_shared>>
        tpu.enqueue_dma source(%arg8 : memref<80x64xf32, #tpu.memory_space<vmem>>) target(%dma_start3A_89 : memref<80x64xf32, #tpu.memory_space<vmem_shared>>) target_semaphore(%run_scoped3A : memref<!tpu.dma_semaphore, #tpu.memory_space<semaphore_mem>>)
        %dma_wait3A_90 = arith.constant 0 : i32
        %dma_wait3A_91 = tpu.memref_slice %arg12[%add3A_77, %dma_wait3A_90] : memref<10000x64xf32, #tpu.memory_space<vmem_shared>> -> memref<80x64xf32, #tpu.memory_space<vmem_shared>>
        %dma_wait3A_92 = arith.constant 0 : i32
        %dma_wait3A_93 = tpu.memref_slice %arg12[%add3A_77, %dma_wait3A_92] : memref<10000x64xf32, #tpu.memory_space<vmem_shared>> -> memref<80x64xf32, #tpu.memory_space<vmem_shared>>
        tpu.wait_dma2 semaphore(%run_scoped3A : memref<!tpu.dma_semaphore, #tpu.memory_space<semaphore_mem>>) src(%arg8 : memref<80x64xf32, #tpu.memory_space<vmem>>) dst(%dma_wait3A_93 : memref<80x64xf32, #tpu.memory_space<vmem_shared>>)
        tpu.yield
      }) : () -> ()
      %add3A_78 = arith.constant 320 : i32
      %add3A_79 = arith.addi %mul3A_2, %add3A_78 : i32
      "tpu.region"() ({
        %run_scoped3A = tpu.sem_alloc : memref<!tpu.dma_semaphore, #tpu.memory_space<semaphore_mem>>
        %dma_start3A_86 = arith.constant 0 : i32
        %dma_start3A_87 = tpu.memref_slice %arg12[%add3A_79, %dma_start3A_86] : memref<10000x64xf32, #tpu.memory_space<vmem_shared>> -> memref<80x64xf32, #tpu.memory_space<vmem_shared>>
        %dma_start3A_88 = arith.constant 0 : i32
        %dma_start3A_89 = tpu.memref_slice %arg12[%add3A_79, %dma_start3A_88] : memref<10000x64xf32, #tpu.memory_space<vmem_shared>> -> memref<80x64xf32, #tpu.memory_space<vmem_shared>>
        tpu.enqueue_dma source(%arg8 : memref<80x64xf32, #tpu.memory_space<vmem>>) target(%dma_start3A_89 : memref<80x64xf32, #tpu.memory_space<vmem_shared>>) target_semaphore(%run_scoped3A : memref<!tpu.dma_semaphore, #tpu.memory_space<semaphore_mem>>)
        %dma_wait3A_90 = arith.constant 0 : i32
        %dma_wait3A_91 = tpu.memref_slice %arg12[%add3A_79, %dma_wait3A_90] : memref<10000x64xf32, #tpu.memory_space<vmem_shared>> -> memref<80x64xf32, #tpu.memory_space<vmem_shared>>
        %dma_wait3A_92 = arith.constant 0 : i32
        %dma_wait3A_93 = tpu.memref_slice %arg12[%add3A_79, %dma_wait3A_92] : memref<10000x64xf32, #tpu.memory_space<vmem_shared>> -> memref<80x64xf32, #tpu.memory_space<vmem_shared>>
        tpu.wait_dma2 semaphore(%run_scoped3A : memref<!tpu.dma_semaphore, #tpu.memory_space<semaphore_mem>>) src(%arg8 : memref<80x64xf32, #tpu.memory_space<vmem>>) dst(%dma_wait3A_93 : memref<80x64xf32, #tpu.memory_space<vmem_shared>>)
        tpu.yield
      }) : () -> ()
      %add3A_80 = arith.constant 400 : i32
      %add3A_81 = arith.addi %mul3A_2, %add3A_80 : i32
      "tpu.region"() ({
        %run_scoped3A = tpu.sem_alloc : memref<!tpu.dma_semaphore, #tpu.memory_space<semaphore_mem>>
        %dma_start3A_86 = arith.constant 0 : i32
        %dma_start3A_87 = tpu.memref_slice %arg12[%add3A_81, %dma_start3A_86] : memref<10000x64xf32, #tpu.memory_space<vmem_shared>> -> memref<80x64xf32, #tpu.memory_space<vmem_shared>>
        %dma_start3A_88 = arith.constant 0 : i32
        %dma_start3A_89 = tpu.memref_slice %arg12[%add3A_81, %dma_start3A_88] : memref<10000x64xf32, #tpu.memory_space<vmem_shared>> -> memref<80x64xf32, #tpu.memory_space<vmem_shared>>
        tpu.enqueue_dma source(%arg8 : memref<80x64xf32, #tpu.memory_space<vmem>>) target(%dma_start3A_89 : memref<80x64xf32, #tpu.memory_space<vmem_shared>>) target_semaphore(%run_scoped3A : memref<!tpu.dma_semaphore, #tpu.memory_space<semaphore_mem>>)
        %dma_wait3A_90 = arith.constant 0 : i32
        %dma_wait3A_91 = tpu.memref_slice %arg12[%add3A_81, %dma_wait3A_90] : memref<10000x64xf32, #tpu.memory_space<vmem_shared>> -> memref<80x64xf32, #tpu.memory_space<vmem_shared>>
        %dma_wait3A_92 = arith.constant 0 : i32
        %dma_wait3A_93 = tpu.memref_slice %arg12[%add3A_81, %dma_wait3A_92] : memref<10000x64xf32, #tpu.memory_space<vmem_shared>> -> memref<80x64xf32, #tpu.memory_space<vmem_shared>>
        tpu.wait_dma2 semaphore(%run_scoped3A : memref<!tpu.dma_semaphore, #tpu.memory_space<semaphore_mem>>) src(%arg8 : memref<80x64xf32, #tpu.memory_space<vmem>>) dst(%dma_wait3A_93 : memref<80x64xf32, #tpu.memory_space<vmem_shared>>)
        tpu.yield
      }) : () -> ()
      %add3A_82 = arith.constant 480 : i32
      %add3A_83 = arith.addi %mul3A_2, %add3A_82 : i32
      "tpu.region"() ({
        %run_scoped3A = tpu.sem_alloc : memref<!tpu.dma_semaphore, #tpu.memory_space<semaphore_mem>>
        %dma_start3A_86 = arith.constant 0 : i32
        %dma_start3A_87 = tpu.memref_slice %arg12[%add3A_83, %dma_start3A_86] : memref<10000x64xf32, #tpu.memory_space<vmem_shared>> -> memref<80x64xf32, #tpu.memory_space<vmem_shared>>
        %dma_start3A_88 = arith.constant 0 : i32
        %dma_start3A_89 = tpu.memref_slice %arg12[%add3A_83, %dma_start3A_88] : memref<10000x64xf32, #tpu.memory_space<vmem_shared>> -> memref<80x64xf32, #tpu.memory_space<vmem_shared>>
        tpu.enqueue_dma source(%arg8 : memref<80x64xf32, #tpu.memory_space<vmem>>) target(%dma_start3A_89 : memref<80x64xf32, #tpu.memory_space<vmem_shared>>) target_semaphore(%run_scoped3A : memref<!tpu.dma_semaphore, #tpu.memory_space<semaphore_mem>>)
        %dma_wait3A_90 = arith.constant 0 : i32
        %dma_wait3A_91 = tpu.memref_slice %arg12[%add3A_83, %dma_wait3A_90] : memref<10000x64xf32, #tpu.memory_space<vmem_shared>> -> memref<80x64xf32, #tpu.memory_space<vmem_shared>>
        %dma_wait3A_92 = arith.constant 0 : i32
        %dma_wait3A_93 = tpu.memref_slice %arg12[%add3A_83, %dma_wait3A_92] : memref<10000x64xf32, #tpu.memory_space<vmem_shared>> -> memref<80x64xf32, #tpu.memory_space<vmem_shared>>
        tpu.wait_dma2 semaphore(%run_scoped3A : memref<!tpu.dma_semaphore, #tpu.memory_space<semaphore_mem>>) src(%arg8 : memref<80x64xf32, #tpu.memory_space<vmem>>) dst(%dma_wait3A_93 : memref<80x64xf32, #tpu.memory_space<vmem_shared>>)
        tpu.yield
      }) : () -> ()
      %add3A_84 = arith.constant 560 : i32
      %add3A_85 = arith.addi %mul3A_2, %add3A_84 : i32
      "tpu.region"() ({
        %run_scoped3A = tpu.sem_alloc : memref<!tpu.dma_semaphore, #tpu.memory_space<semaphore_mem>>
        %dma_start3A_86 = arith.constant 0 : i32
        %dma_start3A_87 = arith.constant 0 : i32
        %dma_start3A_88 = tpu.memref_slice %arg8[%dma_start3A_86, %dma_start3A_87] : memref<80x64xf32, #tpu.memory_space<vmem>> -> memref<65x64xf32, #tpu.memory_space<vmem>>
        %dma_start3A_89 = arith.constant 0 : i32
        %dma_start3A_90 = tpu.memref_slice %arg12[%add3A_85, %dma_start3A_89] : memref<10000x64xf32, #tpu.memory_space<vmem_shared>> -> memref<65x64xf32, #tpu.memory_space<vmem_shared>>
        %dma_start3A_91 = arith.constant 0 : i32
        %dma_start3A_92 = tpu.memref_slice %arg12[%add3A_85, %dma_start3A_91] : memref<10000x64xf32, #tpu.memory_space<vmem_shared>> -> memref<65x64xf32, #tpu.memory_space<vmem_shared>>
        %dma_start3A_93 = arith.constant 0 : i32
        %dma_start3A_94 = arith.constant 0 : i32
        %dma_start3A_95 = tpu.memref_slice %arg8[%dma_start3A_93, %dma_start3A_94] : memref<80x64xf32, #tpu.memory_space<vmem>> -> memref<65x64xf32, #tpu.memory_space<vmem>>
        tpu.enqueue_dma source(%dma_start3A_95 : memref<65x64xf32, #tpu.memory_space<vmem>>) target(%dma_start3A_92 : memref<65x64xf32, #tpu.memory_space<vmem_shared>>) target_semaphore(%run_scoped3A : memref<!tpu.dma_semaphore, #tpu.memory_space<semaphore_mem>>)
        %dma_wait3A_96 = arith.constant 0 : i32
        %dma_wait3A_97 = arith.constant 0 : i32
        %dma_wait3A_98 = tpu.memref_slice %arg8[%dma_wait3A_96, %dma_wait3A_97] : memref<80x64xf32, #tpu.memory_space<vmem>> -> memref<65x64xf32, #tpu.memory_space<vmem>>
        %dma_wait3A_99 = arith.constant 0 : i32
        %dma_wait3A_100 = tpu.memref_slice %arg12[%add3A_85, %dma_wait3A_99] : memref<10000x64xf32, #tpu.memory_space<vmem_shared>> -> memref<65x64xf32, #tpu.memory_space<vmem_shared>>
        %dma_wait3A_101 = arith.constant 0 : i32
        %dma_wait3A_102 = tpu.memref_slice %arg12[%add3A_85, %dma_wait3A_101] : memref<10000x64xf32, #tpu.memory_space<vmem_shared>> -> memref<65x64xf32, #tpu.memory_space<vmem_shared>>
        %dma_wait3A_103 = arith.constant 0 : i32
        %dma_wait3A_104 = arith.constant 0 : i32
        %dma_wait3A_105 = tpu.memref_slice %arg8[%dma_wait3A_103, %dma_wait3A_104] : memref<80x64xf32, #tpu.memory_space<vmem>> -> memref<65x64xf32, #tpu.memory_space<vmem>>
        tpu.wait_dma2 semaphore(%run_scoped3A : memref<!tpu.dma_semaphore, #tpu.memory_space<semaphore_mem>>) src(%dma_wait3A_105 : memref<65x64xf32, #tpu.memory_space<vmem>>) dst(%dma_wait3A_102 : memref<65x64xf32, #tpu.memory_space<vmem_shared>>)
        tpu.yield
      }) : () -> ()
    } else {
    }
    %barrier3A = arith.constant 0 : index
    tpu.barrier barrier_id(%barrier3A)
    %dma_start3A = arith.constant 0 : i32
    %dma_start3A_10 = arith.constant 0 : i32
    %dma_start3A_11 = tpu.memref_slice %arg6[%dma_start3A, %dma_start3A_10] : memref<125x80xi32, #tpu.memory_space<vmem>> -> memref<1x80xi32, #tpu.memory_space<vmem>>
    %dma_start3A_12 = tpu.memref_squeeze %dma_start3A_11 : memref<1x80xi32, #tpu.memory_space<vmem>> -> memref<80xi32, #tpu.memory_space<vmem>>
    %dma_start3A_13 = arith.constant 0 : i32
    %dma_start3A_14 = arith.constant 0 : i32
    %dma_start3A_15 = tpu.memref_slice %arg2[%dma_start3A_13, %dma_start3A_14] : memref<10000x64xf32, #tpu.memory_space<hbm>> -> memref<10000x64xf32, #tpu.memory_space<hbm>>
    tpu.enqueue_indirect_dma source(%dma_start3A_15 : memref<10000x64xf32, #tpu.memory_space<hbm>>) target(%arg8 : memref<80x64xf32, #tpu.memory_space<vmem>>) offsets(%dma_start3A_12 : memref<80xi32, #tpu.memory_space<vmem>>) semaphore(%arg13 : memref<!tpu.dma_semaphore, #tpu.memory_space<semaphore_mem>>)
    %dma_start3A_16 = arith.constant 1 : i32
    %dma_start3A_17 = arith.constant 0 : i32
    %dma_start3A_18 = tpu.memref_slice %arg6[%dma_start3A_16, %dma_start3A_17] : memref<125x80xi32, #tpu.memory_space<vmem>> -> memref<1x80xi32, #tpu.memory_space<vmem>>
    %dma_start3A_19 = tpu.memref_squeeze %dma_start3A_18 : memref<1x80xi32, #tpu.memory_space<vmem>> -> memref<80xi32, #tpu.memory_space<vmem>>
    %dma_start3A_20 = arith.constant 0 : i32
    %dma_start3A_21 = arith.constant 0 : i32
    %dma_start3A_22 = tpu.memref_slice %arg2[%dma_start3A_20, %dma_start3A_21] : memref<10000x64xf32, #tpu.memory_space<hbm>> -> memref<10000x64xf32, #tpu.memory_space<hbm>>
    tpu.enqueue_indirect_dma source(%dma_start3A_22 : memref<10000x64xf32, #tpu.memory_space<hbm>>) target(%arg9 : memref<80x64xf32, #tpu.memory_space<vmem>>) offsets(%dma_start3A_19 : memref<80xi32, #tpu.memory_space<vmem>>) semaphore(%arg14 : memref<!tpu.dma_semaphore, #tpu.memory_space<semaphore_mem>>)
    %scan3A = arith.constant 0 : i32
    %scan3A_23 = arith.constant 0 : i32
    %scan3A_24 = arith.constant 31 : i32
    %scan3A_25 = arith.addi %scan3A_23, %scan3A_24 : i32
    %scan3A_26 = arith.constant 1 : i32
    scf.for %scan3A_63 = %scan3A_23 to %scan3A_25 step %scan3A_26  : i32 {
      %mul3A_64 = arith.constant 4 : i32
      %mul3A_65 = arith.muli %mul3A_64, %scan3A_63 : i32
      %add3A_66 = arith.constant 0 : i32
      %add3A_67 = arith.addi %mul3A_65, %add3A_66 : i32
      %ge3A = arith.constant 2 : i32
      %ge3A_68 = arith.cmpi sge, %add3A_67, %ge3A : i32
      %convert_element_type3A_69 = arith.extui %ge3A_68 : i1 to i32
      %cond3A_70 = arith.constant 0 : i32
      %cond3A_71 = arith.cmpi ne, %convert_element_type3A_69, %cond3A_70 : i32
      scf.if %cond3A_71 {
        %dma_wait3A_168 = arith.constant 0 : i32
        %dma_wait3A_169 = arith.constant 0 : i32
        %dma_wait3A_170 = tpu.memref_slice %arg7[%dma_wait3A_168, %dma_wait3A_169] : memref<125x80xi32, #tpu.memory_space<vmem>> -> memref<1x80xi32, #tpu.memory_space<vmem>>
        %dma_wait3A_171 = tpu.memref_squeeze %dma_wait3A_170 : memref<1x80xi32, #tpu.memory_space<vmem>> -> memref<80xi32, #tpu.memory_space<vmem>>
        %dma_wait3A_172 = arith.constant 0 : i32
        %dma_wait3A_173 = arith.constant 0 : i32
        %dma_wait3A_174 = tpu.memref_slice %arg12[%dma_wait3A_172, %dma_wait3A_173] : memref<10000x64xf32, #tpu.memory_space<vmem_shared>> -> memref<10000x64xf32, #tpu.memory_space<vmem_shared>>
        tpu.wait_indirect_dma semaphore(%arg19 : memref<!tpu.dma_semaphore, #tpu.memory_space<semaphore_mem>>) src(%arg10 : memref<80x64xf32, #tpu.memory_space<vmem>>) dst(%dma_wait3A_174 : memref<10000x64xf32, #tpu.memory_space<vmem_shared>>)
      } else {
      }
      %add3A_72 = arith.constant 2 : i32
      %add3A_73 = arith.addi %add3A_67, %add3A_72 : i32
      %lt3A = arith.constant 125 : i32
      %lt3A_74 = arith.cmpi slt, %add3A_73, %lt3A : i32
      %convert_element_type3A_75 = arith.extui %lt3A_74 : i1 to i32
      %cond3A_76 = arith.constant 0 : i32
      %cond3A_77 = arith.cmpi ne, %convert_element_type3A_75, %cond3A_76 : i32
      scf.if %cond3A_77 {
        %add3A_168 = arith.constant 2 : i32
        %add3A_169 = arith.addi %add3A_67, %add3A_168 : i32
        %dma_start3A_170 = arith.constant 0 : i32
        %dma_start3A_171 = tpu.memref_slice %arg6[%add3A_169, %dma_start3A_170] : memref<125x80xi32, #tpu.memory_space<vmem>> -> memref<1x80xi32, #tpu.memory_space<vmem>>
        %dma_start3A_172 = tpu.memref_squeeze %dma_start3A_171 : memref<1x80xi32, #tpu.memory_space<vmem>> -> memref<80xi32, #tpu.memory_space<vmem>>
        %dma_start3A_173 = arith.constant 0 : i32
        %dma_start3A_174 = arith.constant 0 : i32
        %dma_start3A_175 = tpu.memref_slice %arg2[%dma_start3A_173, %dma_start3A_174] : memref<10000x64xf32, #tpu.memory_space<hbm>> -> memref<10000x64xf32, #tpu.memory_space<hbm>>
        tpu.enqueue_indirect_dma source(%dma_start3A_175 : memref<10000x64xf32, #tpu.memory_space<hbm>>) target(%arg10 : memref<80x64xf32, #tpu.memory_space<vmem>>) offsets(%dma_start3A_172 : memref<80xi32, #tpu.memory_space<vmem>>) semaphore(%arg15 : memref<!tpu.dma_semaphore, #tpu.memory_space<semaphore_mem>>)
      } else {
      }
      %dma_wait3A_78 = arith.constant 0 : i32
      %dma_wait3A_79 = tpu.memref_slice %arg6[%add3A_67, %dma_wait3A_78] : memref<125x80xi32, #tpu.memory_space<vmem>> -> memref<1x80xi32, #tpu.memory_space<vmem>>
      %dma_wait3A_80 = tpu.memref_squeeze %dma_wait3A_79 : memref<1x80xi32, #tpu.memory_space<vmem>> -> memref<80xi32, #tpu.memory_space<vmem>>
      %dma_wait3A_81 = arith.constant 0 : i32
      %dma_wait3A_82 = arith.constant 0 : i32
      %dma_wait3A_83 = tpu.memref_slice %arg2[%dma_wait3A_81, %dma_wait3A_82] : memref<10000x64xf32, #tpu.memory_space<hbm>> -> memref<10000x64xf32, #tpu.memory_space<hbm>>
      tpu.wait_indirect_dma semaphore(%arg13 : memref<!tpu.dma_semaphore, #tpu.memory_space<semaphore_mem>>) src(%dma_wait3A_83 : memref<10000x64xf32, #tpu.memory_space<hbm>>) dst(%arg8 : memref<80x64xf32, #tpu.memory_space<vmem>>)
      %dma_start3A_84 = arith.constant 0 : i32
      %dma_start3A_85 = tpu.memref_slice %arg7[%add3A_67, %dma_start3A_84] : memref<125x80xi32, #tpu.memory_space<vmem>> -> memref<1x80xi32, #tpu.memory_space<vmem>>
      %dma_start3A_86 = tpu.memref_squeeze %dma_start3A_85 : memref<1x80xi32, #tpu.memory_space<vmem>> -> memref<80xi32, #tpu.memory_space<vmem>>
      %dma_start3A_87 = arith.constant 0 : i32
      %dma_start3A_88 = arith.constant 0 : i32
      %dma_start3A_89 = tpu.memref_slice %arg12[%dma_start3A_87, %dma_start3A_88] : memref<10000x64xf32, #tpu.memory_space<vmem_shared>> -> memref<10000x64xf32, #tpu.memory_space<vmem_shared>>
      tpu.enqueue_indirect_dma source(%arg8 : memref<80x64xf32, #tpu.memory_space<vmem>>) target(%dma_start3A_89 : memref<10000x64xf32, #tpu.memory_space<vmem_shared>>) offsets(%dma_start3A_86 : memref<80xi32, #tpu.memory_space<vmem>>) semaphore(%arg17 : memref<!tpu.dma_semaphore, #tpu.memory_space<semaphore_mem>>) {add = true}
      %add3A_90 = arith.constant 1 : i32
      %add3A_91 = arith.addi %mul3A_65, %add3A_90 : i32
      %ge3A_92 = arith.constant 2 : i32
      %ge3A_93 = arith.cmpi sge, %add3A_91, %ge3A_92 : i32
      %convert_element_type3A_94 = arith.extui %ge3A_93 : i1 to i32
      %cond3A_95 = arith.constant 0 : i32
      %cond3A_96 = arith.cmpi ne, %convert_element_type3A_94, %cond3A_95 : i32
      scf.if %cond3A_96 {
        %dma_wait3A_168 = arith.constant 0 : i32
        %dma_wait3A_169 = arith.constant 0 : i32
        %dma_wait3A_170 = tpu.memref_slice %arg7[%dma_wait3A_168, %dma_wait3A_169] : memref<125x80xi32, #tpu.memory_space<vmem>> -> memref<1x80xi32, #tpu.memory_space<vmem>>
        %dma_wait3A_171 = tpu.memref_squeeze %dma_wait3A_170 : memref<1x80xi32, #tpu.memory_space<vmem>> -> memref<80xi32, #tpu.memory_space<vmem>>
        %dma_wait3A_172 = arith.constant 0 : i32
        %dma_wait3A_173 = arith.constant 0 : i32
        %dma_wait3A_174 = tpu.memref_slice %arg12[%dma_wait3A_172, %dma_wait3A_173] : memref<10000x64xf32, #tpu.memory_space<vmem_shared>> -> memref<10000x64xf32, #tpu.memory_space<vmem_shared>>
        tpu.wait_indirect_dma semaphore(%arg20 : memref<!tpu.dma_semaphore, #tpu.memory_space<semaphore_mem>>) src(%arg11 : memref<80x64xf32, #tpu.memory_space<vmem>>) dst(%dma_wait3A_174 : memref<10000x64xf32, #tpu.memory_space<vmem_shared>>)
      } else {
      }
      %add3A_97 = arith.constant 2 : i32
      %add3A_98 = arith.addi %add3A_91, %add3A_97 : i32
      %lt3A_99 = arith.constant 125 : i32
      %lt3A_100 = arith.cmpi slt, %add3A_98, %lt3A_99 : i32
      %convert_element_type3A_101 = arith.extui %lt3A_100 : i1 to i32
      %cond3A_102 = arith.constant 0 : i32
      %cond3A_103 = arith.cmpi ne, %convert_element_type3A_101, %cond3A_102 : i32
      scf.if %cond3A_103 {
        %add3A_168 = arith.constant 2 : i32
        %add3A_169 = arith.addi %add3A_91, %add3A_168 : i32
        %dma_start3A_170 = arith.constant 0 : i32
        %dma_start3A_171 = tpu.memref_slice %arg6[%add3A_169, %dma_start3A_170] : memref<125x80xi32, #tpu.memory_space<vmem>> -> memref<1x80xi32, #tpu.memory_space<vmem>>
        %dma_start3A_172 = tpu.memref_squeeze %dma_start3A_171 : memref<1x80xi32, #tpu.memory_space<vmem>> -> memref<80xi32, #tpu.memory_space<vmem>>
        %dma_start3A_173 = arith.constant 0 : i32
        %dma_start3A_174 = arith.constant 0 : i32
        %dma_start3A_175 = tpu.memref_slice %arg2[%dma_start3A_173, %dma_start3A_174] : memref<10000x64xf32, #tpu.memory_space<hbm>> -> memref<10000x64xf32, #tpu.memory_space<hbm>>
        tpu.enqueue_indirect_dma source(%dma_start3A_175 : memref<10000x64xf32, #tpu.memory_space<hbm>>) target(%arg11 : memref<80x64xf32, #tpu.memory_space<vmem>>) offsets(%dma_start3A_172 : memref<80xi32, #tpu.memory_space<vmem>>) semaphore(%arg16 : memref<!tpu.dma_semaphore, #tpu.memory_space<semaphore_mem>>)
      } else {
      }
      %dma_wait3A_104 = arith.constant 0 : i32
      %dma_wait3A_105 = tpu.memref_slice %arg6[%add3A_91, %dma_wait3A_104] : memref<125x80xi32, #tpu.memory_space<vmem>> -> memref<1x80xi32, #tpu.memory_space<vmem>>
      %dma_wait3A_106 = tpu.memref_squeeze %dma_wait3A_105 : memref<1x80xi32, #tpu.memory_space<vmem>> -> memref<80xi32, #tpu.memory_space<vmem>>
      %dma_wait3A_107 = arith.constant 0 : i32
      %dma_wait3A_108 = arith.constant 0 : i32
      %dma_wait3A_109 = tpu.memref_slice %arg2[%dma_wait3A_107, %dma_wait3A_108] : memref<10000x64xf32, #tpu.memory_space<hbm>> -> memref<10000x64xf32, #tpu.memory_space<hbm>>
      tpu.wait_indirect_dma semaphore(%arg14 : memref<!tpu.dma_semaphore, #tpu.memory_space<semaphore_mem>>) src(%dma_wait3A_109 : memref<10000x64xf32, #tpu.memory_space<hbm>>) dst(%arg9 : memref<80x64xf32, #tpu.memory_space<vmem>>)
      %dma_start3A_110 = arith.constant 0 : i32
      %dma_start3A_111 = tpu.memref_slice %arg7[%add3A_91, %dma_start3A_110] : memref<125x80xi32, #tpu.memory_space<vmem>> -> memref<1x80xi32, #tpu.memory_space<vmem>>
      %dma_start3A_112 = tpu.memref_squeeze %dma_start3A_111 : memref<1x80xi32, #tpu.memory_space<vmem>> -> memref<80xi32, #tpu.memory_space<vmem>>
      %dma_start3A_113 = arith.constant 0 : i32
      %dma_start3A_114 = arith.constant 0 : i32
      %dma_start3A_115 = tpu.memref_slice %arg12[%dma_start3A_113, %dma_start3A_114] : memref<10000x64xf32, #tpu.memory_space<vmem_shared>> -> memref<10000x64xf32, #tpu.memory_space<vmem_shared>>
      tpu.enqueue_indirect_dma source(%arg9 : memref<80x64xf32, #tpu.memory_space<vmem>>) target(%dma_start3A_115 : memref<10000x64xf32, #tpu.memory_space<vmem_shared>>) offsets(%dma_start3A_112 : memref<80xi32, #tpu.memory_space<vmem>>) semaphore(%arg18 : memref<!tpu.dma_semaphore, #tpu.memory_space<semaphore_mem>>) {add = true}
      %add3A_116 = arith.constant 2 : i32
      %add3A_117 = arith.addi %mul3A_65, %add3A_116 : i32
      %ge3A_118 = arith.constant 2 : i32
      %ge3A_119 = arith.cmpi sge, %add3A_117, %ge3A_118 : i32
      %convert_element_type3A_120 = arith.extui %ge3A_119 : i1 to i32
      %cond3A_121 = arith.constant 0 : i32
      %cond3A_122 = arith.cmpi ne, %convert_element_type3A_120, %cond3A_121 : i32
      scf.if %cond3A_122 {
        %dma_wait3A_168 = arith.constant 0 : i32
        %dma_wait3A_169 = arith.constant 0 : i32
        %dma_wait3A_170 = tpu.memref_slice %arg7[%dma_wait3A_168, %dma_wait3A_169] : memref<125x80xi32, #tpu.memory_space<vmem>> -> memref<1x80xi32, #tpu.memory_space<vmem>>
        %dma_wait3A_171 = tpu.memref_squeeze %dma_wait3A_170 : memref<1x80xi32, #tpu.memory_space<vmem>> -> memref<80xi32, #tpu.memory_space<vmem>>
        %dma_wait3A_172 = arith.constant 0 : i32
        %dma_wait3A_173 = arith.constant 0 : i32
        %dma_wait3A_174 = tpu.memref_slice %arg12[%dma_wait3A_172, %dma_wait3A_173] : memref<10000x64xf32, #tpu.memory_space<vmem_shared>> -> memref<10000x64xf32, #tpu.memory_space<vmem_shared>>
        tpu.wait_indirect_dma semaphore(%arg17 : memref<!tpu.dma_semaphore, #tpu.memory_space<semaphore_mem>>) src(%arg8 : memref<80x64xf32, #tpu.memory_space<vmem>>) dst(%dma_wait3A_174 : memref<10000x64xf32, #tpu.memory_space<vmem_shared>>)
      } else {
      }
      %add3A_123 = arith.constant 2 : i32
      %add3A_124 = arith.addi %add3A_117, %add3A_123 : i32
      %lt3A_125 = arith.constant 125 : i32
      %lt3A_126 = arith.cmpi slt, %add3A_124, %lt3A_125 : i32
      %convert_element_type3A_127 = arith.extui %lt3A_126 : i1 to i32
      %cond3A_128 = arith.constant 0 : i32
      %cond3A_129 = arith.cmpi ne, %convert_element_type3A_127, %cond3A_128 : i32
      scf.if %cond3A_129 {
        %add3A_168 = arith.constant 2 : i32
        %add3A_169 = arith.addi %add3A_117, %add3A_168 : i32
        %dma_start3A_170 = arith.constant 0 : i32
        %dma_start3A_171 = tpu.memref_slice %arg6[%add3A_169, %dma_start3A_170] : memref<125x80xi32, #tpu.memory_space<vmem>> -> memref<1x80xi32, #tpu.memory_space<vmem>>
        %dma_start3A_172 = tpu.memref_squeeze %dma_start3A_171 : memref<1x80xi32, #tpu.memory_space<vmem>> -> memref<80xi32, #tpu.memory_space<vmem>>
        %dma_start3A_173 = arith.constant 0 : i32
        %dma_start3A_174 = arith.constant 0 : i32
        %dma_start3A_175 = tpu.memref_slice %arg2[%dma_start3A_173, %dma_start3A_174] : memref<10000x64xf32, #tpu.memory_space<hbm>> -> memref<10000x64xf32, #tpu.memory_space<hbm>>
        tpu.enqueue_indirect_dma source(%dma_start3A_175 : memref<10000x64xf32, #tpu.memory_space<hbm>>) target(%arg8 : memref<80x64xf32, #tpu.memory_space<vmem>>) offsets(%dma_start3A_172 : memref<80xi32, #tpu.memory_space<vmem>>) semaphore(%arg13 : memref<!tpu.dma_semaphore, #tpu.memory_space<semaphore_mem>>)
      } else {
      }
      %dma_wait3A_130 = arith.constant 0 : i32
      %dma_wait3A_131 = tpu.memref_slice %arg6[%add3A_117, %dma_wait3A_130] : memref<125x80xi32, #tpu.memory_space<vmem>> -> memref<1x80xi32, #tpu.memory_space<vmem>>
      %dma_wait3A_132 = tpu.memref_squeeze %dma_wait3A_131 : memref<1x80xi32, #tpu.memory_space<vmem>> -> memref<80xi32, #tpu.memory_space<vmem>>
      %dma_wait3A_133 = arith.constant 0 : i32
      %dma_wait3A_134 = arith.constant 0 : i32
      %dma_wait3A_135 = tpu.memref_slice %arg2[%dma_wait3A_133, %dma_wait3A_134] : memref<10000x64xf32, #tpu.memory_space<hbm>> -> memref<10000x64xf32, #tpu.memory_space<hbm>>
      tpu.wait_indirect_dma semaphore(%arg15 : memref<!tpu.dma_semaphore, #tpu.memory_space<semaphore_mem>>) src(%dma_wait3A_135 : memref<10000x64xf32, #tpu.memory_space<hbm>>) dst(%arg10 : memref<80x64xf32, #tpu.memory_space<vmem>>)
      %dma_start3A_136 = arith.constant 0 : i32
      %dma_start3A_137 = tpu.memref_slice %arg7[%add3A_117, %dma_start3A_136] : memref<125x80xi32, #tpu.memory_space<vmem>> -> memref<1x80xi32, #tpu.memory_space<vmem>>
      %dma_start3A_138 = tpu.memref_squeeze %dma_start3A_137 : memref<1x80xi32, #tpu.memory_space<vmem>> -> memref<80xi32, #tpu.memory_space<vmem>>
      %dma_start3A_139 = arith.constant 0 : i32
      %dma_start3A_140 = arith.constant 0 : i32
      %dma_start3A_141 = tpu.memref_slice %arg12[%dma_start3A_139, %dma_start3A_140] : memref<10000x64xf32, #tpu.memory_space<vmem_shared>> -> memref<10000x64xf32, #tpu.memory_space<vmem_shared>>
      tpu.enqueue_indirect_dma source(%arg10 : memref<80x64xf32, #tpu.memory_space<vmem>>) target(%dma_start3A_141 : memref<10000x64xf32, #tpu.memory_space<vmem_shared>>) offsets(%dma_start3A_138 : memref<80xi32, #tpu.memory_space<vmem>>) semaphore(%arg19 : memref<!tpu.dma_semaphore, #tpu.memory_space<semaphore_mem>>) {add = true}
      %add3A_142 = arith.constant 3 : i32
      %add3A_143 = arith.addi %mul3A_65, %add3A_142 : i32
      %ge3A_144 = arith.constant 2 : i32
      %ge3A_145 = arith.cmpi sge, %add3A_143, %ge3A_144 : i32
      %convert_element_type3A_146 = arith.extui %ge3A_145 : i1 to i32
      %cond3A_147 = arith.constant 0 : i32
      %cond3A_148 = arith.cmpi ne, %convert_element_type3A_146, %cond3A_147 : i32
      scf.if %cond3A_148 {
        %dma_wait3A_168 = arith.constant 0 : i32
        %dma_wait3A_169 = arith.constant 0 : i32
        %dma_wait3A_170 = tpu.memref_slice %arg7[%dma_wait3A_168, %dma_wait3A_169] : memref<125x80xi32, #tpu.memory_space<vmem>> -> memref<1x80xi32, #tpu.memory_space<vmem>>
        %dma_wait3A_171 = tpu.memref_squeeze %dma_wait3A_170 : memref<1x80xi32, #tpu.memory_space<vmem>> -> memref<80xi32, #tpu.memory_space<vmem>>
        %dma_wait3A_172 = arith.constant 0 : i32
        %dma_wait3A_173 = arith.constant 0 : i32
        %dma_wait3A_174 = tpu.memref_slice %arg12[%dma_wait3A_172, %dma_wait3A_173] : memref<10000x64xf32, #tpu.memory_space<vmem_shared>> -> memref<10000x64xf32, #tpu.memory_space<vmem_shared>>
        tpu.wait_indirect_dma semaphore(%arg18 : memref<!tpu.dma_semaphore, #tpu.memory_space<semaphore_mem>>) src(%arg9 : memref<80x64xf32, #tpu.memory_space<vmem>>) dst(%dma_wait3A_174 : memref<10000x64xf32, #tpu.memory_space<vmem_shared>>)
      } else {
      }
      %add3A_149 = arith.constant 2 : i32
      %add3A_150 = arith.addi %add3A_143, %add3A_149 : i32
      %lt3A_151 = arith.constant 125 : i32
      %lt3A_152 = arith.cmpi slt, %add3A_150, %lt3A_151 : i32
      %convert_element_type3A_153 = arith.extui %lt3A_152 : i1 to i32
      %cond3A_154 = arith.constant 0 : i32
      %cond3A_155 = arith.cmpi ne, %convert_element_type3A_153, %cond3A_154 : i32
      scf.if %cond3A_155 {
        %add3A_168 = arith.constant 2 : i32
        %add3A_169 = arith.addi %add3A_143, %add3A_168 : i32
        %dma_start3A_170 = arith.constant 0 : i32
        %dma_start3A_171 = tpu.memref_slice %arg6[%add3A_169, %dma_start3A_170] : memref<125x80xi32, #tpu.memory_space<vmem>> -> memref<1x80xi32, #tpu.memory_space<vmem>>
        %dma_start3A_172 = tpu.memref_squeeze %dma_start3A_171 : memref<1x80xi32, #tpu.memory_space<vmem>> -> memref<80xi32, #tpu.memory_space<vmem>>
        %dma_start3A_173 = arith.constant 0 : i32
        %dma_start3A_174 = arith.constant 0 : i32
        %dma_start3A_175 = tpu.memref_slice %arg2[%dma_start3A_173, %dma_start3A_174] : memref<10000x64xf32, #tpu.memory_space<hbm>> -> memref<10000x64xf32, #tpu.memory_space<hbm>>
        tpu.enqueue_indirect_dma source(%dma_start3A_175 : memref<10000x64xf32, #tpu.memory_space<hbm>>) target(%arg9 : memref<80x64xf32, #tpu.memory_space<vmem>>) offsets(%dma_start3A_172 : memref<80xi32, #tpu.memory_space<vmem>>) semaphore(%arg14 : memref<!tpu.dma_semaphore, #tpu.memory_space<semaphore_mem>>)
      } else {
      }
      %dma_wait3A_156 = arith.constant 0 : i32
      %dma_wait3A_157 = tpu.memref_slice %arg6[%add3A_143, %dma_wait3A_156] : memref<125x80xi32, #tpu.memory_space<vmem>> -> memref<1x80xi32, #tpu.memory_space<vmem>>
      %dma_wait3A_158 = tpu.memref_squeeze %dma_wait3A_157 : memref<1x80xi32, #tpu.memory_space<vmem>> -> memref<80xi32, #tpu.memory_space<vmem>>
      %dma_wait3A_159 = arith.constant 0 : i32
      %dma_wait3A_160 = arith.constant 0 : i32
      %dma_wait3A_161 = tpu.memref_slice %arg2[%dma_wait3A_159, %dma_wait3A_160] : memref<10000x64xf32, #tpu.memory_space<hbm>> -> memref<10000x64xf32, #tpu.memory_space<hbm>>
      tpu.wait_indirect_dma semaphore(%arg16 : memref<!tpu.dma_semaphore, #tpu.memory_space<semaphore_mem>>) src(%dma_wait3A_161 : memref<10000x64xf32, #tpu.memory_space<hbm>>) dst(%arg11 : memref<80x64xf32, #tpu.memory_space<vmem>>)
      %dma_start3A_162 = arith.constant 0 : i32
      %dma_start3A_163 = tpu.memref_slice %arg7[%add3A_143, %dma_start3A_162] : memref<125x80xi32, #tpu.memory_space<vmem>> -> memref<1x80xi32, #tpu.memory_space<vmem>>
      %dma_start3A_164 = tpu.memref_squeeze %dma_start3A_163 : memref<1x80xi32, #tpu.memory_space<vmem>> -> memref<80xi32, #tpu.memory_space<vmem>>
      %dma_start3A_165 = arith.constant 0 : i32
      %dma_start3A_166 = arith.constant 0 : i32
      %dma_start3A_167 = tpu.memref_slice %arg12[%dma_start3A_165, %dma_start3A_166] : memref<10000x64xf32, #tpu.memory_space<vmem_shared>> -> memref<10000x64xf32, #tpu.memory_space<vmem_shared>>
      tpu.enqueue_indirect_dma source(%arg11 : memref<80x64xf32, #tpu.memory_space<vmem>>) target(%dma_start3A_167 : memref<10000x64xf32, #tpu.memory_space<vmem_shared>>) offsets(%dma_start3A_164 : memref<80xi32, #tpu.memory_space<vmem>>) semaphore(%arg20 : memref<!tpu.dma_semaphore, #tpu.memory_space<semaphore_mem>>) {add = true}
    }
    %scan3A_27 = arith.constant 31 : i32
    %dma_wait3A = arith.constant 124 : i32
    %dma_wait3A_28 = arith.constant 0 : i32
    %dma_wait3A_29 = tpu.memref_slice %arg6[%dma_wait3A, %dma_wait3A_28] : memref<125x80xi32, #tpu.memory_space<vmem>> -> memref<1x80xi32, #tpu.memory_space<vmem>>
    %dma_wait3A_30 = tpu.memref_squeeze %dma_wait3A_29 : memref<1x80xi32, #tpu.memory_space<vmem>> -> memref<80xi32, #tpu.memory_space<vmem>>
    %dma_wait3A_31 = arith.constant 0 : i32
    %dma_wait3A_32 = arith.constant 0 : i32
    %dma_wait3A_33 = tpu.memref_slice %arg2[%dma_wait3A_31, %dma_wait3A_32] : memref<10000x64xf32, #tpu.memory_space<hbm>> -> memref<10000x64xf32, #tpu.memory_space<hbm>>
    tpu.wait_indirect_dma semaphore(%arg13 : memref<!tpu.dma_semaphore, #tpu.memory_space<semaphore_mem>>) src(%dma_wait3A_33 : memref<10000x64xf32, #tpu.memory_space<hbm>>) dst(%arg8 : memref<80x64xf32, #tpu.memory_space<vmem>>)
    %dma_start3A_34 = arith.constant 124 : i32
    %dma_start3A_35 = arith.constant 0 : i32
    %dma_start3A_36 = tpu.memref_slice %arg7[%dma_start3A_34, %dma_start3A_35] : memref<125x80xi32, #tpu.memory_space<vmem>> -> memref<1x80xi32, #tpu.memory_space<vmem>>
    %dma_start3A_37 = tpu.memref_squeeze %dma_start3A_36 : memref<1x80xi32, #tpu.memory_space<vmem>> -> memref<80xi32, #tpu.memory_space<vmem>>
    %dma_start3A_38 = arith.constant 0 : i32
    %dma_start3A_39 = arith.constant 0 : i32
    %dma_start3A_40 = tpu.memref_slice %arg12[%dma_start3A_38, %dma_start3A_39] : memref<10000x64xf32, #tpu.memory_space<vmem_shared>> -> memref<10000x64xf32, #tpu.memory_space<vmem_shared>>
    tpu.enqueue_indirect_dma source(%arg8 : memref<80x64xf32, #tpu.memory_space<vmem>>) target(%dma_start3A_40 : memref<10000x64xf32, #tpu.memory_space<vmem_shared>>) offsets(%dma_start3A_37 : memref<80xi32, #tpu.memory_space<vmem>>) semaphore(%arg17 : memref<!tpu.dma_semaphore, #tpu.memory_space<semaphore_mem>>) {add = true}
    %dma_wait3A_41 = arith.constant 0 : i32
    %dma_wait3A_42 = arith.constant 0 : i32
    %dma_wait3A_43 = tpu.memref_slice %arg7[%dma_wait3A_41, %dma_wait3A_42] : memref<125x80xi32, #tpu.memory_space<vmem>> -> memref<1x80xi32, #tpu.memory_space<vmem>>
    %dma_wait3A_44 = tpu.memref_squeeze %dma_wait3A_43 : memref<1x80xi32, #tpu.memory_space<vmem>> -> memref<80xi32, #tpu.memory_space<vmem>>
    %dma_wait3A_45 = arith.constant 0 : i32
    %dma_wait3A_46 = arith.constant 0 : i32
    %dma_wait3A_47 = tpu.memref_slice %arg12[%dma_wait3A_45, %dma_wait3A_46] : memref<10000x64xf32, #tpu.memory_space<vmem_shared>> -> memref<10000x64xf32, #tpu.memory_space<vmem_shared>>
    tpu.wait_indirect_dma semaphore(%arg17 : memref<!tpu.dma_semaphore, #tpu.memory_space<semaphore_mem>>) src(%arg8 : memref<80x64xf32, #tpu.memory_space<vmem>>) dst(%dma_wait3A_47 : memref<10000x64xf32, #tpu.memory_space<vmem_shared>>)
    %dma_wait3A_48 = arith.constant 0 : i32
    %dma_wait3A_49 = arith.constant 0 : i32
    %dma_wait3A_50 = tpu.memref_slice %arg7[%dma_wait3A_48, %dma_wait3A_49] : memref<125x80xi32, #tpu.memory_space<vmem>> -> memref<1x80xi32, #tpu.memory_space<vmem>>
    %dma_wait3A_51 = tpu.memref_squeeze %dma_wait3A_50 : memref<1x80xi32, #tpu.memory_space<vmem>> -> memref<80xi32, #tpu.memory_space<vmem>>
    %dma_wait3A_52 = arith.constant 0 : i32
    %dma_wait3A_53 = arith.constant 0 : i32
    %dma_wait3A_54 = tpu.memref_slice %arg12[%dma_wait3A_52, %dma_wait3A_53] : memref<10000x64xf32, #tpu.memory_space<vmem_shared>> -> memref<10000x64xf32, #tpu.memory_space<vmem_shared>>
    tpu.wait_indirect_dma semaphore(%arg19 : memref<!tpu.dma_semaphore, #tpu.memory_space<semaphore_mem>>) src(%arg10 : memref<80x64xf32, #tpu.memory_space<vmem>>) dst(%dma_wait3A_54 : memref<10000x64xf32, #tpu.memory_space<vmem_shared>>)
    %dma_wait3A_55 = arith.constant 0 : i32
    %dma_wait3A_56 = arith.constant 0 : i32
    %dma_wait3A_57 = tpu.memref_slice %arg7[%dma_wait3A_55, %dma_wait3A_56] : memref<125x80xi32, #tpu.memory_space<vmem>> -> memref<1x80xi32, #tpu.memory_space<vmem>>
    %dma_wait3A_58 = tpu.memref_squeeze %dma_wait3A_57 : memref<1x80xi32, #tpu.memory_space<vmem>> -> memref<80xi32, #tpu.memory_space<vmem>>
    %dma_wait3A_59 = arith.constant 0 : i32
    %dma_wait3A_60 = arith.constant 0 : i32
    %dma_wait3A_61 = tpu.memref_slice %arg12[%dma_wait3A_59, %dma_wait3A_60] : memref<10000x64xf32, #tpu.memory_space<vmem_shared>> -> memref<10000x64xf32, #tpu.memory_space<vmem_shared>>
    tpu.wait_indirect_dma semaphore(%arg20 : memref<!tpu.dma_semaphore, #tpu.memory_space<semaphore_mem>>) src(%arg11 : memref<80x64xf32, #tpu.memory_space<vmem>>) dst(%dma_wait3A_61 : memref<10000x64xf32, #tpu.memory_space<vmem_shared>>)
    %barrier3A_62 = arith.constant 0 : index
    tpu.barrier barrier_id(%barrier3A_62)
    "tpu.region"() ({
      %run_scoped3A = tpu.sem_alloc : memref<!tpu.dma_semaphore, #tpu.memory_space<semaphore_mem>>
      %dma_start3A_63 = arith.constant 0 : i32
      %dma_start3A_64 = arith.constant 0 : i32
      %dma_start3A_65 = tpu.memref_slice %arg5[%arg0, %dma_start3A_63, %dma_start3A_64] : memref<2x10000x64xf32, #tpu.memory_space<hbm>> -> memref<1x10000x64xf32, #tpu.memory_space<hbm>>
      %dma_start3A_66 = tpu.memref_squeeze %dma_start3A_65 : memref<1x10000x64xf32, #tpu.memory_space<hbm>> -> memref<10000x64xf32, #tpu.memory_space<hbm>>
      %dma_start3A_67 = arith.constant 0 : i32
      %dma_start3A_68 = tpu.memref_slice %dma_start3A_66[%mul3A_2, %dma_start3A_67] : memref<10000x64xf32, #tpu.memory_space<hbm>> -> memref<625x64xf32, #tpu.memory_space<hbm>>
      %dma_start3A_69 = arith.constant 0 : i32
      %dma_start3A_70 = tpu.memref_slice %arg12[%mul3A_2, %dma_start3A_69] : memref<10000x64xf32, #tpu.memory_space<vmem_shared>> -> memref<625x64xf32, #tpu.memory_space<vmem_shared>>
      tpu.enqueue_dma source(%dma_start3A_70 : memref<625x64xf32, #tpu.memory_space<vmem_shared>>) target(%dma_start3A_68 : memref<625x64xf32, #tpu.memory_space<hbm>>) target_semaphore(%run_scoped3A : memref<!tpu.dma_semaphore, #tpu.memory_space<semaphore_mem>>)
      %dma_wait3A_71 = arith.constant 0 : i32
      %dma_wait3A_72 = arith.constant 0 : i32
      %dma_wait3A_73 = tpu.memref_slice %arg5[%arg0, %dma_wait3A_71, %dma_wait3A_72] : memref<2x10000x64xf32, #tpu.memory_space<hbm>> -> memref<1x10000x64xf32, #tpu.memory_space<hbm>>
      %dma_wait3A_74 = tpu.memref_squeeze %dma_wait3A_73 : memref<1x10000x64xf32, #tpu.memory_space<hbm>> -> memref<10000x64xf32, #tpu.memory_space<hbm>>
      %dma_wait3A_75 = arith.constant 0 : i32
      %dma_wait3A_76 = tpu.memref_slice %dma_wait3A_74[%mul3A_2, %dma_wait3A_75] : memref<10000x64xf32, #tpu.memory_space<hbm>> -> memref<625x64xf32, #tpu.memory_space<hbm>>
      %dma_wait3A_77 = arith.constant 0 : i32
      %dma_wait3A_78 = tpu.memref_slice %arg12[%mul3A_2, %dma_wait3A_77] : memref<10000x64xf32, #tpu.memory_space<vmem_shared>> -> memref<625x64xf32, #tpu.memory_space<vmem_shared>>
      tpu.wait_dma2 semaphore(%run_scoped3A : memref<!tpu.dma_semaphore, #tpu.memory_space<semaphore_mem>>) src(%dma_wait3A_78 : memref<625x64xf32, #tpu.memory_space<vmem_shared>>) dst(%dma_wait3A_76 : memref<625x64xf32, #tpu.memory_space<hbm>>)
      tpu.yield
    }) : () -> ()
    return
  }
}

#map = affine_map<(d0, d1) -> (0, 0, 0)>
module attributes {stable_mosaic.version = 14 : i64} {
  func.func @_deg_body(%arg0: i32, %arg1: i32, %arg2: memref<32x125x80xi32, #tpu.memory_space<hbm>>, %arg3: memref<2x10000x16xf32, #tpu.memory_space<hbm>>, %arg4: memref<125x80xi32, #tpu.memory_space<vmem>>, %arg5: memref<80x16xf32, #tpu.memory_space<vmem>>, %arg6: memref<10000x16xf32, #tpu.memory_space<vmem_shared>>) attributes {dimension_semantics = [#tpu.dimension_semantics<core_parallel>, #tpu.dimension_semantics<subcore_parallel>], iteration_bounds = array<i64: 2, 16>, scalar_prefetch = 0 : i64, scratch_operands = 3 : i64, tpu.core_type = #tpu.core_type<sc_vector_subcore>, window_params = [{transform_indices = #map}, {transform_indices = #map}]} {
    %mul3A = arith.constant 16 : i32
    %mul3A_0 = arith.muli %arg0, %mul3A : i32
    %add3A = arith.addi %mul3A_0, %arg1 : i32
    "tpu.region"() ({
      %run_scoped3A = tpu.sem_alloc : memref<!tpu.dma_semaphore, #tpu.memory_space<semaphore_mem>>
      %dma_start3A = arith.constant 0 : i32
      %dma_start3A_40 = arith.constant 0 : i32
      %dma_start3A_41 = tpu.memref_slice %arg2[%add3A, %dma_start3A, %dma_start3A_40] : memref<32x125x80xi32, #tpu.memory_space<hbm>> -> memref<1x125x80xi32, #tpu.memory_space<hbm>>
      %dma_start3A_42 = tpu.memref_squeeze %dma_start3A_41 : memref<1x125x80xi32, #tpu.memory_space<hbm>> -> memref<125x80xi32, #tpu.memory_space<hbm>>
      %dma_start3A_43 = arith.constant 0 : i32
      %dma_start3A_44 = arith.constant 0 : i32
      %dma_start3A_45 = tpu.memref_slice %arg2[%add3A, %dma_start3A_43, %dma_start3A_44] : memref<32x125x80xi32, #tpu.memory_space<hbm>> -> memref<1x125x80xi32, #tpu.memory_space<hbm>>
      %dma_start3A_46 = tpu.memref_squeeze %dma_start3A_45 : memref<1x125x80xi32, #tpu.memory_space<hbm>> -> memref<125x80xi32, #tpu.memory_space<hbm>>
      tpu.enqueue_dma source(%dma_start3A_46 : memref<125x80xi32, #tpu.memory_space<hbm>>) target(%arg4 : memref<125x80xi32, #tpu.memory_space<vmem>>) target_semaphore(%run_scoped3A : memref<!tpu.dma_semaphore, #tpu.memory_space<semaphore_mem>>)
      %dma_wait3A = arith.constant 0 : i32
      %dma_wait3A_47 = arith.constant 0 : i32
      %dma_wait3A_48 = tpu.memref_slice %arg2[%add3A, %dma_wait3A, %dma_wait3A_47] : memref<32x125x80xi32, #tpu.memory_space<hbm>> -> memref<1x125x80xi32, #tpu.memory_space<hbm>>
      %dma_wait3A_49 = tpu.memref_squeeze %dma_wait3A_48 : memref<1x125x80xi32, #tpu.memory_space<hbm>> -> memref<125x80xi32, #tpu.memory_space<hbm>>
      %dma_wait3A_50 = arith.constant 0 : i32
      %dma_wait3A_51 = arith.constant 0 : i32
      %dma_wait3A_52 = tpu.memref_slice %arg2[%add3A, %dma_wait3A_50, %dma_wait3A_51] : memref<32x125x80xi32, #tpu.memory_space<hbm>> -> memref<1x125x80xi32, #tpu.memory_space<hbm>>
      %dma_wait3A_53 = tpu.memref_squeeze %dma_wait3A_52 : memref<1x125x80xi32, #tpu.memory_space<hbm>> -> memref<125x80xi32, #tpu.memory_space<hbm>>
      tpu.wait_dma2 semaphore(%run_scoped3A : memref<!tpu.dma_semaphore, #tpu.memory_space<semaphore_mem>>) src(%dma_wait3A_53 : memref<125x80xi32, #tpu.memory_space<hbm>>) dst(%arg4 : memref<125x80xi32, #tpu.memory_space<vmem>>)
      tpu.yield
    }) : () -> ()
    %mul3A_1 = arith.constant 625 : i32
    %mul3A_2 = arith.muli %arg1, %mul3A_1 : i32
    %broadcast_in_dim3A = arith.constant 0.000000e+00 : f32
    %broadcast_in_dim3A_3 = vector.broadcast %broadcast_in_dim3A : f32 to vector<16xf32>
    %scan3A = arith.constant 0 : i32
    %scan3A_4 = arith.constant 0 : i32
    %scan3A_5 = arith.constant 80 : i32
    %scan3A_6 = arith.addi %scan3A_4, %scan3A_5 : i32
    %scan3A_7 = arith.constant 1 : i32
    scf.for %scan3A_40 = %scan3A_4 to %scan3A_6 step %scan3A_7  : i32 {
      %swap3A = arith.index_cast %scan3A_40 : i32 to index
      %swap3A_41 = arith.constant 0 : index
      %swap3A_42 = tpu.vector_load %arg5[%swap3A, %swap3A_41] {strides = array<i32>} : memref<80x16xf32, #tpu.memory_space<vmem>>, vector<1x16xf32>,
      %swap3A_43 = vector.shape_cast %swap3A_42 : vector<1x16xf32> to vector<16xf32>
      %swap3A_44 = vector.shape_cast %broadcast_in_dim3A_3 : vector<16xf32> to vector<1x16xf32>
      tpu.vector_store %arg5[%swap3A, %swap3A_41], %swap3A_44 {strides = array<i32>} : memref<80x16xf32, #tpu.memory_space<vmem>>, vector<1x16xf32>,
    }
    %scan3A_8 = arith.constant 80 : i32
    %add3A_9 = arith.constant 0 : i32
    %add3A_10 = arith.addi %mul3A_2, %add3A_9 : i32
    "tpu.region"() ({
      %run_scoped3A = tpu.sem_alloc : memref<!tpu.dma_semaphore, #tpu.memory_space<semaphore_mem>>
      %dma_start3A = arith.constant 0 : i32
      %dma_start3A_40 = tpu.memref_slice %arg6[%add3A_10, %dma_start3A] : memref<10000x16xf32, #tpu.memory_space<vmem_shared>> -> memref<80x16xf32, #tpu.memory_space<vmem_shared>>
      %dma_start3A_41 = arith.constant 0 : i32
      %dma_start3A_42 = tpu.memref_slice %arg6[%add3A_10, %dma_start3A_41] : memref<10000x16xf32, #tpu.memory_space<vmem_shared>> -> memref<80x16xf32, #tpu.memory_space<vmem_shared>>
      tpu.enqueue_dma source(%arg5 : memref<80x16xf32, #tpu.memory_space<vmem>>) target(%dma_start3A_42 : memref<80x16xf32, #tpu.memory_space<vmem_shared>>) target_semaphore(%run_scoped3A : memref<!tpu.dma_semaphore, #tpu.memory_space<semaphore_mem>>)
      %dma_wait3A = arith.constant 0 : i32
      %dma_wait3A_43 = tpu.memref_slice %arg6[%add3A_10, %dma_wait3A] : memref<10000x16xf32, #tpu.memory_space<vmem_shared>> -> memref<80x16xf32, #tpu.memory_space<vmem_shared>>
      %dma_wait3A_44 = arith.constant 0 : i32
      %dma_wait3A_45 = tpu.memref_slice %arg6[%add3A_10, %dma_wait3A_44] : memref<10000x16xf32, #tpu.memory_space<vmem_shared>> -> memref<80x16xf32, #tpu.memory_space<vmem_shared>>
      tpu.wait_dma2 semaphore(%run_scoped3A : memref<!tpu.dma_semaphore, #tpu.memory_space<semaphore_mem>>) src(%arg5 : memref<80x16xf32, #tpu.memory_space<vmem>>) dst(%dma_wait3A_45 : memref<80x16xf32, #tpu.memory_space<vmem_shared>>)
      tpu.yield
    }) : () -> ()
    %add3A_11 = arith.constant 80 : i32
    %add3A_12 = arith.addi %mul3A_2, %add3A_11 : i32
    "tpu.region"() ({
      %run_scoped3A = tpu.sem_alloc : memref<!tpu.dma_semaphore, #tpu.memory_space<semaphore_mem>>
      %dma_start3A = arith.constant 0 : i32
      %dma_start3A_40 = tpu.memref_slice %arg6[%add3A_12, %dma_start3A] : memref<10000x16xf32, #tpu.memory_space<vmem_shared>> -> memref<80x16xf32, #tpu.memory_space<vmem_shared>>
      %dma_start3A_41 = arith.constant 0 : i32
      %dma_start3A_42 = tpu.memref_slice %arg6[%add3A_12, %dma_start3A_41] : memref<10000x16xf32, #tpu.memory_space<vmem_shared>> -> memref<80x16xf32, #tpu.memory_space<vmem_shared>>
      tpu.enqueue_dma source(%arg5 : memref<80x16xf32, #tpu.memory_space<vmem>>) target(%dma_start3A_42 : memref<80x16xf32, #tpu.memory_space<vmem_shared>>) target_semaphore(%run_scoped3A : memref<!tpu.dma_semaphore, #tpu.memory_space<semaphore_mem>>)
      %dma_wait3A = arith.constant 0 : i32
      %dma_wait3A_43 = tpu.memref_slice %arg6[%add3A_12, %dma_wait3A] : memref<10000x16xf32, #tpu.memory_space<vmem_shared>> -> memref<80x16xf32, #tpu.memory_space<vmem_shared>>
      %dma_wait3A_44 = arith.constant 0 : i32
      %dma_wait3A_45 = tpu.memref_slice %arg6[%add3A_12, %dma_wait3A_44] : memref<10000x16xf32, #tpu.memory_space<vmem_shared>> -> memref<80x16xf32, #tpu.memory_space<vmem_shared>>
      tpu.wait_dma2 semaphore(%run_scoped3A : memref<!tpu.dma_semaphore, #tpu.memory_space<semaphore_mem>>) src(%arg5 : memref<80x16xf32, #tpu.memory_space<vmem>>) dst(%dma_wait3A_45 : memref<80x16xf32, #tpu.memory_space<vmem_shared>>)
      tpu.yield
    }) : () -> ()
    %add3A_13 = arith.constant 160 : i32
    %add3A_14 = arith.addi %mul3A_2, %add3A_13 : i32
    "tpu.region"() ({
      %run_scoped3A = tpu.sem_alloc : memref<!tpu.dma_semaphore, #tpu.memory_space<semaphore_mem>>
      %dma_start3A = arith.constant 0 : i32
      %dma_start3A_40 = tpu.memref_slice %arg6[%add3A_14, %dma_start3A] : memref<10000x16xf32, #tpu.memory_space<vmem_shared>> -> memref<80x16xf32, #tpu.memory_space<vmem_shared>>
      %dma_start3A_41 = arith.constant 0 : i32
      %dma_start3A_42 = tpu.memref_slice %arg6[%add3A_14, %dma_start3A_41] : memref<10000x16xf32, #tpu.memory_space<vmem_shared>> -> memref<80x16xf32, #tpu.memory_space<vmem_shared>>
      tpu.enqueue_dma source(%arg5 : memref<80x16xf32, #tpu.memory_space<vmem>>) target(%dma_start3A_42 : memref<80x16xf32, #tpu.memory_space<vmem_shared>>) target_semaphore(%run_scoped3A : memref<!tpu.dma_semaphore, #tpu.memory_space<semaphore_mem>>)
      %dma_wait3A = arith.constant 0 : i32
      %dma_wait3A_43 = tpu.memref_slice %arg6[%add3A_14, %dma_wait3A] : memref<10000x16xf32, #tpu.memory_space<vmem_shared>> -> memref<80x16xf32, #tpu.memory_space<vmem_shared>>
      %dma_wait3A_44 = arith.constant 0 : i32
      %dma_wait3A_45 = tpu.memref_slice %arg6[%add3A_14, %dma_wait3A_44] : memref<10000x16xf32, #tpu.memory_space<vmem_shared>> -> memref<80x16xf32, #tpu.memory_space<vmem_shared>>
      tpu.wait_dma2 semaphore(%run_scoped3A : memref<!tpu.dma_semaphore, #tpu.memory_space<semaphore_mem>>) src(%arg5 : memref<80x16xf32, #tpu.memory_space<vmem>>) dst(%dma_wait3A_45 : memref<80x16xf32, #tpu.memory_space<vmem_shared>>)
      tpu.yield
    }) : () -> ()
    %add3A_15 = arith.constant 240 : i32
    %add3A_16 = arith.addi %mul3A_2, %add3A_15 : i32
    "tpu.region"() ({
      %run_scoped3A = tpu.sem_alloc : memref<!tpu.dma_semaphore, #tpu.memory_space<semaphore_mem>>
      %dma_start3A = arith.constant 0 : i32
      %dma_start3A_40 = tpu.memref_slice %arg6[%add3A_16, %dma_start3A] : memref<10000x16xf32, #tpu.memory_space<vmem_shared>> -> memref<80x16xf32, #tpu.memory_space<vmem_shared>>
      %dma_start3A_41 = arith.constant 0 : i32
      %dma_start3A_42 = tpu.memref_slice %arg6[%add3A_16, %dma_start3A_41] : memref<10000x16xf32, #tpu.memory_space<vmem_shared>> -> memref<80x16xf32, #tpu.memory_space<vmem_shared>>
      tpu.enqueue_dma source(%arg5 : memref<80x16xf32, #tpu.memory_space<vmem>>) target(%dma_start3A_42 : memref<80x16xf32, #tpu.memory_space<vmem_shared>>) target_semaphore(%run_scoped3A : memref<!tpu.dma_semaphore, #tpu.memory_space<semaphore_mem>>)
      %dma_wait3A = arith.constant 0 : i32
      %dma_wait3A_43 = tpu.memref_slice %arg6[%add3A_16, %dma_wait3A] : memref<10000x16xf32, #tpu.memory_space<vmem_shared>> -> memref<80x16xf32, #tpu.memory_space<vmem_shared>>
      %dma_wait3A_44 = arith.constant 0 : i32
      %dma_wait3A_45 = tpu.memref_slice %arg6[%add3A_16, %dma_wait3A_44] : memref<10000x16xf32, #tpu.memory_space<vmem_shared>> -> memref<80x16xf32, #tpu.memory_space<vmem_shared>>
      tpu.wait_dma2 semaphore(%run_scoped3A : memref<!tpu.dma_semaphore, #tpu.memory_space<semaphore_mem>>) src(%arg5 : memref<80x16xf32, #tpu.memory_space<vmem>>) dst(%dma_wait3A_45 : memref<80x16xf32, #tpu.memory_space<vmem_shared>>)
      tpu.yield
    }) : () -> ()
    %add3A_17 = arith.constant 320 : i32
    %add3A_18 = arith.addi %mul3A_2, %add3A_17 : i32
    "tpu.region"() ({
      %run_scoped3A = tpu.sem_alloc : memref<!tpu.dma_semaphore, #tpu.memory_space<semaphore_mem>>
      %dma_start3A = arith.constant 0 : i32
      %dma_start3A_40 = tpu.memref_slice %arg6[%add3A_18, %dma_start3A] : memref<10000x16xf32, #tpu.memory_space<vmem_shared>> -> memref<80x16xf32, #tpu.memory_space<vmem_shared>>
      %dma_start3A_41 = arith.constant 0 : i32
      %dma_start3A_42 = tpu.memref_slice %arg6[%add3A_18, %dma_start3A_41] : memref<10000x16xf32, #tpu.memory_space<vmem_shared>> -> memref<80x16xf32, #tpu.memory_space<vmem_shared>>
      tpu.enqueue_dma source(%arg5 : memref<80x16xf32, #tpu.memory_space<vmem>>) target(%dma_start3A_42 : memref<80x16xf32, #tpu.memory_space<vmem_shared>>) target_semaphore(%run_scoped3A : memref<!tpu.dma_semaphore, #tpu.memory_space<semaphore_mem>>)
      %dma_wait3A = arith.constant 0 : i32
      %dma_wait3A_43 = tpu.memref_slice %arg6[%add3A_18, %dma_wait3A] : memref<10000x16xf32, #tpu.memory_space<vmem_shared>> -> memref<80x16xf32, #tpu.memory_space<vmem_shared>>
      %dma_wait3A_44 = arith.constant 0 : i32
      %dma_wait3A_45 = tpu.memref_slice %arg6[%add3A_18, %dma_wait3A_44] : memref<10000x16xf32, #tpu.memory_space<vmem_shared>> -> memref<80x16xf32, #tpu.memory_space<vmem_shared>>
      tpu.wait_dma2 semaphore(%run_scoped3A : memref<!tpu.dma_semaphore, #tpu.memory_space<semaphore_mem>>) src(%arg5 : memref<80x16xf32, #tpu.memory_space<vmem>>) dst(%dma_wait3A_45 : memref<80x16xf32, #tpu.memory_space<vmem_shared>>)
      tpu.yield
    }) : () -> ()
    %add3A_19 = arith.constant 400 : i32
    %add3A_20 = arith.addi %mul3A_2, %add3A_19 : i32
    "tpu.region"() ({
      %run_scoped3A = tpu.sem_alloc : memref<!tpu.dma_semaphore, #tpu.memory_space<semaphore_mem>>
      %dma_start3A = arith.constant 0 : i32
      %dma_start3A_40 = tpu.memref_slice %arg6[%add3A_20, %dma_start3A] : memref<10000x16xf32, #tpu.memory_space<vmem_shared>> -> memref<80x16xf32, #tpu.memory_space<vmem_shared>>
      %dma_start3A_41 = arith.constant 0 : i32
      %dma_start3A_42 = tpu.memref_slice %arg6[%add3A_20, %dma_start3A_41] : memref<10000x16xf32, #tpu.memory_space<vmem_shared>> -> memref<80x16xf32, #tpu.memory_space<vmem_shared>>
      tpu.enqueue_dma source(%arg5 : memref<80x16xf32, #tpu.memory_space<vmem>>) target(%dma_start3A_42 : memref<80x16xf32, #tpu.memory_space<vmem_shared>>) target_semaphore(%run_scoped3A : memref<!tpu.dma_semaphore, #tpu.memory_space<semaphore_mem>>)
      %dma_wait3A = arith.constant 0 : i32
      %dma_wait3A_43 = tpu.memref_slice %arg6[%add3A_20, %dma_wait3A] : memref<10000x16xf32, #tpu.memory_space<vmem_shared>> -> memref<80x16xf32, #tpu.memory_space<vmem_shared>>
      %dma_wait3A_44 = arith.constant 0 : i32
      %dma_wait3A_45 = tpu.memref_slice %arg6[%add3A_20, %dma_wait3A_44] : memref<10000x16xf32, #tpu.memory_space<vmem_shared>> -> memref<80x16xf32, #tpu.memory_space<vmem_shared>>
      tpu.wait_dma2 semaphore(%run_scoped3A : memref<!tpu.dma_semaphore, #tpu.memory_space<semaphore_mem>>) src(%arg5 : memref<80x16xf32, #tpu.memory_space<vmem>>) dst(%dma_wait3A_45 : memref<80x16xf32, #tpu.memory_space<vmem_shared>>)
      tpu.yield
    }) : () -> ()
    %add3A_21 = arith.constant 480 : i32
    %add3A_22 = arith.addi %mul3A_2, %add3A_21 : i32
    "tpu.region"() ({
      %run_scoped3A = tpu.sem_alloc : memref<!tpu.dma_semaphore, #tpu.memory_space<semaphore_mem>>
      %dma_start3A = arith.constant 0 : i32
      %dma_start3A_40 = tpu.memref_slice %arg6[%add3A_22, %dma_start3A] : memref<10000x16xf32, #tpu.memory_space<vmem_shared>> -> memref<80x16xf32, #tpu.memory_space<vmem_shared>>
      %dma_start3A_41 = arith.constant 0 : i32
      %dma_start3A_42 = tpu.memref_slice %arg6[%add3A_22, %dma_start3A_41] : memref<10000x16xf32, #tpu.memory_space<vmem_shared>> -> memref<80x16xf32, #tpu.memory_space<vmem_shared>>
      tpu.enqueue_dma source(%arg5 : memref<80x16xf32, #tpu.memory_space<vmem>>) target(%dma_start3A_42 : memref<80x16xf32, #tpu.memory_space<vmem_shared>>) target_semaphore(%run_scoped3A : memref<!tpu.dma_semaphore, #tpu.memory_space<semaphore_mem>>)
      %dma_wait3A = arith.constant 0 : i32
      %dma_wait3A_43 = tpu.memref_slice %arg6[%add3A_22, %dma_wait3A] : memref<10000x16xf32, #tpu.memory_space<vmem_shared>> -> memref<80x16xf32, #tpu.memory_space<vmem_shared>>
      %dma_wait3A_44 = arith.constant 0 : i32
      %dma_wait3A_45 = tpu.memref_slice %arg6[%add3A_22, %dma_wait3A_44] : memref<10000x16xf32, #tpu.memory_space<vmem_shared>> -> memref<80x16xf32, #tpu.memory_space<vmem_shared>>
      tpu.wait_dma2 semaphore(%run_scoped3A : memref<!tpu.dma_semaphore, #tpu.memory_space<semaphore_mem>>) src(%arg5 : memref<80x16xf32, #tpu.memory_space<vmem>>) dst(%dma_wait3A_45 : memref<80x16xf32, #tpu.memory_space<vmem_shared>>)
      tpu.yield
    }) : () -> ()
    %add3A_23 = arith.constant 560 : i32
    %add3A_24 = arith.addi %mul3A_2, %add3A_23 : i32
    "tpu.region"() ({
      %run_scoped3A = tpu.sem_alloc : memref<!tpu.dma_semaphore, #tpu.memory_space<semaphore_mem>>
      %dma_start3A = arith.constant 0 : i32
      %dma_start3A_40 = arith.constant 0 : i32
      %dma_start3A_41 = tpu.memref_slice %arg5[%dma_start3A, %dma_start3A_40] : memref<80x16xf32, #tpu.memory_space<vmem>> -> memref<65x16xf32, #tpu.memory_space<vmem>>
      %dma_start3A_42 = arith.constant 0 : i32
      %dma_start3A_43 = tpu.memref_slice %arg6[%add3A_24, %dma_start3A_42] : memref<10000x16xf32, #tpu.memory_space<vmem_shared>> -> memref<65x16xf32, #tpu.memory_space<vmem_shared>>
      %dma_start3A_44 = arith.constant 0 : i32
      %dma_start3A_45 = tpu.memref_slice %arg6[%add3A_24, %dma_start3A_44] : memref<10000x16xf32, #tpu.memory_space<vmem_shared>> -> memref<65x16xf32, #tpu.memory_space<vmem_shared>>
      %dma_start3A_46 = arith.constant 0 : i32
      %dma_start3A_47 = arith.constant 0 : i32
      %dma_start3A_48 = tpu.memref_slice %arg5[%dma_start3A_46, %dma_start3A_47] : memref<80x16xf32, #tpu.memory_space<vmem>> -> memref<65x16xf32, #tpu.memory_space<vmem>>
      tpu.enqueue_dma source(%dma_start3A_48 : memref<65x16xf32, #tpu.memory_space<vmem>>) target(%dma_start3A_45 : memref<65x16xf32, #tpu.memory_space<vmem_shared>>) target_semaphore(%run_scoped3A : memref<!tpu.dma_semaphore, #tpu.memory_space<semaphore_mem>>)
      %dma_wait3A = arith.constant 0 : i32
      %dma_wait3A_49 = arith.constant 0 : i32
      %dma_wait3A_50 = tpu.memref_slice %arg5[%dma_wait3A, %dma_wait3A_49] : memref<80x16xf32, #tpu.memory_space<vmem>> -> memref<65x16xf32, #tpu.memory_space<vmem>>
      %dma_wait3A_51 = arith.constant 0 : i32
      %dma_wait3A_52 = tpu.memref_slice %arg6[%add3A_24, %dma_wait3A_51] : memref<10000x16xf32, #tpu.memory_space<vmem_shared>> -> memref<65x16xf32, #tpu.memory_space<vmem_shared>>
      %dma_wait3A_53 = arith.constant 0 : i32
      %dma_wait3A_54 = tpu.memref_slice %arg6[%add3A_24, %dma_wait3A_53] : memref<10000x16xf32, #tpu.memory_space<vmem_shared>> -> memref<65x16xf32, #tpu.memory_space<vmem_shared>>
      %dma_wait3A_55 = arith.constant 0 : i32
      %dma_wait3A_56 = arith.constant 0 : i32
      %dma_wait3A_57 = tpu.memref_slice %arg5[%dma_wait3A_55, %dma_wait3A_56] : memref<80x16xf32, #tpu.memory_space<vmem>> -> memref<65x16xf32, #tpu.memory_space<vmem>>
      tpu.wait_dma2 semaphore(%run_scoped3A : memref<!tpu.dma_semaphore, #tpu.memory_space<semaphore_mem>>) src(%dma_wait3A_57 : memref<65x16xf32, #tpu.memory_space<vmem>>) dst(%dma_wait3A_54 : memref<65x16xf32, #tpu.memory_space<vmem_shared>>)
      tpu.yield
    }) : () -> ()
    %broadcast_in_dim3A_25 = arith.constant 1.000000e+00 : f32
    %broadcast_in_dim3A_26 = vector.broadcast %broadcast_in_dim3A_25 : f32 to vector<16xf32>
    %scan3A_27 = arith.constant 0 : i32
    %scan3A_28 = arith.constant 0 : i32
    %scan3A_29 = arith.constant 80 : i32
    %scan3A_30 = arith.addi %scan3A_28, %scan3A_29 : i32
    %scan3A_31 = arith.constant 1 : i32
    scf.for %scan3A_40 = %scan3A_28 to %scan3A_30 step %scan3A_31  : i32 {
      %swap3A = arith.index_cast %scan3A_40 : i32 to index
      %swap3A_41 = arith.constant 0 : index
      %swap3A_42 = tpu.vector_load %arg5[%swap3A, %swap3A_41] {strides = array<i32>} : memref<80x16xf32, #tpu.memory_space<vmem>>, vector<1x16xf32>,
      %swap3A_43 = vector.shape_cast %swap3A_42 : vector<1x16xf32> to vector<16xf32>
      %swap3A_44 = vector.shape_cast %broadcast_in_dim3A_26 : vector<16xf32> to vector<1x16xf32>
      tpu.vector_store %arg5[%swap3A, %swap3A_41], %swap3A_44 {strides = array<i32>} : memref<80x16xf32, #tpu.memory_space<vmem>>, vector<1x16xf32>,
    }
    %scan3A_32 = arith.constant 80 : i32
    %barrier3A = arith.constant 0 : index
    tpu.barrier barrier_id(%barrier3A)
    %scan3A_33 = arith.constant 0 : i32
    %scan3A_34 = arith.constant 0 : i32
    %scan3A_35 = arith.constant 125 : i32
    %scan3A_36 = arith.addi %scan3A_34, %scan3A_35 : i32
    %scan3A_37 = arith.constant 1 : i32
    scf.for %scan3A_40 = %scan3A_34 to %scan3A_36 step %scan3A_37  : i32 {
      "tpu.region"() ({
        %run_scoped3A = tpu.sem_alloc : memref<!tpu.dma_semaphore, #tpu.memory_space<semaphore_mem>>
        %dma_start3A = arith.constant 0 : i32
        %dma_start3A_41 = tpu.memref_slice %arg4[%scan3A_40, %dma_start3A] : memref<125x80xi32, #tpu.memory_space<vmem>> -> memref<1x80xi32, #tpu.memory_space<vmem>>
        %dma_start3A_42 = tpu.memref_squeeze %dma_start3A_41 : memref<1x80xi32, #tpu.memory_space<vmem>> -> memref<80xi32, #tpu.memory_space<vmem>>
        %dma_start3A_43 = arith.constant 0 : i32
        %dma_start3A_44 = arith.constant 0 : i32
        %dma_start3A_45 = tpu.memref_slice %arg6[%dma_start3A_43, %dma_start3A_44] : memref<10000x16xf32, #tpu.memory_space<vmem_shared>> -> memref<10000x16xf32, #tpu.memory_space<vmem_shared>>
        tpu.enqueue_indirect_dma source(%arg5 : memref<80x16xf32, #tpu.memory_space<vmem>>) target(%dma_start3A_45 : memref<10000x16xf32, #tpu.memory_space<vmem_shared>>) offsets(%dma_start3A_42 : memref<80xi32, #tpu.memory_space<vmem>>) semaphore(%run_scoped3A : memref<!tpu.dma_semaphore, #tpu.memory_space<semaphore_mem>>) {add = true}
        %dma_wait3A = arith.constant 0 : i32
        %dma_wait3A_46 = tpu.memref_slice %arg4[%scan3A_40, %dma_wait3A] : memref<125x80xi32, #tpu.memory_space<vmem>> -> memref<1x80xi32, #tpu.memory_space<vmem>>
        %dma_wait3A_47 = tpu.memref_squeeze %dma_wait3A_46 : memref<1x80xi32, #tpu.memory_space<vmem>> -> memref<80xi32, #tpu.memory_space<vmem>>
        %dma_wait3A_48 = arith.constant 0 : i32
        %dma_wait3A_49 = arith.constant 0 : i32
        %dma_wait3A_50 = tpu.memref_slice %arg6[%dma_wait3A_48, %dma_wait3A_49] : memref<10000x16xf32, #tpu.memory_space<vmem_shared>> -> memref<10000x16xf32, #tpu.memory_space<vmem_shared>>
        tpu.wait_indirect_dma semaphore(%run_scoped3A : memref<!tpu.dma_semaphore, #tpu.memory_space<semaphore_mem>>) src(%arg5 : memref<80x16xf32, #tpu.memory_space<vmem>>) dst(%dma_wait3A_50 : memref<10000x16xf32, #tpu.memory_space<vmem_shared>>)
        tpu.yield
      }) : () -> ()
    }
    %scan3A_38 = arith.constant 125 : i32
    %barrier3A_39 = arith.constant 0 : index
    tpu.barrier barrier_id(%barrier3A_39)
    "tpu.region"() ({
      %run_scoped3A = tpu.sem_alloc : memref<!tpu.dma_semaphore, #tpu.memory_space<semaphore_mem>>
      %dma_start3A = arith.constant 0 : i32
      %dma_start3A_40 = arith.constant 0 : i32
      %dma_start3A_41 = tpu.memref_slice %arg3[%arg0, %dma_start3A, %dma_start3A_40] : memref<2x10000x16xf32, #tpu.memory_space<hbm>> -> memref<1x10000x16xf32, #tpu.memory_space<hbm>>
      %dma_start3A_42 = tpu.memref_squeeze %dma_start3A_41 : memref<1x10000x16xf32, #tpu.memory_space<hbm>> -> memref<10000x16xf32, #tpu.memory_space<hbm>>
      %dma_start3A_43 = arith.constant 0 : i32
      %dma_start3A_44 = tpu.memref_slice %dma_start3A_42[%mul3A_2, %dma_start3A_43] : memref<10000x16xf32, #tpu.memory_space<hbm>> -> memref<625x16xf32, #tpu.memory_space<hbm>>
      %dma_start3A_45 = arith.constant 0 : i32
      %dma_start3A_46 = tpu.memref_slice %arg6[%mul3A_2, %dma_start3A_45] : memref<10000x16xf32, #tpu.memory_space<vmem_shared>> -> memref<625x16xf32, #tpu.memory_space<vmem_shared>>
      tpu.enqueue_dma source(%dma_start3A_46 : memref<625x16xf32, #tpu.memory_space<vmem_shared>>) target(%dma_start3A_44 : memref<625x16xf32, #tpu.memory_space<hbm>>) target_semaphore(%run_scoped3A : memref<!tpu.dma_semaphore, #tpu.memory_space<semaphore_mem>>)
      %dma_wait3A = arith.constant 0 : i32
      %dma_wait3A_47 = arith.constant 0 : i32
      %dma_wait3A_48 = tpu.memref_slice %arg3[%arg0, %dma_wait3A, %dma_wait3A_47] : memref<2x10000x16xf32, #tpu.memory_space<hbm>> -> memref<1x10000x16xf32, #tpu.memory_space<hbm>>
      %dma_wait3A_49 = tpu.memref_squeeze %dma_wait3A_48 : memref<1x10000x16xf32, #tpu.memory_space<hbm>> -> memref<10000x16xf32, #tpu.memory_space<hbm>>
      %dma_wait3A_50 = arith.constant 0 : i32
      %dma_wait3A_51 = tpu.memref_slice %dma_wait3A_49[%mul3A_2, %dma_wait3A_50] : memref<10000x16xf32, #tpu.memory_space<hbm>> -> memref<625x16xf32, #tpu.memory_space<hbm>>
      %dma_wait3A_52 = arith.constant 0 : i32
      %dma_wait3A_53 = tpu.memref_slice %arg6[%mul3A_2, %dma_wait3A_52] : memref<10000x16xf32, #tpu.memory_space<vmem_shared>> -> memref<625x16xf32, #tpu.memory_space<vmem_shared>>
      tpu.wait_dma2 semaphore(%run_scoped3A : memref<!tpu.dma_semaphore, #tpu.memory_space<semaphore_mem>>) src(%dma_wait3A_53 : memref<625x16xf32, #tpu.memory_space<vmem_shared>>) dst(%dma_wait3A_51 : memref<625x16xf32, #tpu.memory_space<hbm>>)
      tpu.yield
    }) : () -> ()
    return
  }
}

#map = affine_map<(d0, d1) -> (0, 0)>
#map1 = affine_map<(d0, d1) -> (0, 0, 0)>
module attributes {stable_mosaic.version = 14 : i64} {
  func.func @_spmm_body(%arg0: i32, %arg1: i32, %arg2: memref<10000x64xf32, #tpu.memory_space<hbm>>, %arg3: memref<32x125x80xi32, #tpu.memory_space<hbm>>, %arg4: memref<32x125x80xi32, #tpu.memory_space<hbm>>, %arg5: memref<2x10000x64xf32, #tpu.memory_space<hbm>>, %arg6: memref<125x80xi32, #tpu.memory_space<vmem>>, %arg7: memref<125x80xi32, #tpu.memory_space<vmem>>, %arg8: memref<80x64xf32, #tpu.memory_space<vmem>>, %arg9: memref<80x64xf32, #tpu.memory_space<vmem>>, %arg10: memref<80x64xf32, #tpu.memory_space<vmem>>, %arg11: memref<80x64xf32, #tpu.memory_space<vmem>>, %arg12: memref<10000x64xf32, #tpu.memory_space<vmem_shared>>, %arg13: memref<!tpu.dma_semaphore, #tpu.memory_space<semaphore_mem>>, %arg14: memref<!tpu.dma_semaphore, #tpu.memory_space<semaphore_mem>>, %arg15: memref<!tpu.dma_semaphore, #tpu.memory_space<semaphore_mem>>, %arg16: memref<!tpu.dma_semaphore, #tpu.memory_space<semaphore_mem>>, %arg17: memref<!tpu.dma_semaphore, #tpu.memory_space<semaphore_mem>>, %arg18: memref<!tpu.dma_semaphore, #tpu.memory_space<semaphore_mem>>, %arg19: memref<!tpu.dma_semaphore, #tpu.memory_space<semaphore_mem>>, %arg20: memref<!tpu.dma_semaphore, #tpu.memory_space<semaphore_mem>>) attributes {dimension_semantics = [#tpu.dimension_semantics<core_parallel>, #tpu.dimension_semantics<subcore_parallel>], iteration_bounds = array<i64: 2, 16>, scalar_prefetch = 0 : i64, scratch_operands = 15 : i64, tpu.core_type = #tpu.core_type<sc_vector_subcore>, window_params = [{transform_indices = #map}, {transform_indices = #map1}, {transform_indices = #map1}, {transform_indices = #map1}]} {
    %mul3A = arith.constant 16 : i32
    %mul3A_0 = arith.muli %arg0, %mul3A : i32
    %add3A = arith.addi %mul3A_0, %arg1 : i32
    "tpu.region"() ({
      %run_scoped3A = tpu.sem_alloc : memref<!tpu.dma_semaphore, #tpu.memory_space<semaphore_mem>>
      %dma_start3A_63 = arith.constant 0 : i32
      %dma_start3A_64 = arith.constant 0 : i32
      %dma_start3A_65 = tpu.memref_slice %arg3[%add3A, %dma_start3A_63, %dma_start3A_64] : memref<32x125x80xi32, #tpu.memory_space<hbm>> -> memref<1x125x80xi32, #tpu.memory_space<hbm>>
      %dma_start3A_66 = tpu.memref_squeeze %dma_start3A_65 : memref<1x125x80xi32, #tpu.memory_space<hbm>> -> memref<125x80xi32, #tpu.memory_space<hbm>>
      %dma_start3A_67 = arith.constant 0 : i32
      %dma_start3A_68 = arith.constant 0 : i32
      %dma_start3A_69 = tpu.memref_slice %arg3[%add3A, %dma_start3A_67, %dma_start3A_68] : memref<32x125x80xi32, #tpu.memory_space<hbm>> -> memref<1x125x80xi32, #tpu.memory_space<hbm>>
      %dma_start3A_70 = tpu.memref_squeeze %dma_start3A_69 : memref<1x125x80xi32, #tpu.memory_space<hbm>> -> memref<125x80xi32, #tpu.memory_space<hbm>>
      tpu.enqueue_dma source(%dma_start3A_70 : memref<125x80xi32, #tpu.memory_space<hbm>>) target(%arg6 : memref<125x80xi32, #tpu.memory_space<vmem>>) target_semaphore(%run_scoped3A : memref<!tpu.dma_semaphore, #tpu.memory_space<semaphore_mem>>)
      %dma_wait3A_71 = arith.constant 0 : i32
      %dma_wait3A_72 = arith.constant 0 : i32
      %dma_wait3A_73 = tpu.memref_slice %arg3[%add3A, %dma_wait3A_71, %dma_wait3A_72] : memref<32x125x80xi32, #tpu.memory_space<hbm>> -> memref<1x125x80xi32, #tpu.memory_space<hbm>>
      %dma_wait3A_74 = tpu.memref_squeeze %dma_wait3A_73 : memref<1x125x80xi32, #tpu.memory_space<hbm>> -> memref<125x80xi32, #tpu.memory_space<hbm>>
      %dma_wait3A_75 = arith.constant 0 : i32
      %dma_wait3A_76 = arith.constant 0 : i32
      %dma_wait3A_77 = tpu.memref_slice %arg3[%add3A, %dma_wait3A_75, %dma_wait3A_76] : memref<32x125x80xi32, #tpu.memory_space<hbm>> -> memref<1x125x80xi32, #tpu.memory_space<hbm>>
      %dma_wait3A_78 = tpu.memref_squeeze %dma_wait3A_77 : memref<1x125x80xi32, #tpu.memory_space<hbm>> -> memref<125x80xi32, #tpu.memory_space<hbm>>
      tpu.wait_dma2 semaphore(%run_scoped3A : memref<!tpu.dma_semaphore, #tpu.memory_space<semaphore_mem>>) src(%dma_wait3A_78 : memref<125x80xi32, #tpu.memory_space<hbm>>) dst(%arg6 : memref<125x80xi32, #tpu.memory_space<vmem>>)
      tpu.yield
    }) : () -> ()
    "tpu.region"() ({
      %run_scoped3A = tpu.sem_alloc : memref<!tpu.dma_semaphore, #tpu.memory_space<semaphore_mem>>
      %dma_start3A_63 = arith.constant 0 : i32
      %dma_start3A_64 = arith.constant 0 : i32
      %dma_start3A_65 = tpu.memref_slice %arg4[%add3A, %dma_start3A_63, %dma_start3A_64] : memref<32x125x80xi32, #tpu.memory_space<hbm>> -> memref<1x125x80xi32, #tpu.memory_space<hbm>>
      %dma_start3A_66 = tpu.memref_squeeze %dma_start3A_65 : memref<1x125x80xi32, #tpu.memory_space<hbm>> -> memref<125x80xi32, #tpu.memory_space<hbm>>
      %dma_start3A_67 = arith.constant 0 : i32
      %dma_start3A_68 = arith.constant 0 : i32
      %dma_start3A_69 = tpu.memref_slice %arg4[%add3A, %dma_start3A_67, %dma_start3A_68] : memref<32x125x80xi32, #tpu.memory_space<hbm>> -> memref<1x125x80xi32, #tpu.memory_space<hbm>>
      %dma_start3A_70 = tpu.memref_squeeze %dma_start3A_69 : memref<1x125x80xi32, #tpu.memory_space<hbm>> -> memref<125x80xi32, #tpu.memory_space<hbm>>
      tpu.enqueue_dma source(%dma_start3A_70 : memref<125x80xi32, #tpu.memory_space<hbm>>) target(%arg7 : memref<125x80xi32, #tpu.memory_space<vmem>>) target_semaphore(%run_scoped3A : memref<!tpu.dma_semaphore, #tpu.memory_space<semaphore_mem>>)
      %dma_wait3A_71 = arith.constant 0 : i32
      %dma_wait3A_72 = arith.constant 0 : i32
      %dma_wait3A_73 = tpu.memref_slice %arg4[%add3A, %dma_wait3A_71, %dma_wait3A_72] : memref<32x125x80xi32, #tpu.memory_space<hbm>> -> memref<1x125x80xi32, #tpu.memory_space<hbm>>
      %dma_wait3A_74 = tpu.memref_squeeze %dma_wait3A_73 : memref<1x125x80xi32, #tpu.memory_space<hbm>> -> memref<125x80xi32, #tpu.memory_space<hbm>>
      %dma_wait3A_75 = arith.constant 0 : i32
      %dma_wait3A_76 = arith.constant 0 : i32
      %dma_wait3A_77 = tpu.memref_slice %arg4[%add3A, %dma_wait3A_75, %dma_wait3A_76] : memref<32x125x80xi32, #tpu.memory_space<hbm>> -> memref<1x125x80xi32, #tpu.memory_space<hbm>>
      %dma_wait3A_78 = tpu.memref_squeeze %dma_wait3A_77 : memref<1x125x80xi32, #tpu.memory_space<hbm>> -> memref<125x80xi32, #tpu.memory_space<hbm>>
      tpu.wait_dma2 semaphore(%run_scoped3A : memref<!tpu.dma_semaphore, #tpu.memory_space<semaphore_mem>>) src(%dma_wait3A_78 : memref<125x80xi32, #tpu.memory_space<hbm>>) dst(%arg7 : memref<125x80xi32, #tpu.memory_space<vmem>>)
      tpu.yield
    }) : () -> ()
    %mul3A_1 = arith.constant 625 : i32
    %mul3A_2 = arith.muli %arg1, %mul3A_1 : i32
    %eq3A = arith.constant 0 : i32
    %eq3A_3 = arith.cmpi eq, %arg0, %eq3A : i32
    %convert_element_type3A = arith.extui %eq3A_3 : i1 to i32
    %cond3A = arith.constant 0 : i32
    %cond3A_4 = arith.cmpi ne, %convert_element_type3A, %cond3A : i32
    scf.if %cond3A_4 {
      "tpu.region"() ({
        %run_scoped3A = tpu.sem_alloc : memref<!tpu.dma_semaphore, #tpu.memory_space<semaphore_mem>>
        %dma_start3A_63 = arith.constant 0 : i32
        %dma_start3A_64 = tpu.memref_slice %arg12[%mul3A_2, %dma_start3A_63] : memref<10000x64xf32, #tpu.memory_space<vmem_shared>> -> memref<625x64xf32, #tpu.memory_space<vmem_shared>>
        %dma_start3A_65 = arith.constant 0 : i32
        %dma_start3A_66 = tpu.memref_slice %arg2[%mul3A_2, %dma_start3A_65] : memref<10000x64xf32, #tpu.memory_space<hbm>> -> memref<625x64xf32, #tpu.memory_space<hbm>>
        tpu.enqueue_dma source(%dma_start3A_66 : memref<625x64xf32, #tpu.memory_space<hbm>>) target(%dma_start3A_64 : memref<625x64xf32, #tpu.memory_space<vmem_shared>>) target_semaphore(%run_scoped3A : memref<!tpu.dma_semaphore, #tpu.memory_space<semaphore_mem>>)
        %dma_wait3A_67 = arith.constant 0 : i32
        %dma_wait3A_68 = tpu.memref_slice %arg12[%mul3A_2, %dma_wait3A_67] : memref<10000x64xf32, #tpu.memory_space<vmem_shared>> -> memref<625x64xf32, #tpu.memory_space<vmem_shared>>
        %dma_wait3A_69 = arith.constant 0 : i32
        %dma_wait3A_70 = tpu.memref_slice %arg2[%mul3A_2, %dma_wait3A_69] : memref<10000x64xf32, #tpu.memory_space<hbm>> -> memref<625x64xf32, #tpu.memory_space<hbm>>
        tpu.wait_dma2 semaphore(%run_scoped3A : memref<!tpu.dma_semaphore, #tpu.memory_space<semaphore_mem>>) src(%dma_wait3A_70 : memref<625x64xf32, #tpu.memory_space<hbm>>) dst(%dma_wait3A_68 : memref<625x64xf32, #tpu.memory_space<vmem_shared>>)
        tpu.yield
      }) : () -> ()
    } else {
    }
    %eq3A_5 = arith.constant 1 : i32
    %eq3A_6 = arith.cmpi eq, %arg0, %eq3A_5 : i32
    %convert_element_type3A_7 = arith.extui %eq3A_6 : i1 to i32
    %cond3A_8 = arith.constant 0 : i32
    %cond3A_9 = arith.cmpi ne, %convert_element_type3A_7, %cond3A_8 : i32
    scf.if %cond3A_9 {
      %broadcast_in_dim3A = arith.constant 0.000000e+00 : f32
      %broadcast_in_dim3A_63 = vector.broadcast %broadcast_in_dim3A : f32 to vector<16xf32>
      %scan3A_64 = arith.constant 0 : i32
      %scan3A_65 = arith.constant 0 : i32
      %scan3A_66 = arith.constant 80 : i32
      %scan3A_67 = arith.addi %scan3A_65, %scan3A_66 : i32
      %scan3A_68 = arith.constant 1 : i32
      scf.for %scan3A_86 = %scan3A_65 to %scan3A_67 step %scan3A_68  : i32 {
        %swap3A = arith.index_cast %scan3A_86 : i32 to index
        %swap3A_87 = arith.constant 0 : index
        %swap3A_88 = tpu.vector_load %arg8[%swap3A, %swap3A_87] {strides = array<i32>} : memref<80x64xf32, #tpu.memory_space<vmem>>, vector<1x16xf32>,
        %swap3A_89 = vector.shape_cast %swap3A_88 : vector<1x16xf32> to vector<16xf32>
        %swap3A_90 = vector.shape_cast %broadcast_in_dim3A_63 : vector<16xf32> to vector<1x16xf32>
        tpu.vector_store %arg8[%swap3A, %swap3A_87], %swap3A_90 {strides = array<i32>} : memref<80x64xf32, #tpu.memory_space<vmem>>, vector<1x16xf32>,
        %swap3A_91 = arith.index_cast %scan3A_86 : i32 to index
        %swap3A_92 = arith.constant 16 : index
        %swap3A_93 = tpu.vector_load %arg8[%swap3A_91, %swap3A_92] {strides = array<i32>} : memref<80x64xf32, #tpu.memory_space<vmem>>, vector<1x16xf32>,
        %swap3A_94 = vector.shape_cast %swap3A_93 : vector<1x16xf32> to vector<16xf32>
        %swap3A_95 = vector.shape_cast %broadcast_in_dim3A_63 : vector<16xf32> to vector<1x16xf32>
        tpu.vector_store %arg8[%swap3A_91, %swap3A_92], %swap3A_95 {strides = array<i32>} : memref<80x64xf32, #tpu.memory_space<vmem>>, vector<1x16xf32>,
        %swap3A_96 = arith.index_cast %scan3A_86 : i32 to index
        %swap3A_97 = arith.constant 32 : index
        %swap3A_98 = tpu.vector_load %arg8[%swap3A_96, %swap3A_97] {strides = array<i32>} : memref<80x64xf32, #tpu.memory_space<vmem>>, vector<1x16xf32>,
        %swap3A_99 = vector.shape_cast %swap3A_98 : vector<1x16xf32> to vector<16xf32>
        %swap3A_100 = vector.shape_cast %broadcast_in_dim3A_63 : vector<16xf32> to vector<1x16xf32>
        tpu.vector_store %arg8[%swap3A_96, %swap3A_97], %swap3A_100 {strides = array<i32>} : memref<80x64xf32, #tpu.memory_space<vmem>>, vector<1x16xf32>,
        %swap3A_101 = arith.index_cast %scan3A_86 : i32 to index
        %swap3A_102 = arith.constant 48 : index
        %swap3A_103 = tpu.vector_load %arg8[%swap3A_101, %swap3A_102] {strides = array<i32>} : memref<80x64xf32, #tpu.memory_space<vmem>>, vector<1x16xf32>,
        %swap3A_104 = vector.shape_cast %swap3A_103 : vector<1x16xf32> to vector<16xf32>
        %swap3A_105 = vector.shape_cast %broadcast_in_dim3A_63 : vector<16xf32> to vector<1x16xf32>
        tpu.vector_store %arg8[%swap3A_101, %swap3A_102], %swap3A_105 {strides = array<i32>} : memref<80x64xf32, #tpu.memory_space<vmem>>, vector<1x16xf32>,
      }
      %scan3A_69 = arith.constant 80 : i32
      %add3A_70 = arith.constant 0 : i32
      %add3A_71 = arith.addi %mul3A_2, %add3A_70 : i32
      "tpu.region"() ({
        %run_scoped3A = tpu.sem_alloc : memref<!tpu.dma_semaphore, #tpu.memory_space<semaphore_mem>>
        %dma_start3A_86 = arith.constant 0 : i32
        %dma_start3A_87 = tpu.memref_slice %arg12[%add3A_71, %dma_start3A_86] : memref<10000x64xf32, #tpu.memory_space<vmem_shared>> -> memref<80x64xf32, #tpu.memory_space<vmem_shared>>
        %dma_start3A_88 = arith.constant 0 : i32
        %dma_start3A_89 = tpu.memref_slice %arg12[%add3A_71, %dma_start3A_88] : memref<10000x64xf32, #tpu.memory_space<vmem_shared>> -> memref<80x64xf32, #tpu.memory_space<vmem_shared>>
        tpu.enqueue_dma source(%arg8 : memref<80x64xf32, #tpu.memory_space<vmem>>) target(%dma_start3A_89 : memref<80x64xf32, #tpu.memory_space<vmem_shared>>) target_semaphore(%run_scoped3A : memref<!tpu.dma_semaphore, #tpu.memory_space<semaphore_mem>>)
        %dma_wait3A_90 = arith.constant 0 : i32
        %dma_wait3A_91 = tpu.memref_slice %arg12[%add3A_71, %dma_wait3A_90] : memref<10000x64xf32, #tpu.memory_space<vmem_shared>> -> memref<80x64xf32, #tpu.memory_space<vmem_shared>>
        %dma_wait3A_92 = arith.constant 0 : i32
        %dma_wait3A_93 = tpu.memref_slice %arg12[%add3A_71, %dma_wait3A_92] : memref<10000x64xf32, #tpu.memory_space<vmem_shared>> -> memref<80x64xf32, #tpu.memory_space<vmem_shared>>
        tpu.wait_dma2 semaphore(%run_scoped3A : memref<!tpu.dma_semaphore, #tpu.memory_space<semaphore_mem>>) src(%arg8 : memref<80x64xf32, #tpu.memory_space<vmem>>) dst(%dma_wait3A_93 : memref<80x64xf32, #tpu.memory_space<vmem_shared>>)
        tpu.yield
      }) : () -> ()
      %add3A_72 = arith.constant 80 : i32
      %add3A_73 = arith.addi %mul3A_2, %add3A_72 : i32
      "tpu.region"() ({
        %run_scoped3A = tpu.sem_alloc : memref<!tpu.dma_semaphore, #tpu.memory_space<semaphore_mem>>
        %dma_start3A_86 = arith.constant 0 : i32
        %dma_start3A_87 = tpu.memref_slice %arg12[%add3A_73, %dma_start3A_86] : memref<10000x64xf32, #tpu.memory_space<vmem_shared>> -> memref<80x64xf32, #tpu.memory_space<vmem_shared>>
        %dma_start3A_88 = arith.constant 0 : i32
        %dma_start3A_89 = tpu.memref_slice %arg12[%add3A_73, %dma_start3A_88] : memref<10000x64xf32, #tpu.memory_space<vmem_shared>> -> memref<80x64xf32, #tpu.memory_space<vmem_shared>>
        tpu.enqueue_dma source(%arg8 : memref<80x64xf32, #tpu.memory_space<vmem>>) target(%dma_start3A_89 : memref<80x64xf32, #tpu.memory_space<vmem_shared>>) target_semaphore(%run_scoped3A : memref<!tpu.dma_semaphore, #tpu.memory_space<semaphore_mem>>)
        %dma_wait3A_90 = arith.constant 0 : i32
        %dma_wait3A_91 = tpu.memref_slice %arg12[%add3A_73, %dma_wait3A_90] : memref<10000x64xf32, #tpu.memory_space<vmem_shared>> -> memref<80x64xf32, #tpu.memory_space<vmem_shared>>
        %dma_wait3A_92 = arith.constant 0 : i32
        %dma_wait3A_93 = tpu.memref_slice %arg12[%add3A_73, %dma_wait3A_92] : memref<10000x64xf32, #tpu.memory_space<vmem_shared>> -> memref<80x64xf32, #tpu.memory_space<vmem_shared>>
        tpu.wait_dma2 semaphore(%run_scoped3A : memref<!tpu.dma_semaphore, #tpu.memory_space<semaphore_mem>>) src(%arg8 : memref<80x64xf32, #tpu.memory_space<vmem>>) dst(%dma_wait3A_93 : memref<80x64xf32, #tpu.memory_space<vmem_shared>>)
        tpu.yield
      }) : () -> ()
      %add3A_74 = arith.constant 160 : i32
      %add3A_75 = arith.addi %mul3A_2, %add3A_74 : i32
      "tpu.region"() ({
        %run_scoped3A = tpu.sem_alloc : memref<!tpu.dma_semaphore, #tpu.memory_space<semaphore_mem>>
        %dma_start3A_86 = arith.constant 0 : i32
        %dma_start3A_87 = tpu.memref_slice %arg12[%add3A_75, %dma_start3A_86] : memref<10000x64xf32, #tpu.memory_space<vmem_shared>> -> memref<80x64xf32, #tpu.memory_space<vmem_shared>>
        %dma_start3A_88 = arith.constant 0 : i32
        %dma_start3A_89 = tpu.memref_slice %arg12[%add3A_75, %dma_start3A_88] : memref<10000x64xf32, #tpu.memory_space<vmem_shared>> -> memref<80x64xf32, #tpu.memory_space<vmem_shared>>
        tpu.enqueue_dma source(%arg8 : memref<80x64xf32, #tpu.memory_space<vmem>>) target(%dma_start3A_89 : memref<80x64xf32, #tpu.memory_space<vmem_shared>>) target_semaphore(%run_scoped3A : memref<!tpu.dma_semaphore, #tpu.memory_space<semaphore_mem>>)
        %dma_wait3A_90 = arith.constant 0 : i32
        %dma_wait3A_91 = tpu.memref_slice %arg12[%add3A_75, %dma_wait3A_90] : memref<10000x64xf32, #tpu.memory_space<vmem_shared>> -> memref<80x64xf32, #tpu.memory_space<vmem_shared>>
        %dma_wait3A_92 = arith.constant 0 : i32
        %dma_wait3A_93 = tpu.memref_slice %arg12[%add3A_75, %dma_wait3A_92] : memref<10000x64xf32, #tpu.memory_space<vmem_shared>> -> memref<80x64xf32, #tpu.memory_space<vmem_shared>>
        tpu.wait_dma2 semaphore(%run_scoped3A : memref<!tpu.dma_semaphore, #tpu.memory_space<semaphore_mem>>) src(%arg8 : memref<80x64xf32, #tpu.memory_space<vmem>>) dst(%dma_wait3A_93 : memref<80x64xf32, #tpu.memory_space<vmem_shared>>)
        tpu.yield
      }) : () -> ()
      %add3A_76 = arith.constant 240 : i32
      %add3A_77 = arith.addi %mul3A_2, %add3A_76 : i32
      "tpu.region"() ({
        %run_scoped3A = tpu.sem_alloc : memref<!tpu.dma_semaphore, #tpu.memory_space<semaphore_mem>>
        %dma_start3A_86 = arith.constant 0 : i32
        %dma_start3A_87 = tpu.memref_slice %arg12[%add3A_77, %dma_start3A_86] : memref<10000x64xf32, #tpu.memory_space<vmem_shared>> -> memref<80x64xf32, #tpu.memory_space<vmem_shared>>
        %dma_start3A_88 = arith.constant 0 : i32
        %dma_start3A_89 = tpu.memref_slice %arg12[%add3A_77, %dma_start3A_88] : memref<10000x64xf32, #tpu.memory_space<vmem_shared>> -> memref<80x64xf32, #tpu.memory_space<vmem_shared>>
        tpu.enqueue_dma source(%arg8 : memref<80x64xf32, #tpu.memory_space<vmem>>) target(%dma_start3A_89 : memref<80x64xf32, #tpu.memory_space<vmem_shared>>) target_semaphore(%run_scoped3A : memref<!tpu.dma_semaphore, #tpu.memory_space<semaphore_mem>>)
        %dma_wait3A_90 = arith.constant 0 : i32
        %dma_wait3A_91 = tpu.memref_slice %arg12[%add3A_77, %dma_wait3A_90] : memref<10000x64xf32, #tpu.memory_space<vmem_shared>> -> memref<80x64xf32, #tpu.memory_space<vmem_shared>>
        %dma_wait3A_92 = arith.constant 0 : i32
        %dma_wait3A_93 = tpu.memref_slice %arg12[%add3A_77, %dma_wait3A_92] : memref<10000x64xf32, #tpu.memory_space<vmem_shared>> -> memref<80x64xf32, #tpu.memory_space<vmem_shared>>
        tpu.wait_dma2 semaphore(%run_scoped3A : memref<!tpu.dma_semaphore, #tpu.memory_space<semaphore_mem>>) src(%arg8 : memref<80x64xf32, #tpu.memory_space<vmem>>) dst(%dma_wait3A_93 : memref<80x64xf32, #tpu.memory_space<vmem_shared>>)
        tpu.yield
      }) : () -> ()
      %add3A_78 = arith.constant 320 : i32
      %add3A_79 = arith.addi %mul3A_2, %add3A_78 : i32
      "tpu.region"() ({
        %run_scoped3A = tpu.sem_alloc : memref<!tpu.dma_semaphore, #tpu.memory_space<semaphore_mem>>
        %dma_start3A_86 = arith.constant 0 : i32
        %dma_start3A_87 = tpu.memref_slice %arg12[%add3A_79, %dma_start3A_86] : memref<10000x64xf32, #tpu.memory_space<vmem_shared>> -> memref<80x64xf32, #tpu.memory_space<vmem_shared>>
        %dma_start3A_88 = arith.constant 0 : i32
        %dma_start3A_89 = tpu.memref_slice %arg12[%add3A_79, %dma_start3A_88] : memref<10000x64xf32, #tpu.memory_space<vmem_shared>> -> memref<80x64xf32, #tpu.memory_space<vmem_shared>>
        tpu.enqueue_dma source(%arg8 : memref<80x64xf32, #tpu.memory_space<vmem>>) target(%dma_start3A_89 : memref<80x64xf32, #tpu.memory_space<vmem_shared>>) target_semaphore(%run_scoped3A : memref<!tpu.dma_semaphore, #tpu.memory_space<semaphore_mem>>)
        %dma_wait3A_90 = arith.constant 0 : i32
        %dma_wait3A_91 = tpu.memref_slice %arg12[%add3A_79, %dma_wait3A_90] : memref<10000x64xf32, #tpu.memory_space<vmem_shared>> -> memref<80x64xf32, #tpu.memory_space<vmem_shared>>
        %dma_wait3A_92 = arith.constant 0 : i32
        %dma_wait3A_93 = tpu.memref_slice %arg12[%add3A_79, %dma_wait3A_92] : memref<10000x64xf32, #tpu.memory_space<vmem_shared>> -> memref<80x64xf32, #tpu.memory_space<vmem_shared>>
        tpu.wait_dma2 semaphore(%run_scoped3A : memref<!tpu.dma_semaphore, #tpu.memory_space<semaphore_mem>>) src(%arg8 : memref<80x64xf32, #tpu.memory_space<vmem>>) dst(%dma_wait3A_93 : memref<80x64xf32, #tpu.memory_space<vmem_shared>>)
        tpu.yield
      }) : () -> ()
      %add3A_80 = arith.constant 400 : i32
      %add3A_81 = arith.addi %mul3A_2, %add3A_80 : i32
      "tpu.region"() ({
        %run_scoped3A = tpu.sem_alloc : memref<!tpu.dma_semaphore, #tpu.memory_space<semaphore_mem>>
        %dma_start3A_86 = arith.constant 0 : i32
        %dma_start3A_87 = tpu.memref_slice %arg12[%add3A_81, %dma_start3A_86] : memref<10000x64xf32, #tpu.memory_space<vmem_shared>> -> memref<80x64xf32, #tpu.memory_space<vmem_shared>>
        %dma_start3A_88 = arith.constant 0 : i32
        %dma_start3A_89 = tpu.memref_slice %arg12[%add3A_81, %dma_start3A_88] : memref<10000x64xf32, #tpu.memory_space<vmem_shared>> -> memref<80x64xf32, #tpu.memory_space<vmem_shared>>
        tpu.enqueue_dma source(%arg8 : memref<80x64xf32, #tpu.memory_space<vmem>>) target(%dma_start3A_89 : memref<80x64xf32, #tpu.memory_space<vmem_shared>>) target_semaphore(%run_scoped3A : memref<!tpu.dma_semaphore, #tpu.memory_space<semaphore_mem>>)
        %dma_wait3A_90 = arith.constant 0 : i32
        %dma_wait3A_91 = tpu.memref_slice %arg12[%add3A_81, %dma_wait3A_90] : memref<10000x64xf32, #tpu.memory_space<vmem_shared>> -> memref<80x64xf32, #tpu.memory_space<vmem_shared>>
        %dma_wait3A_92 = arith.constant 0 : i32
        %dma_wait3A_93 = tpu.memref_slice %arg12[%add3A_81, %dma_wait3A_92] : memref<10000x64xf32, #tpu.memory_space<vmem_shared>> -> memref<80x64xf32, #tpu.memory_space<vmem_shared>>
        tpu.wait_dma2 semaphore(%run_scoped3A : memref<!tpu.dma_semaphore, #tpu.memory_space<semaphore_mem>>) src(%arg8 : memref<80x64xf32, #tpu.memory_space<vmem>>) dst(%dma_wait3A_93 : memref<80x64xf32, #tpu.memory_space<vmem_shared>>)
        tpu.yield
      }) : () -> ()
      %add3A_82 = arith.constant 480 : i32
      %add3A_83 = arith.addi %mul3A_2, %add3A_82 : i32
      "tpu.region"() ({
        %run_scoped3A = tpu.sem_alloc : memref<!tpu.dma_semaphore, #tpu.memory_space<semaphore_mem>>
        %dma_start3A_86 = arith.constant 0 : i32
        %dma_start3A_87 = tpu.memref_slice %arg12[%add3A_83, %dma_start3A_86] : memref<10000x64xf32, #tpu.memory_space<vmem_shared>> -> memref<80x64xf32, #tpu.memory_space<vmem_shared>>
        %dma_start3A_88 = arith.constant 0 : i32
        %dma_start3A_89 = tpu.memref_slice %arg12[%add3A_83, %dma_start3A_88] : memref<10000x64xf32, #tpu.memory_space<vmem_shared>> -> memref<80x64xf32, #tpu.memory_space<vmem_shared>>
        tpu.enqueue_dma source(%arg8 : memref<80x64xf32, #tpu.memory_space<vmem>>) target(%dma_start3A_89 : memref<80x64xf32, #tpu.memory_space<vmem_shared>>) target_semaphore(%run_scoped3A : memref<!tpu.dma_semaphore, #tpu.memory_space<semaphore_mem>>)
        %dma_wait3A_90 = arith.constant 0 : i32
        %dma_wait3A_91 = tpu.memref_slice %arg12[%add3A_83, %dma_wait3A_90] : memref<10000x64xf32, #tpu.memory_space<vmem_shared>> -> memref<80x64xf32, #tpu.memory_space<vmem_shared>>
        %dma_wait3A_92 = arith.constant 0 : i32
        %dma_wait3A_93 = tpu.memref_slice %arg12[%add3A_83, %dma_wait3A_92] : memref<10000x64xf32, #tpu.memory_space<vmem_shared>> -> memref<80x64xf32, #tpu.memory_space<vmem_shared>>
        tpu.wait_dma2 semaphore(%run_scoped3A : memref<!tpu.dma_semaphore, #tpu.memory_space<semaphore_mem>>) src(%arg8 : memref<80x64xf32, #tpu.memory_space<vmem>>) dst(%dma_wait3A_93 : memref<80x64xf32, #tpu.memory_space<vmem_shared>>)
        tpu.yield
      }) : () -> ()
      %add3A_84 = arith.constant 560 : i32
      %add3A_85 = arith.addi %mul3A_2, %add3A_84 : i32
      "tpu.region"() ({
        %run_scoped3A = tpu.sem_alloc : memref<!tpu.dma_semaphore, #tpu.memory_space<semaphore_mem>>
        %dma_start3A_86 = arith.constant 0 : i32
        %dma_start3A_87 = arith.constant 0 : i32
        %dma_start3A_88 = tpu.memref_slice %arg8[%dma_start3A_86, %dma_start3A_87] : memref<80x64xf32, #tpu.memory_space<vmem>> -> memref<65x64xf32, #tpu.memory_space<vmem>>
        %dma_start3A_89 = arith.constant 0 : i32
        %dma_start3A_90 = tpu.memref_slice %arg12[%add3A_85, %dma_start3A_89] : memref<10000x64xf32, #tpu.memory_space<vmem_shared>> -> memref<65x64xf32, #tpu.memory_space<vmem_shared>>
        %dma_start3A_91 = arith.constant 0 : i32
        %dma_start3A_92 = tpu.memref_slice %arg12[%add3A_85, %dma_start3A_91] : memref<10000x64xf32, #tpu.memory_space<vmem_shared>> -> memref<65x64xf32, #tpu.memory_space<vmem_shared>>
        %dma_start3A_93 = arith.constant 0 : i32
        %dma_start3A_94 = arith.constant 0 : i32
        %dma_start3A_95 = tpu.memref_slice %arg8[%dma_start3A_93, %dma_start3A_94] : memref<80x64xf32, #tpu.memory_space<vmem>> -> memref<65x64xf32, #tpu.memory_space<vmem>>
        tpu.enqueue_dma source(%dma_start3A_95 : memref<65x64xf32, #tpu.memory_space<vmem>>) target(%dma_start3A_92 : memref<65x64xf32, #tpu.memory_space<vmem_shared>>) target_semaphore(%run_scoped3A : memref<!tpu.dma_semaphore, #tpu.memory_space<semaphore_mem>>)
        %dma_wait3A_96 = arith.constant 0 : i32
        %dma_wait3A_97 = arith.constant 0 : i32
        %dma_wait3A_98 = tpu.memref_slice %arg8[%dma_wait3A_96, %dma_wait3A_97] : memref<80x64xf32, #tpu.memory_space<vmem>> -> memref<65x64xf32, #tpu.memory_space<vmem>>
        %dma_wait3A_99 = arith.constant 0 : i32
        %dma_wait3A_100 = tpu.memref_slice %arg12[%add3A_85, %dma_wait3A_99] : memref<10000x64xf32, #tpu.memory_space<vmem_shared>> -> memref<65x64xf32, #tpu.memory_space<vmem_shared>>
        %dma_wait3A_101 = arith.constant 0 : i32
        %dma_wait3A_102 = tpu.memref_slice %arg12[%add3A_85, %dma_wait3A_101] : memref<10000x64xf32, #tpu.memory_space<vmem_shared>> -> memref<65x64xf32, #tpu.memory_space<vmem_shared>>
        %dma_wait3A_103 = arith.constant 0 : i32
        %dma_wait3A_104 = arith.constant 0 : i32
        %dma_wait3A_105 = tpu.memref_slice %arg8[%dma_wait3A_103, %dma_wait3A_104] : memref<80x64xf32, #tpu.memory_space<vmem>> -> memref<65x64xf32, #tpu.memory_space<vmem>>
        tpu.wait_dma2 semaphore(%run_scoped3A : memref<!tpu.dma_semaphore, #tpu.memory_space<semaphore_mem>>) src(%dma_wait3A_105 : memref<65x64xf32, #tpu.memory_space<vmem>>) dst(%dma_wait3A_102 : memref<65x64xf32, #tpu.memory_space<vmem_shared>>)
        tpu.yield
      }) : () -> ()
    } else {
    }
    %barrier3A = arith.constant 0 : index
    tpu.barrier barrier_id(%barrier3A)
    %dma_start3A = arith.constant 0 : i32
    %dma_start3A_10 = arith.constant 0 : i32
    %dma_start3A_11 = tpu.memref_slice %arg6[%dma_start3A, %dma_start3A_10] : memref<125x80xi32, #tpu.memory_space<vmem>> -> memref<1x80xi32, #tpu.memory_space<vmem>>
    %dma_start3A_12 = tpu.memref_squeeze %dma_start3A_11 : memref<1x80xi32, #tpu.memory_space<vmem>> -> memref<80xi32, #tpu.memory_space<vmem>>
    %dma_start3A_13 = arith.constant 0 : i32
    %dma_start3A_14 = arith.constant 0 : i32
    %dma_start3A_15 = tpu.memref_slice %arg2[%dma_start3A_13, %dma_start3A_14] : memref<10000x64xf32, #tpu.memory_space<hbm>> -> memref<10000x64xf32, #tpu.memory_space<hbm>>
    tpu.enqueue_indirect_dma source(%dma_start3A_15 : memref<10000x64xf32, #tpu.memory_space<hbm>>) target(%arg8 : memref<80x64xf32, #tpu.memory_space<vmem>>) offsets(%dma_start3A_12 : memref<80xi32, #tpu.memory_space<vmem>>) semaphore(%arg13 : memref<!tpu.dma_semaphore, #tpu.memory_space<semaphore_mem>>)
    %dma_start3A_16 = arith.constant 1 : i32
    %dma_start3A_17 = arith.constant 0 : i32
    %dma_start3A_18 = tpu.memref_slice %arg6[%dma_start3A_16, %dma_start3A_17] : memref<125x80xi32, #tpu.memory_space<vmem>> -> memref<1x80xi32, #tpu.memory_space<vmem>>
    %dma_start3A_19 = tpu.memref_squeeze %dma_start3A_18 : memref<1x80xi32, #tpu.memory_space<vmem>> -> memref<80xi32, #tpu.memory_space<vmem>>
    %dma_start3A_20 = arith.constant 0 : i32
    %dma_start3A_21 = arith.constant 0 : i32
    %dma_start3A_22 = tpu.memref_slice %arg2[%dma_start3A_20, %dma_start3A_21] : memref<10000x64xf32, #tpu.memory_space<hbm>> -> memref<10000x64xf32, #tpu.memory_space<hbm>>
    tpu.enqueue_indirect_dma source(%dma_start3A_22 : memref<10000x64xf32, #tpu.memory_space<hbm>>) target(%arg9 : memref<80x64xf32, #tpu.memory_space<vmem>>) offsets(%dma_start3A_19 : memref<80xi32, #tpu.memory_space<vmem>>) semaphore(%arg14 : memref<!tpu.dma_semaphore, #tpu.memory_space<semaphore_mem>>)
    %scan3A = arith.constant 0 : i32
    %scan3A_23 = arith.constant 0 : i32
    %scan3A_24 = arith.constant 31 : i32
    %scan3A_25 = arith.addi %scan3A_23, %scan3A_24 : i32
    %scan3A_26 = arith.constant 1 : i32
    scf.for %scan3A_63 = %scan3A_23 to %scan3A_25 step %scan3A_26  : i32 {
      %mul3A_64 = arith.constant 4 : i32
      %mul3A_65 = arith.muli %mul3A_64, %scan3A_63 : i32
      %add3A_66 = arith.constant 0 : i32
      %add3A_67 = arith.addi %mul3A_65, %add3A_66 : i32
      %ge3A = arith.constant 2 : i32
      %ge3A_68 = arith.cmpi sge, %add3A_67, %ge3A : i32
      %convert_element_type3A_69 = arith.extui %ge3A_68 : i1 to i32
      %cond3A_70 = arith.constant 0 : i32
      %cond3A_71 = arith.cmpi ne, %convert_element_type3A_69, %cond3A_70 : i32
      scf.if %cond3A_71 {
        %dma_wait3A_168 = arith.constant 0 : i32
        %dma_wait3A_169 = arith.constant 0 : i32
        %dma_wait3A_170 = tpu.memref_slice %arg7[%dma_wait3A_168, %dma_wait3A_169] : memref<125x80xi32, #tpu.memory_space<vmem>> -> memref<1x80xi32, #tpu.memory_space<vmem>>
        %dma_wait3A_171 = tpu.memref_squeeze %dma_wait3A_170 : memref<1x80xi32, #tpu.memory_space<vmem>> -> memref<80xi32, #tpu.memory_space<vmem>>
        %dma_wait3A_172 = arith.constant 0 : i32
        %dma_wait3A_173 = arith.constant 0 : i32
        %dma_wait3A_174 = tpu.memref_slice %arg12[%dma_wait3A_172, %dma_wait3A_173] : memref<10000x64xf32, #tpu.memory_space<vmem_shared>> -> memref<10000x64xf32, #tpu.memory_space<vmem_shared>>
        tpu.wait_indirect_dma semaphore(%arg19 : memref<!tpu.dma_semaphore, #tpu.memory_space<semaphore_mem>>) src(%arg10 : memref<80x64xf32, #tpu.memory_space<vmem>>) dst(%dma_wait3A_174 : memref<10000x64xf32, #tpu.memory_space<vmem_shared>>)
      } else {
      }
      %add3A_72 = arith.constant 2 : i32
      %add3A_73 = arith.addi %add3A_67, %add3A_72 : i32
      %lt3A = arith.constant 125 : i32
      %lt3A_74 = arith.cmpi slt, %add3A_73, %lt3A : i32
      %convert_element_type3A_75 = arith.extui %lt3A_74 : i1 to i32
      %cond3A_76 = arith.constant 0 : i32
      %cond3A_77 = arith.cmpi ne, %convert_element_type3A_75, %cond3A_76 : i32
      scf.if %cond3A_77 {
        %add3A_168 = arith.constant 2 : i32
        %add3A_169 = arith.addi %add3A_67, %add3A_168 : i32
        %dma_start3A_170 = arith.constant 0 : i32
        %dma_start3A_171 = tpu.memref_slice %arg6[%add3A_169, %dma_start3A_170] : memref<125x80xi32, #tpu.memory_space<vmem>> -> memref<1x80xi32, #tpu.memory_space<vmem>>
        %dma_start3A_172 = tpu.memref_squeeze %dma_start3A_171 : memref<1x80xi32, #tpu.memory_space<vmem>> -> memref<80xi32, #tpu.memory_space<vmem>>
        %dma_start3A_173 = arith.constant 0 : i32
        %dma_start3A_174 = arith.constant 0 : i32
        %dma_start3A_175 = tpu.memref_slice %arg2[%dma_start3A_173, %dma_start3A_174] : memref<10000x64xf32, #tpu.memory_space<hbm>> -> memref<10000x64xf32, #tpu.memory_space<hbm>>
        tpu.enqueue_indirect_dma source(%dma_start3A_175 : memref<10000x64xf32, #tpu.memory_space<hbm>>) target(%arg10 : memref<80x64xf32, #tpu.memory_space<vmem>>) offsets(%dma_start3A_172 : memref<80xi32, #tpu.memory_space<vmem>>) semaphore(%arg15 : memref<!tpu.dma_semaphore, #tpu.memory_space<semaphore_mem>>)
      } else {
      }
      %dma_wait3A_78 = arith.constant 0 : i32
      %dma_wait3A_79 = tpu.memref_slice %arg6[%add3A_67, %dma_wait3A_78] : memref<125x80xi32, #tpu.memory_space<vmem>> -> memref<1x80xi32, #tpu.memory_space<vmem>>
      %dma_wait3A_80 = tpu.memref_squeeze %dma_wait3A_79 : memref<1x80xi32, #tpu.memory_space<vmem>> -> memref<80xi32, #tpu.memory_space<vmem>>
      %dma_wait3A_81 = arith.constant 0 : i32
      %dma_wait3A_82 = arith.constant 0 : i32
      %dma_wait3A_83 = tpu.memref_slice %arg2[%dma_wait3A_81, %dma_wait3A_82] : memref<10000x64xf32, #tpu.memory_space<hbm>> -> memref<10000x64xf32, #tpu.memory_space<hbm>>
      tpu.wait_indirect_dma semaphore(%arg13 : memref<!tpu.dma_semaphore, #tpu.memory_space<semaphore_mem>>) src(%dma_wait3A_83 : memref<10000x64xf32, #tpu.memory_space<hbm>>) dst(%arg8 : memref<80x64xf32, #tpu.memory_space<vmem>>)
      %dma_start3A_84 = arith.constant 0 : i32
      %dma_start3A_85 = tpu.memref_slice %arg7[%add3A_67, %dma_start3A_84] : memref<125x80xi32, #tpu.memory_space<vmem>> -> memref<1x80xi32, #tpu.memory_space<vmem>>
      %dma_start3A_86 = tpu.memref_squeeze %dma_start3A_85 : memref<1x80xi32, #tpu.memory_space<vmem>> -> memref<80xi32, #tpu.memory_space<vmem>>
      %dma_start3A_87 = arith.constant 0 : i32
      %dma_start3A_88 = arith.constant 0 : i32
      %dma_start3A_89 = tpu.memref_slice %arg12[%dma_start3A_87, %dma_start3A_88] : memref<10000x64xf32, #tpu.memory_space<vmem_shared>> -> memref<10000x64xf32, #tpu.memory_space<vmem_shared>>
      tpu.enqueue_indirect_dma source(%arg8 : memref<80x64xf32, #tpu.memory_space<vmem>>) target(%dma_start3A_89 : memref<10000x64xf32, #tpu.memory_space<vmem_shared>>) offsets(%dma_start3A_86 : memref<80xi32, #tpu.memory_space<vmem>>) semaphore(%arg17 : memref<!tpu.dma_semaphore, #tpu.memory_space<semaphore_mem>>) {add = true}
      %add3A_90 = arith.constant 1 : i32
      %add3A_91 = arith.addi %mul3A_65, %add3A_90 : i32
      %ge3A_92 = arith.constant 2 : i32
      %ge3A_93 = arith.cmpi sge, %add3A_91, %ge3A_92 : i32
      %convert_element_type3A_94 = arith.extui %ge3A_93 : i1 to i32
      %cond3A_95 = arith.constant 0 : i32
      %cond3A_96 = arith.cmpi ne, %convert_element_type3A_94, %cond3A_95 : i32
      scf.if %cond3A_96 {
        %dma_wait3A_168 = arith.constant 0 : i32
        %dma_wait3A_169 = arith.constant 0 : i32
        %dma_wait3A_170 = tpu.memref_slice %arg7[%dma_wait3A_168, %dma_wait3A_169] : memref<125x80xi32, #tpu.memory_space<vmem>> -> memref<1x80xi32, #tpu.memory_space<vmem>>
        %dma_wait3A_171 = tpu.memref_squeeze %dma_wait3A_170 : memref<1x80xi32, #tpu.memory_space<vmem>> -> memref<80xi32, #tpu.memory_space<vmem>>
        %dma_wait3A_172 = arith.constant 0 : i32
        %dma_wait3A_173 = arith.constant 0 : i32
        %dma_wait3A_174 = tpu.memref_slice %arg12[%dma_wait3A_172, %dma_wait3A_173] : memref<10000x64xf32, #tpu.memory_space<vmem_shared>> -> memref<10000x64xf32, #tpu.memory_space<vmem_shared>>
        tpu.wait_indirect_dma semaphore(%arg20 : memref<!tpu.dma_semaphore, #tpu.memory_space<semaphore_mem>>) src(%arg11 : memref<80x64xf32, #tpu.memory_space<vmem>>) dst(%dma_wait3A_174 : memref<10000x64xf32, #tpu.memory_space<vmem_shared>>)
      } else {
      }
      %add3A_97 = arith.constant 2 : i32
      %add3A_98 = arith.addi %add3A_91, %add3A_97 : i32
      %lt3A_99 = arith.constant 125 : i32
      %lt3A_100 = arith.cmpi slt, %add3A_98, %lt3A_99 : i32
      %convert_element_type3A_101 = arith.extui %lt3A_100 : i1 to i32
      %cond3A_102 = arith.constant 0 : i32
      %cond3A_103 = arith.cmpi ne, %convert_element_type3A_101, %cond3A_102 : i32
      scf.if %cond3A_103 {
        %add3A_168 = arith.constant 2 : i32
        %add3A_169 = arith.addi %add3A_91, %add3A_168 : i32
        %dma_start3A_170 = arith.constant 0 : i32
        %dma_start3A_171 = tpu.memref_slice %arg6[%add3A_169, %dma_start3A_170] : memref<125x80xi32, #tpu.memory_space<vmem>> -> memref<1x80xi32, #tpu.memory_space<vmem>>
        %dma_start3A_172 = tpu.memref_squeeze %dma_start3A_171 : memref<1x80xi32, #tpu.memory_space<vmem>> -> memref<80xi32, #tpu.memory_space<vmem>>
        %dma_start3A_173 = arith.constant 0 : i32
        %dma_start3A_174 = arith.constant 0 : i32
        %dma_start3A_175 = tpu.memref_slice %arg2[%dma_start3A_173, %dma_start3A_174] : memref<10000x64xf32, #tpu.memory_space<hbm>> -> memref<10000x64xf32, #tpu.memory_space<hbm>>
        tpu.enqueue_indirect_dma source(%dma_start3A_175 : memref<10000x64xf32, #tpu.memory_space<hbm>>) target(%arg11 : memref<80x64xf32, #tpu.memory_space<vmem>>) offsets(%dma_start3A_172 : memref<80xi32, #tpu.memory_space<vmem>>) semaphore(%arg16 : memref<!tpu.dma_semaphore, #tpu.memory_space<semaphore_mem>>)
      } else {
      }
      %dma_wait3A_104 = arith.constant 0 : i32
      %dma_wait3A_105 = tpu.memref_slice %arg6[%add3A_91, %dma_wait3A_104] : memref<125x80xi32, #tpu.memory_space<vmem>> -> memref<1x80xi32, #tpu.memory_space<vmem>>
      %dma_wait3A_106 = tpu.memref_squeeze %dma_wait3A_105 : memref<1x80xi32, #tpu.memory_space<vmem>> -> memref<80xi32, #tpu.memory_space<vmem>>
      %dma_wait3A_107 = arith.constant 0 : i32
      %dma_wait3A_108 = arith.constant 0 : i32
      %dma_wait3A_109 = tpu.memref_slice %arg2[%dma_wait3A_107, %dma_wait3A_108] : memref<10000x64xf32, #tpu.memory_space<hbm>> -> memref<10000x64xf32, #tpu.memory_space<hbm>>
      tpu.wait_indirect_dma semaphore(%arg14 : memref<!tpu.dma_semaphore, #tpu.memory_space<semaphore_mem>>) src(%dma_wait3A_109 : memref<10000x64xf32, #tpu.memory_space<hbm>>) dst(%arg9 : memref<80x64xf32, #tpu.memory_space<vmem>>)
      %dma_start3A_110 = arith.constant 0 : i32
      %dma_start3A_111 = tpu.memref_slice %arg7[%add3A_91, %dma_start3A_110] : memref<125x80xi32, #tpu.memory_space<vmem>> -> memref<1x80xi32, #tpu.memory_space<vmem>>
      %dma_start3A_112 = tpu.memref_squeeze %dma_start3A_111 : memref<1x80xi32, #tpu.memory_space<vmem>> -> memref<80xi32, #tpu.memory_space<vmem>>
      %dma_start3A_113 = arith.constant 0 : i32
      %dma_start3A_114 = arith.constant 0 : i32
      %dma_start3A_115 = tpu.memref_slice %arg12[%dma_start3A_113, %dma_start3A_114] : memref<10000x64xf32, #tpu.memory_space<vmem_shared>> -> memref<10000x64xf32, #tpu.memory_space<vmem_shared>>
      tpu.enqueue_indirect_dma source(%arg9 : memref<80x64xf32, #tpu.memory_space<vmem>>) target(%dma_start3A_115 : memref<10000x64xf32, #tpu.memory_space<vmem_shared>>) offsets(%dma_start3A_112 : memref<80xi32, #tpu.memory_space<vmem>>) semaphore(%arg18 : memref<!tpu.dma_semaphore, #tpu.memory_space<semaphore_mem>>) {add = true}
      %add3A_116 = arith.constant 2 : i32
      %add3A_117 = arith.addi %mul3A_65, %add3A_116 : i32
      %ge3A_118 = arith.constant 2 : i32
      %ge3A_119 = arith.cmpi sge, %add3A_117, %ge3A_118 : i32
      %convert_element_type3A_120 = arith.extui %ge3A_119 : i1 to i32
      %cond3A_121 = arith.constant 0 : i32
      %cond3A_122 = arith.cmpi ne, %convert_element_type3A_120, %cond3A_121 : i32
      scf.if %cond3A_122 {
        %dma_wait3A_168 = arith.constant 0 : i32
        %dma_wait3A_169 = arith.constant 0 : i32
        %dma_wait3A_170 = tpu.memref_slice %arg7[%dma_wait3A_168, %dma_wait3A_169] : memref<125x80xi32, #tpu.memory_space<vmem>> -> memref<1x80xi32, #tpu.memory_space<vmem>>
        %dma_wait3A_171 = tpu.memref_squeeze %dma_wait3A_170 : memref<1x80xi32, #tpu.memory_space<vmem>> -> memref<80xi32, #tpu.memory_space<vmem>>
        %dma_wait3A_172 = arith.constant 0 : i32
        %dma_wait3A_173 = arith.constant 0 : i32
        %dma_wait3A_174 = tpu.memref_slice %arg12[%dma_wait3A_172, %dma_wait3A_173] : memref<10000x64xf32, #tpu.memory_space<vmem_shared>> -> memref<10000x64xf32, #tpu.memory_space<vmem_shared>>
        tpu.wait_indirect_dma semaphore(%arg17 : memref<!tpu.dma_semaphore, #tpu.memory_space<semaphore_mem>>) src(%arg8 : memref<80x64xf32, #tpu.memory_space<vmem>>) dst(%dma_wait3A_174 : memref<10000x64xf32, #tpu.memory_space<vmem_shared>>)
      } else {
      }
      %add3A_123 = arith.constant 2 : i32
      %add3A_124 = arith.addi %add3A_117, %add3A_123 : i32
      %lt3A_125 = arith.constant 125 : i32
      %lt3A_126 = arith.cmpi slt, %add3A_124, %lt3A_125 : i32
      %convert_element_type3A_127 = arith.extui %lt3A_126 : i1 to i32
      %cond3A_128 = arith.constant 0 : i32
      %cond3A_129 = arith.cmpi ne, %convert_element_type3A_127, %cond3A_128 : i32
      scf.if %cond3A_129 {
        %add3A_168 = arith.constant 2 : i32
        %add3A_169 = arith.addi %add3A_117, %add3A_168 : i32
        %dma_start3A_170 = arith.constant 0 : i32
        %dma_start3A_171 = tpu.memref_slice %arg6[%add3A_169, %dma_start3A_170] : memref<125x80xi32, #tpu.memory_space<vmem>> -> memref<1x80xi32, #tpu.memory_space<vmem>>
        %dma_start3A_172 = tpu.memref_squeeze %dma_start3A_171 : memref<1x80xi32, #tpu.memory_space<vmem>> -> memref<80xi32, #tpu.memory_space<vmem>>
        %dma_start3A_173 = arith.constant 0 : i32
        %dma_start3A_174 = arith.constant 0 : i32
        %dma_start3A_175 = tpu.memref_slice %arg2[%dma_start3A_173, %dma_start3A_174] : memref<10000x64xf32, #tpu.memory_space<hbm>> -> memref<10000x64xf32, #tpu.memory_space<hbm>>
        tpu.enqueue_indirect_dma source(%dma_start3A_175 : memref<10000x64xf32, #tpu.memory_space<hbm>>) target(%arg8 : memref<80x64xf32, #tpu.memory_space<vmem>>) offsets(%dma_start3A_172 : memref<80xi32, #tpu.memory_space<vmem>>) semaphore(%arg13 : memref<!tpu.dma_semaphore, #tpu.memory_space<semaphore_mem>>)
      } else {
      }
      %dma_wait3A_130 = arith.constant 0 : i32
      %dma_wait3A_131 = tpu.memref_slice %arg6[%add3A_117, %dma_wait3A_130] : memref<125x80xi32, #tpu.memory_space<vmem>> -> memref<1x80xi32, #tpu.memory_space<vmem>>
      %dma_wait3A_132 = tpu.memref_squeeze %dma_wait3A_131 : memref<1x80xi32, #tpu.memory_space<vmem>> -> memref<80xi32, #tpu.memory_space<vmem>>
      %dma_wait3A_133 = arith.constant 0 : i32
      %dma_wait3A_134 = arith.constant 0 : i32
      %dma_wait3A_135 = tpu.memref_slice %arg2[%dma_wait3A_133, %dma_wait3A_134] : memref<10000x64xf32, #tpu.memory_space<hbm>> -> memref<10000x64xf32, #tpu.memory_space<hbm>>
      tpu.wait_indirect_dma semaphore(%arg15 : memref<!tpu.dma_semaphore, #tpu.memory_space<semaphore_mem>>) src(%dma_wait3A_135 : memref<10000x64xf32, #tpu.memory_space<hbm>>) dst(%arg10 : memref<80x64xf32, #tpu.memory_space<vmem>>)
      %dma_start3A_136 = arith.constant 0 : i32
      %dma_start3A_137 = tpu.memref_slice %arg7[%add3A_117, %dma_start3A_136] : memref<125x80xi32, #tpu.memory_space<vmem>> -> memref<1x80xi32, #tpu.memory_space<vmem>>
      %dma_start3A_138 = tpu.memref_squeeze %dma_start3A_137 : memref<1x80xi32, #tpu.memory_space<vmem>> -> memref<80xi32, #tpu.memory_space<vmem>>
      %dma_start3A_139 = arith.constant 0 : i32
      %dma_start3A_140 = arith.constant 0 : i32
      %dma_start3A_141 = tpu.memref_slice %arg12[%dma_start3A_139, %dma_start3A_140] : memref<10000x64xf32, #tpu.memory_space<vmem_shared>> -> memref<10000x64xf32, #tpu.memory_space<vmem_shared>>
      tpu.enqueue_indirect_dma source(%arg10 : memref<80x64xf32, #tpu.memory_space<vmem>>) target(%dma_start3A_141 : memref<10000x64xf32, #tpu.memory_space<vmem_shared>>) offsets(%dma_start3A_138 : memref<80xi32, #tpu.memory_space<vmem>>) semaphore(%arg19 : memref<!tpu.dma_semaphore, #tpu.memory_space<semaphore_mem>>) {add = true}
      %add3A_142 = arith.constant 3 : i32
      %add3A_143 = arith.addi %mul3A_65, %add3A_142 : i32
      %ge3A_144 = arith.constant 2 : i32
      %ge3A_145 = arith.cmpi sge, %add3A_143, %ge3A_144 : i32
      %convert_element_type3A_146 = arith.extui %ge3A_145 : i1 to i32
      %cond3A_147 = arith.constant 0 : i32
      %cond3A_148 = arith.cmpi ne, %convert_element_type3A_146, %cond3A_147 : i32
      scf.if %cond3A_148 {
        %dma_wait3A_168 = arith.constant 0 : i32
        %dma_wait3A_169 = arith.constant 0 : i32
        %dma_wait3A_170 = tpu.memref_slice %arg7[%dma_wait3A_168, %dma_wait3A_169] : memref<125x80xi32, #tpu.memory_space<vmem>> -> memref<1x80xi32, #tpu.memory_space<vmem>>
        %dma_wait3A_171 = tpu.memref_squeeze %dma_wait3A_170 : memref<1x80xi32, #tpu.memory_space<vmem>> -> memref<80xi32, #tpu.memory_space<vmem>>
        %dma_wait3A_172 = arith.constant 0 : i32
        %dma_wait3A_173 = arith.constant 0 : i32
        %dma_wait3A_174 = tpu.memref_slice %arg12[%dma_wait3A_172, %dma_wait3A_173] : memref<10000x64xf32, #tpu.memory_space<vmem_shared>> -> memref<10000x64xf32, #tpu.memory_space<vmem_shared>>
        tpu.wait_indirect_dma semaphore(%arg18 : memref<!tpu.dma_semaphore, #tpu.memory_space<semaphore_mem>>) src(%arg9 : memref<80x64xf32, #tpu.memory_space<vmem>>) dst(%dma_wait3A_174 : memref<10000x64xf32, #tpu.memory_space<vmem_shared>>)
      } else {
      }
      %add3A_149 = arith.constant 2 : i32
      %add3A_150 = arith.addi %add3A_143, %add3A_149 : i32
      %lt3A_151 = arith.constant 125 : i32
      %lt3A_152 = arith.cmpi slt, %add3A_150, %lt3A_151 : i32
      %convert_element_type3A_153 = arith.extui %lt3A_152 : i1 to i32
      %cond3A_154 = arith.constant 0 : i32
      %cond3A_155 = arith.cmpi ne, %convert_element_type3A_153, %cond3A_154 : i32
      scf.if %cond3A_155 {
        %add3A_168 = arith.constant 2 : i32
        %add3A_169 = arith.addi %add3A_143, %add3A_168 : i32
        %dma_start3A_170 = arith.constant 0 : i32
        %dma_start3A_171 = tpu.memref_slice %arg6[%add3A_169, %dma_start3A_170] : memref<125x80xi32, #tpu.memory_space<vmem>> -> memref<1x80xi32, #tpu.memory_space<vmem>>
        %dma_start3A_172 = tpu.memref_squeeze %dma_start3A_171 : memref<1x80xi32, #tpu.memory_space<vmem>> -> memref<80xi32, #tpu.memory_space<vmem>>
        %dma_start3A_173 = arith.constant 0 : i32
        %dma_start3A_174 = arith.constant 0 : i32
        %dma_start3A_175 = tpu.memref_slice %arg2[%dma_start3A_173, %dma_start3A_174] : memref<10000x64xf32, #tpu.memory_space<hbm>> -> memref<10000x64xf32, #tpu.memory_space<hbm>>
        tpu.enqueue_indirect_dma source(%dma_start3A_175 : memref<10000x64xf32, #tpu.memory_space<hbm>>) target(%arg9 : memref<80x64xf32, #tpu.memory_space<vmem>>) offsets(%dma_start3A_172 : memref<80xi32, #tpu.memory_space<vmem>>) semaphore(%arg14 : memref<!tpu.dma_semaphore, #tpu.memory_space<semaphore_mem>>)
      } else {
      }
      %dma_wait3A_156 = arith.constant 0 : i32
      %dma_wait3A_157 = tpu.memref_slice %arg6[%add3A_143, %dma_wait3A_156] : memref<125x80xi32, #tpu.memory_space<vmem>> -> memref<1x80xi32, #tpu.memory_space<vmem>>
      %dma_wait3A_158 = tpu.memref_squeeze %dma_wait3A_157 : memref<1x80xi32, #tpu.memory_space<vmem>> -> memref<80xi32, #tpu.memory_space<vmem>>
      %dma_wait3A_159 = arith.constant 0 : i32
      %dma_wait3A_160 = arith.constant 0 : i32
      %dma_wait3A_161 = tpu.memref_slice %arg2[%dma_wait3A_159, %dma_wait3A_160] : memref<10000x64xf32, #tpu.memory_space<hbm>> -> memref<10000x64xf32, #tpu.memory_space<hbm>>
      tpu.wait_indirect_dma semaphore(%arg16 : memref<!tpu.dma_semaphore, #tpu.memory_space<semaphore_mem>>) src(%dma_wait3A_161 : memref<10000x64xf32, #tpu.memory_space<hbm>>) dst(%arg11 : memref<80x64xf32, #tpu.memory_space<vmem>>)
      %dma_start3A_162 = arith.constant 0 : i32
      %dma_start3A_163 = tpu.memref_slice %arg7[%add3A_143, %dma_start3A_162] : memref<125x80xi32, #tpu.memory_space<vmem>> -> memref<1x80xi32, #tpu.memory_space<vmem>>
      %dma_start3A_164 = tpu.memref_squeeze %dma_start3A_163 : memref<1x80xi32, #tpu.memory_space<vmem>> -> memref<80xi32, #tpu.memory_space<vmem>>
      %dma_start3A_165 = arith.constant 0 : i32
      %dma_start3A_166 = arith.constant 0 : i32
      %dma_start3A_167 = tpu.memref_slice %arg12[%dma_start3A_165, %dma_start3A_166] : memref<10000x64xf32, #tpu.memory_space<vmem_shared>> -> memref<10000x64xf32, #tpu.memory_space<vmem_shared>>
      tpu.enqueue_indirect_dma source(%arg11 : memref<80x64xf32, #tpu.memory_space<vmem>>) target(%dma_start3A_167 : memref<10000x64xf32, #tpu.memory_space<vmem_shared>>) offsets(%dma_start3A_164 : memref<80xi32, #tpu.memory_space<vmem>>) semaphore(%arg20 : memref<!tpu.dma_semaphore, #tpu.memory_space<semaphore_mem>>) {add = true}
    }
    %scan3A_27 = arith.constant 31 : i32
    %dma_wait3A = arith.constant 124 : i32
    %dma_wait3A_28 = arith.constant 0 : i32
    %dma_wait3A_29 = tpu.memref_slice %arg6[%dma_wait3A, %dma_wait3A_28] : memref<125x80xi32, #tpu.memory_space<vmem>> -> memref<1x80xi32, #tpu.memory_space<vmem>>
    %dma_wait3A_30 = tpu.memref_squeeze %dma_wait3A_29 : memref<1x80xi32, #tpu.memory_space<vmem>> -> memref<80xi32, #tpu.memory_space<vmem>>
    %dma_wait3A_31 = arith.constant 0 : i32
    %dma_wait3A_32 = arith.constant 0 : i32
    %dma_wait3A_33 = tpu.memref_slice %arg2[%dma_wait3A_31, %dma_wait3A_32] : memref<10000x64xf32, #tpu.memory_space<hbm>> -> memref<10000x64xf32, #tpu.memory_space<hbm>>
    tpu.wait_indirect_dma semaphore(%arg13 : memref<!tpu.dma_semaphore, #tpu.memory_space<semaphore_mem>>) src(%dma_wait3A_33 : memref<10000x64xf32, #tpu.memory_space<hbm>>) dst(%arg8 : memref<80x64xf32, #tpu.memory_space<vmem>>)
    %dma_start3A_34 = arith.constant 124 : i32
    %dma_start3A_35 = arith.constant 0 : i32
    %dma_start3A_36 = tpu.memref_slice %arg7[%dma_start3A_34, %dma_start3A_35] : memref<125x80xi32, #tpu.memory_space<vmem>> -> memref<1x80xi32, #tpu.memory_space<vmem>>
    %dma_start3A_37 = tpu.memref_squeeze %dma_start3A_36 : memref<1x80xi32, #tpu.memory_space<vmem>> -> memref<80xi32, #tpu.memory_space<vmem>>
    %dma_start3A_38 = arith.constant 0 : i32
    %dma_start3A_39 = arith.constant 0 : i32
    %dma_start3A_40 = tpu.memref_slice %arg12[%dma_start3A_38, %dma_start3A_39] : memref<10000x64xf32, #tpu.memory_space<vmem_shared>> -> memref<10000x64xf32, #tpu.memory_space<vmem_shared>>
    tpu.enqueue_indirect_dma source(%arg8 : memref<80x64xf32, #tpu.memory_space<vmem>>) target(%dma_start3A_40 : memref<10000x64xf32, #tpu.memory_space<vmem_shared>>) offsets(%dma_start3A_37 : memref<80xi32, #tpu.memory_space<vmem>>) semaphore(%arg17 : memref<!tpu.dma_semaphore, #tpu.memory_space<semaphore_mem>>) {add = true}
    %dma_wait3A_41 = arith.constant 0 : i32
    %dma_wait3A_42 = arith.constant 0 : i32
    %dma_wait3A_43 = tpu.memref_slice %arg7[%dma_wait3A_41, %dma_wait3A_42] : memref<125x80xi32, #tpu.memory_space<vmem>> -> memref<1x80xi32, #tpu.memory_space<vmem>>
    %dma_wait3A_44 = tpu.memref_squeeze %dma_wait3A_43 : memref<1x80xi32, #tpu.memory_space<vmem>> -> memref<80xi32, #tpu.memory_space<vmem>>
    %dma_wait3A_45 = arith.constant 0 : i32
    %dma_wait3A_46 = arith.constant 0 : i32
    %dma_wait3A_47 = tpu.memref_slice %arg12[%dma_wait3A_45, %dma_wait3A_46] : memref<10000x64xf32, #tpu.memory_space<vmem_shared>> -> memref<10000x64xf32, #tpu.memory_space<vmem_shared>>
    tpu.wait_indirect_dma semaphore(%arg17 : memref<!tpu.dma_semaphore, #tpu.memory_space<semaphore_mem>>) src(%arg8 : memref<80x64xf32, #tpu.memory_space<vmem>>) dst(%dma_wait3A_47 : memref<10000x64xf32, #tpu.memory_space<vmem_shared>>)
    %dma_wait3A_48 = arith.constant 0 : i32
    %dma_wait3A_49 = arith.constant 0 : i32
    %dma_wait3A_50 = tpu.memref_slice %arg7[%dma_wait3A_48, %dma_wait3A_49] : memref<125x80xi32, #tpu.memory_space<vmem>> -> memref<1x80xi32, #tpu.memory_space<vmem>>
    %dma_wait3A_51 = tpu.memref_squeeze %dma_wait3A_50 : memref<1x80xi32, #tpu.memory_space<vmem>> -> memref<80xi32, #tpu.memory_space<vmem>>
    %dma_wait3A_52 = arith.constant 0 : i32
    %dma_wait3A_53 = arith.constant 0 : i32
    %dma_wait3A_54 = tpu.memref_slice %arg12[%dma_wait3A_52, %dma_wait3A_53] : memref<10000x64xf32, #tpu.memory_space<vmem_shared>> -> memref<10000x64xf32, #tpu.memory_space<vmem_shared>>
    tpu.wait_indirect_dma semaphore(%arg19 : memref<!tpu.dma_semaphore, #tpu.memory_space<semaphore_mem>>) src(%arg10 : memref<80x64xf32, #tpu.memory_space<vmem>>) dst(%dma_wait3A_54 : memref<10000x64xf32, #tpu.memory_space<vmem_shared>>)
    %dma_wait3A_55 = arith.constant 0 : i32
    %dma_wait3A_56 = arith.constant 0 : i32
    %dma_wait3A_57 = tpu.memref_slice %arg7[%dma_wait3A_55, %dma_wait3A_56] : memref<125x80xi32, #tpu.memory_space<vmem>> -> memref<1x80xi32, #tpu.memory_space<vmem>>
    %dma_wait3A_58 = tpu.memref_squeeze %dma_wait3A_57 : memref<1x80xi32, #tpu.memory_space<vmem>> -> memref<80xi32, #tpu.memory_space<vmem>>
    %dma_wait3A_59 = arith.constant 0 : i32
    %dma_wait3A_60 = arith.constant 0 : i32
    %dma_wait3A_61 = tpu.memref_slice %arg12[%dma_wait3A_59, %dma_wait3A_60] : memref<10000x64xf32, #tpu.memory_space<vmem_shared>> -> memref<10000x64xf32, #tpu.memory_space<vmem_shared>>
    tpu.wait_indirect_dma semaphore(%arg20 : memref<!tpu.dma_semaphore, #tpu.memory_space<semaphore_mem>>) src(%arg11 : memref<80x64xf32, #tpu.memory_space<vmem>>) dst(%dma_wait3A_61 : memref<10000x64xf32, #tpu.memory_space<vmem_shared>>)
    %barrier3A_62 = arith.constant 0 : index
    tpu.barrier barrier_id(%barrier3A_62)
    "tpu.region"() ({
      %run_scoped3A = tpu.sem_alloc : memref<!tpu.dma_semaphore, #tpu.memory_space<semaphore_mem>>
      %dma_start3A_63 = arith.constant 0 : i32
      %dma_start3A_64 = arith.constant 0 : i32
      %dma_start3A_65 = tpu.memref_slice %arg5[%arg0, %dma_start3A_63, %dma_start3A_64] : memref<2x10000x64xf32, #tpu.memory_space<hbm>> -> memref<1x10000x64xf32, #tpu.memory_space<hbm>>
      %dma_start3A_66 = tpu.memref_squeeze %dma_start3A_65 : memref<1x10000x64xf32, #tpu.memory_space<hbm>> -> memref<10000x64xf32, #tpu.memory_space<hbm>>
      %dma_start3A_67 = arith.constant 0 : i32
      %dma_start3A_68 = tpu.memref_slice %dma_start3A_66[%mul3A_2, %dma_start3A_67] : memref<10000x64xf32, #tpu.memory_space<hbm>> -> memref<625x64xf32, #tpu.memory_space<hbm>>
      %dma_start3A_69 = arith.constant 0 : i32
      %dma_start3A_70 = tpu.memref_slice %arg12[%mul3A_2, %dma_start3A_69] : memref<10000x64xf32, #tpu.memory_space<vmem_shared>> -> memref<625x64xf32, #tpu.memory_space<vmem_shared>>
      tpu.enqueue_dma source(%dma_start3A_70 : memref<625x64xf32, #tpu.memory_space<vmem_shared>>) target(%dma_start3A_68 : memref<625x64xf32, #tpu.memory_space<hbm>>) target_semaphore(%run_scoped3A : memref<!tpu.dma_semaphore, #tpu.memory_space<semaphore_mem>>)
      %dma_wait3A_71 = arith.constant 0 : i32
      %dma_wait3A_72 = arith.constant 0 : i32
      %dma_wait3A_73 = tpu.memref_slice %arg5[%arg0, %dma_wait3A_71, %dma_wait3A_72] : memref<2x10000x64xf32, #tpu.memory_space<hbm>> -> memref<1x10000x64xf32, #tpu.memory_space<hbm>>
      %dma_wait3A_74 = tpu.memref_squeeze %dma_wait3A_73 : memref<1x10000x64xf32, #tpu.memory_space<hbm>> -> memref<10000x64xf32, #tpu.memory_space<hbm>>
      %dma_wait3A_75 = arith.constant 0 : i32
      %dma_wait3A_76 = tpu.memref_slice %dma_wait3A_74[%mul3A_2, %dma_wait3A_75] : memref<10000x64xf32, #tpu.memory_space<hbm>> -> memref<625x64xf32, #tpu.memory_space<hbm>>
      %dma_wait3A_77 = arith.constant 0 : i32
      %dma_wait3A_78 = tpu.memref_slice %arg12[%mul3A_2, %dma_wait3A_77] : memref<10000x64xf32, #tpu.memory_space<vmem_shared>> -> memref<625x64xf32, #tpu.memory_space<vmem_shared>>
      tpu.wait_dma2 semaphore(%run_scoped3A : memref<!tpu.dma_semaphore, #tpu.memory_space<semaphore_mem>>) src(%dma_wait3A_78 : memref<625x64xf32, #tpu.memory_space<vmem_shared>>) dst(%dma_wait3A_76 : memref<625x64xf32, #tpu.memory_space<hbm>>)
      tpu.yield
    }) : () -> ()
    return
  }
}

#map = affine_map<(d0, d1) -> (0, 0)>
#map1 = affine_map<(d0, d1) -> (0, 0, 0)>
module attributes {stable_mosaic.version = 14 : i64} {
  func.func @_spmm_body(%arg0: i32, %arg1: i32, %arg2: memref<10000x64xf32, #tpu.memory_space<hbm>>, %arg3: memref<32x125x80xi32, #tpu.memory_space<hbm>>, %arg4: memref<32x125x80xi32, #tpu.memory_space<hbm>>, %arg5: memref<2x10000x64xf32, #tpu.memory_space<hbm>>, %arg6: memref<125x80xi32, #tpu.memory_space<vmem>>, %arg7: memref<125x80xi32, #tpu.memory_space<vmem>>, %arg8: memref<80x64xf32, #tpu.memory_space<vmem>>, %arg9: memref<80x64xf32, #tpu.memory_space<vmem>>, %arg10: memref<80x64xf32, #tpu.memory_space<vmem>>, %arg11: memref<80x64xf32, #tpu.memory_space<vmem>>, %arg12: memref<10000x64xf32, #tpu.memory_space<vmem_shared>>, %arg13: memref<!tpu.dma_semaphore, #tpu.memory_space<semaphore_mem>>, %arg14: memref<!tpu.dma_semaphore, #tpu.memory_space<semaphore_mem>>, %arg15: memref<!tpu.dma_semaphore, #tpu.memory_space<semaphore_mem>>, %arg16: memref<!tpu.dma_semaphore, #tpu.memory_space<semaphore_mem>>, %arg17: memref<!tpu.dma_semaphore, #tpu.memory_space<semaphore_mem>>, %arg18: memref<!tpu.dma_semaphore, #tpu.memory_space<semaphore_mem>>, %arg19: memref<!tpu.dma_semaphore, #tpu.memory_space<semaphore_mem>>, %arg20: memref<!tpu.dma_semaphore, #tpu.memory_space<semaphore_mem>>) attributes {dimension_semantics = [#tpu.dimension_semantics<core_parallel>, #tpu.dimension_semantics<subcore_parallel>], iteration_bounds = array<i64: 2, 16>, scalar_prefetch = 0 : i64, scratch_operands = 15 : i64, tpu.core_type = #tpu.core_type<sc_vector_subcore>, window_params = [{transform_indices = #map}, {transform_indices = #map1}, {transform_indices = #map1}, {transform_indices = #map1}]} {
    %mul3A = arith.constant 16 : i32
    %mul3A_0 = arith.muli %arg0, %mul3A : i32
    %add3A = arith.addi %mul3A_0, %arg1 : i32
    "tpu.region"() ({
      %run_scoped3A = tpu.sem_alloc : memref<!tpu.dma_semaphore, #tpu.memory_space<semaphore_mem>>
      %dma_start3A_63 = arith.constant 0 : i32
      %dma_start3A_64 = arith.constant 0 : i32
      %dma_start3A_65 = tpu.memref_slice %arg3[%add3A, %dma_start3A_63, %dma_start3A_64] : memref<32x125x80xi32, #tpu.memory_space<hbm>> -> memref<1x125x80xi32, #tpu.memory_space<hbm>>
      %dma_start3A_66 = tpu.memref_squeeze %dma_start3A_65 : memref<1x125x80xi32, #tpu.memory_space<hbm>> -> memref<125x80xi32, #tpu.memory_space<hbm>>
      %dma_start3A_67 = arith.constant 0 : i32
      %dma_start3A_68 = arith.constant 0 : i32
      %dma_start3A_69 = tpu.memref_slice %arg3[%add3A, %dma_start3A_67, %dma_start3A_68] : memref<32x125x80xi32, #tpu.memory_space<hbm>> -> memref<1x125x80xi32, #tpu.memory_space<hbm>>
      %dma_start3A_70 = tpu.memref_squeeze %dma_start3A_69 : memref<1x125x80xi32, #tpu.memory_space<hbm>> -> memref<125x80xi32, #tpu.memory_space<hbm>>
      tpu.enqueue_dma source(%dma_start3A_70 : memref<125x80xi32, #tpu.memory_space<hbm>>) target(%arg6 : memref<125x80xi32, #tpu.memory_space<vmem>>) target_semaphore(%run_scoped3A : memref<!tpu.dma_semaphore, #tpu.memory_space<semaphore_mem>>)
      %dma_wait3A_71 = arith.constant 0 : i32
      %dma_wait3A_72 = arith.constant 0 : i32
      %dma_wait3A_73 = tpu.memref_slice %arg3[%add3A, %dma_wait3A_71, %dma_wait3A_72] : memref<32x125x80xi32, #tpu.memory_space<hbm>> -> memref<1x125x80xi32, #tpu.memory_space<hbm>>
      %dma_wait3A_74 = tpu.memref_squeeze %dma_wait3A_73 : memref<1x125x80xi32, #tpu.memory_space<hbm>> -> memref<125x80xi32, #tpu.memory_space<hbm>>
      %dma_wait3A_75 = arith.constant 0 : i32
      %dma_wait3A_76 = arith.constant 0 : i32
      %dma_wait3A_77 = tpu.memref_slice %arg3[%add3A, %dma_wait3A_75, %dma_wait3A_76] : memref<32x125x80xi32, #tpu.memory_space<hbm>> -> memref<1x125x80xi32, #tpu.memory_space<hbm>>
      %dma_wait3A_78 = tpu.memref_squeeze %dma_wait3A_77 : memref<1x125x80xi32, #tpu.memory_space<hbm>> -> memref<125x80xi32, #tpu.memory_space<hbm>>
      tpu.wait_dma2 semaphore(%run_scoped3A : memref<!tpu.dma_semaphore, #tpu.memory_space<semaphore_mem>>) src(%dma_wait3A_78 : memref<125x80xi32, #tpu.memory_space<hbm>>) dst(%arg6 : memref<125x80xi32, #tpu.memory_space<vmem>>)
      tpu.yield
    }) : () -> ()
    "tpu.region"() ({
      %run_scoped3A = tpu.sem_alloc : memref<!tpu.dma_semaphore, #tpu.memory_space<semaphore_mem>>
      %dma_start3A_63 = arith.constant 0 : i32
      %dma_start3A_64 = arith.constant 0 : i32
      %dma_start3A_65 = tpu.memref_slice %arg4[%add3A, %dma_start3A_63, %dma_start3A_64] : memref<32x125x80xi32, #tpu.memory_space<hbm>> -> memref<1x125x80xi32, #tpu.memory_space<hbm>>
      %dma_start3A_66 = tpu.memref_squeeze %dma_start3A_65 : memref<1x125x80xi32, #tpu.memory_space<hbm>> -> memref<125x80xi32, #tpu.memory_space<hbm>>
      %dma_start3A_67 = arith.constant 0 : i32
      %dma_start3A_68 = arith.constant 0 : i32
      %dma_start3A_69 = tpu.memref_slice %arg4[%add3A, %dma_start3A_67, %dma_start3A_68] : memref<32x125x80xi32, #tpu.memory_space<hbm>> -> memref<1x125x80xi32, #tpu.memory_space<hbm>>
      %dma_start3A_70 = tpu.memref_squeeze %dma_start3A_69 : memref<1x125x80xi32, #tpu.memory_space<hbm>> -> memref<125x80xi32, #tpu.memory_space<hbm>>
      tpu.enqueue_dma source(%dma_start3A_70 : memref<125x80xi32, #tpu.memory_space<hbm>>) target(%arg7 : memref<125x80xi32, #tpu.memory_space<vmem>>) target_semaphore(%run_scoped3A : memref<!tpu.dma_semaphore, #tpu.memory_space<semaphore_mem>>)
      %dma_wait3A_71 = arith.constant 0 : i32
      %dma_wait3A_72 = arith.constant 0 : i32
      %dma_wait3A_73 = tpu.memref_slice %arg4[%add3A, %dma_wait3A_71, %dma_wait3A_72] : memref<32x125x80xi32, #tpu.memory_space<hbm>> -> memref<1x125x80xi32, #tpu.memory_space<hbm>>
      %dma_wait3A_74 = tpu.memref_squeeze %dma_wait3A_73 : memref<1x125x80xi32, #tpu.memory_space<hbm>> -> memref<125x80xi32, #tpu.memory_space<hbm>>
      %dma_wait3A_75 = arith.constant 0 : i32
      %dma_wait3A_76 = arith.constant 0 : i32
      %dma_wait3A_77 = tpu.memref_slice %arg4[%add3A, %dma_wait3A_75, %dma_wait3A_76] : memref<32x125x80xi32, #tpu.memory_space<hbm>> -> memref<1x125x80xi32, #tpu.memory_space<hbm>>
      %dma_wait3A_78 = tpu.memref_squeeze %dma_wait3A_77 : memref<1x125x80xi32, #tpu.memory_space<hbm>> -> memref<125x80xi32, #tpu.memory_space<hbm>>
      tpu.wait_dma2 semaphore(%run_scoped3A : memref<!tpu.dma_semaphore, #tpu.memory_space<semaphore_mem>>) src(%dma_wait3A_78 : memref<125x80xi32, #tpu.memory_space<hbm>>) dst(%arg7 : memref<125x80xi32, #tpu.memory_space<vmem>>)
      tpu.yield
    }) : () -> ()
    %mul3A_1 = arith.constant 625 : i32
    %mul3A_2 = arith.muli %arg1, %mul3A_1 : i32
    %eq3A = arith.constant 0 : i32
    %eq3A_3 = arith.cmpi eq, %arg0, %eq3A : i32
    %convert_element_type3A = arith.extui %eq3A_3 : i1 to i32
    %cond3A = arith.constant 0 : i32
    %cond3A_4 = arith.cmpi ne, %convert_element_type3A, %cond3A : i32
    scf.if %cond3A_4 {
      "tpu.region"() ({
        %run_scoped3A = tpu.sem_alloc : memref<!tpu.dma_semaphore, #tpu.memory_space<semaphore_mem>>
        %dma_start3A_63 = arith.constant 0 : i32
        %dma_start3A_64 = tpu.memref_slice %arg12[%mul3A_2, %dma_start3A_63] : memref<10000x64xf32, #tpu.memory_space<vmem_shared>> -> memref<625x64xf32, #tpu.memory_space<vmem_shared>>
        %dma_start3A_65 = arith.constant 0 : i32
        %dma_start3A_66 = tpu.memref_slice %arg2[%mul3A_2, %dma_start3A_65] : memref<10000x64xf32, #tpu.memory_space<hbm>> -> memref<625x64xf32, #tpu.memory_space<hbm>>
        tpu.enqueue_dma source(%dma_start3A_66 : memref<625x64xf32, #tpu.memory_space<hbm>>) target(%dma_start3A_64 : memref<625x64xf32, #tpu.memory_space<vmem_shared>>) target_semaphore(%run_scoped3A : memref<!tpu.dma_semaphore, #tpu.memory_space<semaphore_mem>>)
        %dma_wait3A_67 = arith.constant 0 : i32
        %dma_wait3A_68 = tpu.memref_slice %arg12[%mul3A_2, %dma_wait3A_67] : memref<10000x64xf32, #tpu.memory_space<vmem_shared>> -> memref<625x64xf32, #tpu.memory_space<vmem_shared>>
        %dma_wait3A_69 = arith.constant 0 : i32
        %dma_wait3A_70 = tpu.memref_slice %arg2[%mul3A_2, %dma_wait3A_69] : memref<10000x64xf32, #tpu.memory_space<hbm>> -> memref<625x64xf32, #tpu.memory_space<hbm>>
        tpu.wait_dma2 semaphore(%run_scoped3A : memref<!tpu.dma_semaphore, #tpu.memory_space<semaphore_mem>>) src(%dma_wait3A_70 : memref<625x64xf32, #tpu.memory_space<hbm>>) dst(%dma_wait3A_68 : memref<625x64xf32, #tpu.memory_space<vmem_shared>>)
        tpu.yield
      }) : () -> ()
    } else {
    }
    %eq3A_5 = arith.constant 1 : i32
    %eq3A_6 = arith.cmpi eq, %arg0, %eq3A_5 : i32
    %convert_element_type3A_7 = arith.extui %eq3A_6 : i1 to i32
    %cond3A_8 = arith.constant 0 : i32
    %cond3A_9 = arith.cmpi ne, %convert_element_type3A_7, %cond3A_8 : i32
    scf.if %cond3A_9 {
      %broadcast_in_dim3A = arith.constant 0.000000e+00 : f32
      %broadcast_in_dim3A_63 = vector.broadcast %broadcast_in_dim3A : f32 to vector<16xf32>
      %scan3A_64 = arith.constant 0 : i32
      %scan3A_65 = arith.constant 0 : i32
      %scan3A_66 = arith.constant 80 : i32
      %scan3A_67 = arith.addi %scan3A_65, %scan3A_66 : i32
      %scan3A_68 = arith.constant 1 : i32
      scf.for %scan3A_86 = %scan3A_65 to %scan3A_67 step %scan3A_68  : i32 {
        %swap3A = arith.index_cast %scan3A_86 : i32 to index
        %swap3A_87 = arith.constant 0 : index
        %swap3A_88 = tpu.vector_load %arg8[%swap3A, %swap3A_87] {strides = array<i32>} : memref<80x64xf32, #tpu.memory_space<vmem>>, vector<1x16xf32>,
        %swap3A_89 = vector.shape_cast %swap3A_88 : vector<1x16xf32> to vector<16xf32>
        %swap3A_90 = vector.shape_cast %broadcast_in_dim3A_63 : vector<16xf32> to vector<1x16xf32>
        tpu.vector_store %arg8[%swap3A, %swap3A_87], %swap3A_90 {strides = array<i32>} : memref<80x64xf32, #tpu.memory_space<vmem>>, vector<1x16xf32>,
        %swap3A_91 = arith.index_cast %scan3A_86 : i32 to index
        %swap3A_92 = arith.constant 16 : index
        %swap3A_93 = tpu.vector_load %arg8[%swap3A_91, %swap3A_92] {strides = array<i32>} : memref<80x64xf32, #tpu.memory_space<vmem>>, vector<1x16xf32>,
        %swap3A_94 = vector.shape_cast %swap3A_93 : vector<1x16xf32> to vector<16xf32>
        %swap3A_95 = vector.shape_cast %broadcast_in_dim3A_63 : vector<16xf32> to vector<1x16xf32>
        tpu.vector_store %arg8[%swap3A_91, %swap3A_92], %swap3A_95 {strides = array<i32>} : memref<80x64xf32, #tpu.memory_space<vmem>>, vector<1x16xf32>,
        %swap3A_96 = arith.index_cast %scan3A_86 : i32 to index
        %swap3A_97 = arith.constant 32 : index
        %swap3A_98 = tpu.vector_load %arg8[%swap3A_96, %swap3A_97] {strides = array<i32>} : memref<80x64xf32, #tpu.memory_space<vmem>>, vector<1x16xf32>,
        %swap3A_99 = vector.shape_cast %swap3A_98 : vector<1x16xf32> to vector<16xf32>
        %swap3A_100 = vector.shape_cast %broadcast_in_dim3A_63 : vector<16xf32> to vector<1x16xf32>
        tpu.vector_store %arg8[%swap3A_96, %swap3A_97], %swap3A_100 {strides = array<i32>} : memref<80x64xf32, #tpu.memory_space<vmem>>, vector<1x16xf32>,
        %swap3A_101 = arith.index_cast %scan3A_86 : i32 to index
        %swap3A_102 = arith.constant 48 : index
        %swap3A_103 = tpu.vector_load %arg8[%swap3A_101, %swap3A_102] {strides = array<i32>} : memref<80x64xf32, #tpu.memory_space<vmem>>, vector<1x16xf32>,
        %swap3A_104 = vector.shape_cast %swap3A_103 : vector<1x16xf32> to vector<16xf32>
        %swap3A_105 = vector.shape_cast %broadcast_in_dim3A_63 : vector<16xf32> to vector<1x16xf32>
        tpu.vector_store %arg8[%swap3A_101, %swap3A_102], %swap3A_105 {strides = array<i32>} : memref<80x64xf32, #tpu.memory_space<vmem>>, vector<1x16xf32>,
      }
      %scan3A_69 = arith.constant 80 : i32
      %add3A_70 = arith.constant 0 : i32
      %add3A_71 = arith.addi %mul3A_2, %add3A_70 : i32
      "tpu.region"() ({
        %run_scoped3A = tpu.sem_alloc : memref<!tpu.dma_semaphore, #tpu.memory_space<semaphore_mem>>
        %dma_start3A_86 = arith.constant 0 : i32
        %dma_start3A_87 = tpu.memref_slice %arg12[%add3A_71, %dma_start3A_86] : memref<10000x64xf32, #tpu.memory_space<vmem_shared>> -> memref<80x64xf32, #tpu.memory_space<vmem_shared>>
        %dma_start3A_88 = arith.constant 0 : i32
        %dma_start3A_89 = tpu.memref_slice %arg12[%add3A_71, %dma_start3A_88] : memref<10000x64xf32, #tpu.memory_space<vmem_shared>> -> memref<80x64xf32, #tpu.memory_space<vmem_shared>>
        tpu.enqueue_dma source(%arg8 : memref<80x64xf32, #tpu.memory_space<vmem>>) target(%dma_start3A_89 : memref<80x64xf32, #tpu.memory_space<vmem_shared>>) target_semaphore(%run_scoped3A : memref<!tpu.dma_semaphore, #tpu.memory_space<semaphore_mem>>)
        %dma_wait3A_90 = arith.constant 0 : i32
        %dma_wait3A_91 = tpu.memref_slice %arg12[%add3A_71, %dma_wait3A_90] : memref<10000x64xf32, #tpu.memory_space<vmem_shared>> -> memref<80x64xf32, #tpu.memory_space<vmem_shared>>
        %dma_wait3A_92 = arith.constant 0 : i32
        %dma_wait3A_93 = tpu.memref_slice %arg12[%add3A_71, %dma_wait3A_92] : memref<10000x64xf32, #tpu.memory_space<vmem_shared>> -> memref<80x64xf32, #tpu.memory_space<vmem_shared>>
        tpu.wait_dma2 semaphore(%run_scoped3A : memref<!tpu.dma_semaphore, #tpu.memory_space<semaphore_mem>>) src(%arg8 : memref<80x64xf32, #tpu.memory_space<vmem>>) dst(%dma_wait3A_93 : memref<80x64xf32, #tpu.memory_space<vmem_shared>>)
        tpu.yield
      }) : () -> ()
      %add3A_72 = arith.constant 80 : i32
      %add3A_73 = arith.addi %mul3A_2, %add3A_72 : i32
      "tpu.region"() ({
        %run_scoped3A = tpu.sem_alloc : memref<!tpu.dma_semaphore, #tpu.memory_space<semaphore_mem>>
        %dma_start3A_86 = arith.constant 0 : i32
        %dma_start3A_87 = tpu.memref_slice %arg12[%add3A_73, %dma_start3A_86] : memref<10000x64xf32, #tpu.memory_space<vmem_shared>> -> memref<80x64xf32, #tpu.memory_space<vmem_shared>>
        %dma_start3A_88 = arith.constant 0 : i32
        %dma_start3A_89 = tpu.memref_slice %arg12[%add3A_73, %dma_start3A_88] : memref<10000x64xf32, #tpu.memory_space<vmem_shared>> -> memref<80x64xf32, #tpu.memory_space<vmem_shared>>
        tpu.enqueue_dma source(%arg8 : memref<80x64xf32, #tpu.memory_space<vmem>>) target(%dma_start3A_89 : memref<80x64xf32, #tpu.memory_space<vmem_shared>>) target_semaphore(%run_scoped3A : memref<!tpu.dma_semaphore, #tpu.memory_space<semaphore_mem>>)
        %dma_wait3A_90 = arith.constant 0 : i32
        %dma_wait3A_91 = tpu.memref_slice %arg12[%add3A_73, %dma_wait3A_90] : memref<10000x64xf32, #tpu.memory_space<vmem_shared>> -> memref<80x64xf32, #tpu.memory_space<vmem_shared>>
        %dma_wait3A_92 = arith.constant 0 : i32
        %dma_wait3A_93 = tpu.memref_slice %arg12[%add3A_73, %dma_wait3A_92] : memref<10000x64xf32, #tpu.memory_space<vmem_shared>> -> memref<80x64xf32, #tpu.memory_space<vmem_shared>>
        tpu.wait_dma2 semaphore(%run_scoped3A : memref<!tpu.dma_semaphore, #tpu.memory_space<semaphore_mem>>) src(%arg8 : memref<80x64xf32, #tpu.memory_space<vmem>>) dst(%dma_wait3A_93 : memref<80x64xf32, #tpu.memory_space<vmem_shared>>)
        tpu.yield
      }) : () -> ()
      %add3A_74 = arith.constant 160 : i32
      %add3A_75 = arith.addi %mul3A_2, %add3A_74 : i32
      "tpu.region"() ({
        %run_scoped3A = tpu.sem_alloc : memref<!tpu.dma_semaphore, #tpu.memory_space<semaphore_mem>>
        %dma_start3A_86 = arith.constant 0 : i32
        %dma_start3A_87 = tpu.memref_slice %arg12[%add3A_75, %dma_start3A_86] : memref<10000x64xf32, #tpu.memory_space<vmem_shared>> -> memref<80x64xf32, #tpu.memory_space<vmem_shared>>
        %dma_start3A_88 = arith.constant 0 : i32
        %dma_start3A_89 = tpu.memref_slice %arg12[%add3A_75, %dma_start3A_88] : memref<10000x64xf32, #tpu.memory_space<vmem_shared>> -> memref<80x64xf32, #tpu.memory_space<vmem_shared>>
        tpu.enqueue_dma source(%arg8 : memref<80x64xf32, #tpu.memory_space<vmem>>) target(%dma_start3A_89 : memref<80x64xf32, #tpu.memory_space<vmem_shared>>) target_semaphore(%run_scoped3A : memref<!tpu.dma_semaphore, #tpu.memory_space<semaphore_mem>>)
        %dma_wait3A_90 = arith.constant 0 : i32
        %dma_wait3A_91 = tpu.memref_slice %arg12[%add3A_75, %dma_wait3A_90] : memref<10000x64xf32, #tpu.memory_space<vmem_shared>> -> memref<80x64xf32, #tpu.memory_space<vmem_shared>>
        %dma_wait3A_92 = arith.constant 0 : i32
        %dma_wait3A_93 = tpu.memref_slice %arg12[%add3A_75, %dma_wait3A_92] : memref<10000x64xf32, #tpu.memory_space<vmem_shared>> -> memref<80x64xf32, #tpu.memory_space<vmem_shared>>
        tpu.wait_dma2 semaphore(%run_scoped3A : memref<!tpu.dma_semaphore, #tpu.memory_space<semaphore_mem>>) src(%arg8 : memref<80x64xf32, #tpu.memory_space<vmem>>) dst(%dma_wait3A_93 : memref<80x64xf32, #tpu.memory_space<vmem_shared>>)
        tpu.yield
      }) : () -> ()
      %add3A_76 = arith.constant 240 : i32
      %add3A_77 = arith.addi %mul3A_2, %add3A_76 : i32
      "tpu.region"() ({
        %run_scoped3A = tpu.sem_alloc : memref<!tpu.dma_semaphore, #tpu.memory_space<semaphore_mem>>
        %dma_start3A_86 = arith.constant 0 : i32
        %dma_start3A_87 = tpu.memref_slice %arg12[%add3A_77, %dma_start3A_86] : memref<10000x64xf32, #tpu.memory_space<vmem_shared>> -> memref<80x64xf32, #tpu.memory_space<vmem_shared>>
        %dma_start3A_88 = arith.constant 0 : i32
        %dma_start3A_89 = tpu.memref_slice %arg12[%add3A_77, %dma_start3A_88] : memref<10000x64xf32, #tpu.memory_space<vmem_shared>> -> memref<80x64xf32, #tpu.memory_space<vmem_shared>>
        tpu.enqueue_dma source(%arg8 : memref<80x64xf32, #tpu.memory_space<vmem>>) target(%dma_start3A_89 : memref<80x64xf32, #tpu.memory_space<vmem_shared>>) target_semaphore(%run_scoped3A : memref<!tpu.dma_semaphore, #tpu.memory_space<semaphore_mem>>)
        %dma_wait3A_90 = arith.constant 0 : i32
        %dma_wait3A_91 = tpu.memref_slice %arg12[%add3A_77, %dma_wait3A_90] : memref<10000x64xf32, #tpu.memory_space<vmem_shared>> -> memref<80x64xf32, #tpu.memory_space<vmem_shared>>
        %dma_wait3A_92 = arith.constant 0 : i32
        %dma_wait3A_93 = tpu.memref_slice %arg12[%add3A_77, %dma_wait3A_92] : memref<10000x64xf32, #tpu.memory_space<vmem_shared>> -> memref<80x64xf32, #tpu.memory_space<vmem_shared>>
        tpu.wait_dma2 semaphore(%run_scoped3A : memref<!tpu.dma_semaphore, #tpu.memory_space<semaphore_mem>>) src(%arg8 : memref<80x64xf32, #tpu.memory_space<vmem>>) dst(%dma_wait3A_93 : memref<80x64xf32, #tpu.memory_space<vmem_shared>>)
        tpu.yield
      }) : () -> ()
      %add3A_78 = arith.constant 320 : i32
      %add3A_79 = arith.addi %mul3A_2, %add3A_78 : i32
      "tpu.region"() ({
        %run_scoped3A = tpu.sem_alloc : memref<!tpu.dma_semaphore, #tpu.memory_space<semaphore_mem>>
        %dma_start3A_86 = arith.constant 0 : i32
        %dma_start3A_87 = tpu.memref_slice %arg12[%add3A_79, %dma_start3A_86] : memref<10000x64xf32, #tpu.memory_space<vmem_shared>> -> memref<80x64xf32, #tpu.memory_space<vmem_shared>>
        %dma_start3A_88 = arith.constant 0 : i32
        %dma_start3A_89 = tpu.memref_slice %arg12[%add3A_79, %dma_start3A_88] : memref<10000x64xf32, #tpu.memory_space<vmem_shared>> -> memref<80x64xf32, #tpu.memory_space<vmem_shared>>
        tpu.enqueue_dma source(%arg8 : memref<80x64xf32, #tpu.memory_space<vmem>>) target(%dma_start3A_89 : memref<80x64xf32, #tpu.memory_space<vmem_shared>>) target_semaphore(%run_scoped3A : memref<!tpu.dma_semaphore, #tpu.memory_space<semaphore_mem>>)
        %dma_wait3A_90 = arith.constant 0 : i32
        %dma_wait3A_91 = tpu.memref_slice %arg12[%add3A_79, %dma_wait3A_90] : memref<10000x64xf32, #tpu.memory_space<vmem_shared>> -> memref<80x64xf32, #tpu.memory_space<vmem_shared>>
        %dma_wait3A_92 = arith.constant 0 : i32
        %dma_wait3A_93 = tpu.memref_slice %arg12[%add3A_79, %dma_wait3A_92] : memref<10000x64xf32, #tpu.memory_space<vmem_shared>> -> memref<80x64xf32, #tpu.memory_space<vmem_shared>>
        tpu.wait_dma2 semaphore(%run_scoped3A : memref<!tpu.dma_semaphore, #tpu.memory_space<semaphore_mem>>) src(%arg8 : memref<80x64xf32, #tpu.memory_space<vmem>>) dst(%dma_wait3A_93 : memref<80x64xf32, #tpu.memory_space<vmem_shared>>)
        tpu.yield
      }) : () -> ()
      %add3A_80 = arith.constant 400 : i32
      %add3A_81 = arith.addi %mul3A_2, %add3A_80 : i32
      "tpu.region"() ({
        %run_scoped3A = tpu.sem_alloc : memref<!tpu.dma_semaphore, #tpu.memory_space<semaphore_mem>>
        %dma_start3A_86 = arith.constant 0 : i32
        %dma_start3A_87 = tpu.memref_slice %arg12[%add3A_81, %dma_start3A_86] : memref<10000x64xf32, #tpu.memory_space<vmem_shared>> -> memref<80x64xf32, #tpu.memory_space<vmem_shared>>
        %dma_start3A_88 = arith.constant 0 : i32
        %dma_start3A_89 = tpu.memref_slice %arg12[%add3A_81, %dma_start3A_88] : memref<10000x64xf32, #tpu.memory_space<vmem_shared>> -> memref<80x64xf32, #tpu.memory_space<vmem_shared>>
        tpu.enqueue_dma source(%arg8 : memref<80x64xf32, #tpu.memory_space<vmem>>) target(%dma_start3A_89 : memref<80x64xf32, #tpu.memory_space<vmem_shared>>) target_semaphore(%run_scoped3A : memref<!tpu.dma_semaphore, #tpu.memory_space<semaphore_mem>>)
        %dma_wait3A_90 = arith.constant 0 : i32
        %dma_wait3A_91 = tpu.memref_slice %arg12[%add3A_81, %dma_wait3A_90] : memref<10000x64xf32, #tpu.memory_space<vmem_shared>> -> memref<80x64xf32, #tpu.memory_space<vmem_shared>>
        %dma_wait3A_92 = arith.constant 0 : i32
        %dma_wait3A_93 = tpu.memref_slice %arg12[%add3A_81, %dma_wait3A_92] : memref<10000x64xf32, #tpu.memory_space<vmem_shared>> -> memref<80x64xf32, #tpu.memory_space<vmem_shared>>
        tpu.wait_dma2 semaphore(%run_scoped3A : memref<!tpu.dma_semaphore, #tpu.memory_space<semaphore_mem>>) src(%arg8 : memref<80x64xf32, #tpu.memory_space<vmem>>) dst(%dma_wait3A_93 : memref<80x64xf32, #tpu.memory_space<vmem_shared>>)
        tpu.yield
      }) : () -> ()
      %add3A_82 = arith.constant 480 : i32
      %add3A_83 = arith.addi %mul3A_2, %add3A_82 : i32
      "tpu.region"() ({
        %run_scoped3A = tpu.sem_alloc : memref<!tpu.dma_semaphore, #tpu.memory_space<semaphore_mem>>
        %dma_start3A_86 = arith.constant 0 : i32
        %dma_start3A_87 = tpu.memref_slice %arg12[%add3A_83, %dma_start3A_86] : memref<10000x64xf32, #tpu.memory_space<vmem_shared>> -> memref<80x64xf32, #tpu.memory_space<vmem_shared>>
        %dma_start3A_88 = arith.constant 0 : i32
        %dma_start3A_89 = tpu.memref_slice %arg12[%add3A_83, %dma_start3A_88] : memref<10000x64xf32, #tpu.memory_space<vmem_shared>> -> memref<80x64xf32, #tpu.memory_space<vmem_shared>>
        tpu.enqueue_dma source(%arg8 : memref<80x64xf32, #tpu.memory_space<vmem>>) target(%dma_start3A_89 : memref<80x64xf32, #tpu.memory_space<vmem_shared>>) target_semaphore(%run_scoped3A : memref<!tpu.dma_semaphore, #tpu.memory_space<semaphore_mem>>)
        %dma_wait3A_90 = arith.constant 0 : i32
        %dma_wait3A_91 = tpu.memref_slice %arg12[%add3A_83, %dma_wait3A_90] : memref<10000x64xf32, #tpu.memory_space<vmem_shared>> -> memref<80x64xf32, #tpu.memory_space<vmem_shared>>
        %dma_wait3A_92 = arith.constant 0 : i32
        %dma_wait3A_93 = tpu.memref_slice %arg12[%add3A_83, %dma_wait3A_92] : memref<10000x64xf32, #tpu.memory_space<vmem_shared>> -> memref<80x64xf32, #tpu.memory_space<vmem_shared>>
        tpu.wait_dma2 semaphore(%run_scoped3A : memref<!tpu.dma_semaphore, #tpu.memory_space<semaphore_mem>>) src(%arg8 : memref<80x64xf32, #tpu.memory_space<vmem>>) dst(%dma_wait3A_93 : memref<80x64xf32, #tpu.memory_space<vmem_shared>>)
        tpu.yield
      }) : () -> ()
      %add3A_84 = arith.constant 560 : i32
      %add3A_85 = arith.addi %mul3A_2, %add3A_84 : i32
      "tpu.region"() ({
        %run_scoped3A = tpu.sem_alloc : memref<!tpu.dma_semaphore, #tpu.memory_space<semaphore_mem>>
        %dma_start3A_86 = arith.constant 0 : i32
        %dma_start3A_87 = arith.constant 0 : i32
        %dma_start3A_88 = tpu.memref_slice %arg8[%dma_start3A_86, %dma_start3A_87] : memref<80x64xf32, #tpu.memory_space<vmem>> -> memref<65x64xf32, #tpu.memory_space<vmem>>
        %dma_start3A_89 = arith.constant 0 : i32
        %dma_start3A_90 = tpu.memref_slice %arg12[%add3A_85, %dma_start3A_89] : memref<10000x64xf32, #tpu.memory_space<vmem_shared>> -> memref<65x64xf32, #tpu.memory_space<vmem_shared>>
        %dma_start3A_91 = arith.constant 0 : i32
        %dma_start3A_92 = tpu.memref_slice %arg12[%add3A_85, %dma_start3A_91] : memref<10000x64xf32, #tpu.memory_space<vmem_shared>> -> memref<65x64xf32, #tpu.memory_space<vmem_shared>>
        %dma_start3A_93 = arith.constant 0 : i32
        %dma_start3A_94 = arith.constant 0 : i32
        %dma_start3A_95 = tpu.memref_slice %arg8[%dma_start3A_93, %dma_start3A_94] : memref<80x64xf32, #tpu.memory_space<vmem>> -> memref<65x64xf32, #tpu.memory_space<vmem>>
        tpu.enqueue_dma source(%dma_start3A_95 : memref<65x64xf32, #tpu.memory_space<vmem>>) target(%dma_start3A_92 : memref<65x64xf32, #tpu.memory_space<vmem_shared>>) target_semaphore(%run_scoped3A : memref<!tpu.dma_semaphore, #tpu.memory_space<semaphore_mem>>)
        %dma_wait3A_96 = arith.constant 0 : i32
        %dma_wait3A_97 = arith.constant 0 : i32
        %dma_wait3A_98 = tpu.memref_slice %arg8[%dma_wait3A_96, %dma_wait3A_97] : memref<80x64xf32, #tpu.memory_space<vmem>> -> memref<65x64xf32, #tpu.memory_space<vmem>>
        %dma_wait3A_99 = arith.constant 0 : i32
        %dma_wait3A_100 = tpu.memref_slice %arg12[%add3A_85, %dma_wait3A_99] : memref<10000x64xf32, #tpu.memory_space<vmem_shared>> -> memref<65x64xf32, #tpu.memory_space<vmem_shared>>
        %dma_wait3A_101 = arith.constant 0 : i32
        %dma_wait3A_102 = tpu.memref_slice %arg12[%add3A_85, %dma_wait3A_101] : memref<10000x64xf32, #tpu.memory_space<vmem_shared>> -> memref<65x64xf32, #tpu.memory_space<vmem_shared>>
        %dma_wait3A_103 = arith.constant 0 : i32
        %dma_wait3A_104 = arith.constant 0 : i32
        %dma_wait3A_105 = tpu.memref_slice %arg8[%dma_wait3A_103, %dma_wait3A_104] : memref<80x64xf32, #tpu.memory_space<vmem>> -> memref<65x64xf32, #tpu.memory_space<vmem>>
        tpu.wait_dma2 semaphore(%run_scoped3A : memref<!tpu.dma_semaphore, #tpu.memory_space<semaphore_mem>>) src(%dma_wait3A_105 : memref<65x64xf32, #tpu.memory_space<vmem>>) dst(%dma_wait3A_102 : memref<65x64xf32, #tpu.memory_space<vmem_shared>>)
        tpu.yield
      }) : () -> ()
    } else {
    }
    %barrier3A = arith.constant 0 : index
    tpu.barrier barrier_id(%barrier3A)
    %dma_start3A = arith.constant 0 : i32
    %dma_start3A_10 = arith.constant 0 : i32
    %dma_start3A_11 = tpu.memref_slice %arg6[%dma_start3A, %dma_start3A_10] : memref<125x80xi32, #tpu.memory_space<vmem>> -> memref<1x80xi32, #tpu.memory_space<vmem>>
    %dma_start3A_12 = tpu.memref_squeeze %dma_start3A_11 : memref<1x80xi32, #tpu.memory_space<vmem>> -> memref<80xi32, #tpu.memory_space<vmem>>
    %dma_start3A_13 = arith.constant 0 : i32
    %dma_start3A_14 = arith.constant 0 : i32
    %dma_start3A_15 = tpu.memref_slice %arg2[%dma_start3A_13, %dma_start3A_14] : memref<10000x64xf32, #tpu.memory_space<hbm>> -> memref<10000x64xf32, #tpu.memory_space<hbm>>
    tpu.enqueue_indirect_dma source(%dma_start3A_15 : memref<10000x64xf32, #tpu.memory_space<hbm>>) target(%arg8 : memref<80x64xf32, #tpu.memory_space<vmem>>) offsets(%dma_start3A_12 : memref<80xi32, #tpu.memory_space<vmem>>) semaphore(%arg13 : memref<!tpu.dma_semaphore, #tpu.memory_space<semaphore_mem>>)
    %dma_start3A_16 = arith.constant 1 : i32
    %dma_start3A_17 = arith.constant 0 : i32
    %dma_start3A_18 = tpu.memref_slice %arg6[%dma_start3A_16, %dma_start3A_17] : memref<125x80xi32, #tpu.memory_space<vmem>> -> memref<1x80xi32, #tpu.memory_space<vmem>>
    %dma_start3A_19 = tpu.memref_squeeze %dma_start3A_18 : memref<1x80xi32, #tpu.memory_space<vmem>> -> memref<80xi32, #tpu.memory_space<vmem>>
    %dma_start3A_20 = arith.constant 0 : i32
    %dma_start3A_21 = arith.constant 0 : i32
    %dma_start3A_22 = tpu.memref_slice %arg2[%dma_start3A_20, %dma_start3A_21] : memref<10000x64xf32, #tpu.memory_space<hbm>> -> memref<10000x64xf32, #tpu.memory_space<hbm>>
    tpu.enqueue_indirect_dma source(%dma_start3A_22 : memref<10000x64xf32, #tpu.memory_space<hbm>>) target(%arg9 : memref<80x64xf32, #tpu.memory_space<vmem>>) offsets(%dma_start3A_19 : memref<80xi32, #tpu.memory_space<vmem>>) semaphore(%arg14 : memref<!tpu.dma_semaphore, #tpu.memory_space<semaphore_mem>>)
    %scan3A = arith.constant 0 : i32
    %scan3A_23 = arith.constant 0 : i32
    %scan3A_24 = arith.constant 31 : i32
    %scan3A_25 = arith.addi %scan3A_23, %scan3A_24 : i32
    %scan3A_26 = arith.constant 1 : i32
    scf.for %scan3A_63 = %scan3A_23 to %scan3A_25 step %scan3A_26  : i32 {
      %mul3A_64 = arith.constant 4 : i32
      %mul3A_65 = arith.muli %mul3A_64, %scan3A_63 : i32
      %add3A_66 = arith.constant 0 : i32
      %add3A_67 = arith.addi %mul3A_65, %add3A_66 : i32
      %ge3A = arith.constant 2 : i32
      %ge3A_68 = arith.cmpi sge, %add3A_67, %ge3A : i32
      %convert_element_type3A_69 = arith.extui %ge3A_68 : i1 to i32
      %cond3A_70 = arith.constant 0 : i32
      %cond3A_71 = arith.cmpi ne, %convert_element_type3A_69, %cond3A_70 : i32
      scf.if %cond3A_71 {
        %dma_wait3A_168 = arith.constant 0 : i32
        %dma_wait3A_169 = arith.constant 0 : i32
        %dma_wait3A_170 = tpu.memref_slice %arg7[%dma_wait3A_168, %dma_wait3A_169] : memref<125x80xi32, #tpu.memory_space<vmem>> -> memref<1x80xi32, #tpu.memory_space<vmem>>
        %dma_wait3A_171 = tpu.memref_squeeze %dma_wait3A_170 : memref<1x80xi32, #tpu.memory_space<vmem>> -> memref<80xi32, #tpu.memory_space<vmem>>
        %dma_wait3A_172 = arith.constant 0 : i32
        %dma_wait3A_173 = arith.constant 0 : i32
        %dma_wait3A_174 = tpu.memref_slice %arg12[%dma_wait3A_172, %dma_wait3A_173] : memref<10000x64xf32, #tpu.memory_space<vmem_shared>> -> memref<10000x64xf32, #tpu.memory_space<vmem_shared>>
        tpu.wait_indirect_dma semaphore(%arg19 : memref<!tpu.dma_semaphore, #tpu.memory_space<semaphore_mem>>) src(%arg10 : memref<80x64xf32, #tpu.memory_space<vmem>>) dst(%dma_wait3A_174 : memref<10000x64xf32, #tpu.memory_space<vmem_shared>>)
      } else {
      }
      %add3A_72 = arith.constant 2 : i32
      %add3A_73 = arith.addi %add3A_67, %add3A_72 : i32
      %lt3A = arith.constant 125 : i32
      %lt3A_74 = arith.cmpi slt, %add3A_73, %lt3A : i32
      %convert_element_type3A_75 = arith.extui %lt3A_74 : i1 to i32
      %cond3A_76 = arith.constant 0 : i32
      %cond3A_77 = arith.cmpi ne, %convert_element_type3A_75, %cond3A_76 : i32
      scf.if %cond3A_77 {
        %add3A_168 = arith.constant 2 : i32
        %add3A_169 = arith.addi %add3A_67, %add3A_168 : i32
        %dma_start3A_170 = arith.constant 0 : i32
        %dma_start3A_171 = tpu.memref_slice %arg6[%add3A_169, %dma_start3A_170] : memref<125x80xi32, #tpu.memory_space<vmem>> -> memref<1x80xi32, #tpu.memory_space<vmem>>
        %dma_start3A_172 = tpu.memref_squeeze %dma_start3A_171 : memref<1x80xi32, #tpu.memory_space<vmem>> -> memref<80xi32, #tpu.memory_space<vmem>>
        %dma_start3A_173 = arith.constant 0 : i32
        %dma_start3A_174 = arith.constant 0 : i32
        %dma_start3A_175 = tpu.memref_slice %arg2[%dma_start3A_173, %dma_start3A_174] : memref<10000x64xf32, #tpu.memory_space<hbm>> -> memref<10000x64xf32, #tpu.memory_space<hbm>>
        tpu.enqueue_indirect_dma source(%dma_start3A_175 : memref<10000x64xf32, #tpu.memory_space<hbm>>) target(%arg10 : memref<80x64xf32, #tpu.memory_space<vmem>>) offsets(%dma_start3A_172 : memref<80xi32, #tpu.memory_space<vmem>>) semaphore(%arg15 : memref<!tpu.dma_semaphore, #tpu.memory_space<semaphore_mem>>)
      } else {
      }
      %dma_wait3A_78 = arith.constant 0 : i32
      %dma_wait3A_79 = tpu.memref_slice %arg6[%add3A_67, %dma_wait3A_78] : memref<125x80xi32, #tpu.memory_space<vmem>> -> memref<1x80xi32, #tpu.memory_space<vmem>>
      %dma_wait3A_80 = tpu.memref_squeeze %dma_wait3A_79 : memref<1x80xi32, #tpu.memory_space<vmem>> -> memref<80xi32, #tpu.memory_space<vmem>>
      %dma_wait3A_81 = arith.constant 0 : i32
      %dma_wait3A_82 = arith.constant 0 : i32
      %dma_wait3A_83 = tpu.memref_slice %arg2[%dma_wait3A_81, %dma_wait3A_82] : memref<10000x64xf32, #tpu.memory_space<hbm>> -> memref<10000x64xf32, #tpu.memory_space<hbm>>
      tpu.wait_indirect_dma semaphore(%arg13 : memref<!tpu.dma_semaphore, #tpu.memory_space<semaphore_mem>>) src(%dma_wait3A_83 : memref<10000x64xf32, #tpu.memory_space<hbm>>) dst(%arg8 : memref<80x64xf32, #tpu.memory_space<vmem>>)
      %dma_start3A_84 = arith.constant 0 : i32
      %dma_start3A_85 = tpu.memref_slice %arg7[%add3A_67, %dma_start3A_84] : memref<125x80xi32, #tpu.memory_space<vmem>> -> memref<1x80xi32, #tpu.memory_space<vmem>>
      %dma_start3A_86 = tpu.memref_squeeze %dma_start3A_85 : memref<1x80xi32, #tpu.memory_space<vmem>> -> memref<80xi32, #tpu.memory_space<vmem>>
      %dma_start3A_87 = arith.constant 0 : i32
      %dma_start3A_88 = arith.constant 0 : i32
      %dma_start3A_89 = tpu.memref_slice %arg12[%dma_start3A_87, %dma_start3A_88] : memref<10000x64xf32, #tpu.memory_space<vmem_shared>> -> memref<10000x64xf32, #tpu.memory_space<vmem_shared>>
      tpu.enqueue_indirect_dma source(%arg8 : memref<80x64xf32, #tpu.memory_space<vmem>>) target(%dma_start3A_89 : memref<10000x64xf32, #tpu.memory_space<vmem_shared>>) offsets(%dma_start3A_86 : memref<80xi32, #tpu.memory_space<vmem>>) semaphore(%arg17 : memref<!tpu.dma_semaphore, #tpu.memory_space<semaphore_mem>>) {add = true}
      %add3A_90 = arith.constant 1 : i32
      %add3A_91 = arith.addi %mul3A_65, %add3A_90 : i32
      %ge3A_92 = arith.constant 2 : i32
      %ge3A_93 = arith.cmpi sge, %add3A_91, %ge3A_92 : i32
      %convert_element_type3A_94 = arith.extui %ge3A_93 : i1 to i32
      %cond3A_95 = arith.constant 0 : i32
      %cond3A_96 = arith.cmpi ne, %convert_element_type3A_94, %cond3A_95 : i32
      scf.if %cond3A_96 {
        %dma_wait3A_168 = arith.constant 0 : i32
        %dma_wait3A_169 = arith.constant 0 : i32
        %dma_wait3A_170 = tpu.memref_slice %arg7[%dma_wait3A_168, %dma_wait3A_169] : memref<125x80xi32, #tpu.memory_space<vmem>> -> memref<1x80xi32, #tpu.memory_space<vmem>>
        %dma_wait3A_171 = tpu.memref_squeeze %dma_wait3A_170 : memref<1x80xi32, #tpu.memory_space<vmem>> -> memref<80xi32, #tpu.memory_space<vmem>>
        %dma_wait3A_172 = arith.constant 0 : i32
        %dma_wait3A_173 = arith.constant 0 : i32
        %dma_wait3A_174 = tpu.memref_slice %arg12[%dma_wait3A_172, %dma_wait3A_173] : memref<10000x64xf32, #tpu.memory_space<vmem_shared>> -> memref<10000x64xf32, #tpu.memory_space<vmem_shared>>
        tpu.wait_indirect_dma semaphore(%arg20 : memref<!tpu.dma_semaphore, #tpu.memory_space<semaphore_mem>>) src(%arg11 : memref<80x64xf32, #tpu.memory_space<vmem>>) dst(%dma_wait3A_174 : memref<10000x64xf32, #tpu.memory_space<vmem_shared>>)
      } else {
      }
      %add3A_97 = arith.constant 2 : i32
      %add3A_98 = arith.addi %add3A_91, %add3A_97 : i32
      %lt3A_99 = arith.constant 125 : i32
      %lt3A_100 = arith.cmpi slt, %add3A_98, %lt3A_99 : i32
      %convert_element_type3A_101 = arith.extui %lt3A_100 : i1 to i32
      %cond3A_102 = arith.constant 0 : i32
      %cond3A_103 = arith.cmpi ne, %convert_element_type3A_101, %cond3A_102 : i32
      scf.if %cond3A_103 {
        %add3A_168 = arith.constant 2 : i32
        %add3A_169 = arith.addi %add3A_91, %add3A_168 : i32
        %dma_start3A_170 = arith.constant 0 : i32
        %dma_start3A_171 = tpu.memref_slice %arg6[%add3A_169, %dma_start3A_170] : memref<125x80xi32, #tpu.memory_space<vmem>> -> memref<1x80xi32, #tpu.memory_space<vmem>>
        %dma_start3A_172 = tpu.memref_squeeze %dma_start3A_171 : memref<1x80xi32, #tpu.memory_space<vmem>> -> memref<80xi32, #tpu.memory_space<vmem>>
        %dma_start3A_173 = arith.constant 0 : i32
        %dma_start3A_174 = arith.constant 0 : i32
        %dma_start3A_175 = tpu.memref_slice %arg2[%dma_start3A_173, %dma_start3A_174] : memref<10000x64xf32, #tpu.memory_space<hbm>> -> memref<10000x64xf32, #tpu.memory_space<hbm>>
        tpu.enqueue_indirect_dma source(%dma_start3A_175 : memref<10000x64xf32, #tpu.memory_space<hbm>>) target(%arg11 : memref<80x64xf32, #tpu.memory_space<vmem>>) offsets(%dma_start3A_172 : memref<80xi32, #tpu.memory_space<vmem>>) semaphore(%arg16 : memref<!tpu.dma_semaphore, #tpu.memory_space<semaphore_mem>>)
      } else {
      }
      %dma_wait3A_104 = arith.constant 0 : i32
      %dma_wait3A_105 = tpu.memref_slice %arg6[%add3A_91, %dma_wait3A_104] : memref<125x80xi32, #tpu.memory_space<vmem>> -> memref<1x80xi32, #tpu.memory_space<vmem>>
      %dma_wait3A_106 = tpu.memref_squeeze %dma_wait3A_105 : memref<1x80xi32, #tpu.memory_space<vmem>> -> memref<80xi32, #tpu.memory_space<vmem>>
      %dma_wait3A_107 = arith.constant 0 : i32
      %dma_wait3A_108 = arith.constant 0 : i32
      %dma_wait3A_109 = tpu.memref_slice %arg2[%dma_wait3A_107, %dma_wait3A_108] : memref<10000x64xf32, #tpu.memory_space<hbm>> -> memref<10000x64xf32, #tpu.memory_space<hbm>>
      tpu.wait_indirect_dma semaphore(%arg14 : memref<!tpu.dma_semaphore, #tpu.memory_space<semaphore_mem>>) src(%dma_wait3A_109 : memref<10000x64xf32, #tpu.memory_space<hbm>>) dst(%arg9 : memref<80x64xf32, #tpu.memory_space<vmem>>)
      %dma_start3A_110 = arith.constant 0 : i32
      %dma_start3A_111 = tpu.memref_slice %arg7[%add3A_91, %dma_start3A_110] : memref<125x80xi32, #tpu.memory_space<vmem>> -> memref<1x80xi32, #tpu.memory_space<vmem>>
      %dma_start3A_112 = tpu.memref_squeeze %dma_start3A_111 : memref<1x80xi32, #tpu.memory_space<vmem>> -> memref<80xi32, #tpu.memory_space<vmem>>
      %dma_start3A_113 = arith.constant 0 : i32
      %dma_start3A_114 = arith.constant 0 : i32
      %dma_start3A_115 = tpu.memref_slice %arg12[%dma_start3A_113, %dma_start3A_114] : memref<10000x64xf32, #tpu.memory_space<vmem_shared>> -> memref<10000x64xf32, #tpu.memory_space<vmem_shared>>
      tpu.enqueue_indirect_dma source(%arg9 : memref<80x64xf32, #tpu.memory_space<vmem>>) target(%dma_start3A_115 : memref<10000x64xf32, #tpu.memory_space<vmem_shared>>) offsets(%dma_start3A_112 : memref<80xi32, #tpu.memory_space<vmem>>) semaphore(%arg18 : memref<!tpu.dma_semaphore, #tpu.memory_space<semaphore_mem>>) {add = true}
      %add3A_116 = arith.constant 2 : i32
      %add3A_117 = arith.addi %mul3A_65, %add3A_116 : i32
      %ge3A_118 = arith.constant 2 : i32
      %ge3A_119 = arith.cmpi sge, %add3A_117, %ge3A_118 : i32
      %convert_element_type3A_120 = arith.extui %ge3A_119 : i1 to i32
      %cond3A_121 = arith.constant 0 : i32
      %cond3A_122 = arith.cmpi ne, %convert_element_type3A_120, %cond3A_121 : i32
      scf.if %cond3A_122 {
        %dma_wait3A_168 = arith.constant 0 : i32
        %dma_wait3A_169 = arith.constant 0 : i32
        %dma_wait3A_170 = tpu.memref_slice %arg7[%dma_wait3A_168, %dma_wait3A_169] : memref<125x80xi32, #tpu.memory_space<vmem>> -> memref<1x80xi32, #tpu.memory_space<vmem>>
        %dma_wait3A_171 = tpu.memref_squeeze %dma_wait3A_170 : memref<1x80xi32, #tpu.memory_space<vmem>> -> memref<80xi32, #tpu.memory_space<vmem>>
        %dma_wait3A_172 = arith.constant 0 : i32
        %dma_wait3A_173 = arith.constant 0 : i32
        %dma_wait3A_174 = tpu.memref_slice %arg12[%dma_wait3A_172, %dma_wait3A_173] : memref<10000x64xf32, #tpu.memory_space<vmem_shared>> -> memref<10000x64xf32, #tpu.memory_space<vmem_shared>>
        tpu.wait_indirect_dma semaphore(%arg17 : memref<!tpu.dma_semaphore, #tpu.memory_space<semaphore_mem>>) src(%arg8 : memref<80x64xf32, #tpu.memory_space<vmem>>) dst(%dma_wait3A_174 : memref<10000x64xf32, #tpu.memory_space<vmem_shared>>)
      } else {
      }
      %add3A_123 = arith.constant 2 : i32
      %add3A_124 = arith.addi %add3A_117, %add3A_123 : i32
      %lt3A_125 = arith.constant 125 : i32
      %lt3A_126 = arith.cmpi slt, %add3A_124, %lt3A_125 : i32
      %convert_element_type3A_127 = arith.extui %lt3A_126 : i1 to i32
      %cond3A_128 = arith.constant 0 : i32
      %cond3A_129 = arith.cmpi ne, %convert_element_type3A_127, %cond3A_128 : i32
      scf.if %cond3A_129 {
        %add3A_168 = arith.constant 2 : i32
        %add3A_169 = arith.addi %add3A_117, %add3A_168 : i32
        %dma_start3A_170 = arith.constant 0 : i32
        %dma_start3A_171 = tpu.memref_slice %arg6[%add3A_169, %dma_start3A_170] : memref<125x80xi32, #tpu.memory_space<vmem>> -> memref<1x80xi32, #tpu.memory_space<vmem>>
        %dma_start3A_172 = tpu.memref_squeeze %dma_start3A_171 : memref<1x80xi32, #tpu.memory_space<vmem>> -> memref<80xi32, #tpu.memory_space<vmem>>
        %dma_start3A_173 = arith.constant 0 : i32
        %dma_start3A_174 = arith.constant 0 : i32
        %dma_start3A_175 = tpu.memref_slice %arg2[%dma_start3A_173, %dma_start3A_174] : memref<10000x64xf32, #tpu.memory_space<hbm>> -> memref<10000x64xf32, #tpu.memory_space<hbm>>
        tpu.enqueue_indirect_dma source(%dma_start3A_175 : memref<10000x64xf32, #tpu.memory_space<hbm>>) target(%arg8 : memref<80x64xf32, #tpu.memory_space<vmem>>) offsets(%dma_start3A_172 : memref<80xi32, #tpu.memory_space<vmem>>) semaphore(%arg13 : memref<!tpu.dma_semaphore, #tpu.memory_space<semaphore_mem>>)
      } else {
      }
      %dma_wait3A_130 = arith.constant 0 : i32
      %dma_wait3A_131 = tpu.memref_slice %arg6[%add3A_117, %dma_wait3A_130] : memref<125x80xi32, #tpu.memory_space<vmem>> -> memref<1x80xi32, #tpu.memory_space<vmem>>
      %dma_wait3A_132 = tpu.memref_squeeze %dma_wait3A_131 : memref<1x80xi32, #tpu.memory_space<vmem>> -> memref<80xi32, #tpu.memory_space<vmem>>
      %dma_wait3A_133 = arith.constant 0 : i32
      %dma_wait3A_134 = arith.constant 0 : i32
      %dma_wait3A_135 = tpu.memref_slice %arg2[%dma_wait3A_133, %dma_wait3A_134] : memref<10000x64xf32, #tpu.memory_space<hbm>> -> memref<10000x64xf32, #tpu.memory_space<hbm>>
      tpu.wait_indirect_dma semaphore(%arg15 : memref<!tpu.dma_semaphore, #tpu.memory_space<semaphore_mem>>) src(%dma_wait3A_135 : memref<10000x64xf32, #tpu.memory_space<hbm>>) dst(%arg10 : memref<80x64xf32, #tpu.memory_space<vmem>>)
      %dma_start3A_136 = arith.constant 0 : i32
      %dma_start3A_137 = tpu.memref_slice %arg7[%add3A_117, %dma_start3A_136] : memref<125x80xi32, #tpu.memory_space<vmem>> -> memref<1x80xi32, #tpu.memory_space<vmem>>
      %dma_start3A_138 = tpu.memref_squeeze %dma_start3A_137 : memref<1x80xi32, #tpu.memory_space<vmem>> -> memref<80xi32, #tpu.memory_space<vmem>>
      %dma_start3A_139 = arith.constant 0 : i32
      %dma_start3A_140 = arith.constant 0 : i32
      %dma_start3A_141 = tpu.memref_slice %arg12[%dma_start3A_139, %dma_start3A_140] : memref<10000x64xf32, #tpu.memory_space<vmem_shared>> -> memref<10000x64xf32, #tpu.memory_space<vmem_shared>>
      tpu.enqueue_indirect_dma source(%arg10 : memref<80x64xf32, #tpu.memory_space<vmem>>) target(%dma_start3A_141 : memref<10000x64xf32, #tpu.memory_space<vmem_shared>>) offsets(%dma_start3A_138 : memref<80xi32, #tpu.memory_space<vmem>>) semaphore(%arg19 : memref<!tpu.dma_semaphore, #tpu.memory_space<semaphore_mem>>) {add = true}
      %add3A_142 = arith.constant 3 : i32
      %add3A_143 = arith.addi %mul3A_65, %add3A_142 : i32
      %ge3A_144 = arith.constant 2 : i32
      %ge3A_145 = arith.cmpi sge, %add3A_143, %ge3A_144 : i32
      %convert_element_type3A_146 = arith.extui %ge3A_145 : i1 to i32
      %cond3A_147 = arith.constant 0 : i32
      %cond3A_148 = arith.cmpi ne, %convert_element_type3A_146, %cond3A_147 : i32
      scf.if %cond3A_148 {
        %dma_wait3A_168 = arith.constant 0 : i32
        %dma_wait3A_169 = arith.constant 0 : i32
        %dma_wait3A_170 = tpu.memref_slice %arg7[%dma_wait3A_168, %dma_wait3A_169] : memref<125x80xi32, #tpu.memory_space<vmem>> -> memref<1x80xi32, #tpu.memory_space<vmem>>
        %dma_wait3A_171 = tpu.memref_squeeze %dma_wait3A_170 : memref<1x80xi32, #tpu.memory_space<vmem>> -> memref<80xi32, #tpu.memory_space<vmem>>
        %dma_wait3A_172 = arith.constant 0 : i32
        %dma_wait3A_173 = arith.constant 0 : i32
        %dma_wait3A_174 = tpu.memref_slice %arg12[%dma_wait3A_172, %dma_wait3A_173] : memref<10000x64xf32, #tpu.memory_space<vmem_shared>> -> memref<10000x64xf32, #tpu.memory_space<vmem_shared>>
        tpu.wait_indirect_dma semaphore(%arg18 : memref<!tpu.dma_semaphore, #tpu.memory_space<semaphore_mem>>) src(%arg9 : memref<80x64xf32, #tpu.memory_space<vmem>>) dst(%dma_wait3A_174 : memref<10000x64xf32, #tpu.memory_space<vmem_shared>>)
      } else {
      }
      %add3A_149 = arith.constant 2 : i32
      %add3A_150 = arith.addi %add3A_143, %add3A_149 : i32
      %lt3A_151 = arith.constant 125 : i32
      %lt3A_152 = arith.cmpi slt, %add3A_150, %lt3A_151 : i32
      %convert_element_type3A_153 = arith.extui %lt3A_152 : i1 to i32
      %cond3A_154 = arith.constant 0 : i32
      %cond3A_155 = arith.cmpi ne, %convert_element_type3A_153, %cond3A_154 : i32
      scf.if %cond3A_155 {
        %add3A_168 = arith.constant 2 : i32
        %add3A_169 = arith.addi %add3A_143, %add3A_168 : i32
        %dma_start3A_170 = arith.constant 0 : i32
        %dma_start3A_171 = tpu.memref_slice %arg6[%add3A_169, %dma_start3A_170] : memref<125x80xi32, #tpu.memory_space<vmem>> -> memref<1x80xi32, #tpu.memory_space<vmem>>
        %dma_start3A_172 = tpu.memref_squeeze %dma_start3A_171 : memref<1x80xi32, #tpu.memory_space<vmem>> -> memref<80xi32, #tpu.memory_space<vmem>>
        %dma_start3A_173 = arith.constant 0 : i32
        %dma_start3A_174 = arith.constant 0 : i32
        %dma_start3A_175 = tpu.memref_slice %arg2[%dma_start3A_173, %dma_start3A_174] : memref<10000x64xf32, #tpu.memory_space<hbm>> -> memref<10000x64xf32, #tpu.memory_space<hbm>>
        tpu.enqueue_indirect_dma source(%dma_start3A_175 : memref<10000x64xf32, #tpu.memory_space<hbm>>) target(%arg9 : memref<80x64xf32, #tpu.memory_space<vmem>>) offsets(%dma_start3A_172 : memref<80xi32, #tpu.memory_space<vmem>>) semaphore(%arg14 : memref<!tpu.dma_semaphore, #tpu.memory_space<semaphore_mem>>)
      } else {
      }
      %dma_wait3A_156 = arith.constant 0 : i32
      %dma_wait3A_157 = tpu.memref_slice %arg6[%add3A_143, %dma_wait3A_156] : memref<125x80xi32, #tpu.memory_space<vmem>> -> memref<1x80xi32, #tpu.memory_space<vmem>>
      %dma_wait3A_158 = tpu.memref_squeeze %dma_wait3A_157 : memref<1x80xi32, #tpu.memory_space<vmem>> -> memref<80xi32, #tpu.memory_space<vmem>>
      %dma_wait3A_159 = arith.constant 0 : i32
      %dma_wait3A_160 = arith.constant 0 : i32
      %dma_wait3A_161 = tpu.memref_slice %arg2[%dma_wait3A_159, %dma_wait3A_160] : memref<10000x64xf32, #tpu.memory_space<hbm>> -> memref<10000x64xf32, #tpu.memory_space<hbm>>
      tpu.wait_indirect_dma semaphore(%arg16 : memref<!tpu.dma_semaphore, #tpu.memory_space<semaphore_mem>>) src(%dma_wait3A_161 : memref<10000x64xf32, #tpu.memory_space<hbm>>) dst(%arg11 : memref<80x64xf32, #tpu.memory_space<vmem>>)
      %dma_start3A_162 = arith.constant 0 : i32
      %dma_start3A_163 = tpu.memref_slice %arg7[%add3A_143, %dma_start3A_162] : memref<125x80xi32, #tpu.memory_space<vmem>> -> memref<1x80xi32, #tpu.memory_space<vmem>>
      %dma_start3A_164 = tpu.memref_squeeze %dma_start3A_163 : memref<1x80xi32, #tpu.memory_space<vmem>> -> memref<80xi32, #tpu.memory_space<vmem>>
      %dma_start3A_165 = arith.constant 0 : i32
      %dma_start3A_166 = arith.constant 0 : i32
      %dma_start3A_167 = tpu.memref_slice %arg12[%dma_start3A_165, %dma_start3A_166] : memref<10000x64xf32, #tpu.memory_space<vmem_shared>> -> memref<10000x64xf32, #tpu.memory_space<vmem_shared>>
      tpu.enqueue_indirect_dma source(%arg11 : memref<80x64xf32, #tpu.memory_space<vmem>>) target(%dma_start3A_167 : memref<10000x64xf32, #tpu.memory_space<vmem_shared>>) offsets(%dma_start3A_164 : memref<80xi32, #tpu.memory_space<vmem>>) semaphore(%arg20 : memref<!tpu.dma_semaphore, #tpu.memory_space<semaphore_mem>>) {add = true}
    }
    %scan3A_27 = arith.constant 31 : i32
    %dma_wait3A = arith.constant 124 : i32
    %dma_wait3A_28 = arith.constant 0 : i32
    %dma_wait3A_29 = tpu.memref_slice %arg6[%dma_wait3A, %dma_wait3A_28] : memref<125x80xi32, #tpu.memory_space<vmem>> -> memref<1x80xi32, #tpu.memory_space<vmem>>
    %dma_wait3A_30 = tpu.memref_squeeze %dma_wait3A_29 : memref<1x80xi32, #tpu.memory_space<vmem>> -> memref<80xi32, #tpu.memory_space<vmem>>
    %dma_wait3A_31 = arith.constant 0 : i32
    %dma_wait3A_32 = arith.constant 0 : i32
    %dma_wait3A_33 = tpu.memref_slice %arg2[%dma_wait3A_31, %dma_wait3A_32] : memref<10000x64xf32, #tpu.memory_space<hbm>> -> memref<10000x64xf32, #tpu.memory_space<hbm>>
    tpu.wait_indirect_dma semaphore(%arg13 : memref<!tpu.dma_semaphore, #tpu.memory_space<semaphore_mem>>) src(%dma_wait3A_33 : memref<10000x64xf32, #tpu.memory_space<hbm>>) dst(%arg8 : memref<80x64xf32, #tpu.memory_space<vmem>>)
    %dma_start3A_34 = arith.constant 124 : i32
    %dma_start3A_35 = arith.constant 0 : i32
    %dma_start3A_36 = tpu.memref_slice %arg7[%dma_start3A_34, %dma_start3A_35] : memref<125x80xi32, #tpu.memory_space<vmem>> -> memref<1x80xi32, #tpu.memory_space<vmem>>
    %dma_start3A_37 = tpu.memref_squeeze %dma_start3A_36 : memref<1x80xi32, #tpu.memory_space<vmem>> -> memref<80xi32, #tpu.memory_space<vmem>>
    %dma_start3A_38 = arith.constant 0 : i32
    %dma_start3A_39 = arith.constant 0 : i32
    %dma_start3A_40 = tpu.memref_slice %arg12[%dma_start3A_38, %dma_start3A_39] : memref<10000x64xf32, #tpu.memory_space<vmem_shared>> -> memref<10000x64xf32, #tpu.memory_space<vmem_shared>>
    tpu.enqueue_indirect_dma source(%arg8 : memref<80x64xf32, #tpu.memory_space<vmem>>) target(%dma_start3A_40 : memref<10000x64xf32, #tpu.memory_space<vmem_shared>>) offsets(%dma_start3A_37 : memref<80xi32, #tpu.memory_space<vmem>>) semaphore(%arg17 : memref<!tpu.dma_semaphore, #tpu.memory_space<semaphore_mem>>) {add = true}
    %dma_wait3A_41 = arith.constant 0 : i32
    %dma_wait3A_42 = arith.constant 0 : i32
    %dma_wait3A_43 = tpu.memref_slice %arg7[%dma_wait3A_41, %dma_wait3A_42] : memref<125x80xi32, #tpu.memory_space<vmem>> -> memref<1x80xi32, #tpu.memory_space<vmem>>
    %dma_wait3A_44 = tpu.memref_squeeze %dma_wait3A_43 : memref<1x80xi32, #tpu.memory_space<vmem>> -> memref<80xi32, #tpu.memory_space<vmem>>
    %dma_wait3A_45 = arith.constant 0 : i32
    %dma_wait3A_46 = arith.constant 0 : i32
    %dma_wait3A_47 = tpu.memref_slice %arg12[%dma_wait3A_45, %dma_wait3A_46] : memref<10000x64xf32, #tpu.memory_space<vmem_shared>> -> memref<10000x64xf32, #tpu.memory_space<vmem_shared>>
    tpu.wait_indirect_dma semaphore(%arg17 : memref<!tpu.dma_semaphore, #tpu.memory_space<semaphore_mem>>) src(%arg8 : memref<80x64xf32, #tpu.memory_space<vmem>>) dst(%dma_wait3A_47 : memref<10000x64xf32, #tpu.memory_space<vmem_shared>>)
    %dma_wait3A_48 = arith.constant 0 : i32
    %dma_wait3A_49 = arith.constant 0 : i32
    %dma_wait3A_50 = tpu.memref_slice %arg7[%dma_wait3A_48, %dma_wait3A_49] : memref<125x80xi32, #tpu.memory_space<vmem>> -> memref<1x80xi32, #tpu.memory_space<vmem>>
    %dma_wait3A_51 = tpu.memref_squeeze %dma_wait3A_50 : memref<1x80xi32, #tpu.memory_space<vmem>> -> memref<80xi32, #tpu.memory_space<vmem>>
    %dma_wait3A_52 = arith.constant 0 : i32
    %dma_wait3A_53 = arith.constant 0 : i32
    %dma_wait3A_54 = tpu.memref_slice %arg12[%dma_wait3A_52, %dma_wait3A_53] : memref<10000x64xf32, #tpu.memory_space<vmem_shared>> -> memref<10000x64xf32, #tpu.memory_space<vmem_shared>>
    tpu.wait_indirect_dma semaphore(%arg19 : memref<!tpu.dma_semaphore, #tpu.memory_space<semaphore_mem>>) src(%arg10 : memref<80x64xf32, #tpu.memory_space<vmem>>) dst(%dma_wait3A_54 : memref<10000x64xf32, #tpu.memory_space<vmem_shared>>)
    %dma_wait3A_55 = arith.constant 0 : i32
    %dma_wait3A_56 = arith.constant 0 : i32
    %dma_wait3A_57 = tpu.memref_slice %arg7[%dma_wait3A_55, %dma_wait3A_56] : memref<125x80xi32, #tpu.memory_space<vmem>> -> memref<1x80xi32, #tpu.memory_space<vmem>>
    %dma_wait3A_58 = tpu.memref_squeeze %dma_wait3A_57 : memref<1x80xi32, #tpu.memory_space<vmem>> -> memref<80xi32, #tpu.memory_space<vmem>>
    %dma_wait3A_59 = arith.constant 0 : i32
    %dma_wait3A_60 = arith.constant 0 : i32
    %dma_wait3A_61 = tpu.memref_slice %arg12[%dma_wait3A_59, %dma_wait3A_60] : memref<10000x64xf32, #tpu.memory_space<vmem_shared>> -> memref<10000x64xf32, #tpu.memory_space<vmem_shared>>
    tpu.wait_indirect_dma semaphore(%arg20 : memref<!tpu.dma_semaphore, #tpu.memory_space<semaphore_mem>>) src(%arg11 : memref<80x64xf32, #tpu.memory_space<vmem>>) dst(%dma_wait3A_61 : memref<10000x64xf32, #tpu.memory_space<vmem_shared>>)
    %barrier3A_62 = arith.constant 0 : index
    tpu.barrier barrier_id(%barrier3A_62)
    "tpu.region"() ({
      %run_scoped3A = tpu.sem_alloc : memref<!tpu.dma_semaphore, #tpu.memory_space<semaphore_mem>>
      %dma_start3A_63 = arith.constant 0 : i32
      %dma_start3A_64 = arith.constant 0 : i32
      %dma_start3A_65 = tpu.memref_slice %arg5[%arg0, %dma_start3A_63, %dma_start3A_64] : memref<2x10000x64xf32, #tpu.memory_space<hbm>> -> memref<1x10000x64xf32, #tpu.memory_space<hbm>>
      %dma_start3A_66 = tpu.memref_squeeze %dma_start3A_65 : memref<1x10000x64xf32, #tpu.memory_space<hbm>> -> memref<10000x64xf32, #tpu.memory_space<hbm>>
      %dma_start3A_67 = arith.constant 0 : i32
      %dma_start3A_68 = tpu.memref_slice %dma_start3A_66[%mul3A_2, %dma_start3A_67] : memref<10000x64xf32, #tpu.memory_space<hbm>> -> memref<625x64xf32, #tpu.memory_space<hbm>>
      %dma_start3A_69 = arith.constant 0 : i32
      %dma_start3A_70 = tpu.memref_slice %arg12[%mul3A_2, %dma_start3A_69] : memref<10000x64xf32, #tpu.memory_space<vmem_shared>> -> memref<625x64xf32, #tpu.memory_space<vmem_shared>>
      tpu.enqueue_dma source(%dma_start3A_70 : memref<625x64xf32, #tpu.memory_space<vmem_shared>>) target(%dma_start3A_68 : memref<625x64xf32, #tpu.memory_space<hbm>>) target_semaphore(%run_scoped3A : memref<!tpu.dma_semaphore, #tpu.memory_space<semaphore_mem>>)
      %dma_wait3A_71 = arith.constant 0 : i32
      %dma_wait3A_72 = arith.constant 0 : i32
      %dma_wait3A_73 = tpu.memref_slice %arg5[%arg0, %dma_wait3A_71, %dma_wait3A_72] : memref<2x10000x64xf32, #tpu.memory_space<hbm>> -> memref<1x10000x64xf32, #tpu.memory_space<hbm>>
      %dma_wait3A_74 = tpu.memref_squeeze %dma_wait3A_73 : memref<1x10000x64xf32, #tpu.memory_space<hbm>> -> memref<10000x64xf32, #tpu.memory_space<hbm>>
      %dma_wait3A_75 = arith.constant 0 : i32
      %dma_wait3A_76 = tpu.memref_slice %dma_wait3A_74[%mul3A_2, %dma_wait3A_75] : memref<10000x64xf32, #tpu.memory_space<hbm>> -> memref<625x64xf32, #tpu.memory_space<hbm>>
      %dma_wait3A_77 = arith.constant 0 : i32
      %dma_wait3A_78 = tpu.memref_slice %arg12[%mul3A_2, %dma_wait3A_77] : memref<10000x64xf32, #tpu.memory_space<vmem_shared>> -> memref<625x64xf32, #tpu.memory_space<vmem_shared>>
      tpu.wait_dma2 semaphore(%run_scoped3A : memref<!tpu.dma_semaphore, #tpu.memory_space<semaphore_mem>>) src(%dma_wait3A_78 : memref<625x64xf32, #tpu.memory_space<vmem_shared>>) dst(%dma_wait3A_76 : memref<625x64xf32, #tpu.memory_space<hbm>>)
      tpu.yield
    }) : () -> ()
    return
  }
}

module attributes {stable_mosaic.version = 14 : i64} {
  func.func @_delin_body(%arg0: memref<2x320000xi32, #tpu.memory_space<vmem>>, %arg1: memref<2500x128xi32, #tpu.memory_space<vmem>>, %arg2: memref<2500x128xi32, #tpu.memory_space<vmem>>) attributes {dimension_semantics = [], scalar_prefetch = 0 : i64, scratch_operands = 0 : i64, tpu.core_type = #tpu.core_type<tc>} {
    %get3A = arith.constant 0 : index
    %get3A_0 = arith.constant 0 : index
    %get3A_1 = vector.load %arg0[%get3A, %get3A_0] : memref<2x320000xi32, #tpu.memory_space<vmem>>, vector<1x320000xi32>
    %get3A_2 = vector.shape_cast %get3A_1 : vector<1x320000xi32> to vector<320000xi32>
    %reshape3A = vector.shape_cast %get3A_2 : vector<320000xi32> to vector<2500x128xi32>
    %swap3A = arith.constant 0 : index
    %swap3A_3 = arith.constant 0 : index
    %swap3A_4 = vector.load %arg1[%swap3A, %swap3A_3] : memref<2500x128xi32, #tpu.memory_space<vmem>>, vector<2500x128xi32>
    tpu.vector_store %arg1[%swap3A, %swap3A_3], %reshape3A {strides = array<i32>} : memref<2500x128xi32, #tpu.memory_space<vmem>>, vector<2500x128xi32>,
    %get3A_5 = arith.constant 1 : index
    %get3A_6 = arith.constant 0 : index
    %get3A_7 = vector.load %arg0[%get3A_5, %get3A_6] : memref<2x320000xi32, #tpu.memory_space<vmem>>, vector<1x320000xi32>
    %get3A_8 = vector.shape_cast %get3A_7 : vector<1x320000xi32> to vector<320000xi32>
    %reshape3A_9 = vector.shape_cast %get3A_8 : vector<320000xi32> to vector<2500x128xi32>
    %swap3A_10 = arith.constant 0 : index
    %swap3A_11 = arith.constant 0 : index
    %swap3A_12 = vector.load %arg2[%swap3A_10, %swap3A_11] : memref<2500x128xi32, #tpu.memory_space<vmem>>, vector<2500x128xi32>
    tpu.vector_store %arg2[%swap3A_10, %swap3A_11], %reshape3A_9 {strides = array<i32>} : memref<2500x128xi32, #tpu.memory_space<vmem>>, vector<2500x128xi32>,
    return
  }
}

module attributes {stable_mosaic.version = 14 : i64} {
  func.func @_embed_body(%arg0: i32, %arg1: memref<1000x128xf32, #tpu.memory_space<vmem>>, %arg2: memref<128x64xf32, #tpu.memory_space<vmem>>, %arg3: memref<1x64xf32, #tpu.memory_space<vmem>>, %arg4: memref<1000x64xf32, #tpu.memory_space<vmem>>) attributes {dimension_semantics = [#tpu.dimension_semantics<arbitrary>], iteration_bounds = array<i64: 10>, scalar_prefetch = 0 : i64, scratch_operands = 0 : i64, tpu.core_type = #tpu.core_type<tc>, window_params = [{transform_indices = @transform_0, window_bounds = array<i64: 1000, 128>}, {pipeline_mode = #tpu.pipeline_mode<synchronous>, transform_indices = @transform_1, window_bounds = array<i64: 128, 64>}, {pipeline_mode = #tpu.pipeline_mode<synchronous>, transform_indices = @transform_2, window_bounds = array<i64: 1, 64>}, {transform_indices = @transform_3, window_bounds = array<i64: 1000, 64>}]} {
    %get3A = arith.constant 0 : index
    %get3A_0 = arith.constant 0 : index
    %get3A_1 = vector.load %arg1[%get3A, %get3A_0] : memref<1000x128xf32, #tpu.memory_space<vmem>>, vector<1000x128xf32>
    %get3A_2 = arith.constant 0 : index
    %get3A_3 = arith.constant 0 : index
    %get3A_4 = vector.load %arg2[%get3A_2, %get3A_3] : memref<128x64xf32, #tpu.memory_space<vmem>>, vector<128x64xf32>
    %dot_general3A = arith.constant dense<0.000000e+00> : vector<1000x64xf32>
    %dot_general3A_5 = tpu.matmul %get3A_1, %get3A_4, %dot_general3A {dimension_numbers = #tpu.dot_dimension_numbers<[1], [0], [0], [1], [0, 0, 1, 1], [], []>, transpose_lhs_hint = false} : vector<1000x128xf32>, vector<128x64xf32>, vector<1000x64xf32> -> vector<1000x64xf32>
    %get3A_6 = arith.constant 0 : index
    %get3A_7 = arith.constant 0 : index
    %get3A_8 = vector.load %arg3[%get3A_6, %get3A_7] : memref<1x64xf32, #tpu.memory_space<vmem>>, vector<1x64xf32>
    %add3A = vector.broadcast %get3A_8 : vector<1x64xf32> to vector<1000x64xf32>
    %add3A_9 = arith.addf %dot_general3A_5, %add3A : vector<1000x64xf32>
    %max3A = arith.constant 0.000000e+00 : f32
    %max3A_10 = vector.broadcast %max3A : f32 to vector<1000x64xf32>
    %max3A_11 = arith.maximumf %add3A_9, %max3A_10 : vector<1000x64xf32>
    %swap3A = arith.constant 0 : index
    %swap3A_12 = arith.constant 0 : index
    %swap3A_13 = vector.load %arg4[%swap3A, %swap3A_12] : memref<1000x64xf32, #tpu.memory_space<vmem>>, vector<1000x64xf32>
    tpu.vector_store %arg4[%swap3A, %swap3A_12], %max3A_11 {strides = array<i32>} : memref<1000x64xf32, #tpu.memory_space<vmem>>, vector<1000x64xf32>,
    return
  }
  func.func @transform_0(%arg0: i32) -> (i32, i32) {
    %c0_i32 = arith.constant 0 : i32
    %c0_i32_0 = arith.constant 0 : i32
    return %arg0, %c0_i32 : i32, i32
  }
  func.func @transform_1(%arg0: i32) -> (i32, i32) {
    %c0_i32 = arith.constant 0 : i32
    %c0_i32_0 = arith.constant 0 : i32
    %c0_i32_1 = arith.constant 0 : i32
    return %c0_i32, %c0_i32_0 : i32, i32
  }
  func.func @transform_2(%arg0: i32) -> (i32, i32) {
    %c0_i32 = arith.constant 0 : i32
    %c0_i32_0 = arith.constant 0 : i32
    %c0_i32_1 = arith.constant 0 : i32
    return %c0_i32, %c0_i32_0 : i32, i32
  }
  func.func @transform_3(%arg0: i32) -> (i32, i32) {
    %c0_i32 = arith.constant 0 : i32
    %c0_i32_0 = arith.constant 0 : i32
    return %arg0, %c0_i32 : i32, i32
  }
}

module attributes {stable_mosaic.version = 14 : i64} {
  func.func @_scale_body(%arg0: i32, %arg1: memref<1000x128xf32, #tpu.memory_space<vmem>>, %arg2: memref<1000x128xf32, #tpu.memory_space<vmem>>, %arg3: memref<1000x128xf32, #tpu.memory_space<vmem>>, %arg4: memref<1000x128xf32, #tpu.memory_space<vmem>>, %arg5: memref<1000x128xf32, #tpu.memory_space<vmem>>) attributes {dimension_semantics = [#tpu.dimension_semantics<arbitrary>], iteration_bounds = array<i64: 5>, scalar_prefetch = 0 : i64, scratch_operands = 0 : i64, tpu.core_type = #tpu.core_type<tc>, window_params = [{transform_indices = @transform_0, window_bounds = array<i64: 1000, 128>}, {transform_indices = @transform_1, window_bounds = array<i64: 1000, 128>}, {transform_indices = @transform_2, window_bounds = array<i64: 1000, 128>}, {transform_indices = @transform_3, window_bounds = array<i64: 1000, 128>}, {transform_indices = @transform_4, window_bounds = array<i64: 1000, 128>}]} {
    %get3A = arith.constant 0 : index
    %get3A_0 = arith.constant 0 : index
    %get3A_1 = vector.load %arg1[%get3A, %get3A_0] : memref<1000x128xf32, #tpu.memory_space<vmem>>, vector<1000x128xf32>
    %add3A = arith.constant 1.000000e+00 : f32
    %add3A_2 = vector.broadcast %add3A : f32 to vector<1000x128xf32>
    %add3A_3 = arith.addf %get3A_1, %add3A_2 : vector<1000x128xf32>
    %rsqrt3A = math.rsqrt %add3A_3 : vector<1000x128xf32>
    %get3A_4 = arith.constant 0 : index
    %get3A_5 = arith.constant 0 : index
    %get3A_6 = vector.load %arg2[%get3A_4, %get3A_5] : memref<1000x128xf32, #tpu.memory_space<vmem>>, vector<1000x128xf32>
    %mul3A = arith.mulf %rsqrt3A, %get3A_6 : vector<1000x128xf32>
    %swap3A = arith.constant 0 : index
    %swap3A_7 = arith.constant 0 : index
    %swap3A_8 = vector.load %arg3[%swap3A, %swap3A_7] : memref<1000x128xf32, #tpu.memory_space<vmem>>, vector<1000x128xf32>
    tpu.vector_store %arg3[%swap3A, %swap3A_7], %mul3A {strides = array<i32>} : memref<1000x128xf32, #tpu.memory_space<vmem>>, vector<1000x128xf32>,
    %mul3A_9 = arith.constant 0.899999976 : f32
    %mul3A_10 = vector.broadcast %mul3A_9 : f32 to vector<1000x128xf32>
    %mul3A_11 = arith.mulf %mul3A_10, %rsqrt3A : vector<1000x128xf32>
    %swap3A_12 = arith.constant 0 : index
    %swap3A_13 = arith.constant 0 : index
    %swap3A_14 = vector.load %arg4[%swap3A_12, %swap3A_13] : memref<1000x128xf32, #tpu.memory_space<vmem>>, vector<1000x128xf32>
    tpu.vector_store %arg4[%swap3A_12, %swap3A_13], %mul3A_11 {strides = array<i32>} : memref<1000x128xf32, #tpu.memory_space<vmem>>, vector<1000x128xf32>,
    %mul3A_15 = arith.constant 1.000000e-01 : f32
    %mul3A_16 = vector.broadcast %mul3A_15 : f32 to vector<1000x128xf32>
    %mul3A_17 = arith.mulf %mul3A_16, %get3A_6 : vector<1000x128xf32>
    %swap3A_18 = arith.constant 0 : index
    %swap3A_19 = arith.constant 0 : index
    %swap3A_20 = vector.load %arg5[%swap3A_18, %swap3A_19] : memref<1000x128xf32, #tpu.memory_space<vmem>>, vector<1000x128xf32>
    tpu.vector_store %arg5[%swap3A_18, %swap3A_19], %mul3A_17 {strides = array<i32>} : memref<1000x128xf32, #tpu.memory_space<vmem>>, vector<1000x128xf32>,
    return
  }
  func.func @transform_0(%arg0: i32) -> (i32, i32) {
    %c0_i32 = arith.constant 0 : i32
    %c0_i32_0 = arith.constant 0 : i32
    return %arg0, %c0_i32 : i32, i32
  }
  func.func @transform_1(%arg0: i32) -> (i32, i32) {
    %c0_i32 = arith.constant 0 : i32
    %c0_i32_0 = arith.constant 0 : i32
    return %arg0, %c0_i32 : i32, i32
  }
  func.func @transform_2(%arg0: i32) -> (i32, i32) {
    %c0_i32 = arith.constant 0 : i32
    %c0_i32_0 = arith.constant 0 : i32
    return %arg0, %c0_i32 : i32, i32
  }
  func.func @transform_3(%arg0: i32) -> (i32, i32) {
    %c0_i32 = arith.constant 0 : i32
    %c0_i32_0 = arith.constant 0 : i32
    return %arg0, %c0_i32 : i32, i32
  }
  func.func @transform_4(%arg0: i32) -> (i32, i32) {
    %c0_i32 = arith.constant 0 : i32
    %c0_i32_0 = arith.constant 0 : i32
    return %arg0, %c0_i32 : i32, i32
  }
}

module attributes {stable_mosaic.version = 14 : i64} {
  func.func @_layer_body(%arg0: i32, %arg1: memref<2x1000x128xf32, #tpu.memory_space<vmem>>, %arg2: memref<1000x128xf32, #tpu.memory_space<vmem>>, %arg3: memref<1000x128xf32, #tpu.memory_space<vmem>>, %arg4: memref<128x128xf32, #tpu.memory_space<vmem>>, %arg5: memref<1000x128xf32, #tpu.memory_space<vmem>>) attributes {dimension_semantics = [#tpu.dimension_semantics<arbitrary>], iteration_bounds = array<i64: 5>, scalar_prefetch = 0 : i64, scratch_operands = 0 : i64, tpu.core_type = #tpu.core_type<tc>, window_params = [{transform_indices = @transform_0, window_bounds = array<i64: 2, 1000, 128>}, {transform_indices = @transform_1, window_bounds = array<i64: 1000, 128>}, {transform_indices = @transform_2, window_bounds = array<i64: 1000, 128>}, {pipeline_mode = #tpu.pipeline_mode<synchronous>, transform_indices = @transform_3, window_bounds = array<i64: 128, 128>}, {transform_indices = @transform_4, window_bounds = array<i64: 1000, 128>}]} {
    %get3A = arith.constant 0 : index
    %get3A_0 = arith.constant 0 : index
    %get3A_1 = vector.load %arg2[%get3A, %get3A_0] : memref<1000x128xf32, #tpu.memory_space<vmem>>, vector<1000x128xf32>
    %get3A_2 = arith.constant 0 : index
    %get3A_3 = arith.constant 0 : index
    %get3A_4 = arith.constant 0 : index
    %get3A_5 = vector.load %arg1[%get3A_2, %get3A_3, %get3A_4] : memref<2x1000x128xf32, #tpu.memory_space<vmem>>, vector<1x1000x128xf32>
    %get3A_6 = vector.shape_cast %get3A_5 : vector<1x1000x128xf32> to vector<1000x128xf32>
    %get3A_7 = arith.constant 1 : index
    %get3A_8 = arith.constant 0 : index
    %get3A_9 = arith.constant 0 : index
    %get3A_10 = vector.load %arg1[%get3A_7, %get3A_8, %get3A_9] : memref<2x1000x128xf32, #tpu.memory_space<vmem>>, vector<1x1000x128xf32>
    %get3A_11 = vector.shape_cast %get3A_10 : vector<1x1000x128xf32> to vector<1000x128xf32>
    %add3A = arith.addf %get3A_6, %get3A_11 : vector<1000x128xf32>
    %mul3A = arith.mulf %get3A_1, %add3A : vector<1000x128xf32>
    %get3A_12 = arith.constant 0 : index
    %get3A_13 = arith.constant 0 : index
    %get3A_14 = vector.load %arg3[%get3A_12, %get3A_13] : memref<1000x128xf32, #tpu.memory_space<vmem>>, vector<1000x128xf32>
    %add3A_15 = arith.addf %mul3A, %get3A_14 : vector<1000x128xf32>
    %mul3A_16 = arith.constant 0.594534874 : f32
    %mul3A_17 = vector.broadcast %mul3A_16 : f32 to vector<1000x128xf32>
    %mul3A_18 = arith.mulf %mul3A_17, %add3A_15 : vector<1000x128xf32>
    %get3A_19 = arith.constant 0 : index
    %get3A_20 = arith.constant 0 : index
    %get3A_21 = vector.load %arg4[%get3A_19, %get3A_20] : memref<128x128xf32, #tpu.memory_space<vmem>>, vector<128x128xf32>
    %dot_general3A = arith.constant dense<0.000000e+00> : vector<1000x128xf32>
    %dot_general3A_22 = tpu.matmul %add3A_15, %get3A_21, %dot_general3A {dimension_numbers = #tpu.dot_dimension_numbers<[1], [0], [0], [1], [0, 0, 1, 1], [], []>, transpose_lhs_hint = false} : vector<1000x128xf32>, vector<128x128xf32>, vector<1000x128xf32> -> vector<1000x128xf32>
    %mul3A_23 = arith.constant 0.405465096 : f32
    %mul3A_24 = vector.broadcast %mul3A_23 : f32 to vector<1000x128xf32>
    %mul3A_25 = arith.mulf %mul3A_24, %dot_general3A_22 : vector<1000x128xf32>
    %add3A_26 = arith.addf %mul3A_18, %mul3A_25 : vector<1000x128xf32>
    %get3A_27 = arith.constant 0 : index
    %get3A_28 = arith.constant 0 : index
    %get3A_29 = vector.load %arg2[%get3A_27, %get3A_28] : memref<1000x128xf32, #tpu.memory_space<vmem>>, vector<1000x128xf32>
    %mul3A_30 = arith.constant 1.11111116 : f32
    %mul3A_31 = vector.broadcast %mul3A_30 : f32 to vector<1000x128xf32>
    %mul3A_32 = arith.mulf %mul3A_31, %get3A_29 : vector<1000x128xf32>
    %max3A = arith.constant 0.000000e+00 : f32
    %max3A_33 = vector.broadcast %max3A : f32 to vector<1000x128xf32>
    %max3A_34 = arith.maximumf %add3A_26, %max3A_33 : vector<1000x128xf32>
    %mul3A_35 = arith.mulf %mul3A_32, %max3A_34 : vector<1000x128xf32>
    %swap3A = arith.constant 0 : index
    %swap3A_36 = arith.constant 0 : index
    %swap3A_37 = vector.load %arg5[%swap3A, %swap3A_36] : memref<1000x128xf32, #tpu.memory_space<vmem>>, vector<1000x128xf32>
    tpu.vector_store %arg5[%swap3A, %swap3A_36], %mul3A_35 {strides = array<i32>} : memref<1000x128xf32, #tpu.memory_space<vmem>>, vector<1000x128xf32>,
    return
  }
  func.func @transform_0(%arg0: i32) -> (i32, i32, i32) {
    %c0_i32 = arith.constant 0 : i32
    %c0_i32_0 = arith.constant 0 : i32
    %c0_i32_1 = arith.constant 0 : i32
    return %c0_i32, %arg0, %c0_i32_0 : i32, i32, i32
  }
  func.func @transform_1(%arg0: i32) -> (i32, i32) {
    %c0_i32 = arith.constant 0 : i32
    %c0_i32_0 = arith.constant 0 : i32
    return %arg0, %c0_i32 : i32, i32
  }
  func.func @transform_2(%arg0: i32) -> (i32, i32) {
    %c0_i32 = arith.constant 0 : i32
    %c0_i32_0 = arith.constant 0 : i32
    return %arg0, %c0_i32 : i32, i32
  }
  func.func @transform_3(%arg0: i32) -> (i32, i32) {
    %c0_i32 = arith.constant 0 : i32
    %c0_i32_0 = arith.constant 0 : i32
    %c0_i32_1 = arith.constant 0 : i32
    return %c0_i32, %c0_i32_0 : i32, i32
  }
  func.func @transform_4(%arg0: i32) -> (i32, i32) {
    %c0_i32 = arith.constant 0 : i32
    %c0_i32_0 = arith.constant 0 : i32
    return %arg0, %c0_i32 : i32, i32
  }
}

module attributes {stable_mosaic.version = 14 : i64} {
  func.func @_layer_body(%arg0: i32, %arg1: memref<2x1000x128xf32, #tpu.memory_space<vmem>>, %arg2: memref<1000x128xf32, #tpu.memory_space<vmem>>, %arg3: memref<1000x128xf32, #tpu.memory_space<vmem>>, %arg4: memref<128x128xf32, #tpu.memory_space<vmem>>, %arg5: memref<1000x128xf32, #tpu.memory_space<vmem>>) attributes {dimension_semantics = [#tpu.dimension_semantics<arbitrary>], iteration_bounds = array<i64: 5>, scalar_prefetch = 0 : i64, scratch_operands = 0 : i64, tpu.core_type = #tpu.core_type<tc>, window_params = [{transform_indices = @transform_0, window_bounds = array<i64: 2, 1000, 128>}, {transform_indices = @transform_1, window_bounds = array<i64: 1000, 128>}, {transform_indices = @transform_2, window_bounds = array<i64: 1000, 128>}, {pipeline_mode = #tpu.pipeline_mode<synchronous>, transform_indices = @transform_3, window_bounds = array<i64: 128, 128>}, {transform_indices = @transform_4, window_bounds = array<i64: 1000, 128>}]} {
    %get3A = arith.constant 0 : index
    %get3A_0 = arith.constant 0 : index
    %get3A_1 = vector.load %arg2[%get3A, %get3A_0] : memref<1000x128xf32, #tpu.memory_space<vmem>>, vector<1000x128xf32>
    %get3A_2 = arith.constant 0 : index
    %get3A_3 = arith.constant 0 : index
    %get3A_4 = arith.constant 0 : index
    %get3A_5 = vector.load %arg1[%get3A_2, %get3A_3, %get3A_4] : memref<2x1000x128xf32, #tpu.memory_space<vmem>>, vector<1x1000x128xf32>
    %get3A_6 = vector.shape_cast %get3A_5 : vector<1x1000x128xf32> to vector<1000x128xf32>
    %get3A_7 = arith.constant 1 : index
    %get3A_8 = arith.constant 0 : index
    %get3A_9 = arith.constant 0 : index
    %get3A_10 = vector.load %arg1[%get3A_7, %get3A_8, %get3A_9] : memref<2x1000x128xf32, #tpu.memory_space<vmem>>, vector<1x1000x128xf32>
    %get3A_11 = vector.shape_cast %get3A_10 : vector<1x1000x128xf32> to vector<1000x128xf32>
    %add3A = arith.addf %get3A_6, %get3A_11 : vector<1000x128xf32>
    %mul3A = arith.mulf %get3A_1, %add3A : vector<1000x128xf32>
    %get3A_12 = arith.constant 0 : index
    %get3A_13 = arith.constant 0 : index
    %get3A_14 = vector.load %arg3[%get3A_12, %get3A_13] : memref<1000x128xf32, #tpu.memory_space<vmem>>, vector<1000x128xf32>
    %add3A_15 = arith.addf %mul3A, %get3A_14 : vector<1000x128xf32>
    %mul3A_16 = arith.constant 0.776856422 : f32
    %mul3A_17 = vector.broadcast %mul3A_16 : f32 to vector<1000x128xf32>
    %mul3A_18 = arith.mulf %mul3A_17, %add3A_15 : vector<1000x128xf32>
    %get3A_19 = arith.constant 0 : index
    %get3A_20 = arith.constant 0 : index
    %get3A_21 = vector.load %arg4[%get3A_19, %get3A_20] : memref<128x128xf32, #tpu.memory_space<vmem>>, vector<128x128xf32>
    %dot_general3A = arith.constant dense<0.000000e+00> : vector<1000x128xf32>
    %dot_general3A_22 = tpu.matmul %add3A_15, %get3A_21, %dot_general3A {dimension_numbers = #tpu.dot_dimension_numbers<[1], [0], [0], [1], [0, 0, 1, 1], [], []>, transpose_lhs_hint = false} : vector<1000x128xf32>, vector<128x128xf32>, vector<1000x128xf32> -> vector<1000x128xf32>
    %mul3A_23 = arith.constant 0.223143548 : f32
    %mul3A_24 = vector.broadcast %mul3A_23 : f32 to vector<1000x128xf32>
    %mul3A_25 = arith.mulf %mul3A_24, %dot_general3A_22 : vector<1000x128xf32>
    %add3A_26 = arith.addf %mul3A_18, %mul3A_25 : vector<1000x128xf32>
    %get3A_27 = arith.constant 0 : index
    %get3A_28 = arith.constant 0 : index
    %get3A_29 = vector.load %arg2[%get3A_27, %get3A_28] : memref<1000x128xf32, #tpu.memory_space<vmem>>, vector<1000x128xf32>
    %mul3A_30 = arith.constant 1.11111116 : f32
    %mul3A_31 = vector.broadcast %mul3A_30 : f32 to vector<1000x128xf32>
    %mul3A_32 = arith.mulf %mul3A_31, %get3A_29 : vector<1000x128xf32>
    %max3A = arith.constant 0.000000e+00 : f32
    %max3A_33 = vector.broadcast %max3A : f32 to vector<1000x128xf32>
    %max3A_34 = arith.maximumf %add3A_26, %max3A_33 : vector<1000x128xf32>
    %mul3A_35 = arith.mulf %mul3A_32, %max3A_34 : vector<1000x128xf32>
    %swap3A = arith.constant 0 : index
    %swap3A_36 = arith.constant 0 : index
    %swap3A_37 = vector.load %arg5[%swap3A, %swap3A_36] : memref<1000x128xf32, #tpu.memory_space<vmem>>, vector<1000x128xf32>
    tpu.vector_store %arg5[%swap3A, %swap3A_36], %mul3A_35 {strides = array<i32>} : memref<1000x128xf32, #tpu.memory_space<vmem>>, vector<1000x128xf32>,
    return
  }
  func.func @transform_0(%arg0: i32) -> (i32, i32, i32) {
    %c0_i32 = arith.constant 0 : i32
    %c0_i32_0 = arith.constant 0 : i32
    %c0_i32_1 = arith.constant 0 : i32
    return %c0_i32, %arg0, %c0_i32_0 : i32, i32, i32
  }
  func.func @transform_1(%arg0: i32) -> (i32, i32) {
    %c0_i32 = arith.constant 0 : i32
    %c0_i32_0 = arith.constant 0 : i32
    return %arg0, %c0_i32 : i32, i32
  }
  func.func @transform_2(%arg0: i32) -> (i32, i32) {
    %c0_i32 = arith.constant 0 : i32
    %c0_i32_0 = arith.constant 0 : i32
    return %arg0, %c0_i32 : i32, i32
  }
  func.func @transform_3(%arg0: i32) -> (i32, i32) {
    %c0_i32 = arith.constant 0 : i32
    %c0_i32_0 = arith.constant 0 : i32
    %c0_i32_1 = arith.constant 0 : i32
    return %c0_i32, %c0_i32_0 : i32, i32
  }
  func.func @transform_4(%arg0: i32) -> (i32, i32) {
    %c0_i32 = arith.constant 0 : i32
    %c0_i32_0 = arith.constant 0 : i32
    return %arg0, %c0_i32 : i32, i32
  }
}

module attributes {stable_mosaic.version = 14 : i64} {
  func.func @_layer_body(%arg0: i32, %arg1: memref<2x1000x128xf32, #tpu.memory_space<vmem>>, %arg2: memref<1000x128xf32, #tpu.memory_space<vmem>>, %arg3: memref<1000x128xf32, #tpu.memory_space<vmem>>, %arg4: memref<128x128xf32, #tpu.memory_space<vmem>>, %arg5: memref<1000x128xf32, #tpu.memory_space<vmem>>) attributes {dimension_semantics = [#tpu.dimension_semantics<arbitrary>], iteration_bounds = array<i64: 5>, scalar_prefetch = 0 : i64, scratch_operands = 0 : i64, tpu.core_type = #tpu.core_type<tc>, window_params = [{transform_indices = @transform_0, window_bounds = array<i64: 2, 1000, 128>}, {transform_indices = @transform_1, window_bounds = array<i64: 1000, 128>}, {transform_indices = @transform_2, window_bounds = array<i64: 1000, 128>}, {pipeline_mode = #tpu.pipeline_mode<synchronous>, transform_indices = @transform_3, window_bounds = array<i64: 128, 128>}, {transform_indices = @transform_4, window_bounds = array<i64: 1000, 128>}]} {
    %get3A = arith.constant 0 : index
    %get3A_0 = arith.constant 0 : index
    %get3A_1 = vector.load %arg2[%get3A, %get3A_0] : memref<1000x128xf32, #tpu.memory_space<vmem>>, vector<1000x128xf32>
    %get3A_2 = arith.constant 0 : index
    %get3A_3 = arith.constant 0 : index
    %get3A_4 = arith.constant 0 : index
    %get3A_5 = vector.load %arg1[%get3A_2, %get3A_3, %get3A_4] : memref<2x1000x128xf32, #tpu.memory_space<vmem>>, vector<1x1000x128xf32>
    %get3A_6 = vector.shape_cast %get3A_5 : vector<1x1000x128xf32> to vector<1000x128xf32>
    %get3A_7 = arith.constant 1 : index
    %get3A_8 = arith.constant 0 : index
    %get3A_9 = arith.constant 0 : index
    %get3A_10 = vector.load %arg1[%get3A_7, %get3A_8, %get3A_9] : memref<2x1000x128xf32, #tpu.memory_space<vmem>>, vector<1x1000x128xf32>
    %get3A_11 = vector.shape_cast %get3A_10 : vector<1x1000x128xf32> to vector<1000x128xf32>
    %add3A = arith.addf %get3A_6, %get3A_11 : vector<1000x128xf32>
    %mul3A = arith.mulf %get3A_1, %add3A : vector<1000x128xf32>
    %get3A_12 = arith.constant 0 : index
    %get3A_13 = arith.constant 0 : index
    %get3A_14 = vector.load %arg3[%get3A_12, %get3A_13] : memref<1000x128xf32, #tpu.memory_space<vmem>>, vector<1000x128xf32>
    %add3A_15 = arith.addf %mul3A, %get3A_14 : vector<1000x128xf32>
    %mul3A_16 = arith.constant 0.845849335 : f32
    %mul3A_17 = vector.broadcast %mul3A_16 : f32 to vector<1000x128xf32>
    %mul3A_18 = arith.mulf %mul3A_17, %add3A_15 : vector<1000x128xf32>
    %get3A_19 = arith.constant 0 : index
    %get3A_20 = arith.constant 0 : index
    %get3A_21 = vector.load %arg4[%get3A_19, %get3A_20] : memref<128x128xf32, #tpu.memory_space<vmem>>, vector<128x128xf32>
    %dot_general3A = arith.constant dense<0.000000e+00> : vector<1000x128xf32>
    %dot_general3A_22 = tpu.matmul %add3A_15, %get3A_21, %dot_general3A {dimension_numbers = #tpu.dot_dimension_numbers<[1], [0], [0], [1], [0, 0, 1, 1], [], []>, transpose_lhs_hint = false} : vector<1000x128xf32>, vector<128x128xf32>, vector<1000x128xf32> -> vector<1000x128xf32>
    %mul3A_23 = arith.constant 0.15415068 : f32
    %mul3A_24 = vector.broadcast %mul3A_23 : f32 to vector<1000x128xf32>
    %mul3A_25 = arith.mulf %mul3A_24, %dot_general3A_22 : vector<1000x128xf32>
    %add3A_26 = arith.addf %mul3A_18, %mul3A_25 : vector<1000x128xf32>
    %get3A_27 = arith.constant 0 : index
    %get3A_28 = arith.constant 0 : index
    %get3A_29 = vector.load %arg2[%get3A_27, %get3A_28] : memref<1000x128xf32, #tpu.memory_space<vmem>>, vector<1000x128xf32>
    %mul3A_30 = arith.constant 1.11111116 : f32
    %mul3A_31 = vector.broadcast %mul3A_30 : f32 to vector<1000x128xf32>
    %mul3A_32 = arith.mulf %mul3A_31, %get3A_29 : vector<1000x128xf32>
    %max3A = arith.constant 0.000000e+00 : f32
    %max3A_33 = vector.broadcast %max3A : f32 to vector<1000x128xf32>
    %max3A_34 = arith.maximumf %add3A_26, %max3A_33 : vector<1000x128xf32>
    %mul3A_35 = arith.mulf %mul3A_32, %max3A_34 : vector<1000x128xf32>
    %swap3A = arith.constant 0 : index
    %swap3A_36 = arith.constant 0 : index
    %swap3A_37 = vector.load %arg5[%swap3A, %swap3A_36] : memref<1000x128xf32, #tpu.memory_space<vmem>>, vector<1000x128xf32>
    tpu.vector_store %arg5[%swap3A, %swap3A_36], %mul3A_35 {strides = array<i32>} : memref<1000x128xf32, #tpu.memory_space<vmem>>, vector<1000x128xf32>,
    return
  }
  func.func @transform_0(%arg0: i32) -> (i32, i32, i32) {
    %c0_i32 = arith.constant 0 : i32
    %c0_i32_0 = arith.constant 0 : i32
    %c0_i32_1 = arith.constant 0 : i32
    return %c0_i32, %arg0, %c0_i32_0 : i32, i32, i32
  }
  func.func @transform_1(%arg0: i32) -> (i32, i32) {
    %c0_i32 = arith.constant 0 : i32
    %c0_i32_0 = arith.constant 0 : i32
    return %arg0, %c0_i32 : i32, i32
  }
  func.func @transform_2(%arg0: i32) -> (i32, i32) {
    %c0_i32 = arith.constant 0 : i32
    %c0_i32_0 = arith.constant 0 : i32
    return %arg0, %c0_i32 : i32, i32
  }
  func.func @transform_3(%arg0: i32) -> (i32, i32) {
    %c0_i32 = arith.constant 0 : i32
    %c0_i32_0 = arith.constant 0 : i32
    %c0_i32_1 = arith.constant 0 : i32
    return %c0_i32, %c0_i32_0 : i32, i32
  }
  func.func @transform_4(%arg0: i32) -> (i32, i32) {
    %c0_i32 = arith.constant 0 : i32
    %c0_i32_0 = arith.constant 0 : i32
    return %arg0, %c0_i32 : i32, i32
  }
}

module attributes {stable_mosaic.version = 14 : i64} {
  func.func @_layer_body(%arg0: i32, %arg1: memref<2x1000x128xf32, #tpu.memory_space<vmem>>, %arg2: memref<1000x128xf32, #tpu.memory_space<vmem>>, %arg3: memref<1000x128xf32, #tpu.memory_space<vmem>>, %arg4: memref<128x128xf32, #tpu.memory_space<vmem>>, %arg5: memref<1000x128xf32, #tpu.memory_space<vmem>>) attributes {dimension_semantics = [#tpu.dimension_semantics<arbitrary>], iteration_bounds = array<i64: 5>, scalar_prefetch = 0 : i64, scratch_operands = 0 : i64, tpu.core_type = #tpu.core_type<tc>, window_params = [{transform_indices = @transform_0, window_bounds = array<i64: 2, 1000, 128>}, {transform_indices = @transform_1, window_bounds = array<i64: 1000, 128>}, {transform_indices = @transform_2, window_bounds = array<i64: 1000, 128>}, {pipeline_mode = #tpu.pipeline_mode<synchronous>, transform_indices = @transform_3, window_bounds = array<i64: 128, 128>}, {transform_indices = @transform_4, window_bounds = array<i64: 1000, 128>}]} {
    %get3A = arith.constant 0 : index
    %get3A_0 = arith.constant 0 : index
    %get3A_1 = vector.load %arg2[%get3A, %get3A_0] : memref<1000x128xf32, #tpu.memory_space<vmem>>, vector<1000x128xf32>
    %get3A_2 = arith.constant 0 : index
    %get3A_3 = arith.constant 0 : index
    %get3A_4 = arith.constant 0 : index
    %get3A_5 = vector.load %arg1[%get3A_2, %get3A_3, %get3A_4] : memref<2x1000x128xf32, #tpu.memory_space<vmem>>, vector<1x1000x128xf32>
    %get3A_6 = vector.shape_cast %get3A_5 : vector<1x1000x128xf32> to vector<1000x128xf32>
    %get3A_7 = arith.constant 1 : index
    %get3A_8 = arith.constant 0 : index
    %get3A_9 = arith.constant 0 : index
    %get3A_10 = vector.load %arg1[%get3A_7, %get3A_8, %get3A_9] : memref<2x1000x128xf32, #tpu.memory_space<vmem>>, vector<1x1000x128xf32>
    %get3A_11 = vector.shape_cast %get3A_10 : vector<1x1000x128xf32> to vector<1000x128xf32>
    %add3A = arith.addf %get3A_6, %get3A_11 : vector<1000x128xf32>
    %mul3A = arith.mulf %get3A_1, %add3A : vector<1000x128xf32>
    %get3A_12 = arith.constant 0 : index
    %get3A_13 = arith.constant 0 : index
    %get3A_14 = vector.load %arg3[%get3A_12, %get3A_13] : memref<1000x128xf32, #tpu.memory_space<vmem>>, vector<1000x128xf32>
    %add3A_15 = arith.addf %mul3A, %get3A_14 : vector<1000x128xf32>
    %mul3A_16 = arith.constant 0.882216989 : f32
    %mul3A_17 = vector.broadcast %mul3A_16 : f32 to vector<1000x128xf32>
    %mul3A_18 = arith.mulf %mul3A_17, %add3A_15 : vector<1000x128xf32>
    %get3A_19 = arith.constant 0 : index
    %get3A_20 = arith.constant 0 : index
    %get3A_21 = vector.load %arg4[%get3A_19, %get3A_20] : memref<128x128xf32, #tpu.memory_space<vmem>>, vector<128x128xf32>
    %dot_general3A = arith.constant dense<0.000000e+00> : vector<1000x128xf32>
    %dot_general3A_22 = tpu.matmul %add3A_15, %get3A_21, %dot_general3A {dimension_numbers = #tpu.dot_dimension_numbers<[1], [0], [0], [1], [0, 0, 1, 1], [], []>, transpose_lhs_hint = false} : vector<1000x128xf32>, vector<128x128xf32>, vector<1000x128xf32> -> vector<1000x128xf32>
    %mul3A_23 = arith.constant 0.117783032 : f32
    %mul3A_24 = vector.broadcast %mul3A_23 : f32 to vector<1000x128xf32>
    %mul3A_25 = arith.mulf %mul3A_24, %dot_general3A_22 : vector<1000x128xf32>
    %add3A_26 = arith.addf %mul3A_18, %mul3A_25 : vector<1000x128xf32>
    %swap3A = arith.constant 0 : index
    %swap3A_27 = arith.constant 0 : index
    %swap3A_28 = vector.load %arg5[%swap3A, %swap3A_27] : memref<1000x128xf32, #tpu.memory_space<vmem>>, vector<1000x128xf32>
    tpu.vector_store %arg5[%swap3A, %swap3A_27], %add3A_26 {strides = array<i32>} : memref<1000x128xf32, #tpu.memory_space<vmem>>, vector<1000x128xf32>,
    return
  }
  func.func @transform_0(%arg0: i32) -> (i32, i32, i32) {
    %c0_i32 = arith.constant 0 : i32
    %c0_i32_0 = arith.constant 0 : i32
    %c0_i32_1 = arith.constant 0 : i32
    return %c0_i32, %arg0, %c0_i32_0 : i32, i32, i32
  }
  func.func @transform_1(%arg0: i32) -> (i32, i32) {
    %c0_i32 = arith.constant 0 : i32
    %c0_i32_0 = arith.constant 0 : i32
    return %arg0, %c0_i32 : i32, i32
  }
  func.func @transform_2(%arg0: i32) -> (i32, i32) {
    %c0_i32 = arith.constant 0 : i32
    %c0_i32_0 = arith.constant 0 : i32
    return %arg0, %c0_i32 : i32, i32
  }
  func.func @transform_3(%arg0: i32) -> (i32, i32) {
    %c0_i32 = arith.constant 0 : i32
    %c0_i32_0 = arith.constant 0 : i32
    %c0_i32_1 = arith.constant 0 : i32
    return %c0_i32, %c0_i32_0 : i32, i32
  }
  func.func @transform_4(%arg0: i32) -> (i32, i32) {
    %c0_i32 = arith.constant 0 : i32
    %c0_i32_0 = arith.constant 0 : i32
    return %arg0, %c0_i32 : i32, i32
  }
}

</mosaic_0001>

<sc_bundles>
// kernel: kernel.14.cloned.1.call-start
scs
__scs_entry_jumppad:
0x0: {  	(pc) =	sbr.rel $0x88, $3  }
0x1: {  	(tag) =	ssettag $0x0;
	lr =	simm.s32 $0x1  }
0x2: {  	[smem:$0x3F99] =	sst lr;
	_ =	strace $0xD0000000  }
0x3: {  	_ = 	snop  }
0x4: {  	_ = 	snop  }
0x5: {  	_ = 	snop  }
0x6: {  	_ = 	snop  }
0x7: {  	_ = 	snop  }
__scs_overlays_trampoline_lowered:
0x8: {  	[smem:$0x3FA8] =	sst s0  }
0x9: {  	[smem:$0x3FA9] =	sst s1  }
0xa: {  	[smem:$0x3FAA] =	sst s2  }
0xb: {  	[smem:$0x3FAB] =	sst s3  }
0xc: {  	[smem:$0x3FAC] =	sst s4  }
0xd: {  	[smem:$0x3FAD] =	sst s5  }
0xe: {  	[smem:$0x3FAE] =	sst s6  }
0xf: {  	[smem:$0x3FAF] =	sst s7  }
0x10: {  	[smem:$0x3FB0] =	sst s8  }
0x11: {  	[smem:$0x3FB1] =	sst s9;
	s0 =	simm.s32 @!p0 $0x0  }
0x12: {  	s1 =	sld [smem:$0x3F97];
	s0 =	simm.s32 @p0 $0x1  }
0x13: {  	[smem:$0x3FB2] =	sst s0;
	s0 =	simm.s32 @!p1 $0x0  }
0x14: {  	s2 =	sld [smem:$0x3F96];
	s0 =	simm.s32 @p1 $0x1  }
0x15: {  	[smem:$0x3FB3] =	sst s0;
	s0 =	simm.s32 @!p2 $0x0  }
0x16: {  	s3 =	sld [smem:$0x3FDB];
	s0 =	simm.s32 @p2 $0x1  }
0x17: {  	s4 =	simm.s32 $0x1BF5;
	[smem:$0x3FB5] =	sst s0  }
0x18: {  	s0 =	sld [smem:$0x3F98];
	_ =	swait.ge [sflag:s4], $0x0  }
0x19: {  	s7 =	sld [smem:$0x3F99]  }
0x1a: {  	s8 =	sadd.s32 $0xFFFFE003, lr  }
0x1b: {  	s9 =	sadd.s32 $0xFFFFFEF7, lr;
	s5 =	simm.s32 $0xFFFFFFFF;
	p2 =	slt.u32 s8, $0xFFFFF086  }
0x1c: {  	p1 =	slt.u32 s9, $0xF7A;
	s5 =	simm.s32 @!p2 $0x0  }
0x1d: {  	s5 =	simm.s32 @p1 $0x1;
	p0 =	seq.s32 s7, s2  }
0x1e: {  	s7 =	smul.u32 @!p0 $0xF7A, s2;
	p2 =	seq.s32 @!p0 s5, $0x0  }
0x1f: {  	s9 =	smul.u32 $0xF7A, s1;
	s8 =	simm.s32 @!p0 $0x1BF5;
	p2 =	por !p2, p0  }
0x20: {  	[sflag:s8] =	ssyncset.s32 @!p0 $0xFFFFF086;
	s6 =	sadd.s32 @!p0 s3, s7;
	s7 =	simm.s32 @!p0 $0x108  }
0x21: {  	s3 =	sadd.s32 s3, s9;
	s6 =	sadd.s32 @!p0 $0x88, s6;
	s7 =	simm.s32 @p2 $0x1082  }
0x22: {  	[simem:s7], [sflag:s8] =	dma.local @!p0 [hbm:s6], $0xF7A  }
0x23: {  	s9 =	sor.u32 $0xD0000000, s2;
	s6 =	simm.s32 $0x108;
	_ =	swait.ge @!p0 [sflag:s8], $0x0  }
0x24: {  	s3 =	sadd.s32 $0x88, s3;
	s6 =	simm.s32 @!p1 $0x1082;
	[sflag:s4] =	ssyncset.s32 $0xFFFFF086  }
0x25: {  	[simem:s6], [sflag:s4] =	dma.local [hbm:s3], $0xF7A  }
0x26: {  	[smem:$0x3F99] =	sst s1;
	(tag) =	ssettag s2;
	_ =	strace s9  }
0x27: {  	s1 =	sld [smem:$0x3FA9]  }
0x28: {  	s2 =	sld [smem:$0x3FAA]  }
0x29: {  	s4 =	sld [smem:$0x3FAC]  }
0x2a: {  	p0 =	seq.s32 s5, $0x0;
	s5 =	sld [smem:$0x3FAD]  }
0x2b: {  	s6 =	sld [smem:$0x3FAE]  }
0x2c: {  	s7 =	sld [smem:$0x3FAF]  }
0x2d: {  	s3 =	simm.s32 $0x108;
	s8 =	sld [smem:$0x3FB0]  }
0x2e: {  	s3 =	simm.s32 @!p0 $0x1082;
	s9 =	sld [smem:$0x3FB1]  }
0x2f: {  	lr =	sadd.s32 s0, s3;
	s0 =	sld [smem:$0x3FA8]  }
0x30: {  	s3 =	sld [smem:$0x3FAB]  }
0x31: {  	[smem:$0x3FB4] =	sst s10  }
0x32: {  	s10 =	sld [smem:$0x3FB2];
	_ =	sdelay $0x3  }
0x33: {  	p0 =	seq.s32 s10, $0x1;
	s10 =	sld [smem:$0x3FB4];
	_ =	sdelay $0x3  }
0x34: {  	[smem:$0x3FB4] =	sst s10  }
0x35: {  	s10 =	sld [smem:$0x3FB3];
	_ =	sdelay $0x3  }
0x36: {  	p1 =	seq.s32 s10, $0x1;
	s10 =	sld [smem:$0x3FB4];
	_ =	sdelay $0x3  }
0x37: {  	[smem:$0x3FB4] =	sst s10  }
0x38: {  	s10 =	sld [smem:$0x3FB5]  }
0x39: {  	_ = 	snop;
	(pc) =	sbr.ind lr, $3  }
0x3a: {  	_ = 	snop  }
0x3b: {  	_ = 	snop  }
0x3c: {  	p2 =	seq.s32 s10, $0x1;
	s10 =	sld [smem:$0x3FB4]  }
0x3d: {  	_ =	shalt  }
0x3e: {  	_ =	shalt  }
0x3f: {  	_ =	shalt  }
0x40: {  	_ =	shalt  }
0x41: {  	_ =	shalt  }
0x42: {  	_ =	shalt  }
0x43: {  	_ =	shalt  }
0x44: {  	_ =	shalt  }
0x45: {  	_ =	shalt  }
0x46: {  	_ =	shalt  }
0x47: {  	_ =	shalt  }
0x48: {  	_ =	shalt  }
0x49: {  	_ =	shalt  }
0x4a: {  	_ =	shalt  }
0x4b: {  	_ =	shalt  }
0x4c: {  	_ =	shalt  }
0x4d: {  	_ =	shalt  }
0x4e: {  	_ =	shalt  }
0x4f: {  	_ =	shalt  }
0x50: {  	_ =	shalt  }
0x51: {  	_ =	shalt  }
0x52: {  	_ =	shalt  }
0x53: {  	_ =	shalt  }
0x54: {  	_ =	shalt  }
0x55: {  	_ =	shalt  }
0x56: {  	_ =	shalt  }
0x57: {  	_ =	shalt  }
0x58: {  	_ =	shalt  }
0x59: {  	_ =	shalt  }
0x5a: {  	_ =	shalt  }
0x5b: {  	_ =	shalt  }
0x5c: {  	_ =	shalt  }
0x5d: {  	_ =	shalt  }
0x5e: {  	_ =	shalt  }
0x5f: {  	_ =	shalt  }
0x60: {  	_ =	shalt  }
0x61: {  	_ =	shalt  }
0x62: {  	_ =	shalt  }
0x63: {  	_ =	shalt  }
0x64: {  	_ =	shalt  }
0x65: {  	_ =	shalt  }
0x66: {  	_ =	shalt  }
0x67: {  	_ =	shalt  }
0x68: {  	_ =	shalt  }
0x69: {  	_ =	shalt  }
0x6a: {  	_ =	shalt  }
0x6b: {  	_ =	shalt  }
0x6c: {  	_ =	shalt  }
0x6d: {  	_ =	shalt  }
0x6e: {  	_ =	shalt  }
0x6f: {  	_ =	shalt  }
0x70: {  	_ =	shalt  }
0x71: {  	_ =	shalt  }
0x72: {  	_ =	shalt  }
0x73: {  	_ =	shalt  }
0x74: {  	_ =	shalt  }
0x75: {  	_ =	shalt  }
0x76: {  	_ =	shalt  }
0x77: {  	_ =	shalt  }
0x78: {  	_ =	shalt  }
0x79: {  	_ =	shalt  }
0x7a: {  	_ =	shalt  }
0x7b: {  	_ =	shalt  }
0x7c: {  	_ =	shalt  }
0x7d: {  	_ =	shalt  }
0x7e: {  	_ =	shalt  }
0x7f: {  	_ =	shalt  }
0x80: {  	_ =	shalt  }
0x81: {  	_ =	shalt  }
0x82: {  	_ =	shalt  }
0x83: {  	_ =	shalt  }
0x84: {  	_ =	shalt  }
0x85: {  	_ =	shalt  }
0x86: {  	_ =	shalt  }
0x87: {  	_ =	shalt  }
.Lfunc_end0:
.L_simem_size_0:
called_computation_lowered:
.L_overlay_start_0:
0x88: {  	s2 =	sld [smem:$0x3FD9]  }
0x89: {  	s3 =	sld [smem:$0x3FFE];
	_ =	sdelay $0x1  }
0x8a: {  	s1 =	srdreg.scid  }
0x8b: {  	s0 =	sand.u32 $0x1, s1  }
0x8c: {  	s17 =	sshll.u32 s0, $0xA;
	s2 =	sadd.s32 s3, s2  }
0x8d: {  	s2 =	sadd.s32 s2, s17  }
0x8e: {  	[smem:$0x3FC0] =	sst s2  }
0x8f: {  	_ = 	snop  }
0x90: {  	s2 =	sld [smem:$0x3FD0];
	(tm) =	ssettm $0x1  }
0x91: {  	s18 =	sld [smem:$0x3FFB];
	_ =	sdelay $0x3  }
0x92: {  	_ =	strace s18  }
0x93: {  	s3 =	sld [smem:$0x3FFC];
	_ =	sdelay $0x3  }
0x94: {  	_ =	strace s3  }
0x95: {  	s3 =	sld [smem:$0x3FFD];
	_ =	sdelay $0x3  }
0x96: {  	_ =	strace s3  }
0x97: {  	_ =	strace $0x8FFFFFFF  }
0x98: {  	s19 =	sld [smem:$0x3FDB];
	_ =	sdelay $0x1  }
0x99: {  	s4 =	simm.s32 $_scs_section_size  }
0x9a: {  	s5 =	simm.s32 $_size__tile_overlayer_lowered;
	s6 =	simm.s32 $_tile_overlayer_lowered  }
0x9b: {  	s22 =	simm.s32 $0x1BFF;
	s21 =	sshll.u32 s6, $0x1;
	s3 =	sadd.s32 s4, s19  }
0x9c: {  	s7 =	simm.s32 $0x0;
	s20 =	sshll.u32 s5, $0x1;
	s5 =	sadd.s32 s21, s3  }
0x9d: {  	[timem:s7], [sflag:s22] =	dma.local [hbm:s5], s20  }
0x9e: {  	_ =	swait.ge [sflag:s22], s20  }
0x9f: {  	s4 =	ssub.s32 $0x0, s20;
	[sflag:s22] =	ssyncset.done $0x0  }
0xa0: {  	[sflag:s22] =	ssyncadd.s32 s4;
	_ =	sdelay $0x1  }
0xa1: {  	s23 =	simm.s32 $0x1B8B  }
0xa2: {  	_ =	swait.ge [sflag:s23], $0x1  }
0xa3: {  	[sflag:s23] =	ssyncset.done $0x0  }
0xa4: {  	s25 =	simm.s32 $0x1B8E;
	s24 =	sld [smem:$0x3FFE];
	[sflag:s23] =	ssyncadd.s32 $0xFFFFFFFF  }
0xa5: {  	s26 =	simm.s32 $execute0_lowered;
	[smem:$0x3FD2] =	sst s25  }
0xa6: {  	s5 =	sshll.u32 s26, $0x1;
	_ =	strace $0x80000046;
	[dreg:$0x1] =	wrdreg $0xFFFFFFFF  }
0xa7: {  	s28 =	simm.s32 $_size_execute0_lowered;
	s3 =	sadd.s32 s3, s5;
	[dreg:$0x0] =	wrdreg $0x0  }
0xa8: {  	s5 =	sshll.u32 s28, $0x1;
	[dreg:$0x2] =	wrdreg s3  }
0xa9: {  	[dreg:$0x3] =	wrdreg s5  }
0xaa: {  	[dreg:$0x4] =	wrdreg $0xC0  }
0xab: {  	_ =	task [dreg:s7], $0x5FFFF  }
0xac: {  	[dreg:$0x1] =	wrdreg $0xFFFFFFFF  }
0xad: {  	[dreg:$0x0] =	wrdreg $0x60  }
0xae: {  	[dreg:$0x2] =	wrdreg s24  }
0xaf: {  	[dreg:$0x3] =	wrdreg s2  }
0xb0: {  	[dreg:$0x4] =	wrdreg $0x2C100  }
0xb1: {  	[dreg:$0x5] =	wrdreg $0x9  }
0xb2: {  	_ =	task.clear_ibuf [dreg:s7], $0x6FFFF;
	_ =	strace $0x90000046  }
0xb3: {  	s29 =	simm.s32 $0x9;
	_ =	strace $0x80000048  }
0xb4: {  	_ =	swait.ge [sflag:s29], $0x1  }
0xb5: {  	[sflag:s29] =	ssyncadd.s32 $0xFFFFFFFF  }
0xb6: {  	_ =	strace $0x90000048  }
0xb7: {  	_ =	sfence  }
0xb8: {  	s30 =	sld [smem:$0x0];
	_ =	sdelay $0x2  }
0xb9: {  	s31 =	sshll.u32 s1, $0xD;
	s1 =	sshrl.u32 s1, $0x2  }
0xba: {  	s3 =	sand.u32 $0x4000, s31;
	s1 =	sadd.s32 s1, s30  }
0xbb: {  	s0 =	sor.u32 s3, s0;
	s1 =	sshll.u32 s1, $0x11  }
0xbc: {  	s0 =	sor.u32 s1, s0  }
0xbd: {  	s0 =	sadd.s32 $0x8F2B, s0  }
0xbe: {  	[sflag:s0] =	ssyncadd.remote.s32 $0x1  }
0xbf: {  	_ =	sfence.sel $0xFFFF  }
0xc0: {  	[dreg:$0x0] =	wrdreg $0xFFFFFFFF;
	(pc) =	sbr.abs _section_cstart, $3  }
0xc1: {  	[dreg:$0x1] =	wrdreg $0xFFFFFFFF  }
0xc2: {  	_ =	task.clear_ibuf [dreg:s7], $0x2FFFF;
	_ =	strace $0x9FFFFFFF  }
0xc3: {  	(tm) =	ssettm $0x7FFFFFFF  }
tec
execute0_lowered:
.L_overlay_start_1:
0x0: {  	(tag) =	ssettag $0x1  }
0x1: {  	s4 =	rddreg [dreg:$0x0]  }
0x2: {  	s13 =	rddreg [dreg:$0x1]  }
0x3: {  	s1 =	rddreg [dreg:$0x2]  }
0x4: {  	s2 =	srdreg.scid;
	s0 =	rddreg [dreg:$0x3];
	s3 =	simm.s32 $0x0  }
0x5: {  	s20 =	simm.s32 $0x0;
	s9 =	sand.u32 $0x1, s2;
	s2 =	stileid.u32  }
0x6: {  	[smem:$0x7FF] =	sst s3;
	s5 =	sshll.u32 s9, $0x4;
	s6 =	smul.u32 $0x9C40, s2  }
0x7: {  	_ =	strace $0x80000047;
	s7 =	ssub.s32 $0x2, s9;
	s14 =	smul.u32 $0x2710, s2  }
0x8: {  	s16 =	smul.u32 $0x4E20, s9;
	s31 =	sshll.u32 s2, $0x6;
	s5 =	sor.u32 s2, s5  }
0x9: {  	s8 =	sshrl.u32 s7, $0x1;
	s5 =	smul.u32 $0x4E2, s5;
	s6 =	sshrl.u32 s6, $0x2  }
0xa: {  	s15 =	ssub.s32 s7, s8;
	s17 =	sadd.s32 s13, s16;
	s18 =	sshrl.u32 s14, $0x3  }
0xb: {  	s16 =	simm.s32 $0x50;
	s12 =	sadd.s32 s6, s1;
	s13 =	smax.u32 s15, $0x1  }
0xc: {  	s15 =	simm.s32 $0x2710;
	s17 =	sadd.s32 s18, s17;
	s18 =	sor.u32 $0x1C01, s31  }
0xd: {  	s4 =	sadd.s32 s5, s4;
	s5 =	sadd.s32 s14, s1;
	s6 =	sadd.s32 $0x500, s12  }
0xe: {  	s7 =	sadd.s32 $0xA00, s12;
	s8 =	sadd.s32 $0xF00, s12;
	s9 =	sadd.s32 $0x1400, s12  }
0xf: {  	s10 =	sadd.s32 $0x1900, s12;
	s11 =	sadd.s32 $0x1E00, s12;
	s12 =	sadd.s32 $0x2300, s12  }
0x10: {  	v0 =	vimm.f32 $0.0e+00;
	v1 =	vimm.f32 $1.000000000e+00;
	s14 =	simm.s32 $0x1;
	s4 =	sadd.s32 $0x3E00, s4;
	s19 =	sshrl.u32 s5, $0x3  }
.LBB2_1:
0x11: {  	[tilespmem:s3], [sflag:$0x1] =	stream.linear.gather [hbm4b:s4+s3], $0x2710, $0x38;
	[tilespmem:$0x5320] =	vst v63  }
0x12: {  	_ =	swait.ge [sflag:s14], $0x2710  }
0x13: {  	[sflag:s14] =	ssyncset.done $0x0  }
0x14: {  	s21 =	simm.s32 $0x40;
	s22 =	simm.s32 $0x0;
	[sflag:s14] =	ssyncadd.s32 $0xFFFFD8F0  }
.LBB2_2:
0x15: {  	p0 =	sne.s32 s21, $0x13C0;
	[tilespmem:s22+$0x2710] =	vst v0;
	s22 =	smov.u32 s21;
	s21 =	sadd.s32 $0x40, s21  }
.Ltmp0:
0x16: {  	(pc) =	sbr.rel @p0 .LBB2_2-.Ltmp0, $2  }
0x17: {  	_ =	sdelay $0x2  }
0x18: {  	s22 =	sshra.s32 s22, $0x2  }
0x19: {  	[tilespmem:s22+$0x2710] =	vst v0  }
0x1a: {  	[spmem:s5] =	stream.linear.scatter [tilespmem:s15], [sflag:$0x1], $0x500, $0x38;
	[tilespmem:$0x5320] =	vst v63  }
0x1b: {  	_ =	swait.ge [sflag:s14], $0x500  }
0x1c: {  	[sflag:s14] =	ssyncset.done $0x0  }
0x1d: {  	[sflag:s14] =	ssyncadd.s32 $0xFFFFFB00  }
0x1e: {  	[spmem:s6] =	stream.linear.scatter [tilespmem:s15], [sflag:$0x1], $0x500, $0x38;
	[tilespmem:$0x5320] =	vst v63  }
0x1f: {  	_ =	swait.ge [sflag:s14], $0x500  }
0x20: {  	[sflag:s14] =	ssyncset.done $0x0  }
0x21: {  	[sflag:s14] =	ssyncadd.s32 $0xFFFFFB00  }
0x22: {  	[spmem:s7] =	stream.linear.scatter [tilespmem:s15], [sflag:$0x1], $0x500, $0x38;
	[tilespmem:$0x5320] =	vst v63  }
0x23: {  	_ =	swait.ge [sflag:s14], $0x500  }
0x24: {  	[sflag:s14] =	ssyncset.done $0x0  }
0x25: {  	[sflag:s14] =	ssyncadd.s32 $0xFFFFFB00  }
0x26: {  	[spmem:s8] =	stream.linear.scatter [tilespmem:s15], [sflag:$0x1], $0x500, $0x38;
	[tilespmem:$0x5320] =	vst v63  }
0x27: {  	_ =	swait.ge [sflag:s14], $0x500  }
0x28: {  	[sflag:s14] =	ssyncset.done $0x0  }
0x29: {  	[sflag:s14] =	ssyncadd.s32 $0xFFFFFB00  }
0x2a: {  	[spmem:s9] =	stream.linear.scatter [tilespmem:s15], [sflag:$0x1], $0x500, $0x38;
	[tilespmem:$0x5320] =	vst v63  }
0x2b: {  	_ =	swait.ge [sflag:s14], $0x500  }
0x2c: {  	[sflag:s14] =	ssyncset.done $0x0  }
0x2d: {  	[sflag:s14] =	ssyncadd.s32 $0xFFFFFB00  }
0x2e: {  	[spmem:s10] =	stream.linear.scatter [tilespmem:s15], [sflag:$0x1], $0x500, $0x38;
	[tilespmem:$0x5320] =	vst v63  }
0x2f: {  	_ =	swait.ge [sflag:s14], $0x500  }
0x30: {  	[sflag:s14] =	ssyncset.done $0x0  }
0x31: {  	[sflag:s14] =	ssyncadd.s32 $0xFFFFFB00  }
0x32: {  	[spmem:s11] =	stream.linear.scatter [tilespmem:s15], [sflag:$0x1], $0x500, $0x38;
	[tilespmem:$0x5320] =	vst v63  }
0x33: {  	_ =	swait.ge [sflag:s14], $0x500  }
0x34: {  	[sflag:s14] =	ssyncset.done $0x0  }
0x35: {  	[sflag:s14] =	ssyncadd.s32 $0xFFFFFB00  }
0x36: {  	[spmem:s12] =	stream.linear.scatter [tilespmem:s15], [sflag:$0x1], $0x410, $0x38;
	[tilespmem:$0x5320] =	vst v63  }
0x37: {  	_ =	swait.ge [sflag:s14], $0x410  }
0x38: {  	[sflag:s14] =	ssyncset.done $0x0  }
0x39: {  	s21 =	simm.s32 $0x40;
	s22 =	simm.s32 $0x0;
	[sflag:s14] =	ssyncadd.s32 $0xFFFFFBF0  }
.LBB2_4:
0x3a: {  	p0 =	sne.s32 s21, $0x13C0;
	[tilespmem:s22+$0x2710] =	vst v1;
	s22 =	smov.u32 s21;
	s21 =	sadd.s32 $0x40, s21  }
.Ltmp1:
0x3b: {  	(pc) =	sbr.rel @p0 .LBB2_4-.Ltmp1, $2  }
0x3c: {  	_ =	sdelay $0x2  }
0x3d: {  	s22 =	sshra.s32 s22, $0x2  }
0x3e: {  	[tilespmem:s22+$0x2710] =	vst v1  }
0x3f: {  	s21 =	simm.s32 $0x0;
	[bflag:$0x0] =	sbarrier.arrive $0xFFFF  }
0x40: {  	[spmem:s1] =	stream.indirect.scatter.add.f32 [tilespmem:s15], [sflag:$0x1], $0x10, s21, s16, $0xb8;
	[tilespmem:$0x5320] =	vst v63  }
0x41: {  	_ =	swait.ge [sflag:s14], $0x500  }
0x42: {  	s21 =	simm.s32 $0x140;
	[sflag:s14] =	ssyncset.done $0x0  }
.LBB2_6:
0x43: {  	s22 =	sshra.s32 s21, $0x2;
	[sflag:s14] =	ssyncadd.s32 $0xFFFFFB00;
	p0 =	sne.s32 s21, $0x9B00  }
0x44: {  	[spmem:s1] =	stream.indirect.scatter.add.f32 [tilespmem:s15], [sflag:$0x1], $0x10, s22, s16, $0xb8;
	[tilespmem:$0x5320] =	vst v63  }
.Ltmp2:
0x45: {  	_ = 	snop;
	(pc) =	sbr.rel @p0 .LBB2_6-.Ltmp2, $4  }
0x46: {  	_ = 	snop  }
0x47: {  	s21 =	sadd.s32 $0x140, s21  }
0x48: {  	_ =	swait.ge [sflag:s14], $0x500  }
0x49: {  	[sflag:s14] =	ssyncset.done $0x0  }
0x4a: {  	s20 =	sadd.s32 $0x1, s20  }
0x4b: {  	[sflag:s14] =	ssyncadd.s32 $0xFFFFFB00;
	p0 =	sne.s32 s20, s13  }
.Ltmp3:
0x4c: {  	[bflag:$0x0] =	sbarrier.arrive $0xFFFF;
	(pc) =	sbr.rel @p0 .LBB2_1-.Ltmp3, $4  }
0x4d: {  	[hbm:s17], [sflag:s18] =	dma.local [spmem:s19], $0x4E2  }
0x4e: {  	_ =	swait.ge [sflag:s14], $0x4E2  }
0x4f: {  	[sflag:s14] =	ssyncset.done $0x0  }
0x50: {  	[sflag:s14] =	ssyncadd.s32 $0xFFFFFB1E  }
0x51: {  	_ =	sfence.sel $0x180000  }
0x52: {  	[bflag:$0x0] =	sbarrier.arrive $0xFFFF  }
0x53: {  	p0 =	sne.s32 s2, $0x0;
	_ =	strace $0x90000047  }
0x54: {  	s0 =	sadd.s32 @!p0 $0x100000, s0;
	[bflag:$0x2] =	sbarrier.arrive $0xFFFF  }
0x55: {  	[sflag:s0] =	ssyncadd.tile.s32 @!p0 $0x1;
	_ =	shalt  }
.Lfunc_end2:
_tile_overlayer_lowered:
.L_overlay_start_2:
0x56: {  	(tag) =	ssettag $0x2  }
0x57: {  	s0 =	rddreg [dreg:$0x0];
	s2 =	stileid.u32  }
0x58: {  	s1 =	rddreg [dreg:$0x1];
	p0 =	sne.s32 s2, $0x0  }
0x59: {  	s3 =	rddreg [dreg:$0x2];
	[bflag:$0x3] =	sbarrier.arrive $0xFFFF;
	s2 =	simm.s32 @!p0 $0x1C01  }
0x5a: {  	[timem:s3], [sflag:s2] =	dma.local @!p0 [hbm:s0], s1  }
0x5b: {  	s0 =	simm.s32 @!p0 $0x1  }
0x5c: {  	_ =	swait.ge @!p0 [sflag:s0], s1  }
0x5d: {  	s1 =	ssub.s32 @!p0 $0x0, s1;
	[sflag:s0] =	ssyncset.done @!p0 $0x0  }
0x5e: {  	[sflag:s0] =	ssyncadd.s32 @!p0 s1  }
0x5f: {  	[bflag:$0x3] =	sbarrier.arrive $0xFFFF  }
0x60: {  	_ =	shalt  }

// kernel: kernel.17.cloned.1.call-start
scs
__scs_entry_jumppad:
0x0: {  	(pc) =	sbr.rel $0x88, $3  }
0x1: {  	(tag) =	ssettag $0x0;
	lr =	simm.s32 $0x1  }
0x2: {  	[smem:$0x3F99] =	sst lr;
	_ =	strace $0xD0000000  }
0x3: {  	_ = 	snop  }
0x4: {  	_ = 	snop  }
0x5: {  	_ = 	snop  }
0x6: {  	_ = 	snop  }
0x7: {  	_ = 	snop  }
__scs_overlays_trampoline_lowered:
0x8: {  	[smem:$0x3FA8] =	sst s0  }
0x9: {  	[smem:$0x3FA9] =	sst s1  }
0xa: {  	[smem:$0x3FAA] =	sst s2  }
0xb: {  	[smem:$0x3FAB] =	sst s3  }
0xc: {  	[smem:$0x3FAC] =	sst s4  }
0xd: {  	[smem:$0x3FAD] =	sst s5  }
0xe: {  	[smem:$0x3FAE] =	sst s6  }
0xf: {  	[smem:$0x3FAF] =	sst s7  }
0x10: {  	[smem:$0x3FB0] =	sst s8  }
0x11: {  	[smem:$0x3FB1] =	sst s9;
	s0 =	simm.s32 @!p0 $0x0  }
0x12: {  	s1 =	sld [smem:$0x3F97];
	s0 =	simm.s32 @p0 $0x1  }
0x13: {  	[smem:$0x3FB2] =	sst s0;
	s0 =	simm.s32 @!p1 $0x0  }
0x14: {  	s2 =	sld [smem:$0x3F96];
	s0 =	simm.s32 @p1 $0x1  }
0x15: {  	[smem:$0x3FB3] =	sst s0;
	s0 =	simm.s32 @!p2 $0x0  }
0x16: {  	s3 =	sld [smem:$0x3FDB];
	s0 =	simm.s32 @p2 $0x1  }
0x17: {  	s4 =	simm.s32 $0x1BF5;
	[smem:$0x3FB5] =	sst s0  }
0x18: {  	s0 =	sld [smem:$0x3F98];
	_ =	swait.ge [sflag:s4], $0x0  }
0x19: {  	s7 =	sld [smem:$0x3F99]  }
0x1a: {  	s8 =	sadd.s32 $0xFFFFE003, lr  }
0x1b: {  	s9 =	sadd.s32 $0xFFFFFEF7, lr;
	s5 =	simm.s32 $0xFFFFFFFF;
	p2 =	slt.u32 s8, $0xFFFFF086  }
0x1c: {  	p1 =	slt.u32 s9, $0xF7A;
	s5 =	simm.s32 @!p2 $0x0  }
0x1d: {  	s5 =	simm.s32 @p1 $0x1;
	p0 =	seq.s32 s7, s2  }
0x1e: {  	s7 =	smul.u32 @!p0 $0xF7A, s2;
	p2 =	seq.s32 @!p0 s5, $0x0  }
0x1f: {  	s9 =	smul.u32 $0xF7A, s1;
	s8 =	simm.s32 @!p0 $0x1BF5;
	p2 =	por !p2, p0  }
0x20: {  	[sflag:s8] =	ssyncset.s32 @!p0 $0xFFFFF086;
	s6 =	sadd.s32 @!p0 s3, s7;
	s7 =	simm.s32 @!p0 $0x108  }
0x21: {  	s3 =	sadd.s32 s3, s9;
	s6 =	sadd.s32 @!p0 $0x88, s6;
	s7 =	simm.s32 @p2 $0x1082  }
0x22: {  	[simem:s7], [sflag:s8] =	dma.local @!p0 [hbm:s6], $0xF7A  }
0x23: {  	s9 =	sor.u32 $0xD0000000, s2;
	s6 =	simm.s32 $0x108;
	_ =	swait.ge @!p0 [sflag:s8], $0x0  }
0x24: {  	s3 =	sadd.s32 $0x88, s3;
	s6 =	simm.s32 @!p1 $0x1082;
	[sflag:s4] =	ssyncset.s32 $0xFFFFF086  }
0x25: {  	[simem:s6], [sflag:s4] =	dma.local [hbm:s3], $0xF7A  }
0x26: {  	[smem:$0x3F99] =	sst s1;
	(tag) =	ssettag s2;
	_ =	strace s9  }
0x27: {  	s1 =	sld [smem:$0x3FA9]  }
0x28: {  	s2 =	sld [smem:$0x3FAA]  }
0x29: {  	s4 =	sld [smem:$0x3FAC]  }
0x2a: {  	p0 =	seq.s32 s5, $0x0;
	s5 =	sld [smem:$0x3FAD]  }
0x2b: {  	s6 =	sld [smem:$0x3FAE]  }
0x2c: {  	s7 =	sld [smem:$0x3FAF]  }
0x2d: {  	s3 =	simm.s32 $0x108;
	s8 =	sld [smem:$0x3FB0]  }
0x2e: {  	s3 =	simm.s32 @!p0 $0x1082;
	s9 =	sld [smem:$0x3FB1]  }
0x2f: {  	lr =	sadd.s32 s0, s3;
	s0 =	sld [smem:$0x3FA8]  }
0x30: {  	s3 =	sld [smem:$0x3FAB]  }
0x31: {  	[smem:$0x3FB4] =	sst s10  }
0x32: {  	s10 =	sld [smem:$0x3FB2];
	_ =	sdelay $0x3  }
0x33: {  	p0 =	seq.s32 s10, $0x1;
	s10 =	sld [smem:$0x3FB4];
	_ =	sdelay $0x3  }
0x34: {  	[smem:$0x3FB4] =	sst s10  }
0x35: {  	s10 =	sld [smem:$0x3FB3];
	_ =	sdelay $0x3  }
0x36: {  	p1 =	seq.s32 s10, $0x1;
	s10 =	sld [smem:$0x3FB4];
	_ =	sdelay $0x3  }
0x37: {  	[smem:$0x3FB4] =	sst s10  }
0x38: {  	s10 =	sld [smem:$0x3FB5]  }
0x39: {  	_ = 	snop;
	(pc) =	sbr.ind lr, $3  }
0x3a: {  	_ = 	snop  }
0x3b: {  	_ = 	snop  }
0x3c: {  	p2 =	seq.s32 s10, $0x1;
	s10 =	sld [smem:$0x3FB4]  }
0x3d: {  	_ =	shalt  }
0x3e: {  	_ =	shalt  }
0x3f: {  	_ =	shalt  }
0x40: {  	_ =	shalt  }
0x41: {  	_ =	shalt  }
0x42: {  	_ =	shalt  }
0x43: {  	_ =	shalt  }
0x44: {  	_ =	shalt  }
0x45: {  	_ =	shalt  }
0x46: {  	_ =	shalt  }
0x47: {  	_ =	shalt  }
0x48: {  	_ =	shalt  }
0x49: {  	_ =	shalt  }
0x4a: {  	_ =	shalt  }
0x4b: {  	_ =	shalt  }
0x4c: {  	_ =	shalt  }
0x4d: {  	_ =	shalt  }
0x4e: {  	_ =	shalt  }
0x4f: {  	_ =	shalt  }
0x50: {  	_ =	shalt  }
0x51: {  	_ =	shalt  }
0x52: {  	_ =	shalt  }
0x53: {  	_ =	shalt  }
0x54: {  	_ =	shalt  }
0x55: {  	_ =	shalt  }
0x56: {  	_ =	shalt  }
0x57: {  	_ =	shalt  }
0x58: {  	_ =	shalt  }
0x59: {  	_ =	shalt  }
0x5a: {  	_ =	shalt  }
0x5b: {  	_ =	shalt  }
0x5c: {  	_ =	shalt  }
0x5d: {  	_ =	shalt  }
0x5e: {  	_ =	shalt  }
0x5f: {  	_ =	shalt  }
0x60: {  	_ =	shalt  }
0x61: {  	_ =	shalt  }
0x62: {  	_ =	shalt  }
0x63: {  	_ =	shalt  }
0x64: {  	_ =	shalt  }
0x65: {  	_ =	shalt  }
0x66: {  	_ =	shalt  }
0x67: {  	_ =	shalt  }
0x68: {  	_ =	shalt  }
0x69: {  	_ =	shalt  }
0x6a: {  	_ =	shalt  }
0x6b: {  	_ =	shalt  }
0x6c: {  	_ =	shalt  }
0x6d: {  	_ =	shalt  }
0x6e: {  	_ =	shalt  }
0x6f: {  	_ =	shalt  }
0x70: {  	_ =	shalt  }
0x71: {  	_ =	shalt  }
0x72: {  	_ =	shalt  }
0x73: {  	_ =	shalt  }
0x74: {  	_ =	shalt  }
0x75: {  	_ =	shalt  }
0x76: {  	_ =	shalt  }
0x77: {  	_ =	shalt  }
0x78: {  	_ =	shalt  }
0x79: {  	_ =	shalt  }
0x7a: {  	_ =	shalt  }
0x7b: {  	_ =	shalt  }
0x7c: {  	_ =	shalt  }
0x7d: {  	_ =	shalt  }
0x7e: {  	_ =	shalt  }
0x7f: {  	_ =	shalt  }
0x80: {  	_ =	shalt  }
0x81: {  	_ =	shalt  }
0x82: {  	_ =	shalt  }
0x83: {  	_ =	shalt  }
0x84: {  	_ =	shalt  }
0x85: {  	_ =	shalt  }
0x86: {  	_ =	shalt  }
0x87: {  	_ =	shalt  }
.Lfunc_end0:
.L_simem_size_0:
called_computation.1_lowered:
.L_overlay_start_0:
0x88: {  	s2 =	sld [smem:$0x3FD9]  }
0x89: {  	s3 =	sld [smem:$0x3FFE];
	_ =	sdelay $0x1  }
0x8a: {  	s1 =	srdreg.scid  }
0x8b: {  	s0 =	sand.u32 $0x1, s1  }
0x8c: {  	s17 =	sshll.u32 s0, $0xA;
	s2 =	sadd.s32 s3, s2  }
0x8d: {  	s2 =	sadd.s32 s2, s17  }
0x8e: {  	[smem:$0x3FC0] =	sst s2  }
0x8f: {  	_ = 	snop  }
0x90: {  	s2 =	sld [smem:$0x3FD0];
	(tm) =	ssettm $0x1  }
0x91: {  	s18 =	sld [smem:$0x3FFB];
	_ =	sdelay $0x3  }
0x92: {  	_ =	strace s18  }
0x93: {  	s3 =	sld [smem:$0x3FFC];
	_ =	sdelay $0x3  }
0x94: {  	_ =	strace s3  }
0x95: {  	s3 =	sld [smem:$0x3FFD];
	_ =	sdelay $0x3  }
0x96: {  	_ =	strace s3  }
0x97: {  	_ =	strace $0x8FFFFFFF  }
0x98: {  	s19 =	sld [smem:$0x3FDB];
	_ =	sdelay $0x1  }
0x99: {  	s4 =	simm.s32 $_scs_section_size  }
0x9a: {  	s5 =	simm.s32 $_size__tile_overlayer_lowered;
	s6 =	simm.s32 $_tile_overlayer_lowered  }
0x9b: {  	s22 =	simm.s32 $0x1BFF;
	s21 =	sshll.u32 s6, $0x1;
	s3 =	sadd.s32 s4, s19  }
0x9c: {  	s7 =	simm.s32 $0x0;
	s20 =	sshll.u32 s5, $0x1;
	s5 =	sadd.s32 s21, s3  }
0x9d: {  	[timem:s7], [sflag:s22] =	dma.local [hbm:s5], s20  }
0x9e: {  	_ =	swait.ge [sflag:s22], s20  }
0x9f: {  	s4 =	ssub.s32 $0x0, s20;
	[sflag:s22] =	ssyncset.done $0x0  }
0xa0: {  	[sflag:s22] =	ssyncadd.s32 s4;
	_ =	sdelay $0x1  }
0xa1: {  	s23 =	simm.s32 $0x1B8B  }
0xa2: {  	_ =	swait.ge [sflag:s23], $0x1  }
0xa3: {  	[sflag:s23] =	ssyncset.done $0x0  }
0xa4: {  	s25 =	simm.s32 $0x1B8E;
	s24 =	sld [smem:$0x3FFE];
	[sflag:s23] =	ssyncadd.s32 $0xFFFFFFFF  }
0xa5: {  	s26 =	simm.s32 $execute0_lowered;
	[smem:$0x3FD2] =	sst s25  }
0xa6: {  	s5 =	sshll.u32 s26, $0x1;
	_ =	strace $0x80000049;
	[dreg:$0x1] =	wrdreg $0xFFFFFFFF  }
0xa7: {  	s28 =	simm.s32 $_size_execute0_lowered;
	s3 =	sadd.s32 s3, s5;
	[dreg:$0x0] =	wrdreg $0x0  }
0xa8: {  	s5 =	sshll.u32 s28, $0x1;
	[dreg:$0x2] =	wrdreg s3  }
0xa9: {  	[dreg:$0x3] =	wrdreg s5  }
0xaa: {  	[dreg:$0x4] =	wrdreg $0xC0  }
0xab: {  	_ =	task [dreg:s7], $0x5FFFF  }
0xac: {  	[dreg:$0x1] =	wrdreg $0xFFFFFFFF  }
0xad: {  	[dreg:$0x0] =	wrdreg $0x60  }
0xae: {  	[dreg:$0x2] =	wrdreg s2  }
0xaf: {  	[dreg:$0x3] =	wrdreg s24  }
0xb0: {  	[dreg:$0x4] =	wrdreg $0x9E200  }
0xb1: {  	[dreg:$0x5] =	wrdreg $0x9  }
0xb2: {  	_ =	task.clear_ibuf [dreg:s7], $0x6FFFF;
	_ =	strace $0x90000049  }
0xb3: {  	s29 =	simm.s32 $0x9;
	_ =	strace $0x8000004B  }
0xb4: {  	_ =	swait.ge [sflag:s29], $0x1  }
0xb5: {  	[sflag:s29] =	ssyncadd.s32 $0xFFFFFFFF  }
0xb6: {  	_ =	strace $0x9000004B  }
0xb7: {  	_ =	sfence  }
0xb8: {  	s30 =	sld [smem:$0x0];
	_ =	sdelay $0x2  }
0xb9: {  	s31 =	sshll.u32 s1, $0xD;
	s1 =	sshrl.u32 s1, $0x2  }
0xba: {  	s3 =	sand.u32 $0x4000, s31;
	s1 =	sadd.s32 s1, s30  }
0xbb: {  	s0 =	sor.u32 s3, s0;
	s1 =	sshll.u32 s1, $0x11  }
0xbc: {  	s0 =	sor.u32 s1, s0  }
0xbd: {  	s0 =	sadd.s32 $0x8F2B, s0  }
0xbe: {  	[sflag:s0] =	ssyncadd.remote.s32 $0x1  }
0xbf: {  	_ =	sfence.sel $0xFFFF  }
0xc0: {  	[dreg:$0x0] =	wrdreg $0xFFFFFFFF;
	(pc) =	sbr.abs _section_cstart, $3  }
0xc1: {  	[dreg:$0x1] =	wrdreg $0xFFFFFFFF  }
0xc2: {  	_ =	task.clear_ibuf [dreg:s7], $0x2FFFF;
	_ =	strace $0x9FFFFFFF  }
0xc3: {  	(tm) =	ssettm $0x7FFFFFFF  }
tec
execute0_lowered:
.L_overlay_start_1:
0x0: {  	(tag) =	ssettag $0x1  }
0x1: {  	s0 =	rddreg [dreg:$0x0]  }
0x2: {  	s5 =	rddreg [dreg:$0x1]  }
0x3: {  	s1 =	srdreg.scid;
	s3 =	rddreg [dreg:$0x2]  }
0x4: {  	s2 =	stileid.u32;
	s4 =	simm.s32 $0x0;
	s29 =	simm.s32 $0x8A20  }
0x5: {  	s30 =	simm.s32 $0x2;
	s12 =	simm.s32 $0x6;
	s28 =	simm.s32 $0x4DD0  }
0x6: {  	s31 =	simm.s32 $0x0;
	s1 =	sand.u32 $0x1, s1;
	s10 =	smul.u32 $0x27100, s2  }
0x7: {  	[smem:$0x7FF] =	sst s4;
	s14 =	smul.u32 $0x9C40, s2;
	s6 =	sshll.u32 s1, $0x4  }
0x8: {  	_ =	strace $0x8000004A;
	s7 =	smul.u32 $0x13880, s1;
	s8 =	ssub.s32 $0x2, s1  }
0x9: {  	p0 =	seq.s32 s1, $0x1;
	s1 =	simm.s32 $0x5;
	s6 =	sor.u32 s2, s6  }
0xa: {  	s9 =	sshrl.u32 s8, $0x1;
	s15 =	sshrl.u32 s10, $0x2;
	s16 =	sshrl.u32 s14, $0x3  }
0xb: {  	s10 =	simm.s32 $0x3;
	s6 =	smul.u32 $0x4E2, s6;
	s11 =	sadd.s32 s7, s5  }
0xc: {  	s9 =	ssub.s32 s8, s9;
	s7 =	sadd.s32 s15, s3;
	s18 =	sadd.s32 s0, s16  }
0xd: {  	s8 =	sadd.s32 s14, s3;
	[dreg:$0x4] =	wrdreg s18;
	s19 =	sadd.s32 $0x1400, s7  }
0xe: {  	s14 =	simm.s32 $0x2800;
	s20 =	sadd.s32 $0x2800, s7;
	[dreg:$0x5] =	wrdreg s19  }
0xf: {  	s15 =	simm.s32 $0x7;
	s21 =	sadd.s32 $0x3C00, s7;
	[dreg:$0x6] =	wrdreg s20  }
0x10: {  	s22 =	sadd.s32 $0x5000, s7;
	s23 =	sadd.s32 $0x6400, s7;
	[dreg:$0x7] =	wrdreg s21  }
0x11: {  	s24 =	sadd.s32 $0x7800, s7;
	s25 =	sadd.s32 $0x8C00, s7;
	[dreg:$0x8] =	wrdreg s22  }
0x12: {  	s26 =	sadd.s32 $0x17A00, s11;
	s17 =	smax.u32 s9, $0x1;
	[dreg:$0x9] =	wrdreg s23  }
0x13: {  	s18 =	simm.s32 $0x9;
	s6 =	sadd.s32 s6, s5;
	[dreg:$0xa] =	wrdreg s24  }
0x14: {  	[dreg:$0xb] =	wrdreg s25;
	s19 =	simm.s32 $0x2710;
	s20 =	simm.s32 $0x4E20  }
0x15: {  	s21 =	simm.s32 $0x50;
	s22 =	simm.s32 $0x6220;
	s24 =	sadd.s32 s16, s26  }
0x16: {  	s25 =	simm.s32 $0x7620;
	s26 =	simm.s32 $0x1;
	s23 =	simm.s32 $0x4  }
0x17: {  	v0 =	vimm.f32 $0.0e+00;
	s16 =	simm.s32 $0x8;
	s5 =	sadd.s32 $0xDC00, s6;
	s6 =	sadd.s32 $0x3E00, s6  }
.LBB2_1:
0x18: {  	[tilespmem:s4], [sflag:$0x9] =	stream.linear.gather [hbm4b:s5+s4], $0x2710, $0x38;
	[tilespmem:$0x13A60] =	vst v63  }
0x19: {  	_ =	swait.ge [sflag:s18], $0x2710  }
0x1a: {  	[sflag:s18] =	ssyncset.done $0x0  }
.Ltmp0:
0x1b: {  	[sflag:s18] =	ssyncadd.s32 $0xFFFFD8F0;
	(pc) =	sbr.rel @!p0 .LBB2_2-.Ltmp0, $4  }
0x1c: {  	[tilespmem:s19], [sflag:$0x9] =	stream.linear.gather [hbm4b:s6+s4], $0x2710, $0x38;
	[tilespmem:$0x13A60] =	vst v63  }
0x1d: {  	_ =	swait.ge [sflag:s18], $0x2710  }
0x1e: {  	[sflag:s18] =	ssyncset.done $0x0  }
0x1f: {  	[sflag:s18] =	ssyncadd.s32 $0xFFFFD8F0  }
0x20: {  	s11 =	simm.s32 $0x100;
	s9 =	simm.s32 $0x0  }
.LBB2_4:
0x21: {  	p1 =	sne.s32 s11, $0x4F00;
	[tilespmem:s9+$0x4E50] =	vst v0;
	s13 =	smov.u32 s11;
	s11 =	sadd.s32 $0x100, s11  }
.Ltmp1:
0x22: {  	[tilespmem:s9+$0x4E40] =	vst v0;
	(pc) =	sbr.rel @p1 .LBB2_4-.Ltmp1, $3  }
0x23: {  	[tilespmem:s9+$0x4E20] =	vst v0  }
0x24: {  	[tilespmem:s9+$0x4E30] =	vst v0;
	_ =	sdelay $0x1  }
0x25: {  	s9 =	sshra.s32 s13, $0x2  }
0x26: {  	[tilespmem:s9+$0x4E50] =	vst v0  }
0x27: {  	[tilespmem:s9+$0x4E40] =	vst v0  }
0x28: {  	[tilespmem:s9+$0x4E20] =	vst v0  }
0x29: {  	[tilespmem:s9+$0x4E30] =	vst v0  }
0x2a: {  	[spmem:s7] =	stream.linear.scatter [tilespmem:s20], [sflag:$0x9], $0x1400, $0x38;
	[tilespmem:$0x13A60] =	vst v63  }
0x2b: {  	_ =	swait.ge [sflag:s18], $0x1400  }
0x2c: {  	[sflag:s18] =	ssyncset.done $0x0  }
0x2d: {  	s13 =	rddreg [dreg:$0x5];
	[sflag:s18] =	ssyncadd.s32 $0xFFFFEC00  }
0x2e: {  	[spmem:s13] =	stream.linear.scatter [tilespmem:s20], [sflag:$0x9], $0x1400, $0x38;
	[tilespmem:$0x13A60] =	vst v63  }
0x2f: {  	_ =	swait.ge [sflag:s18], $0x1400  }
0x30: {  	[sflag:s18] =	ssyncset.done $0x0  }
0x31: {  	s11 =	rddreg [dreg:$0x6];
	[sflag:s18] =	ssyncadd.s32 $0xFFFFEC00  }
0x32: {  	[spmem:s11] =	stream.linear.scatter [tilespmem:s20], [sflag:$0x9], $0x1400, $0x38;
	[tilespmem:$0x13A60] =	vst v63  }
0x33: {  	_ =	swait.ge [sflag:s18], $0x1400  }
0x34: {  	[sflag:s18] =	ssyncset.done $0x0  }
0x35: {  	s13 =	rddreg [dreg:$0x7];
	[sflag:s18] =	ssyncadd.s32 $0xFFFFEC00  }
0x36: {  	[spmem:s13] =	stream.linear.scatter [tilespmem:s20], [sflag:$0x9], $0x1400, $0x38;
	[tilespmem:$0x13A60] =	vst v63  }
0x37: {  	_ =	swait.ge [sflag:s18], $0x1400  }
0x38: {  	[sflag:s18] =	ssyncset.done $0x0  }
0x39: {  	s11 =	rddreg [dreg:$0x8];
	[sflag:s18] =	ssyncadd.s32 $0xFFFFEC00  }
0x3a: {  	[spmem:s11] =	stream.linear.scatter [tilespmem:s20], [sflag:$0x9], $0x1400, $0x38;
	[tilespmem:$0x13A60] =	vst v63  }
0x3b: {  	_ =	swait.ge [sflag:s18], $0x1400  }
0x3c: {  	[sflag:s18] =	ssyncset.done $0x0  }
0x3d: {  	s13 =	rddreg [dreg:$0x9];
	[sflag:s18] =	ssyncadd.s32 $0xFFFFEC00  }
0x3e: {  	[spmem:s13] =	stream.linear.scatter [tilespmem:s20], [sflag:$0x9], $0x1400, $0x38;
	[tilespmem:$0x13A60] =	vst v63  }
0x3f: {  	_ =	swait.ge [sflag:s18], $0x1400  }
0x40: {  	[sflag:s18] =	ssyncset.done $0x0  }
0x41: {  	s11 =	rddreg [dreg:$0xa];
	[sflag:s18] =	ssyncadd.s32 $0xFFFFEC00  }
0x42: {  	[spmem:s11] =	stream.linear.scatter [tilespmem:s20], [sflag:$0x9], $0x1400, $0x38;
	[tilespmem:$0x13A60] =	vst v63  }
0x43: {  	_ =	swait.ge [sflag:s18], $0x1400  }
0x44: {  	[sflag:s18] =	ssyncset.done $0x0  }
.Ltmp2:
0x45: {  	s13 =	rddreg [dreg:$0xb];
	[sflag:s18] =	ssyncadd.s32 $0xFFFFEC00;
	(pc) =	sbr.rel .LBB2_6-.Ltmp2, $4  }
0x46: {  	[spmem:s13] =	stream.linear.scatter [tilespmem:s20], [sflag:$0x9], $0x1040, $0x38;
	[tilespmem:$0x13A60] =	vst v63  }
0x47: {  	_ =	swait.ge [sflag:s18], $0x1040  }
0x48: {  	[sflag:s18] =	ssyncset.done $0x0  }
0x49: {  	[sflag:s18] =	ssyncadd.s32 $0xFFFFEFC0  }
.LBB2_2:
0x4a: {  	s9 =	sshll.u32 s2, $0x6  }
0x4b: {  	s11 =	sshrl.u32 s8, $0x3;
	s13 =	rddreg [dreg:$0x4];
	s9 =	sor.u32 $0x1C09, s9  }
0x4c: {  	[spmem:s11], [sflag:s9] =	dma.local [hbm:s13], $0x1388  }
0x4d: {  	_ =	swait.ge [sflag:s18], $0x1388  }
0x4e: {  	[sflag:s18] =	ssyncset.done $0x0  }
0x4f: {  	[sflag:s18] =	ssyncadd.s32 $0xFFFFEC78  }
.LBB2_6:
0x50: {  	[bflag:$0x0] =	sbarrier.arrive $0xFFFF;
	s9 =	simm.s32 $0x0  }
0x51: {  	[tilespmem:s20], [sflag:$0x1] =	stream.indirect.gather [hbm4b:s0+s21], $0x40, s9, s21, $0xb8;
	[tilespmem:$0x13A60] =	vst v63  }
0x52: {  	_ = 	snop  }
0x53: {  	[tilespmem:s22], [sflag:$0x2] =	stream.indirect.gather [hbm4b:s0+s21], $0x40, s21, s21, $0xb8;
	[tilespmem:$0x13A60] =	vst v63  }
0x54: {  	s13 =	simm.s32 $0xA0  }
0x55: {  	[tilespmem:s25], [sflag:$0x3] =	stream.indirect.gather [hbm4b:s0+s21], $0x40, s13, s21, $0xb8;
	[tilespmem:$0x13A60] =	vst v63  }
0x56: {  	_ =	swait.ge [sflag:s26], $0x1400  }
0x57: {  	[sflag:s26] =	ssyncset.done $0x0  }
0x58: {  	[sflag:s26] =	ssyncadd.s32 $0xFFFFEC00  }
0x59: {  	[spmem:s3] =	stream.indirect.scatter.add.f32 [tilespmem:s20], [sflag:$0x5], $0x40, s19, s21, $0xb8;
	[tilespmem:$0x13A60] =	vst v63  }
0x5a: {  	s11 =	simm.s32 $0xF0  }
0x5b: {  	[tilespmem:s29], [sflag:$0x4] =	stream.indirect.gather [hbm4b:s0+s21], $0x40, s11, s21, $0xb8;
	[tilespmem:$0x13A60] =	vst v63  }
0x5c: {  	_ =	swait.ge [sflag:s30], $0x1400  }
0x5d: {  	[sflag:s30] =	ssyncset.done $0x0  }
0x5e: {  	s13 =	simm.s32 $0x2760;
	[sflag:s30] =	ssyncadd.s32 $0xFFFFEC00  }
0x5f: {  	[spmem:s3] =	stream.indirect.scatter.add.f32 [tilespmem:s22], [sflag:$0x6], $0x40, s13, s21, $0xb8;
	[tilespmem:$0x13A60] =	vst v63  }
0x60: {  	_ =	swait.ge [sflag:s1], $0x1400  }
0x61: {  	[sflag:s1] =	ssyncset.done $0x0  }
0x62: {  	s11 =	simm.s32 $0x140;
	[sflag:s1] =	ssyncadd.s32 $0xFFFFEC00  }
0x63: {  	[tilespmem:s20], [sflag:$0x1] =	stream.indirect.gather [hbm4b:s0+s21], $0x40, s11, s21, $0xb8;
	[tilespmem:$0x13A60] =	vst v63  }
0x64: {  	_ =	swait.ge [sflag:s10], $0x1400  }
0x65: {  	[sflag:s10] =	ssyncset.done $0x0  }
0x66: {  	s13 =	simm.s32 $0x27B0;
	[sflag:s10] =	ssyncadd.s32 $0xFFFFEC00  }
0x67: {  	[spmem:s3] =	stream.indirect.scatter.add.f32 [tilespmem:s25], [sflag:$0x7], $0x40, s13, s21, $0xb8;
	[tilespmem:$0x13A60] =	vst v63  }
0x68: {  	_ =	swait.ge [sflag:s12], $0x1400  }
0x69: {  	[sflag:s12] =	ssyncset.done $0x0  }
0x6a: {  	s11 =	simm.s32 $0x190;
	[sflag:s12] =	ssyncadd.s32 $0xFFFFEC00  }
0x6b: {  	[tilespmem:s22], [sflag:$0x2] =	stream.indirect.gather [hbm4b:s0+s21], $0x40, s11, s21, $0xb8;
	[tilespmem:$0x13A60] =	vst v63  }
0x6c: {  	_ =	swait.ge [sflag:s23], $0x1400  }
0x6d: {  	[sflag:s23] =	ssyncset.done $0x0  }
0x6e: {  	[sflag:s23] =	ssyncadd.s32 $0xFFFFEC00  }
0x6f: {  	[spmem:s3] =	stream.indirect.scatter.add.f32 [tilespmem:s29], [sflag:$0x8], $0x40, s14, s21, $0xb8;
	[tilespmem:$0x13A60] =	vst v63  }
0x70: {  	_ =	swait.ge [sflag:s15], $0x1400  }
0x71: {  	[sflag:s15] =	ssyncset.done $0x0  }
0x72: {  	s13 =	simm.s32 $0x1E0;
	[sflag:s15] =	ssyncadd.s32 $0xFFFFEC00  }
0x73: {  	[tilespmem:s25], [sflag:$0x3] =	stream.indirect.gather [hbm4b:s0+s21], $0x40, s13, s21, $0xb8;
	[tilespmem:$0x13A60] =	vst v63  }
0x74: {  	_ =	swait.ge [sflag:s26], $0x1400  }
0x75: {  	[sflag:s26] =	ssyncset.done $0x0  }
0x76: {  	s11 =	simm.s32 $0x2850;
	[sflag:s26] =	ssyncadd.s32 $0xFFFFEC00  }
0x77: {  	[spmem:s3] =	stream.indirect.scatter.add.f32 [tilespmem:s20], [sflag:$0x5], $0x40, s11, s21, $0xb8;
	[tilespmem:$0x13A60] =	vst v63  }
0x78: {  	_ =	swait.ge [sflag:s16], $0x1400  }
0x79: {  	[sflag:s16] =	ssyncset.done $0x0  }
0x7a: {  	s13 =	simm.s32 $0x230;
	[sflag:s16] =	ssyncadd.s32 $0xFFFFEC00  }
0x7b: {  	[tilespmem:s29], [sflag:$0x4] =	stream.indirect.gather [hbm4b:s0+s21], $0x40, s13, s21, $0xb8;
	[tilespmem:$0x13A60] =	vst v63  }
0x7c: {  	_ =	swait.ge [sflag:s30], $0x1400  }
0x7d: {  	[sflag:s30] =	ssyncset.done $0x0  }
0x7e: {  	s11 =	simm.s32 $0x28A0;
	[sflag:s30] =	ssyncadd.s32 $0xFFFFEC00  }
0x7f: {  	[spmem:s3] =	stream.indirect.scatter.add.f32 [tilespmem:s22], [sflag:$0x6], $0x40, s11, s21, $0xb8;
	[tilespmem:$0x13A60] =	vst v63  }
0x80: {  	_ =	swait.ge [sflag:s1], $0x1400  }
0x81: {  	[sflag:s1] =	ssyncset.done $0x0  }
0x82: {  	s13 =	simm.s32 $0x280;
	[sflag:s1] =	ssyncadd.s32 $0xFFFFEC00  }
0x83: {  	[tilespmem:s20], [sflag:$0x1] =	stream.indirect.gather [hbm4b:s0+s21], $0x40, s13, s21, $0xb8;
	[tilespmem:$0x13A60] =	vst v63  }
0x84: {  	_ =	swait.ge [sflag:s10], $0x1400  }
0x85: {  	[sflag:s10] =	ssyncset.done $0x0  }
0x86: {  	s11 =	simm.s32 $0x28F0;
	[sflag:s10] =	ssyncadd.s32 $0xFFFFEC00  }
0x87: {  	[spmem:s3] =	stream.indirect.scatter.add.f32 [tilespmem:s25], [sflag:$0x7], $0x40, s11, s21, $0xb8;
	[tilespmem:$0x13A60] =	vst v63  }
0x88: {  	_ =	swait.ge [sflag:s12], $0x1400  }
0x89: {  	[sflag:s12] =	ssyncset.done $0x0  }
0x8a: {  	s13 =	simm.s32 $0x2D0;
	[sflag:s12] =	ssyncadd.s32 $0xFFFFEC00  }
0x8b: {  	[tilespmem:s22], [sflag:$0x2] =	stream.indirect.gather [hbm4b:s0+s21], $0x40, s13, s21, $0xb8;
	[tilespmem:$0x13A60] =	vst v63  }
0x8c: {  	_ =	swait.ge [sflag:s23], $0x1400  }
0x8d: {  	[sflag:s23] =	ssyncset.done $0x0  }
0x8e: {  	s9 =	simm.s32 $0x500;
	s11 =	simm.s32 $0x2940;
	[sflag:s23] =	ssyncadd.s32 $0xFFFFEC00  }
.LBB2_7:
0x8f: {  	[spmem:s3] =	stream.indirect.scatter.add.f32 [tilespmem:s29], [sflag:$0x8], $0x40, s11, s21, $0xb8;
	[tilespmem:$0x13A60] =	vst v63  }
0x90: {  	s11 =	smov.u32 s9;
	s9 =	sadd.s32 $0x500, s9;
	_ =	swait.ge [sflag:s15], $0x1400  }
0x91: {  	s11 =	sshra.s32 s11, $0x2;
	p1 =	sne.s32 s9, $0x9100;
	[sflag:s15] =	ssyncset.done $0x0  }
0x92: {  	s13 =	sadd.s32 $0x1E0, s11;
	[sflag:s15] =	ssyncadd.s32 $0xFFFFEC00  }
0x93: {  	[tilespmem:s25], [sflag:$0x3] =	stream.indirect.gather [hbm4b:s0+s21], $0x40, s13, s21, $0xb8;
	[tilespmem:$0x13A60] =	vst v63  }
0x94: {  	_ =	swait.ge [sflag:s26], $0x1400  }
0x95: {  	[sflag:s26] =	ssyncset.done $0x0  }
0x96: {  	s13 =	sadd.s32 $0x2850, s11;
	[sflag:s26] =	ssyncadd.s32 $0xFFFFEC00  }
0x97: {  	[spmem:s3] =	stream.indirect.scatter.add.f32 [tilespmem:s20], [sflag:$0x5], $0x40, s13, s21, $0xb8;
	[tilespmem:$0x13A60] =	vst v63  }
0x98: {  	_ =	swait.ge [sflag:s16], $0x1400  }
0x99: {  	[sflag:s16] =	ssyncset.done $0x0  }
0x9a: {  	s13 =	sadd.s32 $0x230, s11;
	[sflag:s16] =	ssyncadd.s32 $0xFFFFEC00  }
0x9b: {  	[tilespmem:s29], [sflag:$0x4] =	stream.indirect.gather [hbm4b:s0+s21], $0x40, s13, s21, $0xb8;
	[tilespmem:$0x13A60] =	vst v63  }
0x9c: {  	_ =	swait.ge [sflag:s30], $0x1400  }
0x9d: {  	[sflag:s30] =	ssyncset.done $0x0  }
0x9e: {  	s13 =	sadd.s32 $0x28A0, s11;
	[sflag:s30] =	ssyncadd.s32 $0xFFFFEC00  }
0x9f: {  	[spmem:s3] =	stream.indirect.scatter.add.f32 [tilespmem:s22], [sflag:$0x6], $0x40, s13, s21, $0xb8;
	[tilespmem:$0x13A60] =	vst v63  }
0xa0: {  	_ =	swait.ge [sflag:s1], $0x1400  }
0xa1: {  	[sflag:s1] =	ssyncset.done $0x0  }
0xa2: {  	s13 =	sadd.s32 $0x280, s11;
	[sflag:s1] =	ssyncadd.s32 $0xFFFFEC00  }
0xa3: {  	[tilespmem:s20], [sflag:$0x1] =	stream.indirect.gather [hbm4b:s0+s21], $0x40, s13, s21, $0xb8;
	[tilespmem:$0x13A60] =	vst v63  }
0xa4: {  	_ =	swait.ge [sflag:s10], $0x1400  }
0xa5: {  	[sflag:s10] =	ssyncset.done $0x0  }
0xa6: {  	s13 =	sadd.s32 $0x28F0, s11;
	[sflag:s10] =	ssyncadd.s32 $0xFFFFEC00  }
0xa7: {  	[spmem:s3] =	stream.indirect.scatter.add.f32 [tilespmem:s25], [sflag:$0x7], $0x40, s13, s21, $0xb8;
	[tilespmem:$0x13A60] =	vst v63  }
0xa8: {  	_ =	swait.ge [sflag:s12], $0x1400  }
0xa9: {  	[sflag:s12] =	ssyncset.done $0x0  }
.Ltmp3:
0xaa: {  	s13 =	sadd.s32 $0x2D0, s11;
	[sflag:s12] =	ssyncadd.s32 $0xFFFFEC00;
	(pc) =	sbr.rel @p1 .LBB2_7-.Ltmp3, $4  }
0xab: {  	[tilespmem:s22], [sflag:$0x2] =	stream.indirect.gather [hbm4b:s0+s21], $0x40, s13, s21, $0xb8;
	[tilespmem:$0x13A60] =	vst v63  }
0xac: {  	_ =	swait.ge [sflag:s23], $0x1400  }
0xad: {  	[sflag:s23] =	ssyncset.done $0x0  }
0xae: {  	s11 =	sadd.s32 $0x2940, s11;
	[sflag:s23] =	ssyncadd.s32 $0xFFFFEC00  }
0xaf: {  	[spmem:s3] =	stream.indirect.scatter.add.f32 [tilespmem:s29], [sflag:$0x8], $0x40, s11, s21, $0xb8;
	[tilespmem:$0x13A60] =	vst v63  }
0xb0: {  	_ =	swait.ge [sflag:s15], $0x1400  }
0xb1: {  	s9 =	sshra.s32 s9, $0x2;
	[sflag:s15] =	ssyncset.done $0x0  }
0xb2: {  	s13 =	sadd.s32 $0x1E0, s9;
	[sflag:s15] =	ssyncadd.s32 $0xFFFFEC00  }
0xb3: {  	[tilespmem:s25], [sflag:$0x3] =	stream.indirect.gather [hbm4b:s0+s21], $0x40, s13, s21, $0xb8;
	[tilespmem:$0x13A60] =	vst v63  }
0xb4: {  	_ =	swait.ge [sflag:s26], $0x1400  }
0xb5: {  	[sflag:s26] =	ssyncset.done $0x0  }
0xb6: {  	s13 =	sadd.s32 $0x2850, s9;
	[sflag:s26] =	ssyncadd.s32 $0xFFFFEC00  }
0xb7: {  	[spmem:s3] =	stream.indirect.scatter.add.f32 [tilespmem:s20], [sflag:$0x5], $0x40, s13, s21, $0xb8;
	[tilespmem:$0x13A60] =	vst v63  }
0xb8: {  	_ =	swait.ge [sflag:s16], $0x1400  }
0xb9: {  	[sflag:s16] =	ssyncset.done $0x0  }
0xba: {  	s13 =	sadd.s32 $0x230, s9;
	[sflag:s16] =	ssyncadd.s32 $0xFFFFEC00  }
0xbb: {  	[tilespmem:s29], [sflag:$0x4] =	stream.indirect.gather [hbm4b:s0+s21], $0x40, s13, s21, $0xb8;
	[tilespmem:$0x13A60] =	vst v63  }
0xbc: {  	_ =	swait.ge [sflag:s30], $0x1400  }
0xbd: {  	[sflag:s30] =	ssyncset.done $0x0  }
0xbe: {  	s13 =	sadd.s32 $0x28A0, s9;
	[sflag:s30] =	ssyncadd.s32 $0xFFFFEC00  }
0xbf: {  	[spmem:s3] =	stream.indirect.scatter.add.f32 [tilespmem:s22], [sflag:$0x6], $0x40, s13, s21, $0xb8;
	[tilespmem:$0x13A60] =	vst v63  }
0xc0: {  	_ =	swait.ge [sflag:s1], $0x1400  }
0xc1: {  	[sflag:s1] =	ssyncset.done $0x0  }
0xc2: {  	s13 =	sadd.s32 $0x280, s9;
	[sflag:s1] =	ssyncadd.s32 $0xFFFFEC00  }
0xc3: {  	[tilespmem:s20], [sflag:$0x1] =	stream.indirect.gather [hbm4b:s0+s21], $0x40, s13, s21, $0xb8;
	[tilespmem:$0x13A60] =	vst v63  }
0xc4: {  	_ =	swait.ge [sflag:s10], $0x1400  }
0xc5: {  	[sflag:s10] =	ssyncset.done $0x0  }
0xc6: {  	s13 =	sadd.s32 $0x28F0, s9;
	[sflag:s10] =	ssyncadd.s32 $0xFFFFEC00  }
0xc7: {  	[spmem:s3] =	stream.indirect.scatter.add.f32 [tilespmem:s25], [sflag:$0x7], $0x40, s13, s21, $0xb8;
	[tilespmem:$0x13A60] =	vst v63  }
0xc8: {  	_ =	swait.ge [sflag:s12], $0x1400  }
0xc9: {  	[sflag:s12] =	ssyncset.done $0x0  }
0xca: {  	[sflag:s12] =	ssyncadd.s32 $0xFFFFEC00  }
0xcb: {  	_ =	swait.ge [sflag:s23], $0x1400  }
0xcc: {  	[sflag:s23] =	ssyncset.done $0x0  }
0xcd: {  	s9 =	sadd.s32 $0x2940, s9;
	[sflag:s23] =	ssyncadd.s32 $0xFFFFEC00  }
0xce: {  	[spmem:s3] =	stream.indirect.scatter.add.f32 [tilespmem:s29], [sflag:$0x8], $0x40, s9, s21, $0xb8;
	[tilespmem:$0x13A60] =	vst v63  }
0xcf: {  	_ =	swait.ge [sflag:s26], $0x1400  }
0xd0: {  	[sflag:s26] =	ssyncset.done $0x0  }
0xd1: {  	[sflag:s26] =	ssyncadd.s32 $0xFFFFEC00  }
0xd2: {  	[spmem:s3] =	stream.indirect.scatter.add.f32 [tilespmem:s20], [sflag:$0x5], $0x40, s28, s21, $0xb8;
	[tilespmem:$0x13A60] =	vst v63  }
0xd3: {  	_ =	swait.ge [sflag:s1], $0x1400  }
0xd4: {  	[sflag:s1] =	ssyncset.done $0x0  }
0xd5: {  	[sflag:s1] =	ssyncadd.s32 $0xFFFFEC00  }
0xd6: {  	_ =	swait.ge [sflag:s15], $0x1400  }
0xd7: {  	[sflag:s15] =	ssyncset.done $0x0  }
0xd8: {  	[sflag:s15] =	ssyncadd.s32 $0xFFFFEC00  }
0xd9: {  	_ =	swait.ge [sflag:s16], $0x1400  }
0xda: {  	s11 =	sshll.u32 s2, $0x6;
	s31 =	sadd.s32 $0x1, s31;
	[sflag:s16] =	ssyncset.done $0x0  }
0xdb: {  	p1 =	sne.s32 s31, s17;
	s13 =	sshrl.u32 s8, $0x3;
	[sflag:s16] =	ssyncadd.s32 $0xFFFFEC00  }
.Ltmp4:
0xdc: {  	s9 =	sor.u32 $0x1C09, s11;
	[bflag:$0x0] =	sbarrier.arrive $0xFFFF;
	(pc) =	sbr.rel @p1 .LBB2_1-.Ltmp4, $4  }
0xdd: {  	[hbm:s24], [sflag:s9] =	dma.local [spmem:s13], $0x1388  }
0xde: {  	_ =	swait.ge [sflag:s18], $0x1388  }
0xdf: {  	[sflag:s18] =	ssyncset.done $0x0  }
0xe0: {  	[sflag:s18] =	ssyncadd.s32 $0xFFFFEC78  }
0xe1: {  	_ =	sfence.sel $0x180000  }
0xe2: {  	[bflag:$0x0] =	sbarrier.arrive $0xFFFF  }
0xe3: {  	_ =	strace $0x9000004A  }
0xe4: {  	[bflag:$0x2] =	sbarrier.arrive $0xFFFF  }
0xe5: {  	p0 =	sne.s32 s2, $0x0;
	s0 =	rddreg [dreg:$0x3]  }
0xe6: {  	s0 =	sadd.s32 @!p0 $0x100000, s0  }
0xe7: {  	[sflag:s0] =	ssyncadd.tile.s32 @!p0 $0x1;
	_ =	shalt  }
.Lfunc_end2:
_tile_overlayer_lowered:
.L_overlay_start_2:
0xe8: {  	(tag) =	ssettag $0x2  }
0xe9: {  	s0 =	rddreg [dreg:$0x0];
	s2 =	stileid.u32  }
0xea: {  	s1 =	rddreg [dreg:$0x1];
	p0 =	sne.s32 s2, $0x0  }
0xeb: {  	s3 =	rddreg [dreg:$0x2];
	[bflag:$0x3] =	sbarrier.arrive $0xFFFF;
	s2 =	simm.s32 @!p0 $0x1C09  }
0xec: {  	[timem:s3], [sflag:s2] =	dma.local @!p0 [hbm:s0], s1  }
0xed: {  	s0 =	simm.s32 @!p0 $0x9  }
0xee: {  	_ =	swait.ge @!p0 [sflag:s0], s1  }
0xef: {  	s1 =	ssub.s32 @!p0 $0x0, s1;
	[sflag:s0] =	ssyncset.done @!p0 $0x0  }
0xf0: {  	[sflag:s0] =	ssyncadd.s32 @!p0 s1  }
0xf1: {  	[bflag:$0x3] =	sbarrier.arrive $0xFFFF  }
0xf2: {  	_ =	shalt  }

// kernel: kernel.20.cloned.1.call-start
scs
__scs_entry_jumppad:
0x0: {  	(pc) =	sbr.rel $0x88, $3  }
0x1: {  	(tag) =	ssettag $0x0;
	lr =	simm.s32 $0x1  }
0x2: {  	[smem:$0x3F99] =	sst lr;
	_ =	strace $0xD0000000  }
0x3: {  	_ = 	snop  }
0x4: {  	_ = 	snop  }
0x5: {  	_ = 	snop  }
0x6: {  	_ = 	snop  }
0x7: {  	_ = 	snop  }
__scs_overlays_trampoline_lowered:
0x8: {  	[smem:$0x3FA8] =	sst s0  }
0x9: {  	[smem:$0x3FA9] =	sst s1  }
0xa: {  	[smem:$0x3FAA] =	sst s2  }
0xb: {  	[smem:$0x3FAB] =	sst s3  }
0xc: {  	[smem:$0x3FAC] =	sst s4  }
0xd: {  	[smem:$0x3FAD] =	sst s5  }
0xe: {  	[smem:$0x3FAE] =	sst s6  }
0xf: {  	[smem:$0x3FAF] =	sst s7  }
0x10: {  	[smem:$0x3FB0] =	sst s8  }
0x11: {  	[smem:$0x3FB1] =	sst s9;
	s0 =	simm.s32 @!p0 $0x0  }
0x12: {  	s1 =	sld [smem:$0x3F97];
	s0 =	simm.s32 @p0 $0x1  }
0x13: {  	[smem:$0x3FB2] =	sst s0;
	s0 =	simm.s32 @!p1 $0x0  }
0x14: {  	s2 =	sld [smem:$0x3F96];
	s0 =	simm.s32 @p1 $0x1  }
0x15: {  	[smem:$0x3FB3] =	sst s0;
	s0 =	simm.s32 @!p2 $0x0  }
0x16: {  	s3 =	sld [smem:$0x3FDB];
	s0 =	simm.s32 @p2 $0x1  }
0x17: {  	s4 =	simm.s32 $0x1BF5;
	[smem:$0x3FB5] =	sst s0  }
0x18: {  	s0 =	sld [smem:$0x3F98];
	_ =	swait.ge [sflag:s4], $0x0  }
0x19: {  	s7 =	sld [smem:$0x3F99]  }
0x1a: {  	s8 =	sadd.s32 $0xFFFFE003, lr  }
0x1b: {  	s9 =	sadd.s32 $0xFFFFFEF7, lr;
	s5 =	simm.s32 $0xFFFFFFFF;
	p2 =	slt.u32 s8, $0xFFFFF086  }
0x1c: {  	p1 =	slt.u32 s9, $0xF7A;
	s5 =	simm.s32 @!p2 $0x0  }
0x1d: {  	s5 =	simm.s32 @p1 $0x1;
	p0 =	seq.s32 s7, s2  }
0x1e: {  	s7 =	smul.u32 @!p0 $0xF7A, s2;
	p2 =	seq.s32 @!p0 s5, $0x0  }
0x1f: {  	s9 =	smul.u32 $0xF7A, s1;
	s8 =	simm.s32 @!p0 $0x1BF5;
	p2 =	por !p2, p0  }
0x20: {  	[sflag:s8] =	ssyncset.s32 @!p0 $0xFFFFF086;
	s6 =	sadd.s32 @!p0 s3, s7;
	s7 =	simm.s32 @!p0 $0x108  }
0x21: {  	s3 =	sadd.s32 s3, s9;
	s6 =	sadd.s32 @!p0 $0x88, s6;
	s7 =	simm.s32 @p2 $0x1082  }
0x22: {  	[simem:s7], [sflag:s8] =	dma.local @!p0 [hbm:s6], $0xF7A  }
0x23: {  	s9 =	sor.u32 $0xD0000000, s2;
	s6 =	simm.s32 $0x108;
	_ =	swait.ge @!p0 [sflag:s8], $0x0  }
0x24: {  	s3 =	sadd.s32 $0x88, s3;
	s6 =	simm.s32 @!p1 $0x1082;
	[sflag:s4] =	ssyncset.s32 $0xFFFFF086  }
0x25: {  	[simem:s6], [sflag:s4] =	dma.local [hbm:s3], $0xF7A  }
0x26: {  	[smem:$0x3F99] =	sst s1;
	(tag) =	ssettag s2;
	_ =	strace s9  }
0x27: {  	s1 =	sld [smem:$0x3FA9]  }
0x28: {  	s2 =	sld [smem:$0x3FAA]  }
0x29: {  	s4 =	sld [smem:$0x3FAC]  }
0x2a: {  	p0 =	seq.s32 s5, $0x0;
	s5 =	sld [smem:$0x3FAD]  }
0x2b: {  	s6 =	sld [smem:$0x3FAE]  }
0x2c: {  	s7 =	sld [smem:$0x3FAF]  }
0x2d: {  	s3 =	simm.s32 $0x108;
	s8 =	sld [smem:$0x3FB0]  }
0x2e: {  	s3 =	simm.s32 @!p0 $0x1082;
	s9 =	sld [smem:$0x3FB1]  }
0x2f: {  	lr =	sadd.s32 s0, s3;
	s0 =	sld [smem:$0x3FA8]  }
0x30: {  	s3 =	sld [smem:$0x3FAB]  }
0x31: {  	[smem:$0x3FB4] =	sst s10  }
0x32: {  	s10 =	sld [smem:$0x3FB2];
	_ =	sdelay $0x3  }
0x33: {  	p0 =	seq.s32 s10, $0x1;
	s10 =	sld [smem:$0x3FB4];
	_ =	sdelay $0x3  }
0x34: {  	[smem:$0x3FB4] =	sst s10  }
0x35: {  	s10 =	sld [smem:$0x3FB3];
	_ =	sdelay $0x3  }
0x36: {  	p1 =	seq.s32 s10, $0x1;
	s10 =	sld [smem:$0x3FB4];
	_ =	sdelay $0x3  }
0x37: {  	[smem:$0x3FB4] =	sst s10  }
0x38: {  	s10 =	sld [smem:$0x3FB5]  }
0x39: {  	_ = 	snop;
	(pc) =	sbr.ind lr, $3  }
0x3a: {  	_ = 	snop  }
0x3b: {  	_ = 	snop  }
0x3c: {  	p2 =	seq.s32 s10, $0x1;
	s10 =	sld [smem:$0x3FB4]  }
0x3d: {  	_ =	shalt  }
0x3e: {  	_ =	shalt  }
0x3f: {  	_ =	shalt  }
0x40: {  	_ =	shalt  }
0x41: {  	_ =	shalt  }
0x42: {  	_ =	shalt  }
0x43: {  	_ =	shalt  }
0x44: {  	_ =	shalt  }
0x45: {  	_ =	shalt  }
0x46: {  	_ =	shalt  }
0x47: {  	_ =	shalt  }
0x48: {  	_ =	shalt  }
0x49: {  	_ =	shalt  }
0x4a: {  	_ =	shalt  }
0x4b: {  	_ =	shalt  }
0x4c: {  	_ =	shalt  }
0x4d: {  	_ =	shalt  }
0x4e: {  	_ =	shalt  }
0x4f: {  	_ =	shalt  }
0x50: {  	_ =	shalt  }
0x51: {  	_ =	shalt  }
0x52: {  	_ =	shalt  }
0x53: {  	_ =	shalt  }
0x54: {  	_ =	shalt  }
0x55: {  	_ =	shalt  }
0x56: {  	_ =	shalt  }
0x57: {  	_ =	shalt  }
0x58: {  	_ =	shalt  }
0x59: {  	_ =	shalt  }
0x5a: {  	_ =	shalt  }
0x5b: {  	_ =	shalt  }
0x5c: {  	_ =	shalt  }
0x5d: {  	_ =	shalt  }
0x5e: {  	_ =	shalt  }
0x5f: {  	_ =	shalt  }
0x60: {  	_ =	shalt  }
0x61: {  	_ =	shalt  }
0x62: {  	_ =	shalt  }
0x63: {  	_ =	shalt  }
0x64: {  	_ =	shalt  }
0x65: {  	_ =	shalt  }
0x66: {  	_ =	shalt  }
0x67: {  	_ =	shalt  }
0x68: {  	_ =	shalt  }
0x69: {  	_ =	shalt  }
0x6a: {  	_ =	shalt  }
0x6b: {  	_ =	shalt  }
0x6c: {  	_ =	shalt  }
0x6d: {  	_ =	shalt  }
0x6e: {  	_ =	shalt  }
0x6f: {  	_ =	shalt  }
0x70: {  	_ =	shalt  }
0x71: {  	_ =	shalt  }
0x72: {  	_ =	shalt  }
0x73: {  	_ =	shalt  }
0x74: {  	_ =	shalt  }
0x75: {  	_ =	shalt  }
0x76: {  	_ =	shalt  }
0x77: {  	_ =	shalt  }
0x78: {  	_ =	shalt  }
0x79: {  	_ =	shalt  }
0x7a: {  	_ =	shalt  }
0x7b: {  	_ =	shalt  }
0x7c: {  	_ =	shalt  }
0x7d: {  	_ =	shalt  }
0x7e: {  	_ =	shalt  }
0x7f: {  	_ =	shalt  }
0x80: {  	_ =	shalt  }
0x81: {  	_ =	shalt  }
0x82: {  	_ =	shalt  }
0x83: {  	_ =	shalt  }
0x84: {  	_ =	shalt  }
0x85: {  	_ =	shalt  }
0x86: {  	_ =	shalt  }
0x87: {  	_ =	shalt  }
.Lfunc_end0:
.L_simem_size_0:
called_computation.2_lowered:
.L_overlay_start_0:
0x88: {  	s2 =	sld [smem:$0x3FD9]  }
0x89: {  	s3 =	sld [smem:$0x3FFE];
	_ =	sdelay $0x1  }
0x8a: {  	s1 =	srdreg.scid  }
0x8b: {  	s0 =	sand.u32 $0x1, s1  }
0x8c: {  	s17 =	sshll.u32 s0, $0xA;
	s2 =	sadd.s32 s3, s2  }
0x8d: {  	s2 =	sadd.s32 s2, s17  }
0x8e: {  	[smem:$0x3FC0] =	sst s2  }
0x8f: {  	_ = 	snop  }
0x90: {  	s2 =	sld [smem:$0x3FD0];
	(tm) =	ssettm $0x1  }
0x91: {  	s18 =	sld [smem:$0x3FFB];
	_ =	sdelay $0x3  }
0x92: {  	_ =	strace s18  }
0x93: {  	s3 =	sld [smem:$0x3FFC];
	_ =	sdelay $0x3  }
0x94: {  	_ =	strace s3  }
0x95: {  	s3 =	sld [smem:$0x3FFD];
	_ =	sdelay $0x3  }
0x96: {  	_ =	strace s3  }
0x97: {  	_ =	strace $0x8FFFFFFF  }
0x98: {  	s19 =	sld [smem:$0x3FDB];
	_ =	sdelay $0x1  }
0x99: {  	s4 =	simm.s32 $_scs_section_size  }
0x9a: {  	s5 =	simm.s32 $_size__tile_overlayer_lowered;
	s6 =	simm.s32 $_tile_overlayer_lowered  }
0x9b: {  	s22 =	simm.s32 $0x1BFF;
	s21 =	sshll.u32 s6, $0x1;
	s3 =	sadd.s32 s4, s19  }
0x9c: {  	s7 =	simm.s32 $0x0;
	s20 =	sshll.u32 s5, $0x1;
	s5 =	sadd.s32 s21, s3  }
0x9d: {  	[timem:s7], [sflag:s22] =	dma.local [hbm:s5], s20  }
0x9e: {  	_ =	swait.ge [sflag:s22], s20  }
0x9f: {  	s4 =	ssub.s32 $0x0, s20;
	[sflag:s22] =	ssyncset.done $0x0  }
0xa0: {  	[sflag:s22] =	ssyncadd.s32 s4;
	_ =	sdelay $0x1  }
0xa1: {  	s23 =	simm.s32 $0x1B8B  }
0xa2: {  	_ =	swait.ge [sflag:s23], $0x1  }
0xa3: {  	[sflag:s23] =	ssyncset.done $0x0  }
0xa4: {  	s25 =	simm.s32 $0x1B8E;
	s24 =	sld [smem:$0x3FFE];
	[sflag:s23] =	ssyncadd.s32 $0xFFFFFFFF  }
0xa5: {  	s26 =	simm.s32 $execute0_lowered;
	[smem:$0x3FD2] =	sst s25  }
0xa6: {  	s5 =	sshll.u32 s26, $0x1;
	_ =	strace $0x8000004C;
	[dreg:$0x1] =	wrdreg $0xFFFFFFFF  }
0xa7: {  	s28 =	simm.s32 $_size_execute0_lowered;
	s3 =	sadd.s32 s3, s5;
	[dreg:$0x0] =	wrdreg $0x0  }
0xa8: {  	s5 =	sshll.u32 s28, $0x1;
	[dreg:$0x2] =	wrdreg s3  }
0xa9: {  	[dreg:$0x3] =	wrdreg s5  }
0xaa: {  	[dreg:$0x4] =	wrdreg $0xC0  }
0xab: {  	_ =	task [dreg:s7], $0x5FFFF  }
0xac: {  	[dreg:$0x1] =	wrdreg $0xFFFFFFFF  }
0xad: {  	[dreg:$0x0] =	wrdreg $0x60  }
0xae: {  	[dreg:$0x2] =	wrdreg s2  }
0xaf: {  	[dreg:$0x3] =	wrdreg s24  }
0xb0: {  	[dreg:$0x4] =	wrdreg $0x9E200  }
0xb1: {  	[dreg:$0x5] =	wrdreg $0x9  }
0xb2: {  	_ =	task.clear_ibuf [dreg:s7], $0x6FFFF;
	_ =	strace $0x9000004C  }
0xb3: {  	s29 =	simm.s32 $0x9;
	_ =	strace $0x8000004E  }
0xb4: {  	_ =	swait.ge [sflag:s29], $0x1  }
0xb5: {  	[sflag:s29] =	ssyncadd.s32 $0xFFFFFFFF  }
0xb6: {  	_ =	strace $0x9000004E  }
0xb7: {  	_ =	sfence  }
0xb8: {  	s30 =	sld [smem:$0x0];
	_ =	sdelay $0x2  }
0xb9: {  	s31 =	sshll.u32 s1, $0xD;
	s1 =	sshrl.u32 s1, $0x2  }
0xba: {  	s3 =	sand.u32 $0x4000, s31;
	s1 =	sadd.s32 s1, s30  }
0xbb: {  	s0 =	sor.u32 s3, s0;
	s1 =	sshll.u32 s1, $0x11  }
0xbc: {  	s0 =	sor.u32 s1, s0  }
0xbd: {  	s0 =	sadd.s32 $0x8F2B, s0  }
0xbe: {  	[sflag:s0] =	ssyncadd.remote.s32 $0x1  }
0xbf: {  	_ =	sfence.sel $0xFFFF  }
0xc0: {  	[dreg:$0x0] =	wrdreg $0xFFFFFFFF;
	(pc) =	sbr.abs _section_cstart, $3  }
0xc1: {  	[dreg:$0x1] =	wrdreg $0xFFFFFFFF  }
0xc2: {  	_ =	task.clear_ibuf [dreg:s7], $0x2FFFF;
	_ =	strace $0x9FFFFFFF  }
0xc3: {  	(tm) =	ssettm $0x7FFFFFFF  }
tec
execute0_lowered:
.L_overlay_start_1:
0x0: {  	(tag) =	ssettag $0x1  }
0x1: {  	s0 =	rddreg [dreg:$0x0]  }
0x2: {  	s5 =	rddreg [dreg:$0x1]  }
0x3: {  	s1 =	srdreg.scid;
	s3 =	rddreg [dreg:$0x2]  }
0x4: {  	s2 =	stileid.u32;
	s4 =	simm.s32 $0x0;
	s29 =	simm.s32 $0x8A20  }
0x5: {  	s30 =	simm.s32 $0x2;
	s12 =	simm.s32 $0x6;
	s28 =	simm.s32 $0x4DD0  }
0x6: {  	s31 =	simm.s32 $0x0;
	s1 =	sand.u32 $0x1, s1;
	s10 =	smul.u32 $0x27100, s2  }
0x7: {  	[smem:$0x7FF] =	sst s4;
	s14 =	smul.u32 $0x9C40, s2;
	s6 =	sshll.u32 s1, $0x4  }
0x8: {  	_ =	strace $0x8000004D;
	s7 =	smul.u32 $0x13880, s1;
	s8 =	ssub.s32 $0x2, s1  }
0x9: {  	p0 =	seq.s32 s1, $0x1;
	s1 =	simm.s32 $0x5;
	s6 =	sor.u32 s2, s6  }
0xa: {  	s9 =	sshrl.u32 s8, $0x1;
	s15 =	sshrl.u32 s10, $0x2;
	s16 =	sshrl.u32 s14, $0x3  }
0xb: {  	s10 =	simm.s32 $0x3;
	s6 =	smul.u32 $0x4E2, s6;
	s11 =	sadd.s32 s7, s5  }
0xc: {  	s9 =	ssub.s32 s8, s9;
	s7 =	sadd.s32 s15, s3;
	s18 =	sadd.s32 s0, s16  }
0xd: {  	s8 =	sadd.s32 s14, s3;
	[dreg:$0x4] =	wrdreg s18;
	s19 =	sadd.s32 $0x1400, s7  }
0xe: {  	s14 =	simm.s32 $0x2800;
	s20 =	sadd.s32 $0x2800, s7;
	[dreg:$0x5] =	wrdreg s19  }
0xf: {  	s15 =	simm.s32 $0x7;
	s21 =	sadd.s32 $0x3C00, s7;
	[dreg:$0x6] =	wrdreg s20  }
0x10: {  	s22 =	sadd.s32 $0x5000, s7;
	s23 =	sadd.s32 $0x6400, s7;
	[dreg:$0x7] =	wrdreg s21  }
0x11: {  	s24 =	sadd.s32 $0x7800, s7;
	s25 =	sadd.s32 $0x8C00, s7;
	[dreg:$0x8] =	wrdreg s22  }
0x12: {  	s26 =	sadd.s32 $0x17A00, s11;
	s17 =	smax.u32 s9, $0x1;
	[dreg:$0x9] =	wrdreg s23  }
0x13: {  	s18 =	simm.s32 $0x9;
	s6 =	sadd.s32 s6, s5;
	[dreg:$0xa] =	wrdreg s24  }
0x14: {  	[dreg:$0xb] =	wrdreg s25;
	s19 =	simm.s32 $0x2710;
	s20 =	simm.s32 $0x4E20  }
0x15: {  	s21 =	simm.s32 $0x50;
	s22 =	simm.s32 $0x6220;
	s24 =	sadd.s32 s16, s26  }
0x16: {  	s25 =	simm.s32 $0x7620;
	s26 =	simm.s32 $0x1;
	s23 =	simm.s32 $0x4  }
0x17: {  	v0 =	vimm.f32 $0.0e+00;
	s16 =	simm.s32 $0x8;
	s5 =	sadd.s32 $0xDC00, s6;
	s6 =	sadd.s32 $0x3E00, s6  }
.LBB2_1:
0x18: {  	[tilespmem:s4], [sflag:$0x9] =	stream.linear.gather [hbm4b:s5+s4], $0x2710, $0x38;
	[tilespmem:$0x13A60] =	vst v63  }
0x19: {  	_ =	swait.ge [sflag:s18], $0x2710  }
0x1a: {  	[sflag:s18] =	ssyncset.done $0x0  }
.Ltmp0:
0x1b: {  	[sflag:s18] =	ssyncadd.s32 $0xFFFFD8F0;
	(pc) =	sbr.rel @!p0 .LBB2_2-.Ltmp0, $4  }
0x1c: {  	[tilespmem:s19], [sflag:$0x9] =	stream.linear.gather [hbm4b:s6+s4], $0x2710, $0x38;
	[tilespmem:$0x13A60] =	vst v63  }
0x1d: {  	_ =	swait.ge [sflag:s18], $0x2710  }
0x1e: {  	[sflag:s18] =	ssyncset.done $0x0  }
0x1f: {  	[sflag:s18] =	ssyncadd.s32 $0xFFFFD8F0  }
0x20: {  	s11 =	simm.s32 $0x100;
	s9 =	simm.s32 $0x0  }
.LBB2_4:
0x21: {  	p1 =	sne.s32 s11, $0x4F00;
	[tilespmem:s9+$0x4E50] =	vst v0;
	s13 =	smov.u32 s11;
	s11 =	sadd.s32 $0x100, s11  }
.Ltmp1:
0x22: {  	[tilespmem:s9+$0x4E40] =	vst v0;
	(pc) =	sbr.rel @p1 .LBB2_4-.Ltmp1, $3  }
0x23: {  	[tilespmem:s9+$0x4E20] =	vst v0  }
0x24: {  	[tilespmem:s9+$0x4E30] =	vst v0;
	_ =	sdelay $0x1  }
0x25: {  	s9 =	sshra.s32 s13, $0x2  }
0x26: {  	[tilespmem:s9+$0x4E50] =	vst v0  }
0x27: {  	[tilespmem:s9+$0x4E40] =	vst v0  }
0x28: {  	[tilespmem:s9+$0x4E20] =	vst v0  }
0x29: {  	[tilespmem:s9+$0x4E30] =	vst v0  }
0x2a: {  	[spmem:s7] =	stream.linear.scatter [tilespmem:s20], [sflag:$0x9], $0x1400, $0x38;
	[tilespmem:$0x13A60] =	vst v63  }
0x2b: {  	_ =	swait.ge [sflag:s18], $0x1400  }
0x2c: {  	[sflag:s18] =	ssyncset.done $0x0  }
0x2d: {  	s13 =	rddreg [dreg:$0x5];
	[sflag:s18] =	ssyncadd.s32 $0xFFFFEC00  }
0x2e: {  	[spmem:s13] =	stream.linear.scatter [tilespmem:s20], [sflag:$0x9], $0x1400, $0x38;
	[tilespmem:$0x13A60] =	vst v63  }
0x2f: {  	_ =	swait.ge [sflag:s18], $0x1400  }
0x30: {  	[sflag:s18] =	ssyncset.done $0x0  }
0x31: {  	s11 =	rddreg [dreg:$0x6];
	[sflag:s18] =	ssyncadd.s32 $0xFFFFEC00  }
0x32: {  	[spmem:s11] =	stream.linear.scatter [tilespmem:s20], [sflag:$0x9], $0x1400, $0x38;
	[tilespmem:$0x13A60] =	vst v63  }
0x33: {  	_ =	swait.ge [sflag:s18], $0x1400  }
0x34: {  	[sflag:s18] =	ssyncset.done $0x0  }
0x35: {  	s13 =	rddreg [dreg:$0x7];
	[sflag:s18] =	ssyncadd.s32 $0xFFFFEC00  }
0x36: {  	[spmem:s13] =	stream.linear.scatter [tilespmem:s20], [sflag:$0x9], $0x1400, $0x38;
	[tilespmem:$0x13A60] =	vst v63  }
0x37: {  	_ =	swait.ge [sflag:s18], $0x1400  }
0x38: {  	[sflag:s18] =	ssyncset.done $0x0  }
0x39: {  	s11 =	rddreg [dreg:$0x8];
	[sflag:s18] =	ssyncadd.s32 $0xFFFFEC00  }
0x3a: {  	[spmem:s11] =	stream.linear.scatter [tilespmem:s20], [sflag:$0x9], $0x1400, $0x38;
	[tilespmem:$0x13A60] =	vst v63  }
0x3b: {  	_ =	swait.ge [sflag:s18], $0x1400  }
0x3c: {  	[sflag:s18] =	ssyncset.done $0x0  }
0x3d: {  	s13 =	rddreg [dreg:$0x9];
	[sflag:s18] =	ssyncadd.s32 $0xFFFFEC00  }
0x3e: {  	[spmem:s13] =	stream.linear.scatter [tilespmem:s20], [sflag:$0x9], $0x1400, $0x38;
	[tilespmem:$0x13A60] =	vst v63  }
0x3f: {  	_ =	swait.ge [sflag:s18], $0x1400  }
0x40: {  	[sflag:s18] =	ssyncset.done $0x0  }
0x41: {  	s11 =	rddreg [dreg:$0xa];
	[sflag:s18] =	ssyncadd.s32 $0xFFFFEC00  }
0x42: {  	[spmem:s11] =	stream.linear.scatter [tilespmem:s20], [sflag:$0x9], $0x1400, $0x38;
	[tilespmem:$0x13A60] =	vst v63  }
0x43: {  	_ =	swait.ge [sflag:s18], $0x1400  }
0x44: {  	[sflag:s18] =	ssyncset.done $0x0  }
.Ltmp2:
0x45: {  	s13 =	rddreg [dreg:$0xb];
	[sflag:s18] =	ssyncadd.s32 $0xFFFFEC00;
	(pc) =	sbr.rel .LBB2_6-.Ltmp2, $4  }
0x46: {  	[spmem:s13] =	stream.linear.scatter [tilespmem:s20], [sflag:$0x9], $0x1040, $0x38;
	[tilespmem:$0x13A60] =	vst v63  }
0x47: {  	_ =	swait.ge [sflag:s18], $0x1040  }
0x48: {  	[sflag:s18] =	ssyncset.done $0x0  }
0x49: {  	[sflag:s18] =	ssyncadd.s32 $0xFFFFEFC0  }
.LBB2_2:
0x4a: {  	s9 =	sshll.u32 s2, $0x6  }
0x4b: {  	s11 =	sshrl.u32 s8, $0x3;
	s13 =	rddreg [dreg:$0x4];
	s9 =	sor.u32 $0x1C09, s9  }
0x4c: {  	[spmem:s11], [sflag:s9] =	dma.local [hbm:s13], $0x1388  }
0x4d: {  	_ =	swait.ge [sflag:s18], $0x1388  }
0x4e: {  	[sflag:s18] =	ssyncset.done $0x0  }
0x4f: {  	[sflag:s18] =	ssyncadd.s32 $0xFFFFEC78  }
.LBB2_6:
0x50: {  	[bflag:$0x0] =	sbarrier.arrive $0xFFFF;
	s9 =	simm.s32 $0x0  }
0x51: {  	[tilespmem:s20], [sflag:$0x1] =	stream.indirect.gather [hbm4b:s0+s21], $0x40, s9, s21, $0xb8;
	[tilespmem:$0x13A60] =	vst v63  }
0x52: {  	_ = 	snop  }
0x53: {  	[tilespmem:s22], [sflag:$0x2] =	stream.indirect.gather [hbm4b:s0+s21], $0x40, s21, s21, $0xb8;
	[tilespmem:$0x13A60] =	vst v63  }
0x54: {  	s13 =	simm.s32 $0xA0  }
0x55: {  	[tilespmem:s25], [sflag:$0x3] =	stream.indirect.gather [hbm4b:s0+s21], $0x40, s13, s21, $0xb8;
	[tilespmem:$0x13A60] =	vst v63  }
0x56: {  	_ =	swait.ge [sflag:s26], $0x1400  }
0x57: {  	[sflag:s26] =	ssyncset.done $0x0  }
0x58: {  	[sflag:s26] =	ssyncadd.s32 $0xFFFFEC00  }
0x59: {  	[spmem:s3] =	stream.indirect.scatter.add.f32 [tilespmem:s20], [sflag:$0x5], $0x40, s19, s21, $0xb8;
	[tilespmem:$0x13A60] =	vst v63  }
0x5a: {  	s11 =	simm.s32 $0xF0  }
0x5b: {  	[tilespmem:s29], [sflag:$0x4] =	stream.indirect.gather [hbm4b:s0+s21], $0x40, s11, s21, $0xb8;
	[tilespmem:$0x13A60] =	vst v63  }
0x5c: {  	_ =	swait.ge [sflag:s30], $0x1400  }
0x5d: {  	[sflag:s30] =	ssyncset.done $0x0  }
0x5e: {  	s13 =	simm.s32 $0x2760;
	[sflag:s30] =	ssyncadd.s32 $0xFFFFEC00  }
0x5f: {  	[spmem:s3] =	stream.indirect.scatter.add.f32 [tilespmem:s22], [sflag:$0x6], $0x40, s13, s21, $0xb8;
	[tilespmem:$0x13A60] =	vst v63  }
0x60: {  	_ =	swait.ge [sflag:s1], $0x1400  }
0x61: {  	[sflag:s1] =	ssyncset.done $0x0  }
0x62: {  	s11 =	simm.s32 $0x140;
	[sflag:s1] =	ssyncadd.s32 $0xFFFFEC00  }
0x63: {  	[tilespmem:s20], [sflag:$0x1] =	stream.indirect.gather [hbm4b:s0+s21], $0x40, s11, s21, $0xb8;
	[tilespmem:$0x13A60] =	vst v63  }
0x64: {  	_ =	swait.ge [sflag:s10], $0x1400  }
0x65: {  	[sflag:s10] =	ssyncset.done $0x0  }
0x66: {  	s13 =	simm.s32 $0x27B0;
	[sflag:s10] =	ssyncadd.s32 $0xFFFFEC00  }
0x67: {  	[spmem:s3] =	stream.indirect.scatter.add.f32 [tilespmem:s25], [sflag:$0x7], $0x40, s13, s21, $0xb8;
	[tilespmem:$0x13A60] =	vst v63  }
0x68: {  	_ =	swait.ge [sflag:s12], $0x1400  }
0x69: {  	[sflag:s12] =	ssyncset.done $0x0  }
0x6a: {  	s11 =	simm.s32 $0x190;
	[sflag:s12] =	ssyncadd.s32 $0xFFFFEC00  }
0x6b: {  	[tilespmem:s22], [sflag:$0x2] =	stream.indirect.gather [hbm4b:s0+s21], $0x40, s11, s21, $0xb8;
	[tilespmem:$0x13A60] =	vst v63  }
0x6c: {  	_ =	swait.ge [sflag:s23], $0x1400  }
0x6d: {  	[sflag:s23] =	ssyncset.done $0x0  }
0x6e: {  	[sflag:s23] =	ssyncadd.s32 $0xFFFFEC00  }
0x6f: {  	[spmem:s3] =	stream.indirect.scatter.add.f32 [tilespmem:s29], [sflag:$0x8], $0x40, s14, s21, $0xb8;
	[tilespmem:$0x13A60] =	vst v63  }
0x70: {  	_ =	swait.ge [sflag:s15], $0x1400  }
0x71: {  	[sflag:s15] =	ssyncset.done $0x0  }
0x72: {  	s13 =	simm.s32 $0x1E0;
	[sflag:s15] =	ssyncadd.s32 $0xFFFFEC00  }
0x73: {  	[tilespmem:s25], [sflag:$0x3] =	stream.indirect.gather [hbm4b:s0+s21], $0x40, s13, s21, $0xb8;
	[tilespmem:$0x13A60] =	vst v63  }
0x74: {  	_ =	swait.ge [sflag:s26], $0x1400  }
0x75: {  	[sflag:s26] =	ssyncset.done $0x0  }
0x76: {  	s11 =	simm.s32 $0x2850;
	[sflag:s26] =	ssyncadd.s32 $0xFFFFEC00  }
0x77: {  	[spmem:s3] =	stream.indirect.scatter.add.f32 [tilespmem:s20], [sflag:$0x5], $0x40, s11, s21, $0xb8;
	[tilespmem:$0x13A60] =	vst v63  }
0x78: {  	_ =	swait.ge [sflag:s16], $0x1400  }
0x79: {  	[sflag:s16] =	ssyncset.done $0x0  }
0x7a: {  	s13 =	simm.s32 $0x230;
	[sflag:s16] =	ssyncadd.s32 $0xFFFFEC00  }
0x7b: {  	[tilespmem:s29], [sflag:$0x4] =	stream.indirect.gather [hbm4b:s0+s21], $0x40, s13, s21, $0xb8;
	[tilespmem:$0x13A60] =	vst v63  }
0x7c: {  	_ =	swait.ge [sflag:s30], $0x1400  }
0x7d: {  	[sflag:s30] =	ssyncset.done $0x0  }
0x7e: {  	s11 =	simm.s32 $0x28A0;
	[sflag:s30] =	ssyncadd.s32 $0xFFFFEC00  }
0x7f: {  	[spmem:s3] =	stream.indirect.scatter.add.f32 [tilespmem:s22], [sflag:$0x6], $0x40, s11, s21, $0xb8;
	[tilespmem:$0x13A60] =	vst v63  }
0x80: {  	_ =	swait.ge [sflag:s1], $0x1400  }
0x81: {  	[sflag:s1] =	ssyncset.done $0x0  }
0x82: {  	s13 =	simm.s32 $0x280;
	[sflag:s1] =	ssyncadd.s32 $0xFFFFEC00  }
0x83: {  	[tilespmem:s20], [sflag:$0x1] =	stream.indirect.gather [hbm4b:s0+s21], $0x40, s13, s21, $0xb8;
	[tilespmem:$0x13A60] =	vst v63  }
0x84: {  	_ =	swait.ge [sflag:s10], $0x1400  }
0x85: {  	[sflag:s10] =	ssyncset.done $0x0  }
0x86: {  	s11 =	simm.s32 $0x28F0;
	[sflag:s10] =	ssyncadd.s32 $0xFFFFEC00  }
0x87: {  	[spmem:s3] =	stream.indirect.scatter.add.f32 [tilespmem:s25], [sflag:$0x7], $0x40, s11, s21, $0xb8;
	[tilespmem:$0x13A60] =	vst v63  }
0x88: {  	_ =	swait.ge [sflag:s12], $0x1400  }
0x89: {  	[sflag:s12] =	ssyncset.done $0x0  }
0x8a: {  	s13 =	simm.s32 $0x2D0;
	[sflag:s12] =	ssyncadd.s32 $0xFFFFEC00  }
0x8b: {  	[tilespmem:s22], [sflag:$0x2] =	stream.indirect.gather [hbm4b:s0+s21], $0x40, s13, s21, $0xb8;
	[tilespmem:$0x13A60] =	vst v63  }
0x8c: {  	_ =	swait.ge [sflag:s23], $0x1400  }
0x8d: {  	[sflag:s23] =	ssyncset.done $0x0  }
0x8e: {  	s9 =	simm.s32 $0x500;
	s11 =	simm.s32 $0x2940;
	[sflag:s23] =	ssyncadd.s32 $0xFFFFEC00  }
.LBB2_7:
0x8f: {  	[spmem:s3] =	stream.indirect.scatter.add.f32 [tilespmem:s29], [sflag:$0x8], $0x40, s11, s21, $0xb8;
	[tilespmem:$0x13A60] =	vst v63  }
0x90: {  	s11 =	smov.u32 s9;
	s9 =	sadd.s32 $0x500, s9;
	_ =	swait.ge [sflag:s15], $0x1400  }
0x91: {  	s11 =	sshra.s32 s11, $0x2;
	p1 =	sne.s32 s9, $0x9100;
	[sflag:s15] =	ssyncset.done $0x0  }
0x92: {  	s13 =	sadd.s32 $0x1E0, s11;
	[sflag:s15] =	ssyncadd.s32 $0xFFFFEC00  }
0x93: {  	[tilespmem:s25], [sflag:$0x3] =	stream.indirect.gather [hbm4b:s0+s21], $0x40, s13, s21, $0xb8;
	[tilespmem:$0x13A60] =	vst v63  }
0x94: {  	_ =	swait.ge [sflag:s26], $0x1400  }
0x95: {  	[sflag:s26] =	ssyncset.done $0x0  }
0x96: {  	s13 =	sadd.s32 $0x2850, s11;
	[sflag:s26] =	ssyncadd.s32 $0xFFFFEC00  }
0x97: {  	[spmem:s3] =	stream.indirect.scatter.add.f32 [tilespmem:s20], [sflag:$0x5], $0x40, s13, s21, $0xb8;
	[tilespmem:$0x13A60] =	vst v63  }
0x98: {  	_ =	swait.ge [sflag:s16], $0x1400  }
0x99: {  	[sflag:s16] =	ssyncset.done $0x0  }
0x9a: {  	s13 =	sadd.s32 $0x230, s11;
	[sflag:s16] =	ssyncadd.s32 $0xFFFFEC00  }
0x9b: {  	[tilespmem:s29], [sflag:$0x4] =	stream.indirect.gather [hbm4b:s0+s21], $0x40, s13, s21, $0xb8;
	[tilespmem:$0x13A60] =	vst v63  }
0x9c: {  	_ =	swait.ge [sflag:s30], $0x1400  }
0x9d: {  	[sflag:s30] =	ssyncset.done $0x0  }
0x9e: {  	s13 =	sadd.s32 $0x28A0, s11;
	[sflag:s30] =	ssyncadd.s32 $0xFFFFEC00  }
0x9f: {  	[spmem:s3] =	stream.indirect.scatter.add.f32 [tilespmem:s22], [sflag:$0x6], $0x40, s13, s21, $0xb8;
	[tilespmem:$0x13A60] =	vst v63  }
0xa0: {  	_ =	swait.ge [sflag:s1], $0x1400  }
0xa1: {  	[sflag:s1] =	ssyncset.done $0x0  }
0xa2: {  	s13 =	sadd.s32 $0x280, s11;
	[sflag:s1] =	ssyncadd.s32 $0xFFFFEC00  }
0xa3: {  	[tilespmem:s20], [sflag:$0x1] =	stream.indirect.gather [hbm4b:s0+s21], $0x40, s13, s21, $0xb8;
	[tilespmem:$0x13A60] =	vst v63  }
0xa4: {  	_ =	swait.ge [sflag:s10], $0x1400  }
0xa5: {  	[sflag:s10] =	ssyncset.done $0x0  }
0xa6: {  	s13 =	sadd.s32 $0x28F0, s11;
	[sflag:s10] =	ssyncadd.s32 $0xFFFFEC00  }
0xa7: {  	[spmem:s3] =	stream.indirect.scatter.add.f32 [tilespmem:s25], [sflag:$0x7], $0x40, s13, s21, $0xb8;
	[tilespmem:$0x13A60] =	vst v63  }
0xa8: {  	_ =	swait.ge [sflag:s12], $0x1400  }
0xa9: {  	[sflag:s12] =	ssyncset.done $0x0  }
.Ltmp3:
0xaa: {  	s13 =	sadd.s32 $0x2D0, s11;
	[sflag:s12] =	ssyncadd.s32 $0xFFFFEC00;
	(pc) =	sbr.rel @p1 .LBB2_7-.Ltmp3, $4  }
0xab: {  	[tilespmem:s22], [sflag:$0x2] =	stream.indirect.gather [hbm4b:s0+s21], $0x40, s13, s21, $0xb8;
	[tilespmem:$0x13A60] =	vst v63  }
0xac: {  	_ =	swait.ge [sflag:s23], $0x1400  }
0xad: {  	[sflag:s23] =	ssyncset.done $0x0  }
0xae: {  	s11 =	sadd.s32 $0x2940, s11;
	[sflag:s23] =	ssyncadd.s32 $0xFFFFEC00  }
0xaf: {  	[spmem:s3] =	stream.indirect.scatter.add.f32 [tilespmem:s29], [sflag:$0x8], $0x40, s11, s21, $0xb8;
	[tilespmem:$0x13A60] =	vst v63  }
0xb0: {  	_ =	swait.ge [sflag:s15], $0x1400  }
0xb1: {  	s9 =	sshra.s32 s9, $0x2;
	[sflag:s15] =	ssyncset.done $0x0  }
0xb2: {  	s13 =	sadd.s32 $0x1E0, s9;
	[sflag:s15] =	ssyncadd.s32 $0xFFFFEC00  }
0xb3: {  	[tilespmem:s25], [sflag:$0x3] =	stream.indirect.gather [hbm4b:s0+s21], $0x40, s13, s21, $0xb8;
	[tilespmem:$0x13A60] =	vst v63  }
0xb4: {  	_ =	swait.ge [sflag:s26], $0x1400  }
0xb5: {  	[sflag:s26] =	ssyncset.done $0x0  }
0xb6: {  	s13 =	sadd.s32 $0x2850, s9;
	[sflag:s26] =	ssyncadd.s32 $0xFFFFEC00  }
0xb7: {  	[spmem:s3] =	stream.indirect.scatter.add.f32 [tilespmem:s20], [sflag:$0x5], $0x40, s13, s21, $0xb8;
	[tilespmem:$0x13A60] =	vst v63  }
0xb8: {  	_ =	swait.ge [sflag:s16], $0x1400  }
0xb9: {  	[sflag:s16] =	ssyncset.done $0x0  }
0xba: {  	s13 =	sadd.s32 $0x230, s9;
	[sflag:s16] =	ssyncadd.s32 $0xFFFFEC00  }
0xbb: {  	[tilespmem:s29], [sflag:$0x4] =	stream.indirect.gather [hbm4b:s0+s21], $0x40, s13, s21, $0xb8;
	[tilespmem:$0x13A60] =	vst v63  }
0xbc: {  	_ =	swait.ge [sflag:s30], $0x1400  }
0xbd: {  	[sflag:s30] =	ssyncset.done $0x0  }
0xbe: {  	s13 =	sadd.s32 $0x28A0, s9;
	[sflag:s30] =	ssyncadd.s32 $0xFFFFEC00  }
0xbf: {  	[spmem:s3] =	stream.indirect.scatter.add.f32 [tilespmem:s22], [sflag:$0x6], $0x40, s13, s21, $0xb8;
	[tilespmem:$0x13A60] =	vst v63  }
0xc0: {  	_ =	swait.ge [sflag:s1], $0x1400  }
0xc1: {  	[sflag:s1] =	ssyncset.done $0x0  }
0xc2: {  	s13 =	sadd.s32 $0x280, s9;
	[sflag:s1] =	ssyncadd.s32 $0xFFFFEC00  }
0xc3: {  	[tilespmem:s20], [sflag:$0x1] =	stream.indirect.gather [hbm4b:s0+s21], $0x40, s13, s21, $0xb8;
	[tilespmem:$0x13A60] =	vst v63  }
0xc4: {  	_ =	swait.ge [sflag:s10], $0x1400  }
0xc5: {  	[sflag:s10] =	ssyncset.done $0x0  }
0xc6: {  	s13 =	sadd.s32 $0x28F0, s9;
	[sflag:s10] =	ssyncadd.s32 $0xFFFFEC00  }
0xc7: {  	[spmem:s3] =	stream.indirect.scatter.add.f32 [tilespmem:s25], [sflag:$0x7], $0x40, s13, s21, $0xb8;
	[tilespmem:$0x13A60] =	vst v63  }
0xc8: {  	_ =	swait.ge [sflag:s12], $0x1400  }
0xc9: {  	[sflag:s12] =	ssyncset.done $0x0  }
0xca: {  	[sflag:s12] =	ssyncadd.s32 $0xFFFFEC00  }
0xcb: {  	_ =	swait.ge [sflag:s23], $0x1400  }
0xcc: {  	[sflag:s23] =	ssyncset.done $0x0  }
0xcd: {  	s9 =	sadd.s32 $0x2940, s9;
	[sflag:s23] =	ssyncadd.s32 $0xFFFFEC00  }
0xce: {  	[spmem:s3] =	stream.indirect.scatter.add.f32 [tilespmem:s29], [sflag:$0x8], $0x40, s9, s21, $0xb8;
	[tilespmem:$0x13A60] =	vst v63  }
0xcf: {  	_ =	swait.ge [sflag:s26], $0x1400  }
0xd0: {  	[sflag:s26] =	ssyncset.done $0x0  }
0xd1: {  	[sflag:s26] =	ssyncadd.s32 $0xFFFFEC00  }
0xd2: {  	[spmem:s3] =	stream.indirect.scatter.add.f32 [tilespmem:s20], [sflag:$0x5], $0x40, s28, s21, $0xb8;
	[tilespmem:$0x13A60] =	vst v63  }
0xd3: {  	_ =	swait.ge [sflag:s1], $0x1400  }
0xd4: {  	[sflag:s1] =	ssyncset.done $0x0  }
0xd5: {  	[sflag:s1] =	ssyncadd.s32 $0xFFFFEC00  }
0xd6: {  	_ =	swait.ge [sflag:s15], $0x1400  }
0xd7: {  	[sflag:s15] =	ssyncset.done $0x0  }
0xd8: {  	[sflag:s15] =	ssyncadd.s32 $0xFFFFEC00  }
0xd9: {  	_ =	swait.ge [sflag:s16], $0x1400  }
0xda: {  	s11 =	sshll.u32 s2, $0x6;
	s31 =	sadd.s32 $0x1, s31;
	[sflag:s16] =	ssyncset.done $0x0  }
0xdb: {  	p1 =	sne.s32 s31, s17;
	s13 =	sshrl.u32 s8, $0x3;
	[sflag:s16] =	ssyncadd.s32 $0xFFFFEC00  }
.Ltmp4:
0xdc: {  	s9 =	sor.u32 $0x1C09, s11;
	[bflag:$0x0] =	sbarrier.arrive $0xFFFF;
	(pc) =	sbr.rel @p1 .LBB2_1-.Ltmp4, $4  }
0xdd: {  	[hbm:s24], [sflag:s9] =	dma.local [spmem:s13], $0x1388  }
0xde: {  	_ =	swait.ge [sflag:s18], $0x1388  }
0xdf: {  	[sflag:s18] =	ssyncset.done $0x0  }
0xe0: {  	[sflag:s18] =	ssyncadd.s32 $0xFFFFEC78  }
0xe1: {  	_ =	sfence.sel $0x180000  }
0xe2: {  	[bflag:$0x0] =	sbarrier.arrive $0xFFFF  }
0xe3: {  	_ =	strace $0x9000004D  }
0xe4: {  	[bflag:$0x2] =	sbarrier.arrive $0xFFFF  }
0xe5: {  	p0 =	sne.s32 s2, $0x0;
	s0 =	rddreg [dreg:$0x3]  }
0xe6: {  	s0 =	sadd.s32 @!p0 $0x100000, s0  }
0xe7: {  	[sflag:s0] =	ssyncadd.tile.s32 @!p0 $0x1;
	_ =	shalt  }
.Lfunc_end2:
_tile_overlayer_lowered:
.L_overlay_start_2:
0xe8: {  	(tag) =	ssettag $0x2  }
0xe9: {  	s0 =	rddreg [dreg:$0x0];
	s2 =	stileid.u32  }
0xea: {  	s1 =	rddreg [dreg:$0x1];
	p0 =	sne.s32 s2, $0x0  }
0xeb: {  	s3 =	rddreg [dreg:$0x2];
	[bflag:$0x3] =	sbarrier.arrive $0xFFFF;
	s2 =	simm.s32 @!p0 $0x1C09  }
0xec: {  	[timem:s3], [sflag:s2] =	dma.local @!p0 [hbm:s0], s1  }
0xed: {  	s0 =	simm.s32 @!p0 $0x9  }
0xee: {  	_ =	swait.ge @!p0 [sflag:s0], s1  }
0xef: {  	s1 =	ssub.s32 @!p0 $0x0, s1;
	[sflag:s0] =	ssyncset.done @!p0 $0x0  }
0xf0: {  	[sflag:s0] =	ssyncadd.s32 @!p0 s1  }
0xf1: {  	[bflag:$0x3] =	sbarrier.arrive $0xFFFF  }
0xf2: {  	_ =	shalt  }

// kernel: kernel.23.cloned.1.call-start
scs
__scs_entry_jumppad:
0x0: {  	(pc) =	sbr.rel $0x88, $3  }
0x1: {  	(tag) =	ssettag $0x0;
	lr =	simm.s32 $0x1  }
0x2: {  	[smem:$0x3F99] =	sst lr;
	_ =	strace $0xD0000000  }
0x3: {  	_ = 	snop  }
0x4: {  	_ = 	snop  }
0x5: {  	_ = 	snop  }
0x6: {  	_ = 	snop  }
0x7: {  	_ = 	snop  }
__scs_overlays_trampoline_lowered:
0x8: {  	[smem:$0x3FA8] =	sst s0  }
0x9: {  	[smem:$0x3FA9] =	sst s1  }
0xa: {  	[smem:$0x3FAA] =	sst s2  }
0xb: {  	[smem:$0x3FAB] =	sst s3  }
0xc: {  	[smem:$0x3FAC] =	sst s4  }
0xd: {  	[smem:$0x3FAD] =	sst s5  }
0xe: {  	[smem:$0x3FAE] =	sst s6  }
0xf: {  	[smem:$0x3FAF] =	sst s7  }
0x10: {  	[smem:$0x3FB0] =	sst s8  }
0x11: {  	[smem:$0x3FB1] =	sst s9;
	s0 =	simm.s32 @!p0 $0x0  }
0x12: {  	s1 =	sld [smem:$0x3F97];
	s0 =	simm.s32 @p0 $0x1  }
0x13: {  	[smem:$0x3FB2] =	sst s0;
	s0 =	simm.s32 @!p1 $0x0  }
0x14: {  	s2 =	sld [smem:$0x3F96];
	s0 =	simm.s32 @p1 $0x1  }
0x15: {  	[smem:$0x3FB3] =	sst s0;
	s0 =	simm.s32 @!p2 $0x0  }
0x16: {  	s3 =	sld [smem:$0x3FDB];
	s0 =	simm.s32 @p2 $0x1  }
0x17: {  	s4 =	simm.s32 $0x1BF5;
	[smem:$0x3FB5] =	sst s0  }
0x18: {  	s0 =	sld [smem:$0x3F98];
	_ =	swait.ge [sflag:s4], $0x0  }
0x19: {  	s7 =	sld [smem:$0x3F99]  }
0x1a: {  	s8 =	sadd.s32 $0xFFFFE003, lr  }
0x1b: {  	s9 =	sadd.s32 $0xFFFFFEF7, lr;
	s5 =	simm.s32 $0xFFFFFFFF;
	p2 =	slt.u32 s8, $0xFFFFF086  }
0x1c: {  	p1 =	slt.u32 s9, $0xF7A;
	s5 =	simm.s32 @!p2 $0x0  }
0x1d: {  	s5 =	simm.s32 @p1 $0x1;
	p0 =	seq.s32 s7, s2  }
0x1e: {  	s7 =	smul.u32 @!p0 $0xF7A, s2;
	p2 =	seq.s32 @!p0 s5, $0x0  }
0x1f: {  	s9 =	smul.u32 $0xF7A, s1;
	s8 =	simm.s32 @!p0 $0x1BF5;
	p2 =	por !p2, p0  }
0x20: {  	[sflag:s8] =	ssyncset.s32 @!p0 $0xFFFFF086;
	s6 =	sadd.s32 @!p0 s3, s7;
	s7 =	simm.s32 @!p0 $0x108  }
0x21: {  	s3 =	sadd.s32 s3, s9;
	s6 =	sadd.s32 @!p0 $0x88, s6;
	s7 =	simm.s32 @p2 $0x1082  }
0x22: {  	[simem:s7], [sflag:s8] =	dma.local @!p0 [hbm:s6], $0xF7A  }
0x23: {  	s9 =	sor.u32 $0xD0000000, s2;
	s6 =	simm.s32 $0x108;
	_ =	swait.ge @!p0 [sflag:s8], $0x0  }
0x24: {  	s3 =	sadd.s32 $0x88, s3;
	s6 =	simm.s32 @!p1 $0x1082;
	[sflag:s4] =	ssyncset.s32 $0xFFFFF086  }
0x25: {  	[simem:s6], [sflag:s4] =	dma.local [hbm:s3], $0xF7A  }
0x26: {  	[smem:$0x3F99] =	sst s1;
	(tag) =	ssettag s2;
	_ =	strace s9  }
0x27: {  	s1 =	sld [smem:$0x3FA9]  }
0x28: {  	s2 =	sld [smem:$0x3FAA]  }
0x29: {  	s4 =	sld [smem:$0x3FAC]  }
0x2a: {  	p0 =	seq.s32 s5, $0x0;
	s5 =	sld [smem:$0x3FAD]  }
0x2b: {  	s6 =	sld [smem:$0x3FAE]  }
0x2c: {  	s7 =	sld [smem:$0x3FAF]  }
0x2d: {  	s3 =	simm.s32 $0x108;
	s8 =	sld [smem:$0x3FB0]  }
0x2e: {  	s3 =	simm.s32 @!p0 $0x1082;
	s9 =	sld [smem:$0x3FB1]  }
0x2f: {  	lr =	sadd.s32 s0, s3;
	s0 =	sld [smem:$0x3FA8]  }
0x30: {  	s3 =	sld [smem:$0x3FAB]  }
0x31: {  	[smem:$0x3FB4] =	sst s10  }
0x32: {  	s10 =	sld [smem:$0x3FB2];
	_ =	sdelay $0x3  }
0x33: {  	p0 =	seq.s32 s10, $0x1;
	s10 =	sld [smem:$0x3FB4];
	_ =	sdelay $0x3  }
0x34: {  	[smem:$0x3FB4] =	sst s10  }
0x35: {  	s10 =	sld [smem:$0x3FB3];
	_ =	sdelay $0x3  }
0x36: {  	p1 =	seq.s32 s10, $0x1;
	s10 =	sld [smem:$0x3FB4];
	_ =	sdelay $0x3  }
0x37: {  	[smem:$0x3FB4] =	sst s10  }
0x38: {  	s10 =	sld [smem:$0x3FB5]  }
0x39: {  	_ = 	snop;
	(pc) =	sbr.ind lr, $3  }
0x3a: {  	_ = 	snop  }
0x3b: {  	_ = 	snop  }
0x3c: {  	p2 =	seq.s32 s10, $0x1;
	s10 =	sld [smem:$0x3FB4]  }
0x3d: {  	_ =	shalt  }
0x3e: {  	_ =	shalt  }
0x3f: {  	_ =	shalt  }
0x40: {  	_ =	shalt  }
0x41: {  	_ =	shalt  }
0x42: {  	_ =	shalt  }
0x43: {  	_ =	shalt  }
0x44: {  	_ =	shalt  }
0x45: {  	_ =	shalt  }
0x46: {  	_ =	shalt  }
0x47: {  	_ =	shalt  }
0x48: {  	_ =	shalt  }
0x49: {  	_ =	shalt  }
0x4a: {  	_ =	shalt  }
0x4b: {  	_ =	shalt  }
0x4c: {  	_ =	shalt  }
0x4d: {  	_ =	shalt  }
0x4e: {  	_ =	shalt  }
0x4f: {  	_ =	shalt  }
0x50: {  	_ =	shalt  }
0x51: {  	_ =	shalt  }
0x52: {  	_ =	shalt  }
0x53: {  	_ =	shalt  }
0x54: {  	_ =	shalt  }
0x55: {  	_ =	shalt  }
0x56: {  	_ =	shalt  }
0x57: {  	_ =	shalt  }
0x58: {  	_ =	shalt  }
0x59: {  	_ =	shalt  }
0x5a: {  	_ =	shalt  }
0x5b: {  	_ =	shalt  }
0x5c: {  	_ =	shalt  }
0x5d: {  	_ =	shalt  }
0x5e: {  	_ =	shalt  }
0x5f: {  	_ =	shalt  }
0x60: {  	_ =	shalt  }
0x61: {  	_ =	shalt  }
0x62: {  	_ =	shalt  }
0x63: {  	_ =	shalt  }
0x64: {  	_ =	shalt  }
0x65: {  	_ =	shalt  }
0x66: {  	_ =	shalt  }
0x67: {  	_ =	shalt  }
0x68: {  	_ =	shalt  }
0x69: {  	_ =	shalt  }
0x6a: {  	_ =	shalt  }
0x6b: {  	_ =	shalt  }
0x6c: {  	_ =	shalt  }
0x6d: {  	_ =	shalt  }
0x6e: {  	_ =	shalt  }
0x6f: {  	_ =	shalt  }
0x70: {  	_ =	shalt  }
0x71: {  	_ =	shalt  }
0x72: {  	_ =	shalt  }
0x73: {  	_ =	shalt  }
0x74: {  	_ =	shalt  }
0x75: {  	_ =	shalt  }
0x76: {  	_ =	shalt  }
0x77: {  	_ =	shalt  }
0x78: {  	_ =	shalt  }
0x79: {  	_ =	shalt  }
0x7a: {  	_ =	shalt  }
0x7b: {  	_ =	shalt  }
0x7c: {  	_ =	shalt  }
0x7d: {  	_ =	shalt  }
0x7e: {  	_ =	shalt  }
0x7f: {  	_ =	shalt  }
0x80: {  	_ =	shalt  }
0x81: {  	_ =	shalt  }
0x82: {  	_ =	shalt  }
0x83: {  	_ =	shalt  }
0x84: {  	_ =	shalt  }
0x85: {  	_ =	shalt  }
0x86: {  	_ =	shalt  }
0x87: {  	_ =	shalt  }
.Lfunc_end0:
.L_simem_size_0:
called_computation.3_lowered:
.L_overlay_start_0:
0x88: {  	s2 =	sld [smem:$0x3FD9]  }
0x89: {  	s3 =	sld [smem:$0x3FFE];
	_ =	sdelay $0x1  }
0x8a: {  	s1 =	srdreg.scid  }
0x8b: {  	s0 =	sand.u32 $0x1, s1  }
0x8c: {  	s17 =	sshll.u32 s0, $0xA;
	s2 =	sadd.s32 s3, s2  }
0x8d: {  	s2 =	sadd.s32 s2, s17  }
0x8e: {  	[smem:$0x3FC0] =	sst s2  }
0x8f: {  	_ = 	snop  }
0x90: {  	s2 =	sld [smem:$0x3FD0];
	(tm) =	ssettm $0x1  }
0x91: {  	s18 =	sld [smem:$0x3FFB];
	_ =	sdelay $0x3  }
0x92: {  	_ =	strace s18  }
0x93: {  	s3 =	sld [smem:$0x3FFC];
	_ =	sdelay $0x3  }
0x94: {  	_ =	strace s3  }
0x95: {  	s3 =	sld [smem:$0x3FFD];
	_ =	sdelay $0x3  }
0x96: {  	_ =	strace s3  }
0x97: {  	_ =	strace $0x8FFFFFFF  }
0x98: {  	s19 =	sld [smem:$0x3FDB];
	_ =	sdelay $0x1  }
0x99: {  	s4 =	simm.s32 $_scs_section_size  }
0x9a: {  	s5 =	simm.s32 $_size__tile_overlayer_lowered;
	s6 =	simm.s32 $_tile_overlayer_lowered  }
0x9b: {  	s22 =	simm.s32 $0x1BFF;
	s21 =	sshll.u32 s6, $0x1;
	s3 =	sadd.s32 s4, s19  }
0x9c: {  	s7 =	simm.s32 $0x0;
	s20 =	sshll.u32 s5, $0x1;
	s5 =	sadd.s32 s21, s3  }
0x9d: {  	[timem:s7], [sflag:s22] =	dma.local [hbm:s5], s20  }
0x9e: {  	_ =	swait.ge [sflag:s22], s20  }
0x9f: {  	s4 =	ssub.s32 $0x0, s20;
	[sflag:s22] =	ssyncset.done $0x0  }
0xa0: {  	[sflag:s22] =	ssyncadd.s32 s4;
	_ =	sdelay $0x1  }
0xa1: {  	s23 =	simm.s32 $0x1B8B  }
0xa2: {  	_ =	swait.ge [sflag:s23], $0x1  }
0xa3: {  	[sflag:s23] =	ssyncset.done $0x0  }
0xa4: {  	s25 =	simm.s32 $0x1B8E;
	s24 =	sld [smem:$0x3FFE];
	[sflag:s23] =	ssyncadd.s32 $0xFFFFFFFF  }
0xa5: {  	s26 =	simm.s32 $execute0_lowered;
	[smem:$0x3FD2] =	sst s25  }
0xa6: {  	s5 =	sshll.u32 s26, $0x1;
	_ =	strace $0x8000004F;
	[dreg:$0x1] =	wrdreg $0xFFFFFFFF  }
0xa7: {  	s28 =	simm.s32 $_size_execute0_lowered;
	s3 =	sadd.s32 s3, s5;
	[dreg:$0x0] =	wrdreg $0x0  }
0xa8: {  	s5 =	sshll.u32 s28, $0x1;
	[dreg:$0x2] =	wrdreg s3  }
0xa9: {  	[dreg:$0x3] =	wrdreg s5  }
0xaa: {  	[dreg:$0x4] =	wrdreg $0xC0  }
0xab: {  	_ =	task [dreg:s7], $0x5FFFF  }
0xac: {  	[dreg:$0x1] =	wrdreg $0xFFFFFFFF  }
0xad: {  	[dreg:$0x0] =	wrdreg $0x60  }
0xae: {  	[dreg:$0x2] =	wrdreg s2  }
0xaf: {  	[dreg:$0x3] =	wrdreg s24  }
0xb0: {  	[dreg:$0x4] =	wrdreg $0x9E200  }
0xb1: {  	[dreg:$0x5] =	wrdreg $0x9  }
0xb2: {  	_ =	task.clear_ibuf [dreg:s7], $0x6FFFF;
	_ =	strace $0x9000004F  }
0xb3: {  	s29 =	simm.s32 $0x9;
	_ =	strace $0x80000051  }
0xb4: {  	_ =	swait.ge [sflag:s29], $0x1  }
0xb5: {  	[sflag:s29] =	ssyncadd.s32 $0xFFFFFFFF  }
0xb6: {  	_ =	strace $0x90000051  }
0xb7: {  	_ =	sfence  }
0xb8: {  	s30 =	sld [smem:$0x0];
	_ =	sdelay $0x2  }
0xb9: {  	s31 =	sshll.u32 s1, $0xD;
	s1 =	sshrl.u32 s1, $0x2  }
0xba: {  	s3 =	sand.u32 $0x4000, s31;
	s1 =	sadd.s32 s1, s30  }
0xbb: {  	s0 =	sor.u32 s3, s0;
	s1 =	sshll.u32 s1, $0x11  }
0xbc: {  	s0 =	sor.u32 s1, s0  }
0xbd: {  	s0 =	sadd.s32 $0x8F2B, s0  }
0xbe: {  	[sflag:s0] =	ssyncadd.remote.s32 $0x1  }
0xbf: {  	_ =	sfence.sel $0xFFFF  }
0xc0: {  	[dreg:$0x0] =	wrdreg $0xFFFFFFFF;
	(pc) =	sbr.abs _section_cstart, $3  }
0xc1: {  	[dreg:$0x1] =	wrdreg $0xFFFFFFFF  }
0xc2: {  	_ =	task.clear_ibuf [dreg:s7], $0x2FFFF;
	_ =	strace $0x9FFFFFFF  }
0xc3: {  	(tm) =	ssettm $0x7FFFFFFF  }
tec
execute0_lowered:
.L_overlay_start_1:
0x0: {  	(tag) =	ssettag $0x1  }
0x1: {  	s0 =	rddreg [dreg:$0x0]  }
0x2: {  	s5 =	rddreg [dreg:$0x1]  }
0x3: {  	s1 =	srdreg.scid;
	s3 =	rddreg [dreg:$0x2]  }
0x4: {  	s2 =	stileid.u32;
	s4 =	simm.s32 $0x0;
	s29 =	simm.s32 $0x8A20  }
0x5: {  	s30 =	simm.s32 $0x2;
	s12 =	simm.s32 $0x6;
	s28 =	simm.s32 $0x4DD0  }
0x6: {  	s31 =	simm.s32 $0x0;
	s1 =	sand.u32 $0x1, s1;
	s10 =	smul.u32 $0x27100, s2  }
0x7: {  	[smem:$0x7FF] =	sst s4;
	s14 =	smul.u32 $0x9C40, s2;
	s6 =	sshll.u32 s1, $0x4  }
0x8: {  	_ =	strace $0x80000050;
	s7 =	smul.u32 $0x13880, s1;
	s8 =	ssub.s32 $0x2, s1  }
0x9: {  	p0 =	seq.s32 s1, $0x1;
	s1 =	simm.s32 $0x5;
	s6 =	sor.u32 s2, s6  }
0xa: {  	s9 =	sshrl.u32 s8, $0x1;
	s15 =	sshrl.u32 s10, $0x2;
	s16 =	sshrl.u32 s14, $0x3  }
0xb: {  	s10 =	simm.s32 $0x3;
	s6 =	smul.u32 $0x4E2, s6;
	s11 =	sadd.s32 s7, s5  }
0xc: {  	s9 =	ssub.s32 s8, s9;
	s7 =	sadd.s32 s15, s3;
	s18 =	sadd.s32 s0, s16  }
0xd: {  	s8 =	sadd.s32 s14, s3;
	[dreg:$0x4] =	wrdreg s18;
	s19 =	sadd.s32 $0x1400, s7  }
0xe: {  	s14 =	simm.s32 $0x2800;
	s20 =	sadd.s32 $0x2800, s7;
	[dreg:$0x5] =	wrdreg s19  }
0xf: {  	s15 =	simm.s32 $0x7;
	s21 =	sadd.s32 $0x3C00, s7;
	[dreg:$0x6] =	wrdreg s20  }
0x10: {  	s22 =	sadd.s32 $0x5000, s7;
	s23 =	sadd.s32 $0x6400, s7;
	[dreg:$0x7] =	wrdreg s21  }
0x11: {  	s24 =	sadd.s32 $0x7800, s7;
	s25 =	sadd.s32 $0x8C00, s7;
	[dreg:$0x8] =	wrdreg s22  }
0x12: {  	s26 =	sadd.s32 $0x17A00, s11;
	s17 =	smax.u32 s9, $0x1;
	[dreg:$0x9] =	wrdreg s23  }
0x13: {  	s18 =	simm.s32 $0x9;
	s6 =	sadd.s32 s6, s5;
	[dreg:$0xa] =	wrdreg s24  }
0x14: {  	[dreg:$0xb] =	wrdreg s25;
	s19 =	simm.s32 $0x2710;
	s20 =	simm.s32 $0x4E20  }
0x15: {  	s21 =	simm.s32 $0x50;
	s22 =	simm.s32 $0x6220;
	s24 =	sadd.s32 s16, s26  }
0x16: {  	s25 =	simm.s32 $0x7620;
	s26 =	simm.s32 $0x1;
	s23 =	simm.s32 $0x4  }
0x17: {  	v0 =	vimm.f32 $0.0e+00;
	s16 =	simm.s32 $0x8;
	s5 =	sadd.s32 $0xDC00, s6;
	s6 =	sadd.s32 $0x3E00, s6  }
.LBB2_1:
0x18: {  	[tilespmem:s4], [sflag:$0x9] =	stream.linear.gather [hbm4b:s5+s4], $0x2710, $0x38;
	[tilespmem:$0x13A60] =	vst v63  }
0x19: {  	_ =	swait.ge [sflag:s18], $0x2710  }
0x1a: {  	[sflag:s18] =	ssyncset.done $0x0  }
.Ltmp0:
0x1b: {  	[sflag:s18] =	ssyncadd.s32 $0xFFFFD8F0;
	(pc) =	sbr.rel @!p0 .LBB2_2-.Ltmp0, $4  }
0x1c: {  	[tilespmem:s19], [sflag:$0x9] =	stream.linear.gather [hbm4b:s6+s4], $0x2710, $0x38;
	[tilespmem:$0x13A60] =	vst v63  }
0x1d: {  	_ =	swait.ge [sflag:s18], $0x2710  }
0x1e: {  	[sflag:s18] =	ssyncset.done $0x0  }
0x1f: {  	[sflag:s18] =	ssyncadd.s32 $0xFFFFD8F0  }
0x20: {  	s11 =	simm.s32 $0x100;
	s9 =	simm.s32 $0x0  }
.LBB2_4:
0x21: {  	p1 =	sne.s32 s11, $0x4F00;
	[tilespmem:s9+$0x4E50] =	vst v0;
	s13 =	smov.u32 s11;
	s11 =	sadd.s32 $0x100, s11  }
.Ltmp1:
0x22: {  	[tilespmem:s9+$0x4E40] =	vst v0;
	(pc) =	sbr.rel @p1 .LBB2_4-.Ltmp1, $3  }
0x23: {  	[tilespmem:s9+$0x4E20] =	vst v0  }
0x24: {  	[tilespmem:s9+$0x4E30] =	vst v0;
	_ =	sdelay $0x1  }
0x25: {  	s9 =	sshra.s32 s13, $0x2  }
0x26: {  	[tilespmem:s9+$0x4E50] =	vst v0  }
0x27: {  	[tilespmem:s9+$0x4E40] =	vst v0  }
0x28: {  	[tilespmem:s9+$0x4E20] =	vst v0  }
0x29: {  	[tilespmem:s9+$0x4E30] =	vst v0  }
0x2a: {  	[spmem:s7] =	stream.linear.scatter [tilespmem:s20], [sflag:$0x9], $0x1400, $0x38;
	[tilespmem:$0x13A60] =	vst v63  }
0x2b: {  	_ =	swait.ge [sflag:s18], $0x1400  }
0x2c: {  	[sflag:s18] =	ssyncset.done $0x0  }
0x2d: {  	s13 =	rddreg [dreg:$0x5];
	[sflag:s18] =	ssyncadd.s32 $0xFFFFEC00  }
0x2e: {  	[spmem:s13] =	stream.linear.scatter [tilespmem:s20], [sflag:$0x9], $0x1400, $0x38;
	[tilespmem:$0x13A60] =	vst v63  }
0x2f: {  	_ =	swait.ge [sflag:s18], $0x1400  }
0x30: {  	[sflag:s18] =	ssyncset.done $0x0  }
0x31: {  	s11 =	rddreg [dreg:$0x6];
	[sflag:s18] =	ssyncadd.s32 $0xFFFFEC00  }
0x32: {  	[spmem:s11] =	stream.linear.scatter [tilespmem:s20], [sflag:$0x9], $0x1400, $0x38;
	[tilespmem:$0x13A60] =	vst v63  }
0x33: {  	_ =	swait.ge [sflag:s18], $0x1400  }
0x34: {  	[sflag:s18] =	ssyncset.done $0x0  }
0x35: {  	s13 =	rddreg [dreg:$0x7];
	[sflag:s18] =	ssyncadd.s32 $0xFFFFEC00  }
0x36: {  	[spmem:s13] =	stream.linear.scatter [tilespmem:s20], [sflag:$0x9], $0x1400, $0x38;
	[tilespmem:$0x13A60] =	vst v63  }
0x37: {  	_ =	swait.ge [sflag:s18], $0x1400  }
0x38: {  	[sflag:s18] =	ssyncset.done $0x0  }
0x39: {  	s11 =	rddreg [dreg:$0x8];
	[sflag:s18] =	ssyncadd.s32 $0xFFFFEC00  }
0x3a: {  	[spmem:s11] =	stream.linear.scatter [tilespmem:s20], [sflag:$0x9], $0x1400, $0x38;
	[tilespmem:$0x13A60] =	vst v63  }
0x3b: {  	_ =	swait.ge [sflag:s18], $0x1400  }
0x3c: {  	[sflag:s18] =	ssyncset.done $0x0  }
0x3d: {  	s13 =	rddreg [dreg:$0x9];
	[sflag:s18] =	ssyncadd.s32 $0xFFFFEC00  }
0x3e: {  	[spmem:s13] =	stream.linear.scatter [tilespmem:s20], [sflag:$0x9], $0x1400, $0x38;
	[tilespmem:$0x13A60] =	vst v63  }
0x3f: {  	_ =	swait.ge [sflag:s18], $0x1400  }
0x40: {  	[sflag:s18] =	ssyncset.done $0x0  }
0x41: {  	s11 =	rddreg [dreg:$0xa];
	[sflag:s18] =	ssyncadd.s32 $0xFFFFEC00  }
0x42: {  	[spmem:s11] =	stream.linear.scatter [tilespmem:s20], [sflag:$0x9], $0x1400, $0x38;
	[tilespmem:$0x13A60] =	vst v63  }
0x43: {  	_ =	swait.ge [sflag:s18], $0x1400  }
0x44: {  	[sflag:s18] =	ssyncset.done $0x0  }
.Ltmp2:
0x45: {  	s13 =	rddreg [dreg:$0xb];
	[sflag:s18] =	ssyncadd.s32 $0xFFFFEC00;
	(pc) =	sbr.rel .LBB2_6-.Ltmp2, $4  }
0x46: {  	[spmem:s13] =	stream.linear.scatter [tilespmem:s20], [sflag:$0x9], $0x1040, $0x38;
	[tilespmem:$0x13A60] =	vst v63  }
0x47: {  	_ =	swait.ge [sflag:s18], $0x1040  }
0x48: {  	[sflag:s18] =	ssyncset.done $0x0  }
0x49: {  	[sflag:s18] =	ssyncadd.s32 $0xFFFFEFC0  }
.LBB2_2:
0x4a: {  	s9 =	sshll.u32 s2, $0x6  }
0x4b: {  	s11 =	sshrl.u32 s8, $0x3;
	s13 =	rddreg [dreg:$0x4];
	s9 =	sor.u32 $0x1C09, s9  }
0x4c: {  	[spmem:s11], [sflag:s9] =	dma.local [hbm:s13], $0x1388  }
0x4d: {  	_ =	swait.ge [sflag:s18], $0x1388  }
0x4e: {  	[sflag:s18] =	ssyncset.done $0x0  }
0x4f: {  	[sflag:s18] =	ssyncadd.s32 $0xFFFFEC78  }
.LBB2_6:
0x50: {  	[bflag:$0x0] =	sbarrier.arrive $0xFFFF;
	s9 =	simm.s32 $0x0  }
0x51: {  	[tilespmem:s20], [sflag:$0x1] =	stream.indirect.gather [hbm4b:s0+s21], $0x40, s9, s21, $0xb8;
	[tilespmem:$0x13A60] =	vst v63  }
0x52: {  	_ = 	snop  }
0x53: {  	[tilespmem:s22], [sflag:$0x2] =	stream.indirect.gather [hbm4b:s0+s21], $0x40, s21, s21, $0xb8;
	[tilespmem:$0x13A60] =	vst v63  }
0x54: {  	s13 =	simm.s32 $0xA0  }
0x55: {  	[tilespmem:s25], [sflag:$0x3] =	stream.indirect.gather [hbm4b:s0+s21], $0x40, s13, s21, $0xb8;
	[tilespmem:$0x13A60] =	vst v63  }
0x56: {  	_ =	swait.ge [sflag:s26], $0x1400  }
0x57: {  	[sflag:s26] =	ssyncset.done $0x0  }
0x58: {  	[sflag:s26] =	ssyncadd.s32 $0xFFFFEC00  }
0x59: {  	[spmem:s3] =	stream.indirect.scatter.add.f32 [tilespmem:s20], [sflag:$0x5], $0x40, s19, s21, $0xb8;
	[tilespmem:$0x13A60] =	vst v63  }
0x5a: {  	s11 =	simm.s32 $0xF0  }
0x5b: {  	[tilespmem:s29], [sflag:$0x4] =	stream.indirect.gather [hbm4b:s0+s21], $0x40, s11, s21, $0xb8;
	[tilespmem:$0x13A60] =	vst v63  }
0x5c: {  	_ =	swait.ge [sflag:s30], $0x1400  }
0x5d: {  	[sflag:s30] =	ssyncset.done $0x0  }
0x5e: {  	s13 =	simm.s32 $0x2760;
	[sflag:s30] =	ssyncadd.s32 $0xFFFFEC00  }
0x5f: {  	[spmem:s3] =	stream.indirect.scatter.add.f32 [tilespmem:s22], [sflag:$0x6], $0x40, s13, s21, $0xb8;
	[tilespmem:$0x13A60] =	vst v63  }
0x60: {  	_ =	swait.ge [sflag:s1], $0x1400  }
0x61: {  	[sflag:s1] =	ssyncset.done $0x0  }
0x62: {  	s11 =	simm.s32 $0x140;
	[sflag:s1] =	ssyncadd.s32 $0xFFFFEC00  }
0x63: {  	[tilespmem:s20], [sflag:$0x1] =	stream.indirect.gather [hbm4b:s0+s21], $0x40, s11, s21, $0xb8;
	[tilespmem:$0x13A60] =	vst v63  }
0x64: {  	_ =	swait.ge [sflag:s10], $0x1400  }
0x65: {  	[sflag:s10] =	ssyncset.done $0x0  }
0x66: {  	s13 =	simm.s32 $0x27B0;
	[sflag:s10] =	ssyncadd.s32 $0xFFFFEC00  }
0x67: {  	[spmem:s3] =	stream.indirect.scatter.add.f32 [tilespmem:s25], [sflag:$0x7], $0x40, s13, s21, $0xb8;
	[tilespmem:$0x13A60] =	vst v63  }
0x68: {  	_ =	swait.ge [sflag:s12], $0x1400  }
0x69: {  	[sflag:s12] =	ssyncset.done $0x0  }
0x6a: {  	s11 =	simm.s32 $0x190;
	[sflag:s12] =	ssyncadd.s32 $0xFFFFEC00  }
0x6b: {  	[tilespmem:s22], [sflag:$0x2] =	stream.indirect.gather [hbm4b:s0+s21], $0x40, s11, s21, $0xb8;
	[tilespmem:$0x13A60] =	vst v63  }
0x6c: {  	_ =	swait.ge [sflag:s23], $0x1400  }
0x6d: {  	[sflag:s23] =	ssyncset.done $0x0  }
0x6e: {  	[sflag:s23] =	ssyncadd.s32 $0xFFFFEC00  }
0x6f: {  	[spmem:s3] =	stream.indirect.scatter.add.f32 [tilespmem:s29], [sflag:$0x8], $0x40, s14, s21, $0xb8;
	[tilespmem:$0x13A60] =	vst v63  }
0x70: {  	_ =	swait.ge [sflag:s15], $0x1400  }
0x71: {  	[sflag:s15] =	ssyncset.done $0x0  }
0x72: {  	s13 =	simm.s32 $0x1E0;
	[sflag:s15] =	ssyncadd.s32 $0xFFFFEC00  }
0x73: {  	[tilespmem:s25], [sflag:$0x3] =	stream.indirect.gather [hbm4b:s0+s21], $0x40, s13, s21, $0xb8;
	[tilespmem:$0x13A60] =	vst v63  }
0x74: {  	_ =	swait.ge [sflag:s26], $0x1400  }
0x75: {  	[sflag:s26] =	ssyncset.done $0x0  }
0x76: {  	s11 =	simm.s32 $0x2850;
	[sflag:s26] =	ssyncadd.s32 $0xFFFFEC00  }
0x77: {  	[spmem:s3] =	stream.indirect.scatter.add.f32 [tilespmem:s20], [sflag:$0x5], $0x40, s11, s21, $0xb8;
	[tilespmem:$0x13A60] =	vst v63  }
0x78: {  	_ =	swait.ge [sflag:s16], $0x1400  }
0x79: {  	[sflag:s16] =	ssyncset.done $0x0  }
0x7a: {  	s13 =	simm.s32 $0x230;
	[sflag:s16] =	ssyncadd.s32 $0xFFFFEC00  }
0x7b: {  	[tilespmem:s29], [sflag:$0x4] =	stream.indirect.gather [hbm4b:s0+s21], $0x40, s13, s21, $0xb8;
	[tilespmem:$0x13A60] =	vst v63  }
0x7c: {  	_ =	swait.ge [sflag:s30], $0x1400  }
0x7d: {  	[sflag:s30] =	ssyncset.done $0x0  }
0x7e: {  	s11 =	simm.s32 $0x28A0;
	[sflag:s30] =	ssyncadd.s32 $0xFFFFEC00  }
0x7f: {  	[spmem:s3] =	stream.indirect.scatter.add.f32 [tilespmem:s22], [sflag:$0x6], $0x40, s11, s21, $0xb8;
	[tilespmem:$0x13A60] =	vst v63  }
0x80: {  	_ =	swait.ge [sflag:s1], $0x1400  }
0x81: {  	[sflag:s1] =	ssyncset.done $0x0  }
0x82: {  	s13 =	simm.s32 $0x280;
	[sflag:s1] =	ssyncadd.s32 $0xFFFFEC00  }
0x83: {  	[tilespmem:s20], [sflag:$0x1] =	stream.indirect.gather [hbm4b:s0+s21], $0x40, s13, s21, $0xb8;
	[tilespmem:$0x13A60] =	vst v63  }
0x84: {  	_ =	swait.ge [sflag:s10], $0x1400  }
0x85: {  	[sflag:s10] =	ssyncset.done $0x0  }
0x86: {  	s11 =	simm.s32 $0x28F0;
	[sflag:s10] =	ssyncadd.s32 $0xFFFFEC00  }
0x87: {  	[spmem:s3] =	stream.indirect.scatter.add.f32 [tilespmem:s25], [sflag:$0x7], $0x40, s11, s21, $0xb8;
	[tilespmem:$0x13A60] =	vst v63  }
0x88: {  	_ =	swait.ge [sflag:s12], $0x1400  }
0x89: {  	[sflag:s12] =	ssyncset.done $0x0  }
0x8a: {  	s13 =	simm.s32 $0x2D0;
	[sflag:s12] =	ssyncadd.s32 $0xFFFFEC00  }
0x8b: {  	[tilespmem:s22], [sflag:$0x2] =	stream.indirect.gather [hbm4b:s0+s21], $0x40, s13, s21, $0xb8;
	[tilespmem:$0x13A60] =	vst v63  }
0x8c: {  	_ =	swait.ge [sflag:s23], $0x1400  }
0x8d: {  	[sflag:s23] =	ssyncset.done $0x0  }
0x8e: {  	s9 =	simm.s32 $0x500;
	s11 =	simm.s32 $0x2940;
	[sflag:s23] =	ssyncadd.s32 $0xFFFFEC00  }
.LBB2_7:
0x8f: {  	[spmem:s3] =	stream.indirect.scatter.add.f32 [tilespmem:s29], [sflag:$0x8], $0x40, s11, s21, $0xb8;
	[tilespmem:$0x13A60] =	vst v63  }
0x90: {  	s11 =	smov.u32 s9;
	s9 =	sadd.s32 $0x500, s9;
	_ =	swait.ge [sflag:s15], $0x1400  }
0x91: {  	s11 =	sshra.s32 s11, $0x2;
	p1 =	sne.s32 s9, $0x9100;
	[sflag:s15] =	ssyncset.done $0x0  }
0x92: {  	s13 =	sadd.s32 $0x1E0, s11;
	[sflag:s15] =	ssyncadd.s32 $0xFFFFEC00  }
0x93: {  	[tilespmem:s25], [sflag:$0x3] =	stream.indirect.gather [hbm4b:s0+s21], $0x40, s13, s21, $0xb8;
	[tilespmem:$0x13A60] =	vst v63  }
0x94: {  	_ =	swait.ge [sflag:s26], $0x1400  }
0x95: {  	[sflag:s26] =	ssyncset.done $0x0  }
0x96: {  	s13 =	sadd.s32 $0x2850, s11;
	[sflag:s26] =	ssyncadd.s32 $0xFFFFEC00  }
0x97: {  	[spmem:s3] =	stream.indirect.scatter.add.f32 [tilespmem:s20], [sflag:$0x5], $0x40, s13, s21, $0xb8;
	[tilespmem:$0x13A60] =	vst v63  }
0x98: {  	_ =	swait.ge [sflag:s16], $0x1400  }
0x99: {  	[sflag:s16] =	ssyncset.done $0x0  }
0x9a: {  	s13 =	sadd.s32 $0x230, s11;
	[sflag:s16] =	ssyncadd.s32 $0xFFFFEC00  }
0x9b: {  	[tilespmem:s29], [sflag:$0x4] =	stream.indirect.gather [hbm4b:s0+s21], $0x40, s13, s21, $0xb8;
	[tilespmem:$0x13A60] =	vst v63  }
0x9c: {  	_ =	swait.ge [sflag:s30], $0x1400  }
0x9d: {  	[sflag:s30] =	ssyncset.done $0x0  }
0x9e: {  	s13 =	sadd.s32 $0x28A0, s11;
	[sflag:s30] =	ssyncadd.s32 $0xFFFFEC00  }
0x9f: {  	[spmem:s3] =	stream.indirect.scatter.add.f32 [tilespmem:s22], [sflag:$0x6], $0x40, s13, s21, $0xb8;
	[tilespmem:$0x13A60] =	vst v63  }
0xa0: {  	_ =	swait.ge [sflag:s1], $0x1400  }
0xa1: {  	[sflag:s1] =	ssyncset.done $0x0  }
0xa2: {  	s13 =	sadd.s32 $0x280, s11;
	[sflag:s1] =	ssyncadd.s32 $0xFFFFEC00  }
0xa3: {  	[tilespmem:s20], [sflag:$0x1] =	stream.indirect.gather [hbm4b:s0+s21], $0x40, s13, s21, $0xb8;
	[tilespmem:$0x13A60] =	vst v63  }
0xa4: {  	_ =	swait.ge [sflag:s10], $0x1400  }
0xa5: {  	[sflag:s10] =	ssyncset.done $0x0  }
0xa6: {  	s13 =	sadd.s32 $0x28F0, s11;
	[sflag:s10] =	ssyncadd.s32 $0xFFFFEC00  }
0xa7: {  	[spmem:s3] =	stream.indirect.scatter.add.f32 [tilespmem:s25], [sflag:$0x7], $0x40, s13, s21, $0xb8;
	[tilespmem:$0x13A60] =	vst v63  }
0xa8: {  	_ =	swait.ge [sflag:s12], $0x1400  }
0xa9: {  	[sflag:s12] =	ssyncset.done $0x0  }
.Ltmp3:
0xaa: {  	s13 =	sadd.s32 $0x2D0, s11;
	[sflag:s12] =	ssyncadd.s32 $0xFFFFEC00;
	(pc) =	sbr.rel @p1 .LBB2_7-.Ltmp3, $4  }
0xab: {  	[tilespmem:s22], [sflag:$0x2] =	stream.indirect.gather [hbm4b:s0+s21], $0x40, s13, s21, $0xb8;
	[tilespmem:$0x13A60] =	vst v63  }
0xac: {  	_ =	swait.ge [sflag:s23], $0x1400  }
0xad: {  	[sflag:s23] =	ssyncset.done $0x0  }
0xae: {  	s11 =	sadd.s32 $0x2940, s11;
	[sflag:s23] =	ssyncadd.s32 $0xFFFFEC00  }
0xaf: {  	[spmem:s3] =	stream.indirect.scatter.add.f32 [tilespmem:s29], [sflag:$0x8], $0x40, s11, s21, $0xb8;
	[tilespmem:$0x13A60] =	vst v63  }
0xb0: {  	_ =	swait.ge [sflag:s15], $0x1400  }
0xb1: {  	s9 =	sshra.s32 s9, $0x2;
	[sflag:s15] =	ssyncset.done $0x0  }
0xb2: {  	s13 =	sadd.s32 $0x1E0, s9;
	[sflag:s15] =	ssyncadd.s32 $0xFFFFEC00  }
0xb3: {  	[tilespmem:s25], [sflag:$0x3] =	stream.indirect.gather [hbm4b:s0+s21], $0x40, s13, s21, $0xb8;
	[tilespmem:$0x13A60] =	vst v63  }
0xb4: {  	_ =	swait.ge [sflag:s26], $0x1400  }
0xb5: {  	[sflag:s26] =	ssyncset.done $0x0  }
0xb6: {  	s13 =	sadd.s32 $0x2850, s9;
	[sflag:s26] =	ssyncadd.s32 $0xFFFFEC00  }
0xb7: {  	[spmem:s3] =	stream.indirect.scatter.add.f32 [tilespmem:s20], [sflag:$0x5], $0x40, s13, s21, $0xb8;
	[tilespmem:$0x13A60] =	vst v63  }
0xb8: {  	_ =	swait.ge [sflag:s16], $0x1400  }
0xb9: {  	[sflag:s16] =	ssyncset.done $0x0  }
0xba: {  	s13 =	sadd.s32 $0x230, s9;
	[sflag:s16] =	ssyncadd.s32 $0xFFFFEC00  }
0xbb: {  	[tilespmem:s29], [sflag:$0x4] =	stream.indirect.gather [hbm4b:s0+s21], $0x40, s13, s21, $0xb8;
	[tilespmem:$0x13A60] =	vst v63  }
0xbc: {  	_ =	swait.ge [sflag:s30], $0x1400  }
0xbd: {  	[sflag:s30] =	ssyncset.done $0x0  }
0xbe: {  	s13 =	sadd.s32 $0x28A0, s9;
	[sflag:s30] =	ssyncadd.s32 $0xFFFFEC00  }
0xbf: {  	[spmem:s3] =	stream.indirect.scatter.add.f32 [tilespmem:s22], [sflag:$0x6], $0x40, s13, s21, $0xb8;
	[tilespmem:$0x13A60] =	vst v63  }
0xc0: {  	_ =	swait.ge [sflag:s1], $0x1400  }
0xc1: {  	[sflag:s1] =	ssyncset.done $0x0  }
0xc2: {  	s13 =	sadd.s32 $0x280, s9;
	[sflag:s1] =	ssyncadd.s32 $0xFFFFEC00  }
0xc3: {  	[tilespmem:s20], [sflag:$0x1] =	stream.indirect.gather [hbm4b:s0+s21], $0x40, s13, s21, $0xb8;
	[tilespmem:$0x13A60] =	vst v63  }
0xc4: {  	_ =	swait.ge [sflag:s10], $0x1400  }
0xc5: {  	[sflag:s10] =	ssyncset.done $0x0  }
0xc6: {  	s13 =	sadd.s32 $0x28F0, s9;
	[sflag:s10] =	ssyncadd.s32 $0xFFFFEC00  }
0xc7: {  	[spmem:s3] =	stream.indirect.scatter.add.f32 [tilespmem:s25], [sflag:$0x7], $0x40, s13, s21, $0xb8;
	[tilespmem:$0x13A60] =	vst v63  }
0xc8: {  	_ =	swait.ge [sflag:s12], $0x1400  }
0xc9: {  	[sflag:s12] =	ssyncset.done $0x0  }
0xca: {  	[sflag:s12] =	ssyncadd.s32 $0xFFFFEC00  }
0xcb: {  	_ =	swait.ge [sflag:s23], $0x1400  }
0xcc: {  	[sflag:s23] =	ssyncset.done $0x0  }
0xcd: {  	s9 =	sadd.s32 $0x2940, s9;
	[sflag:s23] =	ssyncadd.s32 $0xFFFFEC00  }
0xce: {  	[spmem:s3] =	stream.indirect.scatter.add.f32 [tilespmem:s29], [sflag:$0x8], $0x40, s9, s21, $0xb8;
	[tilespmem:$0x13A60] =	vst v63  }
0xcf: {  	_ =	swait.ge [sflag:s26], $0x1400  }
0xd0: {  	[sflag:s26] =	ssyncset.done $0x0  }
0xd1: {  	[sflag:s26] =	ssyncadd.s32 $0xFFFFEC00  }
0xd2: {  	[spmem:s3] =	stream.indirect.scatter.add.f32 [tilespmem:s20], [sflag:$0x5], $0x40, s28, s21, $0xb8;
	[tilespmem:$0x13A60] =	vst v63  }
0xd3: {  	_ =	swait.ge [sflag:s1], $0x1400  }
0xd4: {  	[sflag:s1] =	ssyncset.done $0x0  }
0xd5: {  	[sflag:s1] =	ssyncadd.s32 $0xFFFFEC00  }
0xd6: {  	_ =	swait.ge [sflag:s15], $0x1400  }
0xd7: {  	[sflag:s15] =	ssyncset.done $0x0  }
0xd8: {  	[sflag:s15] =	ssyncadd.s32 $0xFFFFEC00  }
0xd9: {  	_ =	swait.ge [sflag:s16], $0x1400  }
0xda: {  	s11 =	sshll.u32 s2, $0x6;
	s31 =	sadd.s32 $0x1, s31;
	[sflag:s16] =	ssyncset.done $0x0  }
0xdb: {  	p1 =	sne.s32 s31, s17;
	s13 =	sshrl.u32 s8, $0x3;
	[sflag:s16] =	ssyncadd.s32 $0xFFFFEC00  }
.Ltmp4:
0xdc: {  	s9 =	sor.u32 $0x1C09, s11;
	[bflag:$0x0] =	sbarrier.arrive $0xFFFF;
	(pc) =	sbr.rel @p1 .LBB2_1-.Ltmp4, $4  }
0xdd: {  	[hbm:s24], [sflag:s9] =	dma.local [spmem:s13], $0x1388  }
0xde: {  	_ =	swait.ge [sflag:s18], $0x1388  }
0xdf: {  	[sflag:s18] =	ssyncset.done $0x0  }
0xe0: {  	[sflag:s18] =	ssyncadd.s32 $0xFFFFEC78  }
0xe1: {  	_ =	sfence.sel $0x180000  }
0xe2: {  	[bflag:$0x0] =	sbarrier.arrive $0xFFFF  }
0xe3: {  	_ =	strace $0x90000050  }
0xe4: {  	[bflag:$0x2] =	sbarrier.arrive $0xFFFF  }
0xe5: {  	p0 =	sne.s32 s2, $0x0;
	s0 =	rddreg [dreg:$0x3]  }
0xe6: {  	s0 =	sadd.s32 @!p0 $0x100000, s0  }
0xe7: {  	[sflag:s0] =	ssyncadd.tile.s32 @!p0 $0x1;
	_ =	shalt  }
.Lfunc_end2:
_tile_overlayer_lowered:
.L_overlay_start_2:
0xe8: {  	(tag) =	ssettag $0x2  }
0xe9: {  	s0 =	rddreg [dreg:$0x0];
	s2 =	stileid.u32  }
0xea: {  	s1 =	rddreg [dreg:$0x1];
	p0 =	sne.s32 s2, $0x0  }
0xeb: {  	s3 =	rddreg [dreg:$0x2];
	[bflag:$0x3] =	sbarrier.arrive $0xFFFF;
	s2 =	simm.s32 @!p0 $0x1C09  }
0xec: {  	[timem:s3], [sflag:s2] =	dma.local @!p0 [hbm:s0], s1  }
0xed: {  	s0 =	simm.s32 @!p0 $0x9  }
0xee: {  	_ =	swait.ge @!p0 [sflag:s0], s1  }
0xef: {  	s1 =	ssub.s32 @!p0 $0x0, s1;
	[sflag:s0] =	ssyncset.done @!p0 $0x0  }
0xf0: {  	[sflag:s0] =	ssyncadd.s32 @!p0 s1  }
0xf1: {  	[bflag:$0x3] =	sbarrier.arrive $0xFFFF  }
0xf2: {  	_ =	shalt  }

// kernel: kernel.26.cloned.1.call-start
scs
__scs_entry_jumppad:
0x0: {  	(pc) =	sbr.rel $0x88, $3  }
0x1: {  	(tag) =	ssettag $0x0;
	lr =	simm.s32 $0x1  }
0x2: {  	[smem:$0x3F99] =	sst lr;
	_ =	strace $0xD0000000  }
0x3: {  	_ = 	snop  }
0x4: {  	_ = 	snop  }
0x5: {  	_ = 	snop  }
0x6: {  	_ = 	snop  }
0x7: {  	_ = 	snop  }
__scs_overlays_trampoline_lowered:
0x8: {  	[smem:$0x3FA8] =	sst s0  }
0x9: {  	[smem:$0x3FA9] =	sst s1  }
0xa: {  	[smem:$0x3FAA] =	sst s2  }
0xb: {  	[smem:$0x3FAB] =	sst s3  }
0xc: {  	[smem:$0x3FAC] =	sst s4  }
0xd: {  	[smem:$0x3FAD] =	sst s5  }
0xe: {  	[smem:$0x3FAE] =	sst s6  }
0xf: {  	[smem:$0x3FAF] =	sst s7  }
0x10: {  	[smem:$0x3FB0] =	sst s8  }
0x11: {  	[smem:$0x3FB1] =	sst s9;
	s0 =	simm.s32 @!p0 $0x0  }
0x12: {  	s1 =	sld [smem:$0x3F97];
	s0 =	simm.s32 @p0 $0x1  }
0x13: {  	[smem:$0x3FB2] =	sst s0;
	s0 =	simm.s32 @!p1 $0x0  }
0x14: {  	s2 =	sld [smem:$0x3F96];
	s0 =	simm.s32 @p1 $0x1  }
0x15: {  	[smem:$0x3FB3] =	sst s0;
	s0 =	simm.s32 @!p2 $0x0  }
0x16: {  	s3 =	sld [smem:$0x3FDB];
	s0 =	simm.s32 @p2 $0x1  }
0x17: {  	s4 =	simm.s32 $0x1BF5;
	[smem:$0x3FB5] =	sst s0  }
0x18: {  	s0 =	sld [smem:$0x3F98];
	_ =	swait.ge [sflag:s4], $0x0  }
0x19: {  	s7 =	sld [smem:$0x3F99]  }
0x1a: {  	s8 =	sadd.s32 $0xFFFFE003, lr  }
0x1b: {  	s9 =	sadd.s32 $0xFFFFFEF7, lr;
	s5 =	simm.s32 $0xFFFFFFFF;
	p2 =	slt.u32 s8, $0xFFFFF086  }
0x1c: {  	p1 =	slt.u32 s9, $0xF7A;
	s5 =	simm.s32 @!p2 $0x0  }
0x1d: {  	s5 =	simm.s32 @p1 $0x1;
	p0 =	seq.s32 s7, s2  }
0x1e: {  	s7 =	smul.u32 @!p0 $0xF7A, s2;
	p2 =	seq.s32 @!p0 s5, $0x0  }
0x1f: {  	s9 =	smul.u32 $0xF7A, s1;
	s8 =	simm.s32 @!p0 $0x1BF5;
	p2 =	por !p2, p0  }
0x20: {  	[sflag:s8] =	ssyncset.s32 @!p0 $0xFFFFF086;
	s6 =	sadd.s32 @!p0 s3, s7;
	s7 =	simm.s32 @!p0 $0x108  }
0x21: {  	s3 =	sadd.s32 s3, s9;
	s6 =	sadd.s32 @!p0 $0x88, s6;
	s7 =	simm.s32 @p2 $0x1082  }
0x22: {  	[simem:s7], [sflag:s8] =	dma.local @!p0 [hbm:s6], $0xF7A  }
0x23: {  	s9 =	sor.u32 $0xD0000000, s2;
	s6 =	simm.s32 $0x108;
	_ =	swait.ge @!p0 [sflag:s8], $0x0  }
0x24: {  	s3 =	sadd.s32 $0x88, s3;
	s6 =	simm.s32 @!p1 $0x1082;
	[sflag:s4] =	ssyncset.s32 $0xFFFFF086  }
0x25: {  	[simem:s6], [sflag:s4] =	dma.local [hbm:s3], $0xF7A  }
0x26: {  	[smem:$0x3F99] =	sst s1;
	(tag) =	ssettag s2;
	_ =	strace s9  }
0x27: {  	s1 =	sld [smem:$0x3FA9]  }
0x28: {  	s2 =	sld [smem:$0x3FAA]  }
0x29: {  	s4 =	sld [smem:$0x3FAC]  }
0x2a: {  	p0 =	seq.s32 s5, $0x0;
	s5 =	sld [smem:$0x3FAD]  }
0x2b: {  	s6 =	sld [smem:$0x3FAE]  }
0x2c: {  	s7 =	sld [smem:$0x3FAF]  }
0x2d: {  	s3 =	simm.s32 $0x108;
	s8 =	sld [smem:$0x3FB0]  }
0x2e: {  	s3 =	simm.s32 @!p0 $0x1082;
	s9 =	sld [smem:$0x3FB1]  }
0x2f: {  	lr =	sadd.s32 s0, s3;
	s0 =	sld [smem:$0x3FA8]  }
0x30: {  	s3 =	sld [smem:$0x3FAB]  }
0x31: {  	[smem:$0x3FB4] =	sst s10  }
0x32: {  	s10 =	sld [smem:$0x3FB2];
	_ =	sdelay $0x3  }
0x33: {  	p0 =	seq.s32 s10, $0x1;
	s10 =	sld [smem:$0x3FB4];
	_ =	sdelay $0x3  }
0x34: {  	[smem:$0x3FB4] =	sst s10  }
0x35: {  	s10 =	sld [smem:$0x3FB3];
	_ =	sdelay $0x3  }
0x36: {  	p1 =	seq.s32 s10, $0x1;
	s10 =	sld [smem:$0x3FB4];
	_ =	sdelay $0x3  }
0x37: {  	[smem:$0x3FB4] =	sst s10  }
0x38: {  	s10 =	sld [smem:$0x3FB5]  }
0x39: {  	_ = 	snop;
	(pc) =	sbr.ind lr, $3  }
0x3a: {  	_ = 	snop  }
0x3b: {  	_ = 	snop  }
0x3c: {  	p2 =	seq.s32 s10, $0x1;
	s10 =	sld [smem:$0x3FB4]  }
0x3d: {  	_ =	shalt  }
0x3e: {  	_ =	shalt  }
0x3f: {  	_ =	shalt  }
0x40: {  	_ =	shalt  }
0x41: {  	_ =	shalt  }
0x42: {  	_ =	shalt  }
0x43: {  	_ =	shalt  }
0x44: {  	_ =	shalt  }
0x45: {  	_ =	shalt  }
0x46: {  	_ =	shalt  }
0x47: {  	_ =	shalt  }
0x48: {  	_ =	shalt  }
0x49: {  	_ =	shalt  }
0x4a: {  	_ =	shalt  }
0x4b: {  	_ =	shalt  }
0x4c: {  	_ =	shalt  }
0x4d: {  	_ =	shalt  }
0x4e: {  	_ =	shalt  }
0x4f: {  	_ =	shalt  }
0x50: {  	_ =	shalt  }
0x51: {  	_ =	shalt  }
0x52: {  	_ =	shalt  }
0x53: {  	_ =	shalt  }
0x54: {  	_ =	shalt  }
0x55: {  	_ =	shalt  }
0x56: {  	_ =	shalt  }
0x57: {  	_ =	shalt  }
0x58: {  	_ =	shalt  }
0x59: {  	_ =	shalt  }
0x5a: {  	_ =	shalt  }
0x5b: {  	_ =	shalt  }
0x5c: {  	_ =	shalt  }
0x5d: {  	_ =	shalt  }
0x5e: {  	_ =	shalt  }
0x5f: {  	_ =	shalt  }
0x60: {  	_ =	shalt  }
0x61: {  	_ =	shalt  }
0x62: {  	_ =	shalt  }
0x63: {  	_ =	shalt  }
0x64: {  	_ =	shalt  }
0x65: {  	_ =	shalt  }
0x66: {  	_ =	shalt  }
0x67: {  	_ =	shalt  }
0x68: {  	_ =	shalt  }
0x69: {  	_ =	shalt  }
0x6a: {  	_ =	shalt  }
0x6b: {  	_ =	shalt  }
0x6c: {  	_ =	shalt  }
0x6d: {  	_ =	shalt  }
0x6e: {  	_ =	shalt  }
0x6f: {  	_ =	shalt  }
0x70: {  	_ =	shalt  }
0x71: {  	_ =	shalt  }
0x72: {  	_ =	shalt  }
0x73: {  	_ =	shalt  }
0x74: {  	_ =	shalt  }
0x75: {  	_ =	shalt  }
0x76: {  	_ =	shalt  }
0x77: {  	_ =	shalt  }
0x78: {  	_ =	shalt  }
0x79: {  	_ =	shalt  }
0x7a: {  	_ =	shalt  }
0x7b: {  	_ =	shalt  }
0x7c: {  	_ =	shalt  }
0x7d: {  	_ =	shalt  }
0x7e: {  	_ =	shalt  }
0x7f: {  	_ =	shalt  }
0x80: {  	_ =	shalt  }
0x81: {  	_ =	shalt  }
0x82: {  	_ =	shalt  }
0x83: {  	_ =	shalt  }
0x84: {  	_ =	shalt  }
0x85: {  	_ =	shalt  }
0x86: {  	_ =	shalt  }
0x87: {  	_ =	shalt  }
.Lfunc_end0:
.L_simem_size_0:
called_computation.4_lowered:
.L_overlay_start_0:
0x88: {  	s2 =	sld [smem:$0x3FD9]  }
0x89: {  	s3 =	sld [smem:$0x3FFE];
	_ =	sdelay $0x1  }
0x8a: {  	s1 =	srdreg.scid  }
0x8b: {  	s0 =	sand.u32 $0x1, s1  }
0x8c: {  	s17 =	sshll.u32 s0, $0xA;
	s2 =	sadd.s32 s3, s2  }
0x8d: {  	s2 =	sadd.s32 s2, s17  }
0x8e: {  	[smem:$0x3FC0] =	sst s2  }
0x8f: {  	_ = 	snop  }
0x90: {  	s2 =	sld [smem:$0x3FD0];
	(tm) =	ssettm $0x1  }
0x91: {  	s18 =	sld [smem:$0x3FFB];
	_ =	sdelay $0x3  }
0x92: {  	_ =	strace s18  }
0x93: {  	s3 =	sld [smem:$0x3FFC];
	_ =	sdelay $0x3  }
0x94: {  	_ =	strace s3  }
0x95: {  	s3 =	sld [smem:$0x3FFD];
	_ =	sdelay $0x3  }
0x96: {  	_ =	strace s3  }
0x97: {  	_ =	strace $0x8FFFFFFF  }
0x98: {  	s19 =	sld [smem:$0x3FDB];
	_ =	sdelay $0x1  }
0x99: {  	s4 =	simm.s32 $_scs_section_size  }
0x9a: {  	s5 =	simm.s32 $_size__tile_overlayer_lowered;
	s6 =	simm.s32 $_tile_overlayer_lowered  }
0x9b: {  	s22 =	simm.s32 $0x1BFF;
	s21 =	sshll.u32 s6, $0x1;
	s3 =	sadd.s32 s4, s19  }
0x9c: {  	s7 =	simm.s32 $0x0;
	s20 =	sshll.u32 s5, $0x1;
	s5 =	sadd.s32 s21, s3  }
0x9d: {  	[timem:s7], [sflag:s22] =	dma.local [hbm:s5], s20  }
0x9e: {  	_ =	swait.ge [sflag:s22], s20  }
0x9f: {  	s4 =	ssub.s32 $0x0, s20;
	[sflag:s22] =	ssyncset.done $0x0  }
0xa0: {  	[sflag:s22] =	ssyncadd.s32 s4;
	_ =	sdelay $0x1  }
0xa1: {  	s23 =	simm.s32 $0x1B8B  }
0xa2: {  	_ =	swait.ge [sflag:s23], $0x1  }
0xa3: {  	[sflag:s23] =	ssyncset.done $0x0  }
0xa4: {  	s25 =	simm.s32 $0x1B8E;
	s24 =	sld [smem:$0x3FFE];
	[sflag:s23] =	ssyncadd.s32 $0xFFFFFFFF  }
0xa5: {  	s26 =	simm.s32 $execute0_lowered;
	[smem:$0x3FD2] =	sst s25  }
0xa6: {  	s5 =	sshll.u32 s26, $0x1;
	_ =	strace $0x80000052;
	[dreg:$0x1] =	wrdreg $0xFFFFFFFF  }
0xa7: {  	s28 =	simm.s32 $_size_execute0_lowered;
	s3 =	sadd.s32 s3, s5;
	[dreg:$0x0] =	wrdreg $0x0  }
0xa8: {  	s5 =	sshll.u32 s28, $0x1;
	[dreg:$0x2] =	wrdreg s3  }
0xa9: {  	[dreg:$0x3] =	wrdreg s5  }
0xaa: {  	[dreg:$0x4] =	wrdreg $0xC0  }
0xab: {  	_ =	task [dreg:s7], $0x5FFFF  }
0xac: {  	[dreg:$0x1] =	wrdreg $0xFFFFFFFF  }
0xad: {  	[dreg:$0x0] =	wrdreg $0x60  }
0xae: {  	[dreg:$0x2] =	wrdreg s2  }
0xaf: {  	[dreg:$0x3] =	wrdreg s24  }
0xb0: {  	[dreg:$0x4] =	wrdreg $0x9E200  }
0xb1: {  	[dreg:$0x5] =	wrdreg $0x9  }
0xb2: {  	_ =	task.clear_ibuf [dreg:s7], $0x6FFFF;
	_ =	strace $0x90000052  }
0xb3: {  	s29 =	simm.s32 $0x9;
	_ =	strace $0x80000054  }
0xb4: {  	_ =	swait.ge [sflag:s29], $0x1  }
0xb5: {  	[sflag:s29] =	ssyncadd.s32 $0xFFFFFFFF  }
0xb6: {  	_ =	strace $0x90000054  }
0xb7: {  	_ =	sfence  }
0xb8: {  	s30 =	sld [smem:$0x0];
	_ =	sdelay $0x2  }
0xb9: {  	s31 =	sshll.u32 s1, $0xD;
	s1 =	sshrl.u32 s1, $0x2  }
0xba: {  	s3 =	sand.u32 $0x4000, s31;
	s1 =	sadd.s32 s1, s30  }
0xbb: {  	s0 =	sor.u32 s3, s0;
	s1 =	sshll.u32 s1, $0x11  }
0xbc: {  	s0 =	sor.u32 s1, s0  }
0xbd: {  	s0 =	sadd.s32 $0x8F2B, s0  }
0xbe: {  	[sflag:s0] =	ssyncadd.remote.s32 $0x1  }
0xbf: {  	_ =	sfence.sel $0xFFFF  }
0xc0: {  	[dreg:$0x0] =	wrdreg $0xFFFFFFFF;
	(pc) =	sbr.abs _section_cstart, $3  }
0xc1: {  	[dreg:$0x1] =	wrdreg $0xFFFFFFFF  }
0xc2: {  	_ =	task.clear_ibuf [dreg:s7], $0x2FFFF;
	_ =	strace $0x9FFFFFFF  }
0xc3: {  	(tm) =	ssettm $0x7FFFFFFF  }
tec
execute0_lowered:
.L_overlay_start_1:
0x0: {  	(tag) =	ssettag $0x1  }
0x1: {  	s0 =	rddreg [dreg:$0x0]  }
0x2: {  	s5 =	rddreg [dreg:$0x1]  }
0x3: {  	s1 =	srdreg.scid;
	s3 =	rddreg [dreg:$0x2]  }
0x4: {  	s2 =	stileid.u32;
	s4 =	simm.s32 $0x0;
	s29 =	simm.s32 $0x8A20  }
0x5: {  	s30 =	simm.s32 $0x2;
	s12 =	simm.s32 $0x6;
	s28 =	simm.s32 $0x4DD0  }
0x6: {  	s31 =	simm.s32 $0x0;
	s1 =	sand.u32 $0x1, s1;
	s10 =	smul.u32 $0x27100, s2  }
0x7: {  	[smem:$0x7FF] =	sst s4;
	s14 =	smul.u32 $0x9C40, s2;
	s6 =	sshll.u32 s1, $0x4  }
0x8: {  	_ =	strace $0x80000053;
	s7 =	smul.u32 $0x13880, s1;
	s8 =	ssub.s32 $0x2, s1  }
0x9: {  	p0 =	seq.s32 s1, $0x1;
	s1 =	simm.s32 $0x5;
	s6 =	sor.u32 s2, s6  }
0xa: {  	s9 =	sshrl.u32 s8, $0x1;
	s15 =	sshrl.u32 s10, $0x2;
	s16 =	sshrl.u32 s14, $0x3  }
0xb: {  	s10 =	simm.s32 $0x3;
	s6 =	smul.u32 $0x4E2, s6;
	s11 =	sadd.s32 s7, s5  }
0xc: {  	s9 =	ssub.s32 s8, s9;
	s7 =	sadd.s32 s15, s3;
	s18 =	sadd.s32 s0, s16  }
0xd: {  	s8 =	sadd.s32 s14, s3;
	[dreg:$0x4] =	wrdreg s18;
	s19 =	sadd.s32 $0x1400, s7  }
0xe: {  	s14 =	simm.s32 $0x2800;
	s20 =	sadd.s32 $0x2800, s7;
	[dreg:$0x5] =	wrdreg s19  }
0xf: {  	s15 =	simm.s32 $0x7;
	s21 =	sadd.s32 $0x3C00, s7;
	[dreg:$0x6] =	wrdreg s20  }
0x10: {  	s22 =	sadd.s32 $0x5000, s7;
	s23 =	sadd.s32 $0x6400, s7;
	[dreg:$0x7] =	wrdreg s21  }
0x11: {  	s24 =	sadd.s32 $0x7800, s7;
	s25 =	sadd.s32 $0x8C00, s7;
	[dreg:$0x8] =	wrdreg s22  }
0x12: {  	s26 =	sadd.s32 $0x17A00, s11;
	s17 =	smax.u32 s9, $0x1;
	[dreg:$0x9] =	wrdreg s23  }
0x13: {  	s18 =	simm.s32 $0x9;
	s6 =	sadd.s32 s6, s5;
	[dreg:$0xa] =	wrdreg s24  }
0x14: {  	[dreg:$0xb] =	wrdreg s25;
	s19 =	simm.s32 $0x2710;
	s20 =	simm.s32 $0x4E20  }
0x15: {  	s21 =	simm.s32 $0x50;
	s22 =	simm.s32 $0x6220;
	s24 =	sadd.s32 s16, s26  }
0x16: {  	s25 =	simm.s32 $0x7620;
	s26 =	simm.s32 $0x1;
	s23 =	simm.s32 $0x4  }
0x17: {  	v0 =	vimm.f32 $0.0e+00;
	s16 =	simm.s32 $0x8;
	s5 =	sadd.s32 $0xDC00, s6;
	s6 =	sadd.s32 $0x3E00, s6  }
.LBB2_1:
0x18: {  	[tilespmem:s4], [sflag:$0x9] =	stream.linear.gather [hbm4b:s5+s4], $0x2710, $0x38;
	[tilespmem:$0x13A60] =	vst v63  }
0x19: {  	_ =	swait.ge [sflag:s18], $0x2710  }
0x1a: {  	[sflag:s18] =	ssyncset.done $0x0  }
.Ltmp0:
0x1b: {  	[sflag:s18] =	ssyncadd.s32 $0xFFFFD8F0;
	(pc) =	sbr.rel @!p0 .LBB2_2-.Ltmp0, $4  }
0x1c: {  	[tilespmem:s19], [sflag:$0x9] =	stream.linear.gather [hbm4b:s6+s4], $0x2710, $0x38;
	[tilespmem:$0x13A60] =	vst v63  }
0x1d: {  	_ =	swait.ge [sflag:s18], $0x2710  }
0x1e: {  	[sflag:s18] =	ssyncset.done $0x0  }
0x1f: {  	[sflag:s18] =	ssyncadd.s32 $0xFFFFD8F0  }
0x20: {  	s11 =	simm.s32 $0x100;
	s9 =	simm.s32 $0x0  }
.LBB2_4:
0x21: {  	p1 =	sne.s32 s11, $0x4F00;
	[tilespmem:s9+$0x4E50] =	vst v0;
	s13 =	smov.u32 s11;
	s11 =	sadd.s32 $0x100, s11  }
.Ltmp1:
0x22: {  	[tilespmem:s9+$0x4E40] =	vst v0;
	(pc) =	sbr.rel @p1 .LBB2_4-.Ltmp1, $3  }
0x23: {  	[tilespmem:s9+$0x4E20] =	vst v0  }
0x24: {  	[tilespmem:s9+$0x4E30] =	vst v0;
	_ =	sdelay $0x1  }
0x25: {  	s9 =	sshra.s32 s13, $0x2  }
0x26: {  	[tilespmem:s9+$0x4E50] =	vst v0  }
0x27: {  	[tilespmem:s9+$0x4E40] =	vst v0  }
0x28: {  	[tilespmem:s9+$0x4E20] =	vst v0  }
0x29: {  	[tilespmem:s9+$0x4E30] =	vst v0  }
0x2a: {  	[spmem:s7] =	stream.linear.scatter [tilespmem:s20], [sflag:$0x9], $0x1400, $0x38;
	[tilespmem:$0x13A60] =	vst v63  }
0x2b: {  	_ =	swait.ge [sflag:s18], $0x1400  }
0x2c: {  	[sflag:s18] =	ssyncset.done $0x0  }
0x2d: {  	s13 =	rddreg [dreg:$0x5];
	[sflag:s18] =	ssyncadd.s32 $0xFFFFEC00  }
0x2e: {  	[spmem:s13] =	stream.linear.scatter [tilespmem:s20], [sflag:$0x9], $0x1400, $0x38;
	[tilespmem:$0x13A60] =	vst v63  }
0x2f: {  	_ =	swait.ge [sflag:s18], $0x1400  }
0x30: {  	[sflag:s18] =	ssyncset.done $0x0  }
0x31: {  	s11 =	rddreg [dreg:$0x6];
	[sflag:s18] =	ssyncadd.s32 $0xFFFFEC00  }
0x32: {  	[spmem:s11] =	stream.linear.scatter [tilespmem:s20], [sflag:$0x9], $0x1400, $0x38;
	[tilespmem:$0x13A60] =	vst v63  }
0x33: {  	_ =	swait.ge [sflag:s18], $0x1400  }
0x34: {  	[sflag:s18] =	ssyncset.done $0x0  }
0x35: {  	s13 =	rddreg [dreg:$0x7];
	[sflag:s18] =	ssyncadd.s32 $0xFFFFEC00  }
0x36: {  	[spmem:s13] =	stream.linear.scatter [tilespmem:s20], [sflag:$0x9], $0x1400, $0x38;
	[tilespmem:$0x13A60] =	vst v63  }
0x37: {  	_ =	swait.ge [sflag:s18], $0x1400  }
0x38: {  	[sflag:s18] =	ssyncset.done $0x0  }
0x39: {  	s11 =	rddreg [dreg:$0x8];
	[sflag:s18] =	ssyncadd.s32 $0xFFFFEC00  }
0x3a: {  	[spmem:s11] =	stream.linear.scatter [tilespmem:s20], [sflag:$0x9], $0x1400, $0x38;
	[tilespmem:$0x13A60] =	vst v63  }
0x3b: {  	_ =	swait.ge [sflag:s18], $0x1400  }
0x3c: {  	[sflag:s18] =	ssyncset.done $0x0  }
0x3d: {  	s13 =	rddreg [dreg:$0x9];
	[sflag:s18] =	ssyncadd.s32 $0xFFFFEC00  }
0x3e: {  	[spmem:s13] =	stream.linear.scatter [tilespmem:s20], [sflag:$0x9], $0x1400, $0x38;
	[tilespmem:$0x13A60] =	vst v63  }
0x3f: {  	_ =	swait.ge [sflag:s18], $0x1400  }
0x40: {  	[sflag:s18] =	ssyncset.done $0x0  }
0x41: {  	s11 =	rddreg [dreg:$0xa];
	[sflag:s18] =	ssyncadd.s32 $0xFFFFEC00  }
0x42: {  	[spmem:s11] =	stream.linear.scatter [tilespmem:s20], [sflag:$0x9], $0x1400, $0x38;
	[tilespmem:$0x13A60] =	vst v63  }
0x43: {  	_ =	swait.ge [sflag:s18], $0x1400  }
0x44: {  	[sflag:s18] =	ssyncset.done $0x0  }
.Ltmp2:
0x45: {  	s13 =	rddreg [dreg:$0xb];
	[sflag:s18] =	ssyncadd.s32 $0xFFFFEC00;
	(pc) =	sbr.rel .LBB2_6-.Ltmp2, $4  }
0x46: {  	[spmem:s13] =	stream.linear.scatter [tilespmem:s20], [sflag:$0x9], $0x1040, $0x38;
	[tilespmem:$0x13A60] =	vst v63  }
0x47: {  	_ =	swait.ge [sflag:s18], $0x1040  }
0x48: {  	[sflag:s18] =	ssyncset.done $0x0  }
0x49: {  	[sflag:s18] =	ssyncadd.s32 $0xFFFFEFC0  }
.LBB2_2:
0x4a: {  	s9 =	sshll.u32 s2, $0x6  }
0x4b: {  	s11 =	sshrl.u32 s8, $0x3;
	s13 =	rddreg [dreg:$0x4];
	s9 =	sor.u32 $0x1C09, s9  }
0x4c: {  	[spmem:s11], [sflag:s9] =	dma.local [hbm:s13], $0x1388  }
0x4d: {  	_ =	swait.ge [sflag:s18], $0x1388  }
0x4e: {  	[sflag:s18] =	ssyncset.done $0x0  }
0x4f: {  	[sflag:s18] =	ssyncadd.s32 $0xFFFFEC78  }
.LBB2_6:
0x50: {  	[bflag:$0x0] =	sbarrier.arrive $0xFFFF;
	s9 =	simm.s32 $0x0  }
0x51: {  	[tilespmem:s20], [sflag:$0x1] =	stream.indirect.gather [hbm4b:s0+s21], $0x40, s9, s21, $0xb8;
	[tilespmem:$0x13A60] =	vst v63  }
0x52: {  	_ = 	snop  }
0x53: {  	[tilespmem:s22], [sflag:$0x2] =	stream.indirect.gather [hbm4b:s0+s21], $0x40, s21, s21, $0xb8;
	[tilespmem:$0x13A60] =	vst v63  }
0x54: {  	s13 =	simm.s32 $0xA0  }
0x55: {  	[tilespmem:s25], [sflag:$0x3] =	stream.indirect.gather [hbm4b:s0+s21], $0x40, s13, s21, $0xb8;
	[tilespmem:$0x13A60] =	vst v63  }
0x56: {  	_ =	swait.ge [sflag:s26], $0x1400  }
0x57: {  	[sflag:s26] =	ssyncset.done $0x0  }
0x58: {  	[sflag:s26] =	ssyncadd.s32 $0xFFFFEC00  }
0x59: {  	[spmem:s3] =	stream.indirect.scatter.add.f32 [tilespmem:s20], [sflag:$0x5], $0x40, s19, s21, $0xb8;
	[tilespmem:$0x13A60] =	vst v63  }
0x5a: {  	s11 =	simm.s32 $0xF0  }
0x5b: {  	[tilespmem:s29], [sflag:$0x4] =	stream.indirect.gather [hbm4b:s0+s21], $0x40, s11, s21, $0xb8;
	[tilespmem:$0x13A60] =	vst v63  }
0x5c: {  	_ =	swait.ge [sflag:s30], $0x1400  }
0x5d: {  	[sflag:s30] =	ssyncset.done $0x0  }
0x5e: {  	s13 =	simm.s32 $0x2760;
	[sflag:s30] =	ssyncadd.s32 $0xFFFFEC00  }
0x5f: {  	[spmem:s3] =	stream.indirect.scatter.add.f32 [tilespmem:s22], [sflag:$0x6], $0x40, s13, s21, $0xb8;
	[tilespmem:$0x13A60] =	vst v63  }
0x60: {  	_ =	swait.ge [sflag:s1], $0x1400  }
0x61: {  	[sflag:s1] =	ssyncset.done $0x0  }
0x62: {  	s11 =	simm.s32 $0x140;
	[sflag:s1] =	ssyncadd.s32 $0xFFFFEC00  }
0x63: {  	[tilespmem:s20], [sflag:$0x1] =	stream.indirect.gather [hbm4b:s0+s21], $0x40, s11, s21, $0xb8;
	[tilespmem:$0x13A60] =	vst v63  }
0x64: {  	_ =	swait.ge [sflag:s10], $0x1400  }
0x65: {  	[sflag:s10] =	ssyncset.done $0x0  }
0x66: {  	s13 =	simm.s32 $0x27B0;
	[sflag:s10] =	ssyncadd.s32 $0xFFFFEC00  }
0x67: {  	[spmem:s3] =	stream.indirect.scatter.add.f32 [tilespmem:s25], [sflag:$0x7], $0x40, s13, s21, $0xb8;
	[tilespmem:$0x13A60] =	vst v63  }
0x68: {  	_ =	swait.ge [sflag:s12], $0x1400  }
0x69: {  	[sflag:s12] =	ssyncset.done $0x0  }
0x6a: {  	s11 =	simm.s32 $0x190;
	[sflag:s12] =	ssyncadd.s32 $0xFFFFEC00  }
0x6b: {  	[tilespmem:s22], [sflag:$0x2] =	stream.indirect.gather [hbm4b:s0+s21], $0x40, s11, s21, $0xb8;
	[tilespmem:$0x13A60] =	vst v63  }
0x6c: {  	_ =	swait.ge [sflag:s23], $0x1400  }
0x6d: {  	[sflag:s23] =	ssyncset.done $0x0  }
0x6e: {  	[sflag:s23] =	ssyncadd.s32 $0xFFFFEC00  }
0x6f: {  	[spmem:s3] =	stream.indirect.scatter.add.f32 [tilespmem:s29], [sflag:$0x8], $0x40, s14, s21, $0xb8;
	[tilespmem:$0x13A60] =	vst v63  }
0x70: {  	_ =	swait.ge [sflag:s15], $0x1400  }
0x71: {  	[sflag:s15] =	ssyncset.done $0x0  }
0x72: {  	s13 =	simm.s32 $0x1E0;
	[sflag:s15] =	ssyncadd.s32 $0xFFFFEC00  }
0x73: {  	[tilespmem:s25], [sflag:$0x3] =	stream.indirect.gather [hbm4b:s0+s21], $0x40, s13, s21, $0xb8;
	[tilespmem:$0x13A60] =	vst v63  }
0x74: {  	_ =	swait.ge [sflag:s26], $0x1400  }
0x75: {  	[sflag:s26] =	ssyncset.done $0x0  }
0x76: {  	s11 =	simm.s32 $0x2850;
	[sflag:s26] =	ssyncadd.s32 $0xFFFFEC00  }
0x77: {  	[spmem:s3] =	stream.indirect.scatter.add.f32 [tilespmem:s20], [sflag:$0x5], $0x40, s11, s21, $0xb8;
	[tilespmem:$0x13A60] =	vst v63  }
0x78: {  	_ =	swait.ge [sflag:s16], $0x1400  }
0x79: {  	[sflag:s16] =	ssyncset.done $0x0  }
0x7a: {  	s13 =	simm.s32 $0x230;
	[sflag:s16] =	ssyncadd.s32 $0xFFFFEC00  }
0x7b: {  	[tilespmem:s29], [sflag:$0x4] =	stream.indirect.gather [hbm4b:s0+s21], $0x40, s13, s21, $0xb8;
	[tilespmem:$0x13A60] =	vst v63  }
0x7c: {  	_ =	swait.ge [sflag:s30], $0x1400  }
0x7d: {  	[sflag:s30] =	ssyncset.done $0x0  }
0x7e: {  	s11 =	simm.s32 $0x28A0;
	[sflag:s30] =	ssyncadd.s32 $0xFFFFEC00  }
0x7f: {  	[spmem:s3] =	stream.indirect.scatter.add.f32 [tilespmem:s22], [sflag:$0x6], $0x40, s11, s21, $0xb8;
	[tilespmem:$0x13A60] =	vst v63  }
0x80: {  	_ =	swait.ge [sflag:s1], $0x1400  }
0x81: {  	[sflag:s1] =	ssyncset.done $0x0  }
0x82: {  	s13 =	simm.s32 $0x280;
	[sflag:s1] =	ssyncadd.s32 $0xFFFFEC00  }
0x83: {  	[tilespmem:s20], [sflag:$0x1] =	stream.indirect.gather [hbm4b:s0+s21], $0x40, s13, s21, $0xb8;
	[tilespmem:$0x13A60] =	vst v63  }
0x84: {  	_ =	swait.ge [sflag:s10], $0x1400  }
0x85: {  	[sflag:s10] =	ssyncset.done $0x0  }
0x86: {  	s11 =	simm.s32 $0x28F0;
	[sflag:s10] =	ssyncadd.s32 $0xFFFFEC00  }
0x87: {  	[spmem:s3] =	stream.indirect.scatter.add.f32 [tilespmem:s25], [sflag:$0x7], $0x40, s11, s21, $0xb8;
	[tilespmem:$0x13A60] =	vst v63  }
0x88: {  	_ =	swait.ge [sflag:s12], $0x1400  }
0x89: {  	[sflag:s12] =	ssyncset.done $0x0  }
0x8a: {  	s13 =	simm.s32 $0x2D0;
	[sflag:s12] =	ssyncadd.s32 $0xFFFFEC00  }
0x8b: {  	[tilespmem:s22], [sflag:$0x2] =	stream.indirect.gather [hbm4b:s0+s21], $0x40, s13, s21, $0xb8;
	[tilespmem:$0x13A60] =	vst v63  }
0x8c: {  	_ =	swait.ge [sflag:s23], $0x1400  }
0x8d: {  	[sflag:s23] =	ssyncset.done $0x0  }
0x8e: {  	s9 =	simm.s32 $0x500;
	s11 =	simm.s32 $0x2940;
	[sflag:s23] =	ssyncadd.s32 $0xFFFFEC00  }
.LBB2_7:
0x8f: {  	[spmem:s3] =	stream.indirect.scatter.add.f32 [tilespmem:s29], [sflag:$0x8], $0x40, s11, s21, $0xb8;
	[tilespmem:$0x13A60] =	vst v63  }
0x90: {  	s11 =	smov.u32 s9;
	s9 =	sadd.s32 $0x500, s9;
	_ =	swait.ge [sflag:s15], $0x1400  }
0x91: {  	s11 =	sshra.s32 s11, $0x2;
	p1 =	sne.s32 s9, $0x9100;
	[sflag:s15] =	ssyncset.done $0x0  }
0x92: {  	s13 =	sadd.s32 $0x1E0, s11;
	[sflag:s15] =	ssyncadd.s32 $0xFFFFEC00  }
0x93: {  	[tilespmem:s25], [sflag:$0x3] =	stream.indirect.gather [hbm4b:s0+s21], $0x40, s13, s21, $0xb8;
	[tilespmem:$0x13A60] =	vst v63  }
0x94: {  	_ =	swait.ge [sflag:s26], $0x1400  }
0x95: {  	[sflag:s26] =	ssyncset.done $0x0  }
0x96: {  	s13 =	sadd.s32 $0x2850, s11;
	[sflag:s26] =	ssyncadd.s32 $0xFFFFEC00  }
0x97: {  	[spmem:s3] =	stream.indirect.scatter.add.f32 [tilespmem:s20], [sflag:$0x5], $0x40, s13, s21, $0xb8;
	[tilespmem:$0x13A60] =	vst v63  }
0x98: {  	_ =	swait.ge [sflag:s16], $0x1400  }
0x99: {  	[sflag:s16] =	ssyncset.done $0x0  }
0x9a: {  	s13 =	sadd.s32 $0x230, s11;
	[sflag:s16] =	ssyncadd.s32 $0xFFFFEC00  }
0x9b: {  	[tilespmem:s29], [sflag:$0x4] =	stream.indirect.gather [hbm4b:s0+s21], $0x40, s13, s21, $0xb8;
	[tilespmem:$0x13A60] =	vst v63  }
0x9c: {  	_ =	swait.ge [sflag:s30], $0x1400  }
0x9d: {  	[sflag:s30] =	ssyncset.done $0x0  }
0x9e: {  	s13 =	sadd.s32 $0x28A0, s11;
	[sflag:s30] =	ssyncadd.s32 $0xFFFFEC00  }
0x9f: {  	[spmem:s3] =	stream.indirect.scatter.add.f32 [tilespmem:s22], [sflag:$0x6], $0x40, s13, s21, $0xb8;
	[tilespmem:$0x13A60] =	vst v63  }
0xa0: {  	_ =	swait.ge [sflag:s1], $0x1400  }
0xa1: {  	[sflag:s1] =	ssyncset.done $0x0  }
0xa2: {  	s13 =	sadd.s32 $0x280, s11;
	[sflag:s1] =	ssyncadd.s32 $0xFFFFEC00  }
0xa3: {  	[tilespmem:s20], [sflag:$0x1] =	stream.indirect.gather [hbm4b:s0+s21], $0x40, s13, s21, $0xb8;
	[tilespmem:$0x13A60] =	vst v63  }
0xa4: {  	_ =	swait.ge [sflag:s10], $0x1400  }
0xa5: {  	[sflag:s10] =	ssyncset.done $0x0  }
0xa6: {  	s13 =	sadd.s32 $0x28F0, s11;
	[sflag:s10] =	ssyncadd.s32 $0xFFFFEC00  }
0xa7: {  	[spmem:s3] =	stream.indirect.scatter.add.f32 [tilespmem:s25], [sflag:$0x7], $0x40, s13, s21, $0xb8;
	[tilespmem:$0x13A60] =	vst v63  }
0xa8: {  	_ =	swait.ge [sflag:s12], $0x1400  }
0xa9: {  	[sflag:s12] =	ssyncset.done $0x0  }
.Ltmp3:
0xaa: {  	s13 =	sadd.s32 $0x2D0, s11;
	[sflag:s12] =	ssyncadd.s32 $0xFFFFEC00;
	(pc) =	sbr.rel @p1 .LBB2_7-.Ltmp3, $4  }
0xab: {  	[tilespmem:s22], [sflag:$0x2] =	stream.indirect.gather [hbm4b:s0+s21], $0x40, s13, s21, $0xb8;
	[tilespmem:$0x13A60] =	vst v63  }
0xac: {  	_ =	swait.ge [sflag:s23], $0x1400  }
0xad: {  	[sflag:s23] =	ssyncset.done $0x0  }
0xae: {  	s11 =	sadd.s32 $0x2940, s11;
	[sflag:s23] =	ssyncadd.s32 $0xFFFFEC00  }
0xaf: {  	[spmem:s3] =	stream.indirect.scatter.add.f32 [tilespmem:s29], [sflag:$0x8], $0x40, s11, s21, $0xb8;
	[tilespmem:$0x13A60] =	vst v63  }
0xb0: {  	_ =	swait.ge [sflag:s15], $0x1400  }
0xb1: {  	s9 =	sshra.s32 s9, $0x2;
	[sflag:s15] =	ssyncset.done $0x0  }
0xb2: {  	s13 =	sadd.s32 $0x1E0, s9;
	[sflag:s15] =	ssyncadd.s32 $0xFFFFEC00  }
0xb3: {  	[tilespmem:s25], [sflag:$0x3] =	stream.indirect.gather [hbm4b:s0+s21], $0x40, s13, s21, $0xb8;
	[tilespmem:$0x13A60] =	vst v63  }
0xb4: {  	_ =	swait.ge [sflag:s26], $0x1400  }
0xb5: {  	[sflag:s26] =	ssyncset.done $0x0  }
0xb6: {  	s13 =	sadd.s32 $0x2850, s9;
	[sflag:s26] =	ssyncadd.s32 $0xFFFFEC00  }
0xb7: {  	[spmem:s3] =	stream.indirect.scatter.add.f32 [tilespmem:s20], [sflag:$0x5], $0x40, s13, s21, $0xb8;
	[tilespmem:$0x13A60] =	vst v63  }
0xb8: {  	_ =	swait.ge [sflag:s16], $0x1400  }
0xb9: {  	[sflag:s16] =	ssyncset.done $0x0  }
0xba: {  	s13 =	sadd.s32 $0x230, s9;
	[sflag:s16] =	ssyncadd.s32 $0xFFFFEC00  }
0xbb: {  	[tilespmem:s29], [sflag:$0x4] =	stream.indirect.gather [hbm4b:s0+s21], $0x40, s13, s21, $0xb8;
	[tilespmem:$0x13A60] =	vst v63  }
0xbc: {  	_ =	swait.ge [sflag:s30], $0x1400  }
0xbd: {  	[sflag:s30] =	ssyncset.done $0x0  }
0xbe: {  	s13 =	sadd.s32 $0x28A0, s9;
	[sflag:s30] =	ssyncadd.s32 $0xFFFFEC00  }
0xbf: {  	[spmem:s3] =	stream.indirect.scatter.add.f32 [tilespmem:s22], [sflag:$0x6], $0x40, s13, s21, $0xb8;
	[tilespmem:$0x13A60] =	vst v63  }
0xc0: {  	_ =	swait.ge [sflag:s1], $0x1400  }
0xc1: {  	[sflag:s1] =	ssyncset.done $0x0  }
0xc2: {  	s13 =	sadd.s32 $0x280, s9;
	[sflag:s1] =	ssyncadd.s32 $0xFFFFEC00  }
0xc3: {  	[tilespmem:s20], [sflag:$0x1] =	stream.indirect.gather [hbm4b:s0+s21], $0x40, s13, s21, $0xb8;
	[tilespmem:$0x13A60] =	vst v63  }
0xc4: {  	_ =	swait.ge [sflag:s10], $0x1400  }
0xc5: {  	[sflag:s10] =	ssyncset.done $0x0  }
0xc6: {  	s13 =	sadd.s32 $0x28F0, s9;
	[sflag:s10] =	ssyncadd.s32 $0xFFFFEC00  }
0xc7: {  	[spmem:s3] =	stream.indirect.scatter.add.f32 [tilespmem:s25], [sflag:$0x7], $0x40, s13, s21, $0xb8;
	[tilespmem:$0x13A60] =	vst v63  }
0xc8: {  	_ =	swait.ge [sflag:s12], $0x1400  }
0xc9: {  	[sflag:s12] =	ssyncset.done $0x0  }
0xca: {  	[sflag:s12] =	ssyncadd.s32 $0xFFFFEC00  }
0xcb: {  	_ =	swait.ge [sflag:s23], $0x1400  }
0xcc: {  	[sflag:s23] =	ssyncset.done $0x0  }
0xcd: {  	s9 =	sadd.s32 $0x2940, s9;
	[sflag:s23] =	ssyncadd.s32 $0xFFFFEC00  }
0xce: {  	[spmem:s3] =	stream.indirect.scatter.add.f32 [tilespmem:s29], [sflag:$0x8], $0x40, s9, s21, $0xb8;
	[tilespmem:$0x13A60] =	vst v63  }
0xcf: {  	_ =	swait.ge [sflag:s26], $0x1400  }
0xd0: {  	[sflag:s26] =	ssyncset.done $0x0  }
0xd1: {  	[sflag:s26] =	ssyncadd.s32 $0xFFFFEC00  }
0xd2: {  	[spmem:s3] =	stream.indirect.scatter.add.f32 [tilespmem:s20], [sflag:$0x5], $0x40, s28, s21, $0xb8;
	[tilespmem:$0x13A60] =	vst v63  }
0xd3: {  	_ =	swait.ge [sflag:s1], $0x1400  }
0xd4: {  	[sflag:s1] =	ssyncset.done $0x0  }
0xd5: {  	[sflag:s1] =	ssyncadd.s32 $0xFFFFEC00  }
0xd6: {  	_ =	swait.ge [sflag:s15], $0x1400  }
0xd7: {  	[sflag:s15] =	ssyncset.done $0x0  }
0xd8: {  	[sflag:s15] =	ssyncadd.s32 $0xFFFFEC00  }
0xd9: {  	_ =	swait.ge [sflag:s16], $0x1400  }
0xda: {  	s11 =	sshll.u32 s2, $0x6;
	s31 =	sadd.s32 $0x1, s31;
	[sflag:s16] =	ssyncset.done $0x0  }
0xdb: {  	p1 =	sne.s32 s31, s17;
	s13 =	sshrl.u32 s8, $0x3;
	[sflag:s16] =	ssyncadd.s32 $0xFFFFEC00  }
.Ltmp4:
0xdc: {  	s9 =	sor.u32 $0x1C09, s11;
	[bflag:$0x0] =	sbarrier.arrive $0xFFFF;
	(pc) =	sbr.rel @p1 .LBB2_1-.Ltmp4, $4  }
0xdd: {  	[hbm:s24], [sflag:s9] =	dma.local [spmem:s13], $0x1388  }
0xde: {  	_ =	swait.ge [sflag:s18], $0x1388  }
0xdf: {  	[sflag:s18] =	ssyncset.done $0x0  }
0xe0: {  	[sflag:s18] =	ssyncadd.s32 $0xFFFFEC78  }
0xe1: {  	_ =	sfence.sel $0x180000  }
0xe2: {  	[bflag:$0x0] =	sbarrier.arrive $0xFFFF  }
0xe3: {  	_ =	strace $0x90000053  }
0xe4: {  	[bflag:$0x2] =	sbarrier.arrive $0xFFFF  }
0xe5: {  	p0 =	sne.s32 s2, $0x0;
	s0 =	rddreg [dreg:$0x3]  }
0xe6: {  	s0 =	sadd.s32 @!p0 $0x100000, s0  }
0xe7: {  	[sflag:s0] =	ssyncadd.tile.s32 @!p0 $0x1;
	_ =	shalt  }
.Lfunc_end2:
_tile_overlayer_lowered:
.L_overlay_start_2:
0xe8: {  	(tag) =	ssettag $0x2  }
0xe9: {  	s0 =	rddreg [dreg:$0x0];
	s2 =	stileid.u32  }
0xea: {  	s1 =	rddreg [dreg:$0x1];
	p0 =	sne.s32 s2, $0x0  }
0xeb: {  	s3 =	rddreg [dreg:$0x2];
	[bflag:$0x3] =	sbarrier.arrive $0xFFFF;
	s2 =	simm.s32 @!p0 $0x1C09  }
0xec: {  	[timem:s3], [sflag:s2] =	dma.local @!p0 [hbm:s0], s1  }
0xed: {  	s0 =	simm.s32 @!p0 $0x9  }
0xee: {  	_ =	swait.ge @!p0 [sflag:s0], s1  }
0xef: {  	s1 =	ssub.s32 @!p0 $0x0, s1;
	[sflag:s0] =	ssyncset.done @!p0 $0x0  }
0xf0: {  	[sflag:s0] =	ssyncadd.s32 @!p0 s1  }
0xf1: {  	[bflag:$0x3] =	sbarrier.arrive $0xFFFF  }
0xf2: {  	_ =	shalt  }

</sc_bundles>
